<compile_context>
chip_gen: v7x
topology: tpu7x:2x2x1
jax: 0.10.2.dev20260603
libtpu: 0.0.44.dev20260713+nightly
codegen_flags: <defaults>
</compile_context>

<pallas_src>
import functools

import jax
import jax.numpy as jnp
import numpy as np
from jax import lax
from jax.experimental import pallas as pl
from jax.experimental.pallas import tpu as pltpu
from jax.experimental.pallas import tpu_sc as plsc

N_ENT = 100000
D_INIT = 512
D_GCN = 128
N_FACT = 4
N_BATCH = 16384
D_HID = 64
N_PAIR = 6
D_YSP = D_INIT - D_GCN

_NC = 2
_NS = 16
_NW = _NC * _NS
_BPW = N_BATCH // _NW

with jax.default_device(jax.devices("cpu")[0]):
  _PERM = np.asarray(
      jax.random.permutation(jax.random.key(42), N_BATCH), dtype=np.int32)

_CH = 32
_NCHUNK = _BPW // _CH
_CHR = 128
_NCHUNK_R = _BPW // _CHR
_CHX = 64
_XSPLIT = 24000
_NCX = _XSPLIT // _CHX
_NCX_MAX = (_NCX + _NW - 1) // _NW


def _sc_gather_emb(embed, sub, perm):
  mesh = plsc.VectorSubcoreMesh(core_axis_name="c", subcore_axis_name="s")

  @functools.partial(
      pl.kernel,
      mesh=mesh,
      out_type=(
          jax.ShapeDtypeStruct((N_BATCH, D_INIT), jnp.float32),
          jax.ShapeDtypeStruct((N_BATCH, D_YSP), jnp.float32),
      ),
      scratch_types=[
          pltpu.VMEM((_BPW,), jnp.int32),
          pltpu.VMEM((_BPW,), jnp.int32),
          pltpu.VMEM((_BPW,), jnp.int32),
          pltpu.VMEM((_CH, D_INIT), jnp.float32),
          pltpu.VMEM((_CH, D_INIT), jnp.float32),
          pltpu.VMEM((_CH, D_INIT), jnp.float32),
          pltpu.VMEM((_CH, D_INIT), jnp.float32),
          pltpu.VMEM((_CH, D_INIT), jnp.float32),
          pltpu.VMEM((_CH, D_INIT), jnp.float32),
          pltpu.SemaphoreType.DMA,
          pltpu.SemaphoreType.DMA,
          pltpu.SemaphoreType.DMA,
          pltpu.SemaphoreType.DMA,
          pltpu.SemaphoreType.DMA,
          pltpu.SemaphoreType.DMA,
          pltpu.SemaphoreType.DMA,
          pltpu.SemaphoreType.DMA,
          pltpu.SemaphoreType.DMA,
          pltpu.SemaphoreType.DMA,
          pltpu.SemaphoreType.DMA,
          pltpu.SemaphoreType.DMA,
          pltpu.SemaphoreType.DMA,
      ],
  )
  def gather_k(embed_hbm, sub_hbm, perm_hbm, out_sub, out_ysp,
               idx_s, idx_p, pperm, rs0, rs1, rs2, rp0, rp1, rp2,
               gs0, gs1, gs2, gp0, gp1, gp2,
               ws0, ws1, ws2, wp0, wp1, wp2, psem):
    wid = lax.axis_index("s") * _NC + lax.axis_index("c")
    wbase = wid * _BPW
    pltpu.sync_copy(sub_hbm.at[pl.ds(wbase, _BPW)], idx_s)
    pltpu.sync_copy(perm_hbm.at[pl.ds(wbase, _BPW)], pperm)
    pltpu.async_copy(sub_hbm.at[pperm], idx_p, psem).wait()

    rows_s, rows_p = (rs0, rs1, rs2), (rp0, rp1, rp2)
    gsem, psem3 = (gs0, gs1, gs2), (gp0, gp1, gp2)
    wsem_s, wsem_p = (ws0, ws1, ws2), (wp0, wp1, wp2)
    gh = [None, None, None]
    ph = [None, None, None]
    wh = [None, None, None]

    def start_gather(c):
      k = c % 3
      isl = idx_s.at[pl.ds(c * _CH, _CH)]
      ipl = idx_p.at[pl.ds(c * _CH, _CH)]
      gh[k] = pltpu.async_copy(embed_hbm.at[isl], rows_s[k], gsem[k])
      ph[k] = pltpu.async_copy(embed_hbm.at[ipl], rows_p[k], psem3[k])

    def start_write(c):
      k = c % 3
      base = wbase + c * _CH
      h1 = pltpu.async_copy(rows_s[k], out_sub.at[pl.ds(base, _CH)],
                            wsem_s[k])
      h2 = pltpu.async_copy(rows_p[k].at[:, pl.ds(D_GCN, D_YSP)],
                            out_ysp.at[pl.ds(base, _CH)], wsem_p[k])
      wh[k] = (h1, h2)

    def wait_write(c):
      for h in wh[c % 3]:
        h.wait()

    start_gather(0)
    start_gather(1)
    for c in range(_NCHUNK):
      k = c % 3
      if c + 2 < _NCHUNK:
        if c >= 1:
          wait_write(c - 1)
        start_gather(c + 2)
      gh[k].wait()
      ph[k].wait()
      start_write(c)
    wait_write(_NCHUNK - 2)
    wait_write(_NCHUNK - 1)

  return gather_k(embed, sub, perm)


def _sc_gather_rel(rel_tab, rel_idx):
  mesh = plsc.VectorSubcoreMesh(core_axis_name="c", subcore_axis_name="s")

  @functools.partial(
      pl.kernel,
      mesh=mesh,
      out_type=jax.ShapeDtypeStruct((N_BATCH, D_INIT), jnp.float32),
      scratch_types=[
          pltpu.VMEM((_BPW,), jnp.int32),
          pltpu.VMEM((_CHR, D_GCN), jnp.float32),
          pltpu.VMEM((_CHR, D_GCN), jnp.float32),
          pltpu.SemaphoreType.DMA,
          pltpu.SemaphoreType.DMA,
          pltpu.SemaphoreType.DMA,
          pltpu.SemaphoreType.DMA,
      ],
  )
  def rel_k(reltab_hbm, rel_hbm, out_rel, idx_r, rr0, rr1, g0, g1, w0, w1):
    wid = lax.axis_index("s") * _NC + lax.axis_index("c")
    wbase = wid * _BPW
    pltpu.sync_copy(rel_hbm.at[pl.ds(wbase, _BPW)], idx_r)

    rows = (rr0, rr1)
    gsem = (g0, g1)
    wsem = (w0, w1)
    gh = [None, None]
    wh = [None, None]

    def start_gather(c):
      k = c & 1
      irl = idx_r.at[pl.ds(c * _CHR, _CHR)]
      gh[k] = pltpu.async_copy(reltab_hbm.at[irl], rows[k], gsem[k])

    def start_write(c):
      k = c & 1
      base = wbase + c * _CHR
      wh[k] = tuple(
          pltpu.async_copy(
              rows[k],
              out_rel.at[pl.ds(base, _CHR), pl.ds(f * D_GCN, D_GCN)],
              wsem[k])
          for f in range(N_FACT))

    def wait_write(c):
      for h in wh[c & 1]:
        h.wait()

    start_gather(0)
    for c in range(_NCHUNK_R):
      k = c & 1
      if c + 1 < _NCHUNK_R:
        if c >= 1:
          wait_write(c - 1)
        start_gather(c + 1)
      gh[k].wait()
      start_write(c)
    wait_write(_NCHUNK_R - 2)
    wait_write(_NCHUNK_R - 1)

  return rel_k(rel_tab, rel_idx)


_TB = 512
_XB = 2800
_GRID = 36


def _loss_body(se, ysp, mw1, mb1, mw2, mb2, lw1, lb1, lw2, lb2, xin,
               out, xout, acc, csem):
  b = pl.program_id(0)
  cpy = pltpu.async_copy(xin, xout, csem)

  @pl.when(b == 0)
  def _():
    acc[0] = jnp.float32(0.0)

  @pl.when(b < N_BATCH // _TB)
  def _():
    total = jnp.float32(0.0)
    cnt = 0
    for i in range(N_FACT):
      xs = se[:, i * D_GCN:(i + 1) * D_GCN]
      for j in range(i + 1, N_FACT):
        ys = se[:, j * D_GCN:(j + 1) * D_GCN]
        yp = ysp[:, (j - 1) * D_GCN:j * D_GCN]
        h = jnp.maximum(jnp.dot(xs, mw1[cnt]) + mb1[cnt:cnt + 1, :], 0.0)
        mu = jnp.dot(h, mw2[cnt]) + mb2[cnt:cnt + 1, :]
        hl = jnp.maximum(jnp.dot(xs, lw1[cnt]) + lb1[cnt:cnt + 1, :], 0.0)
        lv = jnp.tanh(jnp.dot(hl, lw2[cnt]) + lb2[cnt:cnt + 1, :])
        iv = jnp.exp(-lv)
        total = total + jnp.sum(iv * ((mu - yp) ** 2 - (mu - ys) ** 2))
        cnt += 1
    acc[0] = acc[0] + total

  cpy.wait()

  @pl.when(b == _GRID - 1)
  def _():
    out[0, 0] = acc[0] / jnp.float32(2 * N_BATCH)


def _wspec(shape):
  return pl.BlockSpec(shape, lambda b: (0,) * len(shape))


def _loss_call(se, ysp, mw1, mb1, mw2, mb2, lw1, lb1, lw2, lb2, embed):
  nb = N_BATCH // _TB
  return pl.pallas_call(
      _loss_body,
      grid=(_GRID,),
      in_specs=[
          pl.BlockSpec((_TB, D_INIT), lambda b: (jnp.minimum(b, nb - 1), 0)),
          pl.BlockSpec((_TB, D_YSP), lambda b: (jnp.minimum(b, nb - 1), 0)),
          _wspec((N_PAIR, D_GCN, D_HID)), _wspec((N_PAIR, D_HID)),
          _wspec((N_PAIR, D_HID, D_GCN)), _wspec((N_PAIR, D_GCN)),
          _wspec((N_PAIR, D_GCN, D_HID)), _wspec((N_PAIR, D_HID)),
          _wspec((N_PAIR, D_HID, D_GCN)), _wspec((N_PAIR, D_GCN)),
          pl.BlockSpec((_XB, D_INIT), lambda b: (b, 0)),
      ],
      out_specs=[
          pl.BlockSpec((1, 1), lambda b: (0, 0), memory_space=pltpu.SMEM),
          pl.BlockSpec((_XB, D_INIT), lambda b: (b, 0)),
      ],
      out_shape=[
          jax.ShapeDtypeStruct((1, 1), jnp.float32),
          jax.ShapeDtypeStruct((N_ENT, D_INIT), jnp.float32),
      ],
      scratch_shapes=[pltpu.SMEM((1,), jnp.float32),
                      pltpu.SemaphoreType.DMA],
      compiler_params=pltpu.CompilerParams(
          dimension_semantics=("arbitrary",)),
  )(se, ysp, mw1, mb1, mw2, mb2, lw1, lb1, lw2, lb2, embed)


def kernel(init_embed, init_rel, mu_w1, mu_b1, mu_w2, mu_b2,
           lv_w1, lv_b1, lv_w2, lv_b2, sub, rel):
  sub = sub.astype(jnp.int32)
  sub_emb, ysp = _sc_gather_emb(init_embed, sub, jnp.asarray(_PERM))
  rel_emb = _sc_gather_rel(init_rel, rel.astype(jnp.int32))
  loss, x_out = _loss_call(sub_emb, ysp, mu_w1, mu_b1, mu_w2, mu_b2,
                           lv_w1, lv_b1, lv_w2, lv_b2, init_embed)
  return (sub_emb, rel_emb, x_out, loss[0, 0])

# --- scband reference (transcript-rebuilt; emitter-appended) ---
"""Pipeline reference for scband-capsule-base-6262062317710 (READ-ONLY COPY).

The authoritative reference and input builder live on the scoring server;
editing this copy changes nothing except your own understanding.
"""

import jax, jax.numpy as jnp
import numpy as np

NUM_ENT = 100000
INIT_DIM = 512
GCN_DIM = 128
NUM_FACTORS = 4
NUM_REL = 200
B = 16384
HID = 64
NUM_DIS = 6


def setup_inputs(seed: int = 0):
    key = jax.random.key(seed)
    ks = jax.random.split(key, 12)
    init_embed = jax.random.normal(ks[0], (NUM_ENT, INIT_DIM), dtype=jnp.float32) * 0.1
    init_rel = jax.random.normal(ks[1], (2 * NUM_REL, GCN_DIM), dtype=jnp.float32) * 0.1
    sub = jax.random.randint(ks[2], (B,), 0, NUM_ENT)
    rel = jax.random.randint(ks[3], (B,), 0, 2 * NUM_REL)
    s1 = 1.0 / np.sqrt(GCN_DIM)
    s2 = 1.0 / np.sqrt(HID)
    mu_w1 = jax.random.uniform(ks[4], (NUM_DIS, GCN_DIM, HID), jnp.float32, -s1, s1)
    mu_b1 = jnp.zeros((NUM_DIS, HID), jnp.float32)
    mu_w2 = jax.random.uniform(ks[5], (NUM_DIS, HID, GCN_DIM), jnp.float32, -s2, s2)
    mu_b2 = jnp.zeros((NUM_DIS, GCN_DIM), jnp.float32)
    lv_w1 = jax.random.uniform(ks[6], (NUM_DIS, GCN_DIM, HID), jnp.float32, -s1, s1)
    lv_b1 = jnp.zeros((NUM_DIS, HID), jnp.float32)
    lv_w2 = jax.random.uniform(ks[7], (NUM_DIS, HID, GCN_DIM), jnp.float32, -s2, s2)
    lv_b2 = jnp.zeros((NUM_DIS, GCN_DIM), jnp.float32)
    return {"init_embed": init_embed, "init_rel": init_rel,
            "mu_w1": mu_w1, "mu_b1": mu_b1, "mu_w2": mu_w2, "mu_b2": mu_b2,
            "lv_w1": lv_w1, "lv_b1": lv_b1, "lv_w2": lv_w2, "lv_b2": lv_b2,
            "sub": sub, "rel": rel}


def reference(init_embed, init_rel, mu_w1, mu_b1, mu_w2, mu_b2,
              lv_w1, lv_b1, lv_w2, lv_b2, sub, rel):
    # forward_base with p.no_enc=True, gcn_layer=0; dropout = identity (eval)
    x = init_embed
    sub_emb = jnp.take(x, sub, axis=0)
    rel_emb = jnp.tile(jnp.take(init_rel, rel, axis=0), (1, NUM_FACTORS))
    sub_emb = sub_emb.reshape(-1, GCN_DIM * NUM_FACTORS)
    # torch.randperm -> fixed-key jax permutation (deterministic reference)
    perm = jax.random.permutation(jax.random.key(42), sub_emb.shape[0])
    mi_loss = jnp.float32(0.0)
    cnt = 0
    for i in range(NUM_FACTORS):
        for j in range(i + 1, NUM_FACTORS):
            xs = sub_emb[:, i * GCN_DIM:(i + 1) * GCN_DIM]
            ys = sub_emb[:, j * GCN_DIM:(j + 1) * GCN_DIM]
            mu = jax.nn.relu(xs @ mu_w1[cnt] + mu_b1[cnt]) @ mu_w2[cnt] + mu_b2[cnt]
            logvar = jnp.tanh(jax.nn.relu(xs @ lv_w1[cnt] + lv_b1[cnt]) @ lv_w2[cnt] + lv_b2[cnt])
            inv_var = jnp.exp(-logvar)
            positive = -(mu - ys) ** 2 * inv_var
            negative = -(mu - jnp.take(ys, perm, axis=0)) ** 2 * inv_var
            mi_loss = mi_loss + (positive.sum(axis=-1) - negative.sum(axis=-1)).mean() / 2.0
            cnt += 1
    return (sub_emb, rel_emb, x, mi_loss)

if __name__ == "__main__":
    import jax
    _d = setup_inputs()
    print(jax.jit(kernel)(*tuple(_d.values())))

</pallas_src>

<mosaic_0001>
#map = affine_map<(d0, d1) -> (0, 0)>
#map1 = affine_map<(d0, d1) -> (0)>
module attributes {stable_mosaic.version = 14 : i64} {
  func.func @rel_k(%arg0: i32, %arg1: i32, %arg2: memref<400x128xf32, #tpu.memory_space<hbm>>, %arg3: memref<16384xi32, #tpu.memory_space<hbm>>, %arg4: memref<16384x512xf32, #tpu.memory_space<hbm>>, %arg5: memref<512xi32, #tpu.memory_space<vmem>>, %arg6: memref<128x128xf32, #tpu.memory_space<vmem>>, %arg7: memref<128x128xf32, #tpu.memory_space<vmem>>, %arg8: memref<!tpu.dma_semaphore, #tpu.memory_space<semaphore_mem>>, %arg9: memref<!tpu.dma_semaphore, #tpu.memory_space<semaphore_mem>>, %arg10: memref<!tpu.dma_semaphore, #tpu.memory_space<semaphore_mem>>, %arg11: memref<!tpu.dma_semaphore, #tpu.memory_space<semaphore_mem>>) attributes {dimension_semantics = [#tpu.dimension_semantics<core_parallel>, #tpu.dimension_semantics<subcore_parallel>], iteration_bounds = array<i64: 2, 16>, scalar_prefetch = 0 : i64, scratch_operands = 7 : i64, tpu.core_type = #tpu.core_type<sc_vector_subcore>, window_params = [{transform_indices = #map}, {transform_indices = #map1}, {transform_indices = #map}]} {
    %mul3A = arith.constant 2 : i32
    %mul3A_0 = arith.muli %arg1, %mul3A : i32
    %add3A = arith.addi %mul3A_0, %arg0 : i32
    %mul3A_1 = arith.constant 512 : i32
    %mul3A_2 = arith.muli %add3A, %mul3A_1 : i32
    "tpu.region"() ({
      %run_scoped3A = tpu.sem_alloc : memref<!tpu.dma_semaphore, #tpu.memory_space<semaphore_mem>>
      %dma_start3A_177 = tpu.memref_slice %arg3[%mul3A_2] : memref<16384xi32, #tpu.memory_space<hbm>> -> memref<512xi32, #tpu.memory_space<hbm>>
      %dma_start3A_178 = tpu.memref_slice %arg3[%mul3A_2] : memref<16384xi32, #tpu.memory_space<hbm>> -> memref<512xi32, #tpu.memory_space<hbm>>
      tpu.enqueue_dma source(%dma_start3A_178 : memref<512xi32, #tpu.memory_space<hbm>>) target(%arg5 : memref<512xi32, #tpu.memory_space<vmem>>) target_semaphore(%run_scoped3A : memref<!tpu.dma_semaphore, #tpu.memory_space<semaphore_mem>>)
      %dma_wait3A_179 = tpu.memref_slice %arg3[%mul3A_2] : memref<16384xi32, #tpu.memory_space<hbm>> -> memref<512xi32, #tpu.memory_space<hbm>>
      %dma_wait3A_180 = tpu.memref_slice %arg3[%mul3A_2] : memref<16384xi32, #tpu.memory_space<hbm>> -> memref<512xi32, #tpu.memory_space<hbm>>
      tpu.wait_dma2 semaphore(%run_scoped3A : memref<!tpu.dma_semaphore, #tpu.memory_space<semaphore_mem>>) src(%dma_wait3A_180 : memref<512xi32, #tpu.memory_space<hbm>>) dst(%arg5 : memref<512xi32, #tpu.memory_space<vmem>>)
      tpu.yield
    }) : () -> ()
    %dma_start3A = arith.constant 0 : i32
    %dma_start3A_3 = tpu.memref_slice %arg5[%dma_start3A] : memref<512xi32, #tpu.memory_space<vmem>> -> memref<128xi32, #tpu.memory_space<vmem>>
    %dma_start3A_4 = arith.constant 0 : i32
    %dma_start3A_5 = arith.constant 0 : i32
    %dma_start3A_6 = tpu.memref_slice %arg2[%dma_start3A_4, %dma_start3A_5] : memref<400x128xf32, #tpu.memory_space<hbm>> -> memref<400x128xf32, #tpu.memory_space<hbm>>
    tpu.enqueue_indirect_dma source(%dma_start3A_6 : memref<400x128xf32, #tpu.memory_space<hbm>>) target(%arg6 : memref<128x128xf32, #tpu.memory_space<vmem>>) offsets(%dma_start3A_3 : memref<128xi32, #tpu.memory_space<vmem>>) semaphore(%arg8 : memref<!tpu.dma_semaphore, #tpu.memory_space<semaphore_mem>>)
    %dma_start3A_7 = arith.constant 128 : i32
    %dma_start3A_8 = tpu.memref_slice %arg5[%dma_start3A_7] : memref<512xi32, #tpu.memory_space<vmem>> -> memref<128xi32, #tpu.memory_space<vmem>>
    %dma_start3A_9 = arith.constant 0 : i32
    %dma_start3A_10 = arith.constant 0 : i32
    %dma_start3A_11 = tpu.memref_slice %arg2[%dma_start3A_9, %dma_start3A_10] : memref<400x128xf32, #tpu.memory_space<hbm>> -> memref<400x128xf32, #tpu.memory_space<hbm>>
    tpu.enqueue_indirect_dma source(%dma_start3A_11 : memref<400x128xf32, #tpu.memory_space<hbm>>) target(%arg7 : memref<128x128xf32, #tpu.memory_space<vmem>>) offsets(%dma_start3A_8 : memref<128xi32, #tpu.memory_space<vmem>>) semaphore(%arg9 : memref<!tpu.dma_semaphore, #tpu.memory_space<semaphore_mem>>)
    %dma_wait3A = arith.constant 0 : i32
    %dma_wait3A_12 = tpu.memref_slice %arg5[%dma_wait3A] : memref<512xi32, #tpu.memory_space<vmem>> -> memref<128xi32, #tpu.memory_space<vmem>>
    %dma_wait3A_13 = arith.constant 0 : i32
    %dma_wait3A_14 = arith.constant 0 : i32
    %dma_wait3A_15 = tpu.memref_slice %arg2[%dma_wait3A_13, %dma_wait3A_14] : memref<400x128xf32, #tpu.memory_space<hbm>> -> memref<400x128xf32, #tpu.memory_space<hbm>>
    tpu.wait_indirect_dma semaphore(%arg8 : memref<!tpu.dma_semaphore, #tpu.memory_space<semaphore_mem>>) src(%dma_wait3A_15 : memref<400x128xf32, #tpu.memory_space<hbm>>) dst(%arg6 : memref<128x128xf32, #tpu.memory_space<vmem>>)
    %add3A_16 = arith.constant 0 : i32
    %add3A_17 = arith.addi %mul3A_2, %add3A_16 : i32
    %dma_start3A_18 = arith.constant 0 : i32
    %dma_start3A_19 = tpu.memref_slice %arg4[%add3A_17, %dma_start3A_18] : memref<16384x512xf32, #tpu.memory_space<hbm>> -> memref<128x128xf32, #tpu.memory_space<hbm>>
    %dma_start3A_20 = arith.constant 0 : i32
    %dma_start3A_21 = tpu.memref_slice %arg4[%add3A_17, %dma_start3A_20] : memref<16384x512xf32, #tpu.memory_space<hbm>> -> memref<128x128xf32, #tpu.memory_space<hbm>>
    tpu.enqueue_dma source(%arg6 : memref<128x128xf32, #tpu.memory_space<vmem>>) target(%dma_start3A_21 : memref<128x128xf32, #tpu.memory_space<hbm>>) target_semaphore(%arg10 : memref<!tpu.dma_semaphore, #tpu.memory_space<semaphore_mem>>)
    %dma_start3A_22 = arith.constant 128 : i32
    %dma_start3A_23 = tpu.memref_slice %arg4[%add3A_17, %dma_start3A_22] : memref<16384x512xf32, #tpu.memory_space<hbm>> -> memref<128x128xf32, #tpu.memory_space<hbm>>
    %dma_start3A_24 = arith.constant 128 : i32
    %dma_start3A_25 = tpu.memref_slice %arg4[%add3A_17, %dma_start3A_24] : memref<16384x512xf32, #tpu.memory_space<hbm>> -> memref<128x128xf32, #tpu.memory_space<hbm>>
    tpu.enqueue_dma source(%arg6 : memref<128x128xf32, #tpu.memory_space<vmem>>) target(%dma_start3A_25 : memref<128x128xf32, #tpu.memory_space<hbm>>) target_semaphore(%arg10 : memref<!tpu.dma_semaphore, #tpu.memory_space<semaphore_mem>>)
    %dma_start3A_26 = arith.constant 256 : i32
    %dma_start3A_27 = tpu.memref_slice %arg4[%add3A_17, %dma_start3A_26] : memref<16384x512xf32, #tpu.memory_space<hbm>> -> memref<128x128xf32, #tpu.memory_space<hbm>>
    %dma_start3A_28 = arith.constant 256 : i32
    %dma_start3A_29 = tpu.memref_slice %arg4[%add3A_17, %dma_start3A_28] : memref<16384x512xf32, #tpu.memory_space<hbm>> -> memref<128x128xf32, #tpu.memory_space<hbm>>
    tpu.enqueue_dma source(%arg6 : memref<128x128xf32, #tpu.memory_space<vmem>>) target(%dma_start3A_29 : memref<128x128xf32, #tpu.memory_space<hbm>>) target_semaphore(%arg10 : memref<!tpu.dma_semaphore, #tpu.memory_space<semaphore_mem>>)
    %dma_start3A_30 = arith.constant 384 : i32
    %dma_start3A_31 = tpu.memref_slice %arg4[%add3A_17, %dma_start3A_30] : memref<16384x512xf32, #tpu.memory_space<hbm>> -> memref<128x128xf32, #tpu.memory_space<hbm>>
    %dma_start3A_32 = arith.constant 384 : i32
    %dma_start3A_33 = tpu.memref_slice %arg4[%add3A_17, %dma_start3A_32] : memref<16384x512xf32, #tpu.memory_space<hbm>> -> memref<128x128xf32, #tpu.memory_space<hbm>>
    tpu.enqueue_dma source(%arg6 : memref<128x128xf32, #tpu.memory_space<vmem>>) target(%dma_start3A_33 : memref<128x128xf32, #tpu.memory_space<hbm>>) target_semaphore(%arg10 : memref<!tpu.dma_semaphore, #tpu.memory_space<semaphore_mem>>)
    %dma_wait3A_34 = arith.constant 0 : i32
    %dma_wait3A_35 = tpu.memref_slice %arg4[%add3A_17, %dma_wait3A_34] : memref<16384x512xf32, #tpu.memory_space<hbm>> -> memref<128x128xf32, #tpu.memory_space<hbm>>
    %dma_wait3A_36 = arith.constant 0 : i32
    %dma_wait3A_37 = tpu.memref_slice %arg4[%add3A_17, %dma_wait3A_36] : memref<16384x512xf32, #tpu.memory_space<hbm>> -> memref<128x128xf32, #tpu.memory_space<hbm>>
    tpu.wait_dma2 semaphore(%arg10 : memref<!tpu.dma_semaphore, #tpu.memory_space<semaphore_mem>>) src(%arg6 : memref<128x128xf32, #tpu.memory_space<vmem>>) dst(%dma_wait3A_37 : memref<128x128xf32, #tpu.memory_space<hbm>>)
    %dma_wait3A_38 = arith.constant 128 : i32
    %dma_wait3A_39 = tpu.memref_slice %arg4[%add3A_17, %dma_wait3A_38] : memref<16384x512xf32, #tpu.memory_space<hbm>> -> memref<128x128xf32, #tpu.memory_space<hbm>>
    %dma_wait3A_40 = arith.constant 128 : i32
    %dma_wait3A_41 = tpu.memref_slice %arg4[%add3A_17, %dma_wait3A_40] : memref<16384x512xf32, #tpu.memory_space<hbm>> -> memref<128x128xf32, #tpu.memory_space<hbm>>
    tpu.wait_dma2 semaphore(%arg10 : memref<!tpu.dma_semaphore, #tpu.memory_space<semaphore_mem>>) src(%arg6 : memref<128x128xf32, #tpu.memory_space<vmem>>) dst(%dma_wait3A_41 : memref<128x128xf32, #tpu.memory_space<hbm>>)
    %dma_wait3A_42 = arith.constant 256 : i32
    %dma_wait3A_43 = tpu.memref_slice %arg4[%add3A_17, %dma_wait3A_42] : memref<16384x512xf32, #tpu.memory_space<hbm>> -> memref<128x128xf32, #tpu.memory_space<hbm>>
    %dma_wait3A_44 = arith.constant 256 : i32
    %dma_wait3A_45 = tpu.memref_slice %arg4[%add3A_17, %dma_wait3A_44] : memref<16384x512xf32, #tpu.memory_space<hbm>> -> memref<128x128xf32, #tpu.memory_space<hbm>>
    tpu.wait_dma2 semaphore(%arg10 : memref<!tpu.dma_semaphore, #tpu.memory_space<semaphore_mem>>) src(%arg6 : memref<128x128xf32, #tpu.memory_space<vmem>>) dst(%dma_wait3A_45 : memref<128x128xf32, #tpu.memory_space<hbm>>)
    %dma_wait3A_46 = arith.constant 384 : i32
    %dma_wait3A_47 = tpu.memref_slice %arg4[%add3A_17, %dma_wait3A_46] : memref<16384x512xf32, #tpu.memory_space<hbm>> -> memref<128x128xf32, #tpu.memory_space<hbm>>
    %dma_wait3A_48 = arith.constant 384 : i32
    %dma_wait3A_49 = tpu.memref_slice %arg4[%add3A_17, %dma_wait3A_48] : memref<16384x512xf32, #tpu.memory_space<hbm>> -> memref<128x128xf32, #tpu.memory_space<hbm>>
    tpu.wait_dma2 semaphore(%arg10 : memref<!tpu.dma_semaphore, #tpu.memory_space<semaphore_mem>>) src(%arg6 : memref<128x128xf32, #tpu.memory_space<vmem>>) dst(%dma_wait3A_49 : memref<128x128xf32, #tpu.memory_space<hbm>>)
    %dma_start3A_50 = arith.constant 256 : i32
    %dma_start3A_51 = tpu.memref_slice %arg5[%dma_start3A_50] : memref<512xi32, #tpu.memory_space<vmem>> -> memref<128xi32, #tpu.memory_space<vmem>>
    %dma_start3A_52 = arith.constant 0 : i32
    %dma_start3A_53 = arith.constant 0 : i32
    %dma_start3A_54 = tpu.memref_slice %arg2[%dma_start3A_52, %dma_start3A_53] : memref<400x128xf32, #tpu.memory_space<hbm>> -> memref<400x128xf32, #tpu.memory_space<hbm>>
    tpu.enqueue_indirect_dma source(%dma_start3A_54 : memref<400x128xf32, #tpu.memory_space<hbm>>) target(%arg6 : memref<128x128xf32, #tpu.memory_space<vmem>>) offsets(%dma_start3A_51 : memref<128xi32, #tpu.memory_space<vmem>>) semaphore(%arg8 : memref<!tpu.dma_semaphore, #tpu.memory_space<semaphore_mem>>)
    %dma_wait3A_55 = arith.constant 128 : i32
    %dma_wait3A_56 = tpu.memref_slice %arg5[%dma_wait3A_55] : memref<512xi32, #tpu.memory_space<vmem>> -> memref<128xi32, #tpu.memory_space<vmem>>
    %dma_wait3A_57 = arith.constant 0 : i32
    %dma_wait3A_58 = arith.constant 0 : i32
    %dma_wait3A_59 = tpu.memref_slice %arg2[%dma_wait3A_57, %dma_wait3A_58] : memref<400x128xf32, #tpu.memory_space<hbm>> -> memref<400x128xf32, #tpu.memory_space<hbm>>
    tpu.wait_indirect_dma semaphore(%arg9 : memref<!tpu.dma_semaphore, #tpu.memory_space<semaphore_mem>>) src(%dma_wait3A_59 : memref<400x128xf32, #tpu.memory_space<hbm>>) dst(%arg7 : memref<128x128xf32, #tpu.memory_space<vmem>>)
    %add3A_60 = arith.constant 128 : i32
    %add3A_61 = arith.addi %mul3A_2, %add3A_60 : i32
    %dma_start3A_62 = arith.constant 0 : i32
    %dma_start3A_63 = tpu.memref_slice %arg4[%add3A_61, %dma_start3A_62] : memref<16384x512xf32, #tpu.memory_space<hbm>> -> memref<128x128xf32, #tpu.memory_space<hbm>>
    %dma_start3A_64 = arith.constant 0 : i32
    %dma_start3A_65 = tpu.memref_slice %arg4[%add3A_61, %dma_start3A_64] : memref<16384x512xf32, #tpu.memory_space<hbm>> -> memref<128x128xf32, #tpu.memory_space<hbm>>
    tpu.enqueue_dma source(%arg7 : memref<128x128xf32, #tpu.memory_space<vmem>>) target(%dma_start3A_65 : memref<128x128xf32, #tpu.memory_space<hbm>>) target_semaphore(%arg11 : memref<!tpu.dma_semaphore, #tpu.memory_space<semaphore_mem>>)
    %dma_start3A_66 = arith.constant 128 : i32
    %dma_start3A_67 = tpu.memref_slice %arg4[%add3A_61, %dma_start3A_66] : memref<16384x512xf32, #tpu.memory_space<hbm>> -> memref<128x128xf32, #tpu.memory_space<hbm>>
    %dma_start3A_68 = arith.constant 128 : i32
    %dma_start3A_69 = tpu.memref_slice %arg4[%add3A_61, %dma_start3A_68] : memref<16384x512xf32, #tpu.memory_space<hbm>> -> memref<128x128xf32, #tpu.memory_space<hbm>>
    tpu.enqueue_dma source(%arg7 : memref<128x128xf32, #tpu.memory_space<vmem>>) target(%dma_start3A_69 : memref<128x128xf32, #tpu.memory_space<hbm>>) target_semaphore(%arg11 : memref<!tpu.dma_semaphore, #tpu.memory_space<semaphore_mem>>)
    %dma_start3A_70 = arith.constant 256 : i32
    %dma_start3A_71 = tpu.memref_slice %arg4[%add3A_61, %dma_start3A_70] : memref<16384x512xf32, #tpu.memory_space<hbm>> -> memref<128x128xf32, #tpu.memory_space<hbm>>
    %dma_start3A_72 = arith.constant 256 : i32
    %dma_start3A_73 = tpu.memref_slice %arg4[%add3A_61, %dma_start3A_72] : memref<16384x512xf32, #tpu.memory_space<hbm>> -> memref<128x128xf32, #tpu.memory_space<hbm>>
    tpu.enqueue_dma source(%arg7 : memref<128x128xf32, #tpu.memory_space<vmem>>) target(%dma_start3A_73 : memref<128x128xf32, #tpu.memory_space<hbm>>) target_semaphore(%arg11 : memref<!tpu.dma_semaphore, #tpu.memory_space<semaphore_mem>>)
    %dma_start3A_74 = arith.constant 384 : i32
    %dma_start3A_75 = tpu.memref_slice %arg4[%add3A_61, %dma_start3A_74] : memref<16384x512xf32, #tpu.memory_space<hbm>> -> memref<128x128xf32, #tpu.memory_space<hbm>>
    %dma_start3A_76 = arith.constant 384 : i32
    %dma_start3A_77 = tpu.memref_slice %arg4[%add3A_61, %dma_start3A_76] : memref<16384x512xf32, #tpu.memory_space<hbm>> -> memref<128x128xf32, #tpu.memory_space<hbm>>
    tpu.enqueue_dma source(%arg7 : memref<128x128xf32, #tpu.memory_space<vmem>>) target(%dma_start3A_77 : memref<128x128xf32, #tpu.memory_space<hbm>>) target_semaphore(%arg11 : memref<!tpu.dma_semaphore, #tpu.memory_space<semaphore_mem>>)
    %dma_wait3A_78 = arith.constant 0 : i32
    %dma_wait3A_79 = tpu.memref_slice %arg4[%add3A_61, %dma_wait3A_78] : memref<16384x512xf32, #tpu.memory_space<hbm>> -> memref<128x128xf32, #tpu.memory_space<hbm>>
    %dma_wait3A_80 = arith.constant 0 : i32
    %dma_wait3A_81 = tpu.memref_slice %arg4[%add3A_61, %dma_wait3A_80] : memref<16384x512xf32, #tpu.memory_space<hbm>> -> memref<128x128xf32, #tpu.memory_space<hbm>>
    tpu.wait_dma2 semaphore(%arg11 : memref<!tpu.dma_semaphore, #tpu.memory_space<semaphore_mem>>) src(%arg7 : memref<128x128xf32, #tpu.memory_space<vmem>>) dst(%dma_wait3A_81 : memref<128x128xf32, #tpu.memory_space<hbm>>)
    %dma_wait3A_82 = arith.constant 128 : i32
    %dma_wait3A_83 = tpu.memref_slice %arg4[%add3A_61, %dma_wait3A_82] : memref<16384x512xf32, #tpu.memory_space<hbm>> -> memref<128x128xf32, #tpu.memory_space<hbm>>
    %dma_wait3A_84 = arith.constant 128 : i32
    %dma_wait3A_85 = tpu.memref_slice %arg4[%add3A_61, %dma_wait3A_84] : memref<16384x512xf32, #tpu.memory_space<hbm>> -> memref<128x128xf32, #tpu.memory_space<hbm>>
    tpu.wait_dma2 semaphore(%arg11 : memref<!tpu.dma_semaphore, #tpu.memory_space<semaphore_mem>>) src(%arg7 : memref<128x128xf32, #tpu.memory_space<vmem>>) dst(%dma_wait3A_85 : memref<128x128xf32, #tpu.memory_space<hbm>>)
    %dma_wait3A_86 = arith.constant 256 : i32
    %dma_wait3A_87 = tpu.memref_slice %arg4[%add3A_61, %dma_wait3A_86] : memref<16384x512xf32, #tpu.memory_space<hbm>> -> memref<128x128xf32, #tpu.memory_space<hbm>>
    %dma_wait3A_88 = arith.constant 256 : i32
    %dma_wait3A_89 = tpu.memref_slice %arg4[%add3A_61, %dma_wait3A_88] : memref<16384x512xf32, #tpu.memory_space<hbm>> -> memref<128x128xf32, #tpu.memory_space<hbm>>
    tpu.wait_dma2 semaphore(%arg11 : memref<!tpu.dma_semaphore, #tpu.memory_space<semaphore_mem>>) src(%arg7 : memref<128x128xf32, #tpu.memory_space<vmem>>) dst(%dma_wait3A_89 : memref<128x128xf32, #tpu.memory_space<hbm>>)
    %dma_wait3A_90 = arith.constant 384 : i32
    %dma_wait3A_91 = tpu.memref_slice %arg4[%add3A_61, %dma_wait3A_90] : memref<16384x512xf32, #tpu.memory_space<hbm>> -> memref<128x128xf32, #tpu.memory_space<hbm>>
    %dma_wait3A_92 = arith.constant 384 : i32
    %dma_wait3A_93 = tpu.memref_slice %arg4[%add3A_61, %dma_wait3A_92] : memref<16384x512xf32, #tpu.memory_space<hbm>> -> memref<128x128xf32, #tpu.memory_space<hbm>>
    tpu.wait_dma2 semaphore(%arg11 : memref<!tpu.dma_semaphore, #tpu.memory_space<semaphore_mem>>) src(%arg7 : memref<128x128xf32, #tpu.memory_space<vmem>>) dst(%dma_wait3A_93 : memref<128x128xf32, #tpu.memory_space<hbm>>)
    %dma_start3A_94 = arith.constant 384 : i32
    %dma_start3A_95 = tpu.memref_slice %arg5[%dma_start3A_94] : memref<512xi32, #tpu.memory_space<vmem>> -> memref<128xi32, #tpu.memory_space<vmem>>
    %dma_start3A_96 = arith.constant 0 : i32
    %dma_start3A_97 = arith.constant 0 : i32
    %dma_start3A_98 = tpu.memref_slice %arg2[%dma_start3A_96, %dma_start3A_97] : memref<400x128xf32, #tpu.memory_space<hbm>> -> memref<400x128xf32, #tpu.memory_space<hbm>>
    tpu.enqueue_indirect_dma source(%dma_start3A_98 : memref<400x128xf32, #tpu.memory_space<hbm>>) target(%arg7 : memref<128x128xf32, #tpu.memory_space<vmem>>) offsets(%dma_start3A_95 : memref<128xi32, #tpu.memory_space<vmem>>) semaphore(%arg9 : memref<!tpu.dma_semaphore, #tpu.memory_space<semaphore_mem>>)
    %dma_wait3A_99 = arith.constant 256 : i32
    %dma_wait3A_100 = tpu.memref_slice %arg5[%dma_wait3A_99] : memref<512xi32, #tpu.memory_space<vmem>> -> memref<128xi32, #tpu.memory_space<vmem>>
    %dma_wait3A_101 = arith.constant 0 : i32
    %dma_wait3A_102 = arith.constant 0 : i32
    %dma_wait3A_103 = tpu.memref_slice %arg2[%dma_wait3A_101, %dma_wait3A_102] : memref<400x128xf32, #tpu.memory_space<hbm>> -> memref<400x128xf32, #tpu.memory_space<hbm>>
    tpu.wait_indirect_dma semaphore(%arg8 : memref<!tpu.dma_semaphore, #tpu.memory_space<semaphore_mem>>) src(%dma_wait3A_103 : memref<400x128xf32, #tpu.memory_space<hbm>>) dst(%arg6 : memref<128x128xf32, #tpu.memory_space<vmem>>)
    %add3A_104 = arith.constant 256 : i32
    %add3A_105 = arith.addi %mul3A_2, %add3A_104 : i32
    %dma_start3A_106 = arith.constant 0 : i32
    %dma_start3A_107 = tpu.memref_slice %arg4[%add3A_105, %dma_start3A_106] : memref<16384x512xf32, #tpu.memory_space<hbm>> -> memref<128x128xf32, #tpu.memory_space<hbm>>
    %dma_start3A_108 = arith.constant 0 : i32
    %dma_start3A_109 = tpu.memref_slice %arg4[%add3A_105, %dma_start3A_108] : memref<16384x512xf32, #tpu.memory_space<hbm>> -> memref<128x128xf32, #tpu.memory_space<hbm>>
    tpu.enqueue_dma source(%arg6 : memref<128x128xf32, #tpu.memory_space<vmem>>) target(%dma_start3A_109 : memref<128x128xf32, #tpu.memory_space<hbm>>) target_semaphore(%arg10 : memref<!tpu.dma_semaphore, #tpu.memory_space<semaphore_mem>>)
    %dma_start3A_110 = arith.constant 128 : i32
    %dma_start3A_111 = tpu.memref_slice %arg4[%add3A_105, %dma_start3A_110] : memref<16384x512xf32, #tpu.memory_space<hbm>> -> memref<128x128xf32, #tpu.memory_space<hbm>>
    %dma_start3A_112 = arith.constant 128 : i32
    %dma_start3A_113 = tpu.memref_slice %arg4[%add3A_105, %dma_start3A_112] : memref<16384x512xf32, #tpu.memory_space<hbm>> -> memref<128x128xf32, #tpu.memory_space<hbm>>
    tpu.enqueue_dma source(%arg6 : memref<128x128xf32, #tpu.memory_space<vmem>>) target(%dma_start3A_113 : memref<128x128xf32, #tpu.memory_space<hbm>>) target_semaphore(%arg10 : memref<!tpu.dma_semaphore, #tpu.memory_space<semaphore_mem>>)
    %dma_start3A_114 = arith.constant 256 : i32
    %dma_start3A_115 = tpu.memref_slice %arg4[%add3A_105, %dma_start3A_114] : memref<16384x512xf32, #tpu.memory_space<hbm>> -> memref<128x128xf32, #tpu.memory_space<hbm>>
    %dma_start3A_116 = arith.constant 256 : i32
    %dma_start3A_117 = tpu.memref_slice %arg4[%add3A_105, %dma_start3A_116] : memref<16384x512xf32, #tpu.memory_space<hbm>> -> memref<128x128xf32, #tpu.memory_space<hbm>>
    tpu.enqueue_dma source(%arg6 : memref<128x128xf32, #tpu.memory_space<vmem>>) target(%dma_start3A_117 : memref<128x128xf32, #tpu.memory_space<hbm>>) target_semaphore(%arg10 : memref<!tpu.dma_semaphore, #tpu.memory_space<semaphore_mem>>)
    %dma_start3A_118 = arith.constant 384 : i32
    %dma_start3A_119 = tpu.memref_slice %arg4[%add3A_105, %dma_start3A_118] : memref<16384x512xf32, #tpu.memory_space<hbm>> -> memref<128x128xf32, #tpu.memory_space<hbm>>
    %dma_start3A_120 = arith.constant 384 : i32
    %dma_start3A_121 = tpu.memref_slice %arg4[%add3A_105, %dma_start3A_120] : memref<16384x512xf32, #tpu.memory_space<hbm>> -> memref<128x128xf32, #tpu.memory_space<hbm>>
    tpu.enqueue_dma source(%arg6 : memref<128x128xf32, #tpu.memory_space<vmem>>) target(%dma_start3A_121 : memref<128x128xf32, #tpu.memory_space<hbm>>) target_semaphore(%arg10 : memref<!tpu.dma_semaphore, #tpu.memory_space<semaphore_mem>>)
    %dma_wait3A_122 = arith.constant 384 : i32
    %dma_wait3A_123 = tpu.memref_slice %arg5[%dma_wait3A_122] : memref<512xi32, #tpu.memory_space<vmem>> -> memref<128xi32, #tpu.memory_space<vmem>>
    %dma_wait3A_124 = arith.constant 0 : i32
    %dma_wait3A_125 = arith.constant 0 : i32
    %dma_wait3A_126 = tpu.memref_slice %arg2[%dma_wait3A_124, %dma_wait3A_125] : memref<400x128xf32, #tpu.memory_space<hbm>> -> memref<400x128xf32, #tpu.memory_space<hbm>>
    tpu.wait_indirect_dma semaphore(%arg9 : memref<!tpu.dma_semaphore, #tpu.memory_space<semaphore_mem>>) src(%dma_wait3A_126 : memref<400x128xf32, #tpu.memory_space<hbm>>) dst(%arg7 : memref<128x128xf32, #tpu.memory_space<vmem>>)
    %add3A_127 = arith.constant 384 : i32
    %add3A_128 = arith.addi %mul3A_2, %add3A_127 : i32
    %dma_start3A_129 = arith.constant 0 : i32
    %dma_start3A_130 = tpu.memref_slice %arg4[%add3A_128, %dma_start3A_129] : memref<16384x512xf32, #tpu.memory_space<hbm>> -> memref<128x128xf32, #tpu.memory_space<hbm>>
    %dma_start3A_131 = arith.constant 0 : i32
    %dma_start3A_132 = tpu.memref_slice %arg4[%add3A_128, %dma_start3A_131] : memref<16384x512xf32, #tpu.memory_space<hbm>> -> memref<128x128xf32, #tpu.memory_space<hbm>>
    tpu.enqueue_dma source(%arg7 : memref<128x128xf32, #tpu.memory_space<vmem>>) target(%dma_start3A_132 : memref<128x128xf32, #tpu.memory_space<hbm>>) target_semaphore(%arg11 : memref<!tpu.dma_semaphore, #tpu.memory_space<semaphore_mem>>)
    %dma_start3A_133 = arith.constant 128 : i32
    %dma_start3A_134 = tpu.memref_slice %arg4[%add3A_128, %dma_start3A_133] : memref<16384x512xf32, #tpu.memory_space<hbm>> -> memref<128x128xf32, #tpu.memory_space<hbm>>
    %dma_start3A_135 = arith.constant 128 : i32
    %dma_start3A_136 = tpu.memref_slice %arg4[%add3A_128, %dma_start3A_135] : memref<16384x512xf32, #tpu.memory_space<hbm>> -> memref<128x128xf32, #tpu.memory_space<hbm>>
    tpu.enqueue_dma source(%arg7 : memref<128x128xf32, #tpu.memory_space<vmem>>) target(%dma_start3A_136 : memref<128x128xf32, #tpu.memory_space<hbm>>) target_semaphore(%arg11 : memref<!tpu.dma_semaphore, #tpu.memory_space<semaphore_mem>>)
    %dma_start3A_137 = arith.constant 256 : i32
    %dma_start3A_138 = tpu.memref_slice %arg4[%add3A_128, %dma_start3A_137] : memref<16384x512xf32, #tpu.memory_space<hbm>> -> memref<128x128xf32, #tpu.memory_space<hbm>>
    %dma_start3A_139 = arith.constant 256 : i32
    %dma_start3A_140 = tpu.memref_slice %arg4[%add3A_128, %dma_start3A_139] : memref<16384x512xf32, #tpu.memory_space<hbm>> -> memref<128x128xf32, #tpu.memory_space<hbm>>
    tpu.enqueue_dma source(%arg7 : memref<128x128xf32, #tpu.memory_space<vmem>>) target(%dma_start3A_140 : memref<128x128xf32, #tpu.memory_space<hbm>>) target_semaphore(%arg11 : memref<!tpu.dma_semaphore, #tpu.memory_space<semaphore_mem>>)
    %dma_start3A_141 = arith.constant 384 : i32
    %dma_start3A_142 = tpu.memref_slice %arg4[%add3A_128, %dma_start3A_141] : memref<16384x512xf32, #tpu.memory_space<hbm>> -> memref<128x128xf32, #tpu.memory_space<hbm>>
    %dma_start3A_143 = arith.constant 384 : i32
    %dma_start3A_144 = tpu.memref_slice %arg4[%add3A_128, %dma_start3A_143] : memref<16384x512xf32, #tpu.memory_space<hbm>> -> memref<128x128xf32, #tpu.memory_space<hbm>>
    tpu.enqueue_dma source(%arg7 : memref<128x128xf32, #tpu.memory_space<vmem>>) target(%dma_start3A_144 : memref<128x128xf32, #tpu.memory_space<hbm>>) target_semaphore(%arg11 : memref<!tpu.dma_semaphore, #tpu.memory_space<semaphore_mem>>)
    %dma_wait3A_145 = arith.constant 0 : i32
    %dma_wait3A_146 = tpu.memref_slice %arg4[%add3A_105, %dma_wait3A_145] : memref<16384x512xf32, #tpu.memory_space<hbm>> -> memref<128x128xf32, #tpu.memory_space<hbm>>
    %dma_wait3A_147 = arith.constant 0 : i32
    %dma_wait3A_148 = tpu.memref_slice %arg4[%add3A_105, %dma_wait3A_147] : memref<16384x512xf32, #tpu.memory_space<hbm>> -> memref<128x128xf32, #tpu.memory_space<hbm>>
    tpu.wait_dma2 semaphore(%arg10 : memref<!tpu.dma_semaphore, #tpu.memory_space<semaphore_mem>>) src(%arg6 : memref<128x128xf32, #tpu.memory_space<vmem>>) dst(%dma_wait3A_148 : memref<128x128xf32, #tpu.memory_space<hbm>>)
    %dma_wait3A_149 = arith.constant 128 : i32
    %dma_wait3A_150 = tpu.memref_slice %arg4[%add3A_105, %dma_wait3A_149] : memref<16384x512xf32, #tpu.memory_space<hbm>> -> memref<128x128xf32, #tpu.memory_space<hbm>>
    %dma_wait3A_151 = arith.constant 128 : i32
    %dma_wait3A_152 = tpu.memref_slice %arg4[%add3A_105, %dma_wait3A_151] : memref<16384x512xf32, #tpu.memory_space<hbm>> -> memref<128x128xf32, #tpu.memory_space<hbm>>
    tpu.wait_dma2 semaphore(%arg10 : memref<!tpu.dma_semaphore, #tpu.memory_space<semaphore_mem>>) src(%arg6 : memref<128x128xf32, #tpu.memory_space<vmem>>) dst(%dma_wait3A_152 : memref<128x128xf32, #tpu.memory_space<hbm>>)
    %dma_wait3A_153 = arith.constant 256 : i32
    %dma_wait3A_154 = tpu.memref_slice %arg4[%add3A_105, %dma_wait3A_153] : memref<16384x512xf32, #tpu.memory_space<hbm>> -> memref<128x128xf32, #tpu.memory_space<hbm>>
    %dma_wait3A_155 = arith.constant 256 : i32
    %dma_wait3A_156 = tpu.memref_slice %arg4[%add3A_105, %dma_wait3A_155] : memref<16384x512xf32, #tpu.memory_space<hbm>> -> memref<128x128xf32, #tpu.memory_space<hbm>>
    tpu.wait_dma2 semaphore(%arg10 : memref<!tpu.dma_semaphore, #tpu.memory_space<semaphore_mem>>) src(%arg6 : memref<128x128xf32, #tpu.memory_space<vmem>>) dst(%dma_wait3A_156 : memref<128x128xf32, #tpu.memory_space<hbm>>)
    %dma_wait3A_157 = arith.constant 384 : i32
    %dma_wait3A_158 = tpu.memref_slice %arg4[%add3A_105, %dma_wait3A_157] : memref<16384x512xf32, #tpu.memory_space<hbm>> -> memref<128x128xf32, #tpu.memory_space<hbm>>
    %dma_wait3A_159 = arith.constant 384 : i32
    %dma_wait3A_160 = tpu.memref_slice %arg4[%add3A_105, %dma_wait3A_159] : memref<16384x512xf32, #tpu.memory_space<hbm>> -> memref<128x128xf32, #tpu.memory_space<hbm>>
    tpu.wait_dma2 semaphore(%arg10 : memref<!tpu.dma_semaphore, #tpu.memory_space<semaphore_mem>>) src(%arg6 : memref<128x128xf32, #tpu.memory_space<vmem>>) dst(%dma_wait3A_160 : memref<128x128xf32, #tpu.memory_space<hbm>>)
    %dma_wait3A_161 = arith.constant 0 : i32
    %dma_wait3A_162 = tpu.memref_slice %arg4[%add3A_128, %dma_wait3A_161] : memref<16384x512xf32, #tpu.memory_space<hbm>> -> memref<128x128xf32, #tpu.memory_space<hbm>>
    %dma_wait3A_163 = arith.constant 0 : i32
    %dma_wait3A_164 = tpu.memref_slice %arg4[%add3A_128, %dma_wait3A_163] : memref<16384x512xf32, #tpu.memory_space<hbm>> -> memref<128x128xf32, #tpu.memory_space<hbm>>
    tpu.wait_dma2 semaphore(%arg11 : memref<!tpu.dma_semaphore, #tpu.memory_space<semaphore_mem>>) src(%arg7 : memref<128x128xf32, #tpu.memory_space<vmem>>) dst(%dma_wait3A_164 : memref<128x128xf32, #tpu.memory_space<hbm>>)
    %dma_wait3A_165 = arith.constant 128 : i32
    %dma_wait3A_166 = tpu.memref_slice %arg4[%add3A_128, %dma_wait3A_165] : memref<16384x512xf32, #tpu.memory_space<hbm>> -> memref<128x128xf32, #tpu.memory_space<hbm>>
    %dma_wait3A_167 = arith.constant 128 : i32
    %dma_wait3A_168 = tpu.memref_slice %arg4[%add3A_128, %dma_wait3A_167] : memref<16384x512xf32, #tpu.memory_space<hbm>> -> memref<128x128xf32, #tpu.memory_space<hbm>>
    tpu.wait_dma2 semaphore(%arg11 : memref<!tpu.dma_semaphore, #tpu.memory_space<semaphore_mem>>) src(%arg7 : memref<128x128xf32, #tpu.memory_space<vmem>>) dst(%dma_wait3A_168 : memref<128x128xf32, #tpu.memory_space<hbm>>)
    %dma_wait3A_169 = arith.constant 256 : i32
    %dma_wait3A_170 = tpu.memref_slice %arg4[%add3A_128, %dma_wait3A_169] : memref<16384x512xf32, #tpu.memory_space<hbm>> -> memref<128x128xf32, #tpu.memory_space<hbm>>
    %dma_wait3A_171 = arith.constant 256 : i32
    %dma_wait3A_172 = tpu.memref_slice %arg4[%add3A_128, %dma_wait3A_171] : memref<16384x512xf32, #tpu.memory_space<hbm>> -> memref<128x128xf32, #tpu.memory_space<hbm>>
    tpu.wait_dma2 semaphore(%arg11 : memref<!tpu.dma_semaphore, #tpu.memory_space<semaphore_mem>>) src(%arg7 : memref<128x128xf32, #tpu.memory_space<vmem>>) dst(%dma_wait3A_172 : memref<128x128xf32, #tpu.memory_space<hbm>>)
    %dma_wait3A_173 = arith.constant 384 : i32
    %dma_wait3A_174 = tpu.memref_slice %arg4[%add3A_128, %dma_wait3A_173] : memref<16384x512xf32, #tpu.memory_space<hbm>> -> memref<128x128xf32, #tpu.memory_space<hbm>>
    %dma_wait3A_175 = arith.constant 384 : i32
    %dma_wait3A_176 = tpu.memref_slice %arg4[%add3A_128, %dma_wait3A_175] : memref<16384x512xf32, #tpu.memory_space<hbm>> -> memref<128x128xf32, #tpu.memory_space<hbm>>
    tpu.wait_dma2 semaphore(%arg11 : memref<!tpu.dma_semaphore, #tpu.memory_space<semaphore_mem>>) src(%arg7 : memref<128x128xf32, #tpu.memory_space<vmem>>) dst(%dma_wait3A_176 : memref<128x128xf32, #tpu.memory_space<hbm>>)
    return
  }
}

#map = affine_map<(d0, d1) -> (0, 0)>
#map1 = affine_map<(d0, d1) -> (0)>
module attributes {stable_mosaic.version = 14 : i64} {
  func.func @gather_k(%arg0: i32, %arg1: i32, %arg2: memref<100000x512xf32, #tpu.memory_space<hbm>>, %arg3: memref<16384xi32, #tpu.memory_space<hbm>>, %arg4: memref<16384xi32, #tpu.memory_space<hbm>>, %arg5: memref<16384x512xf32, #tpu.memory_space<hbm>>, %arg6: memref<16384x384xf32, #tpu.memory_space<hbm>>, %arg7: memref<512xi32, #tpu.memory_space<vmem>>, %arg8: memref<512xi32, #tpu.memory_space<vmem>>, %arg9: memref<512xi32, #tpu.memory_space<vmem>>, %arg10: memref<32x512xf32, #tpu.memory_space<vmem>>, %arg11: memref<32x512xf32, #tpu.memory_space<vmem>>, %arg12: memref<32x512xf32, #tpu.memory_space<vmem>>, %arg13: memref<32x512xf32, #tpu.memory_space<vmem>>, %arg14: memref<32x512xf32, #tpu.memory_space<vmem>>, %arg15: memref<32x512xf32, #tpu.memory_space<vmem>>, %arg16: memref<!tpu.dma_semaphore, #tpu.memory_space<semaphore_mem>>, %arg17: memref<!tpu.dma_semaphore, #tpu.memory_space<semaphore_mem>>, %arg18: memref<!tpu.dma_semaphore, #tpu.memory_space<semaphore_mem>>, %arg19: memref<!tpu.dma_semaphore, #tpu.memory_space<semaphore_mem>>, %arg20: memref<!tpu.dma_semaphore, #tpu.memory_space<semaphore_mem>>, %arg21: memref<!tpu.dma_semaphore, #tpu.memory_space<semaphore_mem>>, %arg22: memref<!tpu.dma_semaphore, #tpu.memory_space<semaphore_mem>>, %arg23: memref<!tpu.dma_semaphore, #tpu.memory_space<semaphore_mem>>, %arg24: memref<!tpu.dma_semaphore, #tpu.memory_space<semaphore_mem>>, %arg25: memref<!tpu.dma_semaphore, #tpu.memory_space<semaphore_mem>>, %arg26: memref<!tpu.dma_semaphore, #tpu.memory_space<semaphore_mem>>, %arg27: memref<!tpu.dma_semaphore, #tpu.memory_space<semaphore_mem>>, %arg28: memref<!tpu.dma_semaphore, #tpu.memory_space<semaphore_mem>>) attributes {dimension_semantics = [#tpu.dimension_semantics<core_parallel>, #tpu.dimension_semantics<subcore_parallel>], iteration_bounds = array<i64: 2, 16>, scalar_prefetch = 0 : i64, scratch_operands = 22 : i64, tpu.core_type = #tpu.core_type<sc_vector_subcore>, window_params = [{transform_indices = #map}, {transform_indices = #map1}, {transform_indices = #map1}, {transform_indices = #map}, {transform_indices = #map}]} {
    %mul3A = arith.constant 2 : i32
    %mul3A_0 = arith.muli %arg1, %mul3A : i32
    %add3A = arith.addi %mul3A_0, %arg0 : i32
    %mul3A_1 = arith.constant 512 : i32
    %mul3A_2 = arith.muli %add3A, %mul3A_1 : i32
    "tpu.region"() ({
      %run_scoped3A = tpu.sem_alloc : memref<!tpu.dma_semaphore, #tpu.memory_space<semaphore_mem>>
      %dma_start3A_791 = tpu.memref_slice %arg3[%mul3A_2] : memref<16384xi32, #tpu.memory_space<hbm>> -> memref<512xi32, #tpu.memory_space<hbm>>
      %dma_start3A_792 = tpu.memref_slice %arg3[%mul3A_2] : memref<16384xi32, #tpu.memory_space<hbm>> -> memref<512xi32, #tpu.memory_space<hbm>>
      tpu.enqueue_dma source(%dma_start3A_792 : memref<512xi32, #tpu.memory_space<hbm>>) target(%arg7 : memref<512xi32, #tpu.memory_space<vmem>>) target_semaphore(%run_scoped3A : memref<!tpu.dma_semaphore, #tpu.memory_space<semaphore_mem>>)
      %dma_wait3A_793 = tpu.memref_slice %arg3[%mul3A_2] : memref<16384xi32, #tpu.memory_space<hbm>> -> memref<512xi32, #tpu.memory_space<hbm>>
      %dma_wait3A_794 = tpu.memref_slice %arg3[%mul3A_2] : memref<16384xi32, #tpu.memory_space<hbm>> -> memref<512xi32, #tpu.memory_space<hbm>>
      tpu.wait_dma2 semaphore(%run_scoped3A : memref<!tpu.dma_semaphore, #tpu.memory_space<semaphore_mem>>) src(%dma_wait3A_794 : memref<512xi32, #tpu.memory_space<hbm>>) dst(%arg7 : memref<512xi32, #tpu.memory_space<vmem>>)
      tpu.yield
    }) : () -> ()
    "tpu.region"() ({
      %run_scoped3A = tpu.sem_alloc : memref<!tpu.dma_semaphore, #tpu.memory_space<semaphore_mem>>
      %dma_start3A_791 = tpu.memref_slice %arg4[%mul3A_2] : memref<16384xi32, #tpu.memory_space<hbm>> -> memref<512xi32, #tpu.memory_space<hbm>>
      %dma_start3A_792 = tpu.memref_slice %arg4[%mul3A_2] : memref<16384xi32, #tpu.memory_space<hbm>> -> memref<512xi32, #tpu.memory_space<hbm>>
      tpu.enqueue_dma source(%dma_start3A_792 : memref<512xi32, #tpu.memory_space<hbm>>) target(%arg9 : memref<512xi32, #tpu.memory_space<vmem>>) target_semaphore(%run_scoped3A : memref<!tpu.dma_semaphore, #tpu.memory_space<semaphore_mem>>)
      %dma_wait3A_793 = tpu.memref_slice %arg4[%mul3A_2] : memref<16384xi32, #tpu.memory_space<hbm>> -> memref<512xi32, #tpu.memory_space<hbm>>
      %dma_wait3A_794 = tpu.memref_slice %arg4[%mul3A_2] : memref<16384xi32, #tpu.memory_space<hbm>> -> memref<512xi32, #tpu.memory_space<hbm>>
      tpu.wait_dma2 semaphore(%run_scoped3A : memref<!tpu.dma_semaphore, #tpu.memory_space<semaphore_mem>>) src(%dma_wait3A_794 : memref<512xi32, #tpu.memory_space<hbm>>) dst(%arg9 : memref<512xi32, #tpu.memory_space<vmem>>)
      tpu.yield
    }) : () -> ()
    %dma_start3A = arith.constant 0 : i32
    %dma_start3A_3 = tpu.memref_slice %arg3[%dma_start3A] : memref<16384xi32, #tpu.memory_space<hbm>> -> memref<16384xi32, #tpu.memory_space<hbm>>
    tpu.enqueue_indirect_dma source(%dma_start3A_3 : memref<16384xi32, #tpu.memory_space<hbm>>) target(%arg8 : memref<512xi32, #tpu.memory_space<vmem>>) offsets(%arg9 : memref<512xi32, #tpu.memory_space<vmem>>) semaphore(%arg28 : memref<!tpu.dma_semaphore, #tpu.memory_space<semaphore_mem>>)
    %dma_wait3A = arith.constant 0 : i32
    %dma_wait3A_4 = tpu.memref_slice %arg3[%dma_wait3A] : memref<16384xi32, #tpu.memory_space<hbm>> -> memref<16384xi32, #tpu.memory_space<hbm>>
    tpu.wait_indirect_dma semaphore(%arg28 : memref<!tpu.dma_semaphore, #tpu.memory_space<semaphore_mem>>) src(%dma_wait3A_4 : memref<16384xi32, #tpu.memory_space<hbm>>) dst(%arg8 : memref<512xi32, #tpu.memory_space<vmem>>)
    %dma_start3A_5 = arith.constant 0 : i32
    %dma_start3A_6 = tpu.memref_slice %arg7[%dma_start3A_5] : memref<512xi32, #tpu.memory_space<vmem>> -> memref<32xi32, #tpu.memory_space<vmem>>
    %dma_start3A_7 = arith.constant 0 : i32
    %dma_start3A_8 = arith.constant 0 : i32
    %dma_start3A_9 = tpu.memref_slice %arg2[%dma_start3A_7, %dma_start3A_8] : memref<100000x512xf32, #tpu.memory_space<hbm>> -> memref<100000x512xf32, #tpu.memory_space<hbm>>
    tpu.enqueue_indirect_dma source(%dma_start3A_9 : memref<100000x512xf32, #tpu.memory_space<hbm>>) target(%arg10 : memref<32x512xf32, #tpu.memory_space<vmem>>) offsets(%dma_start3A_6 : memref<32xi32, #tpu.memory_space<vmem>>) semaphore(%arg16 : memref<!tpu.dma_semaphore, #tpu.memory_space<semaphore_mem>>)
    %dma_start3A_10 = arith.constant 0 : i32
    %dma_start3A_11 = tpu.memref_slice %arg8[%dma_start3A_10] : memref<512xi32, #tpu.memory_space<vmem>> -> memref<32xi32, #tpu.memory_space<vmem>>
    %dma_start3A_12 = arith.constant 0 : i32
    %dma_start3A_13 = arith.constant 0 : i32
    %dma_start3A_14 = tpu.memref_slice %arg2[%dma_start3A_12, %dma_start3A_13] : memref<100000x512xf32, #tpu.memory_space<hbm>> -> memref<100000x512xf32, #tpu.memory_space<hbm>>
    tpu.enqueue_indirect_dma source(%dma_start3A_14 : memref<100000x512xf32, #tpu.memory_space<hbm>>) target(%arg13 : memref<32x512xf32, #tpu.memory_space<vmem>>) offsets(%dma_start3A_11 : memref<32xi32, #tpu.memory_space<vmem>>) semaphore(%arg19 : memref<!tpu.dma_semaphore, #tpu.memory_space<semaphore_mem>>)
    %dma_start3A_15 = arith.constant 32 : i32
    %dma_start3A_16 = tpu.memref_slice %arg7[%dma_start3A_15] : memref<512xi32, #tpu.memory_space<vmem>> -> memref<32xi32, #tpu.memory_space<vmem>>
    %dma_start3A_17 = arith.constant 0 : i32
    %dma_start3A_18 = arith.constant 0 : i32
    %dma_start3A_19 = tpu.memref_slice %arg2[%dma_start3A_17, %dma_start3A_18] : memref<100000x512xf32, #tpu.memory_space<hbm>> -> memref<100000x512xf32, #tpu.memory_space<hbm>>
    tpu.enqueue_indirect_dma source(%dma_start3A_19 : memref<100000x512xf32, #tpu.memory_space<hbm>>) target(%arg11 : memref<32x512xf32, #tpu.memory_space<vmem>>) offsets(%dma_start3A_16 : memref<32xi32, #tpu.memory_space<vmem>>) semaphore(%arg17 : memref<!tpu.dma_semaphore, #tpu.memory_space<semaphore_mem>>)
    %dma_start3A_20 = arith.constant 32 : i32
    %dma_start3A_21 = tpu.memref_slice %arg8[%dma_start3A_20] : memref<512xi32, #tpu.memory_space<vmem>> -> memref<32xi32, #tpu.memory_space<vmem>>
    %dma_start3A_22 = arith.constant 0 : i32
    %dma_start3A_23 = arith.constant 0 : i32
    %dma_start3A_24 = tpu.memref_slice %arg2[%dma_start3A_22, %dma_start3A_23] : memref<100000x512xf32, #tpu.memory_space<hbm>> -> memref<100000x512xf32, #tpu.memory_space<hbm>>
    tpu.enqueue_indirect_dma source(%dma_start3A_24 : memref<100000x512xf32, #tpu.memory_space<hbm>>) target(%arg14 : memref<32x512xf32, #tpu.memory_space<vmem>>) offsets(%dma_start3A_21 : memref<32xi32, #tpu.memory_space<vmem>>) semaphore(%arg20 : memref<!tpu.dma_semaphore, #tpu.memory_space<semaphore_mem>>)
    %dma_start3A_25 = arith.constant 64 : i32
    %dma_start3A_26 = tpu.memref_slice %arg7[%dma_start3A_25] : memref<512xi32, #tpu.memory_space<vmem>> -> memref<32xi32, #tpu.memory_space<vmem>>
    %dma_start3A_27 = arith.constant 0 : i32
    %dma_start3A_28 = arith.constant 0 : i32
    %dma_start3A_29 = tpu.memref_slice %arg2[%dma_start3A_27, %dma_start3A_28] : memref<100000x512xf32, #tpu.memory_space<hbm>> -> memref<100000x512xf32, #tpu.memory_space<hbm>>
    tpu.enqueue_indirect_dma source(%dma_start3A_29 : memref<100000x512xf32, #tpu.memory_space<hbm>>) target(%arg12 : memref<32x512xf32, #tpu.memory_space<vmem>>) offsets(%dma_start3A_26 : memref<32xi32, #tpu.memory_space<vmem>>) semaphore(%arg18 : memref<!tpu.dma_semaphore, #tpu.memory_space<semaphore_mem>>)
    %dma_start3A_30 = arith.constant 64 : i32
    %dma_start3A_31 = tpu.memref_slice %arg8[%dma_start3A_30] : memref<512xi32, #tpu.memory_space<vmem>> -> memref<32xi32, #tpu.memory_space<vmem>>
    %dma_start3A_32 = arith.constant 0 : i32
    %dma_start3A_33 = arith.constant 0 : i32
    %dma_start3A_34 = tpu.memref_slice %arg2[%dma_start3A_32, %dma_start3A_33] : memref<100000x512xf32, #tpu.memory_space<hbm>> -> memref<100000x512xf32, #tpu.memory_space<hbm>>
    tpu.enqueue_indirect_dma source(%dma_start3A_34 : memref<100000x512xf32, #tpu.memory_space<hbm>>) target(%arg15 : memref<32x512xf32, #tpu.memory_space<vmem>>) offsets(%dma_start3A_31 : memref<32xi32, #tpu.memory_space<vmem>>) semaphore(%arg21 : memref<!tpu.dma_semaphore, #tpu.memory_space<semaphore_mem>>)
    %dma_wait3A_35 = arith.constant 0 : i32
    %dma_wait3A_36 = tpu.memref_slice %arg7[%dma_wait3A_35] : memref<512xi32, #tpu.memory_space<vmem>> -> memref<32xi32, #tpu.memory_space<vmem>>
    %dma_wait3A_37 = arith.constant 0 : i32
    %dma_wait3A_38 = arith.constant 0 : i32
    %dma_wait3A_39 = tpu.memref_slice %arg2[%dma_wait3A_37, %dma_wait3A_38] : memref<100000x512xf32, #tpu.memory_space<hbm>> -> memref<100000x512xf32, #tpu.memory_space<hbm>>
    tpu.wait_indirect_dma semaphore(%arg16 : memref<!tpu.dma_semaphore, #tpu.memory_space<semaphore_mem>>) src(%dma_wait3A_39 : memref<100000x512xf32, #tpu.memory_space<hbm>>) dst(%arg10 : memref<32x512xf32, #tpu.memory_space<vmem>>)
    %dma_wait3A_40 = arith.constant 0 : i32
    %dma_wait3A_41 = tpu.memref_slice %arg8[%dma_wait3A_40] : memref<512xi32, #tpu.memory_space<vmem>> -> memref<32xi32, #tpu.memory_space<vmem>>
    %dma_wait3A_42 = arith.constant 0 : i32
    %dma_wait3A_43 = arith.constant 0 : i32
    %dma_wait3A_44 = tpu.memref_slice %arg2[%dma_wait3A_42, %dma_wait3A_43] : memref<100000x512xf32, #tpu.memory_space<hbm>> -> memref<100000x512xf32, #tpu.memory_space<hbm>>
    tpu.wait_indirect_dma semaphore(%arg19 : memref<!tpu.dma_semaphore, #tpu.memory_space<semaphore_mem>>) src(%dma_wait3A_44 : memref<100000x512xf32, #tpu.memory_space<hbm>>) dst(%arg13 : memref<32x512xf32, #tpu.memory_space<vmem>>)
    %add3A_45 = arith.constant 0 : i32
    %add3A_46 = arith.addi %mul3A_2, %add3A_45 : i32
    %dma_start3A_47 = arith.constant 0 : i32
    %dma_start3A_48 = tpu.memref_slice %arg5[%add3A_46, %dma_start3A_47] : memref<16384x512xf32, #tpu.memory_space<hbm>> -> memref<32x512xf32, #tpu.memory_space<hbm>>
    %dma_start3A_49 = arith.constant 0 : i32
    %dma_start3A_50 = tpu.memref_slice %arg5[%add3A_46, %dma_start3A_49] : memref<16384x512xf32, #tpu.memory_space<hbm>> -> memref<32x512xf32, #tpu.memory_space<hbm>>
    tpu.enqueue_dma source(%arg10 : memref<32x512xf32, #tpu.memory_space<vmem>>) target(%dma_start3A_50 : memref<32x512xf32, #tpu.memory_space<hbm>>) target_semaphore(%arg22 : memref<!tpu.dma_semaphore, #tpu.memory_space<semaphore_mem>>)
    %dma_start3A_51 = arith.constant 0 : i32
    %dma_start3A_52 = arith.constant 128 : i32
    %dma_start3A_53 = tpu.memref_slice %arg13[%dma_start3A_51, %dma_start3A_52] : memref<32x512xf32, #tpu.memory_space<vmem>> -> memref<32x384xf32, #tpu.memory_space<vmem>>
    %dma_start3A_54 = arith.constant 0 : i32
    %dma_start3A_55 = tpu.memref_slice %arg6[%add3A_46, %dma_start3A_54] : memref<16384x384xf32, #tpu.memory_space<hbm>> -> memref<32x384xf32, #tpu.memory_space<hbm>>
    %dma_start3A_56 = arith.constant 0 : i32
    %dma_start3A_57 = tpu.memref_slice %arg6[%add3A_46, %dma_start3A_56] : memref<16384x384xf32, #tpu.memory_space<hbm>> -> memref<32x384xf32, #tpu.memory_space<hbm>>
    %dma_start3A_58 = arith.constant 0 : i32
    %dma_start3A_59 = arith.constant 128 : i32
    %dma_start3A_60 = tpu.memref_slice %arg13[%dma_start3A_58, %dma_start3A_59] : memref<32x512xf32, #tpu.memory_space<vmem>> -> memref<32x384xf32, #tpu.memory_space<vmem>>
    tpu.enqueue_dma source(%dma_start3A_60 : memref<32x384xf32, #tpu.memory_space<vmem>>) target(%dma_start3A_57 : memref<32x384xf32, #tpu.memory_space<hbm>>) target_semaphore(%arg25 : memref<!tpu.dma_semaphore, #tpu.memory_space<semaphore_mem>>)
    %dma_wait3A_61 = arith.constant 0 : i32
    %dma_wait3A_62 = tpu.memref_slice %arg5[%add3A_46, %dma_wait3A_61] : memref<16384x512xf32, #tpu.memory_space<hbm>> -> memref<32x512xf32, #tpu.memory_space<hbm>>
    %dma_wait3A_63 = arith.constant 0 : i32
    %dma_wait3A_64 = tpu.memref_slice %arg5[%add3A_46, %dma_wait3A_63] : memref<16384x512xf32, #tpu.memory_space<hbm>> -> memref<32x512xf32, #tpu.memory_space<hbm>>
    tpu.wait_dma2 semaphore(%arg22 : memref<!tpu.dma_semaphore, #tpu.memory_space<semaphore_mem>>) src(%arg10 : memref<32x512xf32, #tpu.memory_space<vmem>>) dst(%dma_wait3A_64 : memref<32x512xf32, #tpu.memory_space<hbm>>)
    %dma_wait3A_65 = arith.constant 0 : i32
    %dma_wait3A_66 = arith.constant 128 : i32
    %dma_wait3A_67 = tpu.memref_slice %arg13[%dma_wait3A_65, %dma_wait3A_66] : memref<32x512xf32, #tpu.memory_space<vmem>> -> memref<32x384xf32, #tpu.memory_space<vmem>>
    %dma_wait3A_68 = arith.constant 0 : i32
    %dma_wait3A_69 = tpu.memref_slice %arg6[%add3A_46, %dma_wait3A_68] : memref<16384x384xf32, #tpu.memory_space<hbm>> -> memref<32x384xf32, #tpu.memory_space<hbm>>
    %dma_wait3A_70 = arith.constant 0 : i32
    %dma_wait3A_71 = tpu.memref_slice %arg6[%add3A_46, %dma_wait3A_70] : memref<16384x384xf32, #tpu.memory_space<hbm>> -> memref<32x384xf32, #tpu.memory_space<hbm>>
    %dma_wait3A_72 = arith.constant 0 : i32
    %dma_wait3A_73 = arith.constant 128 : i32
    %dma_wait3A_74 = tpu.memref_slice %arg13[%dma_wait3A_72, %dma_wait3A_73] : memref<32x512xf32, #tpu.memory_space<vmem>> -> memref<32x384xf32, #tpu.memory_space<vmem>>
    tpu.wait_dma2 semaphore(%arg25 : memref<!tpu.dma_semaphore, #tpu.memory_space<semaphore_mem>>) src(%dma_wait3A_74 : memref<32x384xf32, #tpu.memory_space<vmem>>) dst(%dma_wait3A_71 : memref<32x384xf32, #tpu.memory_space<hbm>>)
    %dma_start3A_75 = arith.constant 96 : i32
    %dma_start3A_76 = tpu.memref_slice %arg7[%dma_start3A_75] : memref<512xi32, #tpu.memory_space<vmem>> -> memref<32xi32, #tpu.memory_space<vmem>>
    %dma_start3A_77 = arith.constant 0 : i32
    %dma_start3A_78 = arith.constant 0 : i32
    %dma_start3A_79 = tpu.memref_slice %arg2[%dma_start3A_77, %dma_start3A_78] : memref<100000x512xf32, #tpu.memory_space<hbm>> -> memref<100000x512xf32, #tpu.memory_space<hbm>>
    tpu.enqueue_indirect_dma source(%dma_start3A_79 : memref<100000x512xf32, #tpu.memory_space<hbm>>) target(%arg10 : memref<32x512xf32, #tpu.memory_space<vmem>>) offsets(%dma_start3A_76 : memref<32xi32, #tpu.memory_space<vmem>>) semaphore(%arg16 : memref<!tpu.dma_semaphore, #tpu.memory_space<semaphore_mem>>)
    %dma_start3A_80 = arith.constant 96 : i32
    %dma_start3A_81 = tpu.memref_slice %arg8[%dma_start3A_80] : memref<512xi32, #tpu.memory_space<vmem>> -> memref<32xi32, #tpu.memory_space<vmem>>
    %dma_start3A_82 = arith.constant 0 : i32
    %dma_start3A_83 = arith.constant 0 : i32
    %dma_start3A_84 = tpu.memref_slice %arg2[%dma_start3A_82, %dma_start3A_83] : memref<100000x512xf32, #tpu.memory_space<hbm>> -> memref<100000x512xf32, #tpu.memory_space<hbm>>
    tpu.enqueue_indirect_dma source(%dma_start3A_84 : memref<100000x512xf32, #tpu.memory_space<hbm>>) target(%arg13 : memref<32x512xf32, #tpu.memory_space<vmem>>) offsets(%dma_start3A_81 : memref<32xi32, #tpu.memory_space<vmem>>) semaphore(%arg19 : memref<!tpu.dma_semaphore, #tpu.memory_space<semaphore_mem>>)
    %dma_wait3A_85 = arith.constant 32 : i32
    %dma_wait3A_86 = tpu.memref_slice %arg7[%dma_wait3A_85] : memref<512xi32, #tpu.memory_space<vmem>> -> memref<32xi32, #tpu.memory_space<vmem>>
    %dma_wait3A_87 = arith.constant 0 : i32
    %dma_wait3A_88 = arith.constant 0 : i32
    %dma_wait3A_89 = tpu.memref_slice %arg2[%dma_wait3A_87, %dma_wait3A_88] : memref<100000x512xf32, #tpu.memory_space<hbm>> -> memref<100000x512xf32, #tpu.memory_space<hbm>>
    tpu.wait_indirect_dma semaphore(%arg17 : memref<!tpu.dma_semaphore, #tpu.memory_space<semaphore_mem>>) src(%dma_wait3A_89 : memref<100000x512xf32, #tpu.memory_space<hbm>>) dst(%arg11 : memref<32x512xf32, #tpu.memory_space<vmem>>)
    %dma_wait3A_90 = arith.constant 32 : i32
    %dma_wait3A_91 = tpu.memref_slice %arg8[%dma_wait3A_90] : memref<512xi32, #tpu.memory_space<vmem>> -> memref<32xi32, #tpu.memory_space<vmem>>
    %dma_wait3A_92 = arith.constant 0 : i32
    %dma_wait3A_93 = arith.constant 0 : i32
    %dma_wait3A_94 = tpu.memref_slice %arg2[%dma_wait3A_92, %dma_wait3A_93] : memref<100000x512xf32, #tpu.memory_space<hbm>> -> memref<100000x512xf32, #tpu.memory_space<hbm>>
    tpu.wait_indirect_dma semaphore(%arg20 : memref<!tpu.dma_semaphore, #tpu.memory_space<semaphore_mem>>) src(%dma_wait3A_94 : memref<100000x512xf32, #tpu.memory_space<hbm>>) dst(%arg14 : memref<32x512xf32, #tpu.memory_space<vmem>>)
    %add3A_95 = arith.constant 32 : i32
    %add3A_96 = arith.addi %mul3A_2, %add3A_95 : i32
    %dma_start3A_97 = arith.constant 0 : i32
    %dma_start3A_98 = tpu.memref_slice %arg5[%add3A_96, %dma_start3A_97] : memref<16384x512xf32, #tpu.memory_space<hbm>> -> memref<32x512xf32, #tpu.memory_space<hbm>>
    %dma_start3A_99 = arith.constant 0 : i32
    %dma_start3A_100 = tpu.memref_slice %arg5[%add3A_96, %dma_start3A_99] : memref<16384x512xf32, #tpu.memory_space<hbm>> -> memref<32x512xf32, #tpu.memory_space<hbm>>
    tpu.enqueue_dma source(%arg11 : memref<32x512xf32, #tpu.memory_space<vmem>>) target(%dma_start3A_100 : memref<32x512xf32, #tpu.memory_space<hbm>>) target_semaphore(%arg23 : memref<!tpu.dma_semaphore, #tpu.memory_space<semaphore_mem>>)
    %dma_start3A_101 = arith.constant 0 : i32
    %dma_start3A_102 = arith.constant 128 : i32
    %dma_start3A_103 = tpu.memref_slice %arg14[%dma_start3A_101, %dma_start3A_102] : memref<32x512xf32, #tpu.memory_space<vmem>> -> memref<32x384xf32, #tpu.memory_space<vmem>>
    %dma_start3A_104 = arith.constant 0 : i32
    %dma_start3A_105 = tpu.memref_slice %arg6[%add3A_96, %dma_start3A_104] : memref<16384x384xf32, #tpu.memory_space<hbm>> -> memref<32x384xf32, #tpu.memory_space<hbm>>
    %dma_start3A_106 = arith.constant 0 : i32
    %dma_start3A_107 = tpu.memref_slice %arg6[%add3A_96, %dma_start3A_106] : memref<16384x384xf32, #tpu.memory_space<hbm>> -> memref<32x384xf32, #tpu.memory_space<hbm>>
    %dma_start3A_108 = arith.constant 0 : i32
    %dma_start3A_109 = arith.constant 128 : i32
    %dma_start3A_110 = tpu.memref_slice %arg14[%dma_start3A_108, %dma_start3A_109] : memref<32x512xf32, #tpu.memory_space<vmem>> -> memref<32x384xf32, #tpu.memory_space<vmem>>
    tpu.enqueue_dma source(%dma_start3A_110 : memref<32x384xf32, #tpu.memory_space<vmem>>) target(%dma_start3A_107 : memref<32x384xf32, #tpu.memory_space<hbm>>) target_semaphore(%arg26 : memref<!tpu.dma_semaphore, #tpu.memory_space<semaphore_mem>>)
    %dma_wait3A_111 = arith.constant 0 : i32
    %dma_wait3A_112 = tpu.memref_slice %arg5[%add3A_96, %dma_wait3A_111] : memref<16384x512xf32, #tpu.memory_space<hbm>> -> memref<32x512xf32, #tpu.memory_space<hbm>>
    %dma_wait3A_113 = arith.constant 0 : i32
    %dma_wait3A_114 = tpu.memref_slice %arg5[%add3A_96, %dma_wait3A_113] : memref<16384x512xf32, #tpu.memory_space<hbm>> -> memref<32x512xf32, #tpu.memory_space<hbm>>
    tpu.wait_dma2 semaphore(%arg23 : memref<!tpu.dma_semaphore, #tpu.memory_space<semaphore_mem>>) src(%arg11 : memref<32x512xf32, #tpu.memory_space<vmem>>) dst(%dma_wait3A_114 : memref<32x512xf32, #tpu.memory_space<hbm>>)
    %dma_wait3A_115 = arith.constant 0 : i32
    %dma_wait3A_116 = arith.constant 128 : i32
    %dma_wait3A_117 = tpu.memref_slice %arg14[%dma_wait3A_115, %dma_wait3A_116] : memref<32x512xf32, #tpu.memory_space<vmem>> -> memref<32x384xf32, #tpu.memory_space<vmem>>
    %dma_wait3A_118 = arith.constant 0 : i32
    %dma_wait3A_119 = tpu.memref_slice %arg6[%add3A_96, %dma_wait3A_118] : memref<16384x384xf32, #tpu.memory_space<hbm>> -> memref<32x384xf32, #tpu.memory_space<hbm>>
    %dma_wait3A_120 = arith.constant 0 : i32
    %dma_wait3A_121 = tpu.memref_slice %arg6[%add3A_96, %dma_wait3A_120] : memref<16384x384xf32, #tpu.memory_space<hbm>> -> memref<32x384xf32, #tpu.memory_space<hbm>>
    %dma_wait3A_122 = arith.constant 0 : i32
    %dma_wait3A_123 = arith.constant 128 : i32
    %dma_wait3A_124 = tpu.memref_slice %arg14[%dma_wait3A_122, %dma_wait3A_123] : memref<32x512xf32, #tpu.memory_space<vmem>> -> memref<32x384xf32, #tpu.memory_space<vmem>>
    tpu.wait_dma2 semaphore(%arg26 : memref<!tpu.dma_semaphore, #tpu.memory_space<semaphore_mem>>) src(%dma_wait3A_124 : memref<32x384xf32, #tpu.memory_space<vmem>>) dst(%dma_wait3A_121 : memref<32x384xf32, #tpu.memory_space<hbm>>)
    %dma_start3A_125 = arith.constant 128 : i32
    %dma_start3A_126 = tpu.memref_slice %arg7[%dma_start3A_125] : memref<512xi32, #tpu.memory_space<vmem>> -> memref<32xi32, #tpu.memory_space<vmem>>
    %dma_start3A_127 = arith.constant 0 : i32
    %dma_start3A_128 = arith.constant 0 : i32
    %dma_start3A_129 = tpu.memref_slice %arg2[%dma_start3A_127, %dma_start3A_128] : memref<100000x512xf32, #tpu.memory_space<hbm>> -> memref<100000x512xf32, #tpu.memory_space<hbm>>
    tpu.enqueue_indirect_dma source(%dma_start3A_129 : memref<100000x512xf32, #tpu.memory_space<hbm>>) target(%arg11 : memref<32x512xf32, #tpu.memory_space<vmem>>) offsets(%dma_start3A_126 : memref<32xi32, #tpu.memory_space<vmem>>) semaphore(%arg17 : memref<!tpu.dma_semaphore, #tpu.memory_space<semaphore_mem>>)
    %dma_start3A_130 = arith.constant 128 : i32
    %dma_start3A_131 = tpu.memref_slice %arg8[%dma_start3A_130] : memref<512xi32, #tpu.memory_space<vmem>> -> memref<32xi32, #tpu.memory_space<vmem>>
    %dma_start3A_132 = arith.constant 0 : i32
    %dma_start3A_133 = arith.constant 0 : i32
    %dma_start3A_134 = tpu.memref_slice %arg2[%dma_start3A_132, %dma_start3A_133] : memref<100000x512xf32, #tpu.memory_space<hbm>> -> memref<100000x512xf32, #tpu.memory_space<hbm>>
    tpu.enqueue_indirect_dma source(%dma_start3A_134 : memref<100000x512xf32, #tpu.memory_space<hbm>>) target(%arg14 : memref<32x512xf32, #tpu.memory_space<vmem>>) offsets(%dma_start3A_131 : memref<32xi32, #tpu.memory_space<vmem>>) semaphore(%arg20 : memref<!tpu.dma_semaphore, #tpu.memory_space<semaphore_mem>>)
    %dma_wait3A_135 = arith.constant 64 : i32
    %dma_wait3A_136 = tpu.memref_slice %arg7[%dma_wait3A_135] : memref<512xi32, #tpu.memory_space<vmem>> -> memref<32xi32, #tpu.memory_space<vmem>>
    %dma_wait3A_137 = arith.constant 0 : i32
    %dma_wait3A_138 = arith.constant 0 : i32
    %dma_wait3A_139 = tpu.memref_slice %arg2[%dma_wait3A_137, %dma_wait3A_138] : memref<100000x512xf32, #tpu.memory_space<hbm>> -> memref<100000x512xf32, #tpu.memory_space<hbm>>
    tpu.wait_indirect_dma semaphore(%arg18 : memref<!tpu.dma_semaphore, #tpu.memory_space<semaphore_mem>>) src(%dma_wait3A_139 : memref<100000x512xf32, #tpu.memory_space<hbm>>) dst(%arg12 : memref<32x512xf32, #tpu.memory_space<vmem>>)
    %dma_wait3A_140 = arith.constant 64 : i32
    %dma_wait3A_141 = tpu.memref_slice %arg8[%dma_wait3A_140] : memref<512xi32, #tpu.memory_space<vmem>> -> memref<32xi32, #tpu.memory_space<vmem>>
    %dma_wait3A_142 = arith.constant 0 : i32
    %dma_wait3A_143 = arith.constant 0 : i32
    %dma_wait3A_144 = tpu.memref_slice %arg2[%dma_wait3A_142, %dma_wait3A_143] : memref<100000x512xf32, #tpu.memory_space<hbm>> -> memref<100000x512xf32, #tpu.memory_space<hbm>>
    tpu.wait_indirect_dma semaphore(%arg21 : memref<!tpu.dma_semaphore, #tpu.memory_space<semaphore_mem>>) src(%dma_wait3A_144 : memref<100000x512xf32, #tpu.memory_space<hbm>>) dst(%arg15 : memref<32x512xf32, #tpu.memory_space<vmem>>)
    %add3A_145 = arith.constant 64 : i32
    %add3A_146 = arith.addi %mul3A_2, %add3A_145 : i32
    %dma_start3A_147 = arith.constant 0 : i32
    %dma_start3A_148 = tpu.memref_slice %arg5[%add3A_146, %dma_start3A_147] : memref<16384x512xf32, #tpu.memory_space<hbm>> -> memref<32x512xf32, #tpu.memory_space<hbm>>
    %dma_start3A_149 = arith.constant 0 : i32
    %dma_start3A_150 = tpu.memref_slice %arg5[%add3A_146, %dma_start3A_149] : memref<16384x512xf32, #tpu.memory_space<hbm>> -> memref<32x512xf32, #tpu.memory_space<hbm>>
    tpu.enqueue_dma source(%arg12 : memref<32x512xf32, #tpu.memory_space<vmem>>) target(%dma_start3A_150 : memref<32x512xf32, #tpu.memory_space<hbm>>) target_semaphore(%arg24 : memref<!tpu.dma_semaphore, #tpu.memory_space<semaphore_mem>>)
    %dma_start3A_151 = arith.constant 0 : i32
    %dma_start3A_152 = arith.constant 128 : i32
    %dma_start3A_153 = tpu.memref_slice %arg15[%dma_start3A_151, %dma_start3A_152] : memref<32x512xf32, #tpu.memory_space<vmem>> -> memref<32x384xf32, #tpu.memory_space<vmem>>
    %dma_start3A_154 = arith.constant 0 : i32
    %dma_start3A_155 = tpu.memref_slice %arg6[%add3A_146, %dma_start3A_154] : memref<16384x384xf32, #tpu.memory_space<hbm>> -> memref<32x384xf32, #tpu.memory_space<hbm>>
    %dma_start3A_156 = arith.constant 0 : i32
    %dma_start3A_157 = tpu.memref_slice %arg6[%add3A_146, %dma_start3A_156] : memref<16384x384xf32, #tpu.memory_space<hbm>> -> memref<32x384xf32, #tpu.memory_space<hbm>>
    %dma_start3A_158 = arith.constant 0 : i32
    %dma_start3A_159 = arith.constant 128 : i32
    %dma_start3A_160 = tpu.memref_slice %arg15[%dma_start3A_158, %dma_start3A_159] : memref<32x512xf32, #tpu.memory_space<vmem>> -> memref<32x384xf32, #tpu.memory_space<vmem>>
    tpu.enqueue_dma source(%dma_start3A_160 : memref<32x384xf32, #tpu.memory_space<vmem>>) target(%dma_start3A_157 : memref<32x384xf32, #tpu.memory_space<hbm>>) target_semaphore(%arg27 : memref<!tpu.dma_semaphore, #tpu.memory_space<semaphore_mem>>)
    %dma_wait3A_161 = arith.constant 0 : i32
    %dma_wait3A_162 = tpu.memref_slice %arg5[%add3A_146, %dma_wait3A_161] : memref<16384x512xf32, #tpu.memory_space<hbm>> -> memref<32x512xf32, #tpu.memory_space<hbm>>
    %dma_wait3A_163 = arith.constant 0 : i32
    %dma_wait3A_164 = tpu.memref_slice %arg5[%add3A_146, %dma_wait3A_163] : memref<16384x512xf32, #tpu.memory_space<hbm>> -> memref<32x512xf32, #tpu.memory_space<hbm>>
    tpu.wait_dma2 semaphore(%arg24 : memref<!tpu.dma_semaphore, #tpu.memory_space<semaphore_mem>>) src(%arg12 : memref<32x512xf32, #tpu.memory_space<vmem>>) dst(%dma_wait3A_164 : memref<32x512xf32, #tpu.memory_space<hbm>>)
    %dma_wait3A_165 = arith.constant 0 : i32
    %dma_wait3A_166 = arith.constant 128 : i32
    %dma_wait3A_167 = tpu.memref_slice %arg15[%dma_wait3A_165, %dma_wait3A_166] : memref<32x512xf32, #tpu.memory_space<vmem>> -> memref<32x384xf32, #tpu.memory_space<vmem>>
    %dma_wait3A_168 = arith.constant 0 : i32
    %dma_wait3A_169 = tpu.memref_slice %arg6[%add3A_146, %dma_wait3A_168] : memref<16384x384xf32, #tpu.memory_space<hbm>> -> memref<32x384xf32, #tpu.memory_space<hbm>>
    %dma_wait3A_170 = arith.constant 0 : i32
    %dma_wait3A_171 = tpu.memref_slice %arg6[%add3A_146, %dma_wait3A_170] : memref<16384x384xf32, #tpu.memory_space<hbm>> -> memref<32x384xf32, #tpu.memory_space<hbm>>
    %dma_wait3A_172 = arith.constant 0 : i32
    %dma_wait3A_173 = arith.constant 128 : i32
    %dma_wait3A_174 = tpu.memref_slice %arg15[%dma_wait3A_172, %dma_wait3A_173] : memref<32x512xf32, #tpu.memory_space<vmem>> -> memref<32x384xf32, #tpu.memory_space<vmem>>
    tpu.wait_dma2 semaphore(%arg27 : memref<!tpu.dma_semaphore, #tpu.memory_space<semaphore_mem>>) src(%dma_wait3A_174 : memref<32x384xf32, #tpu.memory_space<vmem>>) dst(%dma_wait3A_171 : memref<32x384xf32, #tpu.memory_space<hbm>>)
    %dma_start3A_175 = arith.constant 160 : i32
    %dma_start3A_176 = tpu.memref_slice %arg7[%dma_start3A_175] : memref<512xi32, #tpu.memory_space<vmem>> -> memref<32xi32, #tpu.memory_space<vmem>>
    %dma_start3A_177 = arith.constant 0 : i32
    %dma_start3A_178 = arith.constant 0 : i32
    %dma_start3A_179 = tpu.memref_slice %arg2[%dma_start3A_177, %dma_start3A_178] : memref<100000x512xf32, #tpu.memory_space<hbm>> -> memref<100000x512xf32, #tpu.memory_space<hbm>>
    tpu.enqueue_indirect_dma source(%dma_start3A_179 : memref<100000x512xf32, #tpu.memory_space<hbm>>) target(%arg12 : memref<32x512xf32, #tpu.memory_space<vmem>>) offsets(%dma_start3A_176 : memref<32xi32, #tpu.memory_space<vmem>>) semaphore(%arg18 : memref<!tpu.dma_semaphore, #tpu.memory_space<semaphore_mem>>)
    %dma_start3A_180 = arith.constant 160 : i32
    %dma_start3A_181 = tpu.memref_slice %arg8[%dma_start3A_180] : memref<512xi32, #tpu.memory_space<vmem>> -> memref<32xi32, #tpu.memory_space<vmem>>
    %dma_start3A_182 = arith.constant 0 : i32
    %dma_start3A_183 = arith.constant 0 : i32
    %dma_start3A_184 = tpu.memref_slice %arg2[%dma_start3A_182, %dma_start3A_183] : memref<100000x512xf32, #tpu.memory_space<hbm>> -> memref<100000x512xf32, #tpu.memory_space<hbm>>
    tpu.enqueue_indirect_dma source(%dma_start3A_184 : memref<100000x512xf32, #tpu.memory_space<hbm>>) target(%arg15 : memref<32x512xf32, #tpu.memory_space<vmem>>) offsets(%dma_start3A_181 : memref<32xi32, #tpu.memory_space<vmem>>) semaphore(%arg21 : memref<!tpu.dma_semaphore, #tpu.memory_space<semaphore_mem>>)
    %dma_wait3A_185 = arith.constant 96 : i32
    %dma_wait3A_186 = tpu.memref_slice %arg7[%dma_wait3A_185] : memref<512xi32, #tpu.memory_space<vmem>> -> memref<32xi32, #tpu.memory_space<vmem>>
    %dma_wait3A_187 = arith.constant 0 : i32
    %dma_wait3A_188 = arith.constant 0 : i32
    %dma_wait3A_189 = tpu.memref_slice %arg2[%dma_wait3A_187, %dma_wait3A_188] : memref<100000x512xf32, #tpu.memory_space<hbm>> -> memref<100000x512xf32, #tpu.memory_space<hbm>>
    tpu.wait_indirect_dma semaphore(%arg16 : memref<!tpu.dma_semaphore, #tpu.memory_space<semaphore_mem>>) src(%dma_wait3A_189 : memref<100000x512xf32, #tpu.memory_space<hbm>>) dst(%arg10 : memref<32x512xf32, #tpu.memory_space<vmem>>)
    %dma_wait3A_190 = arith.constant 96 : i32
    %dma_wait3A_191 = tpu.memref_slice %arg8[%dma_wait3A_190] : memref<512xi32, #tpu.memory_space<vmem>> -> memref<32xi32, #tpu.memory_space<vmem>>
    %dma_wait3A_192 = arith.constant 0 : i32
    %dma_wait3A_193 = arith.constant 0 : i32
    %dma_wait3A_194 = tpu.memref_slice %arg2[%dma_wait3A_192, %dma_wait3A_193] : memref<100000x512xf32, #tpu.memory_space<hbm>> -> memref<100000x512xf32, #tpu.memory_space<hbm>>
    tpu.wait_indirect_dma semaphore(%arg19 : memref<!tpu.dma_semaphore, #tpu.memory_space<semaphore_mem>>) src(%dma_wait3A_194 : memref<100000x512xf32, #tpu.memory_space<hbm>>) dst(%arg13 : memref<32x512xf32, #tpu.memory_space<vmem>>)
    %add3A_195 = arith.constant 96 : i32
    %add3A_196 = arith.addi %mul3A_2, %add3A_195 : i32
    %dma_start3A_197 = arith.constant 0 : i32
    %dma_start3A_198 = tpu.memref_slice %arg5[%add3A_196, %dma_start3A_197] : memref<16384x512xf32, #tpu.memory_space<hbm>> -> memref<32x512xf32, #tpu.memory_space<hbm>>
    %dma_start3A_199 = arith.constant 0 : i32
    %dma_start3A_200 = tpu.memref_slice %arg5[%add3A_196, %dma_start3A_199] : memref<16384x512xf32, #tpu.memory_space<hbm>> -> memref<32x512xf32, #tpu.memory_space<hbm>>
    tpu.enqueue_dma source(%arg10 : memref<32x512xf32, #tpu.memory_space<vmem>>) target(%dma_start3A_200 : memref<32x512xf32, #tpu.memory_space<hbm>>) target_semaphore(%arg22 : memref<!tpu.dma_semaphore, #tpu.memory_space<semaphore_mem>>)
    %dma_start3A_201 = arith.constant 0 : i32
    %dma_start3A_202 = arith.constant 128 : i32
    %dma_start3A_203 = tpu.memref_slice %arg13[%dma_start3A_201, %dma_start3A_202] : memref<32x512xf32, #tpu.memory_space<vmem>> -> memref<32x384xf32, #tpu.memory_space<vmem>>
    %dma_start3A_204 = arith.constant 0 : i32
    %dma_start3A_205 = tpu.memref_slice %arg6[%add3A_196, %dma_start3A_204] : memref<16384x384xf32, #tpu.memory_space<hbm>> -> memref<32x384xf32, #tpu.memory_space<hbm>>
    %dma_start3A_206 = arith.constant 0 : i32
    %dma_start3A_207 = tpu.memref_slice %arg6[%add3A_196, %dma_start3A_206] : memref<16384x384xf32, #tpu.memory_space<hbm>> -> memref<32x384xf32, #tpu.memory_space<hbm>>
    %dma_start3A_208 = arith.constant 0 : i32
    %dma_start3A_209 = arith.constant 128 : i32
    %dma_start3A_210 = tpu.memref_slice %arg13[%dma_start3A_208, %dma_start3A_209] : memref<32x512xf32, #tpu.memory_space<vmem>> -> memref<32x384xf32, #tpu.memory_space<vmem>>
    tpu.enqueue_dma source(%dma_start3A_210 : memref<32x384xf32, #tpu.memory_space<vmem>>) target(%dma_start3A_207 : memref<32x384xf32, #tpu.memory_space<hbm>>) target_semaphore(%arg25 : memref<!tpu.dma_semaphore, #tpu.memory_space<semaphore_mem>>)
    %dma_wait3A_211 = arith.constant 0 : i32
    %dma_wait3A_212 = tpu.memref_slice %arg5[%add3A_196, %dma_wait3A_211] : memref<16384x512xf32, #tpu.memory_space<hbm>> -> memref<32x512xf32, #tpu.memory_space<hbm>>
    %dma_wait3A_213 = arith.constant 0 : i32
    %dma_wait3A_214 = tpu.memref_slice %arg5[%add3A_196, %dma_wait3A_213] : memref<16384x512xf32, #tpu.memory_space<hbm>> -> memref<32x512xf32, #tpu.memory_space<hbm>>
    tpu.wait_dma2 semaphore(%arg22 : memref<!tpu.dma_semaphore, #tpu.memory_space<semaphore_mem>>) src(%arg10 : memref<32x512xf32, #tpu.memory_space<vmem>>) dst(%dma_wait3A_214 : memref<32x512xf32, #tpu.memory_space<hbm>>)
    %dma_wait3A_215 = arith.constant 0 : i32
    %dma_wait3A_216 = arith.constant 128 : i32
    %dma_wait3A_217 = tpu.memref_slice %arg13[%dma_wait3A_215, %dma_wait3A_216] : memref<32x512xf32, #tpu.memory_space<vmem>> -> memref<32x384xf32, #tpu.memory_space<vmem>>
    %dma_wait3A_218 = arith.constant 0 : i32
    %dma_wait3A_219 = tpu.memref_slice %arg6[%add3A_196, %dma_wait3A_218] : memref<16384x384xf32, #tpu.memory_space<hbm>> -> memref<32x384xf32, #tpu.memory_space<hbm>>
    %dma_wait3A_220 = arith.constant 0 : i32
    %dma_wait3A_221 = tpu.memref_slice %arg6[%add3A_196, %dma_wait3A_220] : memref<16384x384xf32, #tpu.memory_space<hbm>> -> memref<32x384xf32, #tpu.memory_space<hbm>>
    %dma_wait3A_222 = arith.constant 0 : i32
    %dma_wait3A_223 = arith.constant 128 : i32
    %dma_wait3A_224 = tpu.memref_slice %arg13[%dma_wait3A_222, %dma_wait3A_223] : memref<32x512xf32, #tpu.memory_space<vmem>> -> memref<32x384xf32, #tpu.memory_space<vmem>>
    tpu.wait_dma2 semaphore(%arg25 : memref<!tpu.dma_semaphore, #tpu.memory_space<semaphore_mem>>) src(%dma_wait3A_224 : memref<32x384xf32, #tpu.memory_space<vmem>>) dst(%dma_wait3A_221 : memref<32x384xf32, #tpu.memory_space<hbm>>)
    %dma_start3A_225 = arith.constant 192 : i32
    %dma_start3A_226 = tpu.memref_slice %arg7[%dma_start3A_225] : memref<512xi32, #tpu.memory_space<vmem>> -> memref<32xi32, #tpu.memory_space<vmem>>
    %dma_start3A_227 = arith.constant 0 : i32
    %dma_start3A_228 = arith.constant 0 : i32
    %dma_start3A_229 = tpu.memref_slice %arg2[%dma_start3A_227, %dma_start3A_228] : memref<100000x512xf32, #tpu.memory_space<hbm>> -> memref<100000x512xf32, #tpu.memory_space<hbm>>
    tpu.enqueue_indirect_dma source(%dma_start3A_229 : memref<100000x512xf32, #tpu.memory_space<hbm>>) target(%arg10 : memref<32x512xf32, #tpu.memory_space<vmem>>) offsets(%dma_start3A_226 : memref<32xi32, #tpu.memory_space<vmem>>) semaphore(%arg16 : memref<!tpu.dma_semaphore, #tpu.memory_space<semaphore_mem>>)
    %dma_start3A_230 = arith.constant 192 : i32
    %dma_start3A_231 = tpu.memref_slice %arg8[%dma_start3A_230] : memref<512xi32, #tpu.memory_space<vmem>> -> memref<32xi32, #tpu.memory_space<vmem>>
    %dma_start3A_232 = arith.constant 0 : i32
    %dma_start3A_233 = arith.constant 0 : i32
    %dma_start3A_234 = tpu.memref_slice %arg2[%dma_start3A_232, %dma_start3A_233] : memref<100000x512xf32, #tpu.memory_space<hbm>> -> memref<100000x512xf32, #tpu.memory_space<hbm>>
    tpu.enqueue_indirect_dma source(%dma_start3A_234 : memref<100000x512xf32, #tpu.memory_space<hbm>>) target(%arg13 : memref<32x512xf32, #tpu.memory_space<vmem>>) offsets(%dma_start3A_231 : memref<32xi32, #tpu.memory_space<vmem>>) semaphore(%arg19 : memref<!tpu.dma_semaphore, #tpu.memory_space<semaphore_mem>>)
    %dma_wait3A_235 = arith.constant 128 : i32
    %dma_wait3A_236 = tpu.memref_slice %arg7[%dma_wait3A_235] : memref<512xi32, #tpu.memory_space<vmem>> -> memref<32xi32, #tpu.memory_space<vmem>>
    %dma_wait3A_237 = arith.constant 0 : i32
    %dma_wait3A_238 = arith.constant 0 : i32
    %dma_wait3A_239 = tpu.memref_slice %arg2[%dma_wait3A_237, %dma_wait3A_238] : memref<100000x512xf32, #tpu.memory_space<hbm>> -> memref<100000x512xf32, #tpu.memory_space<hbm>>
    tpu.wait_indirect_dma semaphore(%arg17 : memref<!tpu.dma_semaphore, #tpu.memory_space<semaphore_mem>>) src(%dma_wait3A_239 : memref<100000x512xf32, #tpu.memory_space<hbm>>) dst(%arg11 : memref<32x512xf32, #tpu.memory_space<vmem>>)
    %dma_wait3A_240 = arith.constant 128 : i32
    %dma_wait3A_241 = tpu.memref_slice %arg8[%dma_wait3A_240] : memref<512xi32, #tpu.memory_space<vmem>> -> memref<32xi32, #tpu.memory_space<vmem>>
    %dma_wait3A_242 = arith.constant 0 : i32
    %dma_wait3A_243 = arith.constant 0 : i32
    %dma_wait3A_244 = tpu.memref_slice %arg2[%dma_wait3A_242, %dma_wait3A_243] : memref<100000x512xf32, #tpu.memory_space<hbm>> -> memref<100000x512xf32, #tpu.memory_space<hbm>>
    tpu.wait_indirect_dma semaphore(%arg20 : memref<!tpu.dma_semaphore, #tpu.memory_space<semaphore_mem>>) src(%dma_wait3A_244 : memref<100000x512xf32, #tpu.memory_space<hbm>>) dst(%arg14 : memref<32x512xf32, #tpu.memory_space<vmem>>)
    %add3A_245 = arith.constant 128 : i32
    %add3A_246 = arith.addi %mul3A_2, %add3A_245 : i32
    %dma_start3A_247 = arith.constant 0 : i32
    %dma_start3A_248 = tpu.memref_slice %arg5[%add3A_246, %dma_start3A_247] : memref<16384x512xf32, #tpu.memory_space<hbm>> -> memref<32x512xf32, #tpu.memory_space<hbm>>
    %dma_start3A_249 = arith.constant 0 : i32
    %dma_start3A_250 = tpu.memref_slice %arg5[%add3A_246, %dma_start3A_249] : memref<16384x512xf32, #tpu.memory_space<hbm>> -> memref<32x512xf32, #tpu.memory_space<hbm>>
    tpu.enqueue_dma source(%arg11 : memref<32x512xf32, #tpu.memory_space<vmem>>) target(%dma_start3A_250 : memref<32x512xf32, #tpu.memory_space<hbm>>) target_semaphore(%arg23 : memref<!tpu.dma_semaphore, #tpu.memory_space<semaphore_mem>>)
    %dma_start3A_251 = arith.constant 0 : i32
    %dma_start3A_252 = arith.constant 128 : i32
    %dma_start3A_253 = tpu.memref_slice %arg14[%dma_start3A_251, %dma_start3A_252] : memref<32x512xf32, #tpu.memory_space<vmem>> -> memref<32x384xf32, #tpu.memory_space<vmem>>
    %dma_start3A_254 = arith.constant 0 : i32
    %dma_start3A_255 = tpu.memref_slice %arg6[%add3A_246, %dma_start3A_254] : memref<16384x384xf32, #tpu.memory_space<hbm>> -> memref<32x384xf32, #tpu.memory_space<hbm>>
    %dma_start3A_256 = arith.constant 0 : i32
    %dma_start3A_257 = tpu.memref_slice %arg6[%add3A_246, %dma_start3A_256] : memref<16384x384xf32, #tpu.memory_space<hbm>> -> memref<32x384xf32, #tpu.memory_space<hbm>>
    %dma_start3A_258 = arith.constant 0 : i32
    %dma_start3A_259 = arith.constant 128 : i32
    %dma_start3A_260 = tpu.memref_slice %arg14[%dma_start3A_258, %dma_start3A_259] : memref<32x512xf32, #tpu.memory_space<vmem>> -> memref<32x384xf32, #tpu.memory_space<vmem>>
    tpu.enqueue_dma source(%dma_start3A_260 : memref<32x384xf32, #tpu.memory_space<vmem>>) target(%dma_start3A_257 : memref<32x384xf32, #tpu.memory_space<hbm>>) target_semaphore(%arg26 : memref<!tpu.dma_semaphore, #tpu.memory_space<semaphore_mem>>)
    %dma_wait3A_261 = arith.constant 0 : i32
    %dma_wait3A_262 = tpu.memref_slice %arg5[%add3A_246, %dma_wait3A_261] : memref<16384x512xf32, #tpu.memory_space<hbm>> -> memref<32x512xf32, #tpu.memory_space<hbm>>
    %dma_wait3A_263 = arith.constant 0 : i32
    %dma_wait3A_264 = tpu.memref_slice %arg5[%add3A_246, %dma_wait3A_263] : memref<16384x512xf32, #tpu.memory_space<hbm>> -> memref<32x512xf32, #tpu.memory_space<hbm>>
    tpu.wait_dma2 semaphore(%arg23 : memref<!tpu.dma_semaphore, #tpu.memory_space<semaphore_mem>>) src(%arg11 : memref<32x512xf32, #tpu.memory_space<vmem>>) dst(%dma_wait3A_264 : memref<32x512xf32, #tpu.memory_space<hbm>>)
    %dma_wait3A_265 = arith.constant 0 : i32
    %dma_wait3A_266 = arith.constant 128 : i32
    %dma_wait3A_267 = tpu.memref_slice %arg14[%dma_wait3A_265, %dma_wait3A_266] : memref<32x512xf32, #tpu.memory_space<vmem>> -> memref<32x384xf32, #tpu.memory_space<vmem>>
    %dma_wait3A_268 = arith.constant 0 : i32
    %dma_wait3A_269 = tpu.memref_slice %arg6[%add3A_246, %dma_wait3A_268] : memref<16384x384xf32, #tpu.memory_space<hbm>> -> memref<32x384xf32, #tpu.memory_space<hbm>>
    %dma_wait3A_270 = arith.constant 0 : i32
    %dma_wait3A_271 = tpu.memref_slice %arg6[%add3A_246, %dma_wait3A_270] : memref<16384x384xf32, #tpu.memory_space<hbm>> -> memref<32x384xf32, #tpu.memory_space<hbm>>
    %dma_wait3A_272 = arith.constant 0 : i32
    %dma_wait3A_273 = arith.constant 128 : i32
    %dma_wait3A_274 = tpu.memref_slice %arg14[%dma_wait3A_272, %dma_wait3A_273] : memref<32x512xf32, #tpu.memory_space<vmem>> -> memref<32x384xf32, #tpu.memory_space<vmem>>
    tpu.wait_dma2 semaphore(%arg26 : memref<!tpu.dma_semaphore, #tpu.memory_space<semaphore_mem>>) src(%dma_wait3A_274 : memref<32x384xf32, #tpu.memory_space<vmem>>) dst(%dma_wait3A_271 : memref<32x384xf32, #tpu.memory_space<hbm>>)
    %dma_start3A_275 = arith.constant 224 : i32
    %dma_start3A_276 = tpu.memref_slice %arg7[%dma_start3A_275] : memref<512xi32, #tpu.memory_space<vmem>> -> memref<32xi32, #tpu.memory_space<vmem>>
    %dma_start3A_277 = arith.constant 0 : i32
    %dma_start3A_278 = arith.constant 0 : i32
    %dma_start3A_279 = tpu.memref_slice %arg2[%dma_start3A_277, %dma_start3A_278] : memref<100000x512xf32, #tpu.memory_space<hbm>> -> memref<100000x512xf32, #tpu.memory_space<hbm>>
    tpu.enqueue_indirect_dma source(%dma_start3A_279 : memref<100000x512xf32, #tpu.memory_space<hbm>>) target(%arg11 : memref<32x512xf32, #tpu.memory_space<vmem>>) offsets(%dma_start3A_276 : memref<32xi32, #tpu.memory_space<vmem>>) semaphore(%arg17 : memref<!tpu.dma_semaphore, #tpu.memory_space<semaphore_mem>>)
    %dma_start3A_280 = arith.constant 224 : i32
    %dma_start3A_281 = tpu.memref_slice %arg8[%dma_start3A_280] : memref<512xi32, #tpu.memory_space<vmem>> -> memref<32xi32, #tpu.memory_space<vmem>>
    %dma_start3A_282 = arith.constant 0 : i32
    %dma_start3A_283 = arith.constant 0 : i32
    %dma_start3A_284 = tpu.memref_slice %arg2[%dma_start3A_282, %dma_start3A_283] : memref<100000x512xf32, #tpu.memory_space<hbm>> -> memref<100000x512xf32, #tpu.memory_space<hbm>>
    tpu.enqueue_indirect_dma source(%dma_start3A_284 : memref<100000x512xf32, #tpu.memory_space<hbm>>) target(%arg14 : memref<32x512xf32, #tpu.memory_space<vmem>>) offsets(%dma_start3A_281 : memref<32xi32, #tpu.memory_space<vmem>>) semaphore(%arg20 : memref<!tpu.dma_semaphore, #tpu.memory_space<semaphore_mem>>)
    %dma_wait3A_285 = arith.constant 160 : i32
    %dma_wait3A_286 = tpu.memref_slice %arg7[%dma_wait3A_285] : memref<512xi32, #tpu.memory_space<vmem>> -> memref<32xi32, #tpu.memory_space<vmem>>
    %dma_wait3A_287 = arith.constant 0 : i32
    %dma_wait3A_288 = arith.constant 0 : i32
    %dma_wait3A_289 = tpu.memref_slice %arg2[%dma_wait3A_287, %dma_wait3A_288] : memref<100000x512xf32, #tpu.memory_space<hbm>> -> memref<100000x512xf32, #tpu.memory_space<hbm>>
    tpu.wait_indirect_dma semaphore(%arg18 : memref<!tpu.dma_semaphore, #tpu.memory_space<semaphore_mem>>) src(%dma_wait3A_289 : memref<100000x512xf32, #tpu.memory_space<hbm>>) dst(%arg12 : memref<32x512xf32, #tpu.memory_space<vmem>>)
    %dma_wait3A_290 = arith.constant 160 : i32
    %dma_wait3A_291 = tpu.memref_slice %arg8[%dma_wait3A_290] : memref<512xi32, #tpu.memory_space<vmem>> -> memref<32xi32, #tpu.memory_space<vmem>>
    %dma_wait3A_292 = arith.constant 0 : i32
    %dma_wait3A_293 = arith.constant 0 : i32
    %dma_wait3A_294 = tpu.memref_slice %arg2[%dma_wait3A_292, %dma_wait3A_293] : memref<100000x512xf32, #tpu.memory_space<hbm>> -> memref<100000x512xf32, #tpu.memory_space<hbm>>
    tpu.wait_indirect_dma semaphore(%arg21 : memref<!tpu.dma_semaphore, #tpu.memory_space<semaphore_mem>>) src(%dma_wait3A_294 : memref<100000x512xf32, #tpu.memory_space<hbm>>) dst(%arg15 : memref<32x512xf32, #tpu.memory_space<vmem>>)
    %add3A_295 = arith.constant 160 : i32
    %add3A_296 = arith.addi %mul3A_2, %add3A_295 : i32
    %dma_start3A_297 = arith.constant 0 : i32
    %dma_start3A_298 = tpu.memref_slice %arg5[%add3A_296, %dma_start3A_297] : memref<16384x512xf32, #tpu.memory_space<hbm>> -> memref<32x512xf32, #tpu.memory_space<hbm>>
    %dma_start3A_299 = arith.constant 0 : i32
    %dma_start3A_300 = tpu.memref_slice %arg5[%add3A_296, %dma_start3A_299] : memref<16384x512xf32, #tpu.memory_space<hbm>> -> memref<32x512xf32, #tpu.memory_space<hbm>>
    tpu.enqueue_dma source(%arg12 : memref<32x512xf32, #tpu.memory_space<vmem>>) target(%dma_start3A_300 : memref<32x512xf32, #tpu.memory_space<hbm>>) target_semaphore(%arg24 : memref<!tpu.dma_semaphore, #tpu.memory_space<semaphore_mem>>)
    %dma_start3A_301 = arith.constant 0 : i32
    %dma_start3A_302 = arith.constant 128 : i32
    %dma_start3A_303 = tpu.memref_slice %arg15[%dma_start3A_301, %dma_start3A_302] : memref<32x512xf32, #tpu.memory_space<vmem>> -> memref<32x384xf32, #tpu.memory_space<vmem>>
    %dma_start3A_304 = arith.constant 0 : i32
    %dma_start3A_305 = tpu.memref_slice %arg6[%add3A_296, %dma_start3A_304] : memref<16384x384xf32, #tpu.memory_space<hbm>> -> memref<32x384xf32, #tpu.memory_space<hbm>>
    %dma_start3A_306 = arith.constant 0 : i32
    %dma_start3A_307 = tpu.memref_slice %arg6[%add3A_296, %dma_start3A_306] : memref<16384x384xf32, #tpu.memory_space<hbm>> -> memref<32x384xf32, #tpu.memory_space<hbm>>
    %dma_start3A_308 = arith.constant 0 : i32
    %dma_start3A_309 = arith.constant 128 : i32
    %dma_start3A_310 = tpu.memref_slice %arg15[%dma_start3A_308, %dma_start3A_309] : memref<32x512xf32, #tpu.memory_space<vmem>> -> memref<32x384xf32, #tpu.memory_space<vmem>>
    tpu.enqueue_dma source(%dma_start3A_310 : memref<32x384xf32, #tpu.memory_space<vmem>>) target(%dma_start3A_307 : memref<32x384xf32, #tpu.memory_space<hbm>>) target_semaphore(%arg27 : memref<!tpu.dma_semaphore, #tpu.memory_space<semaphore_mem>>)
    %dma_wait3A_311 = arith.constant 0 : i32
    %dma_wait3A_312 = tpu.memref_slice %arg5[%add3A_296, %dma_wait3A_311] : memref<16384x512xf32, #tpu.memory_space<hbm>> -> memref<32x512xf32, #tpu.memory_space<hbm>>
    %dma_wait3A_313 = arith.constant 0 : i32
    %dma_wait3A_314 = tpu.memref_slice %arg5[%add3A_296, %dma_wait3A_313] : memref<16384x512xf32, #tpu.memory_space<hbm>> -> memref<32x512xf32, #tpu.memory_space<hbm>>
    tpu.wait_dma2 semaphore(%arg24 : memref<!tpu.dma_semaphore, #tpu.memory_space<semaphore_mem>>) src(%arg12 : memref<32x512xf32, #tpu.memory_space<vmem>>) dst(%dma_wait3A_314 : memref<32x512xf32, #tpu.memory_space<hbm>>)
    %dma_wait3A_315 = arith.constant 0 : i32
    %dma_wait3A_316 = arith.constant 128 : i32
    %dma_wait3A_317 = tpu.memref_slice %arg15[%dma_wait3A_315, %dma_wait3A_316] : memref<32x512xf32, #tpu.memory_space<vmem>> -> memref<32x384xf32, #tpu.memory_space<vmem>>
    %dma_wait3A_318 = arith.constant 0 : i32
    %dma_wait3A_319 = tpu.memref_slice %arg6[%add3A_296, %dma_wait3A_318] : memref<16384x384xf32, #tpu.memory_space<hbm>> -> memref<32x384xf32, #tpu.memory_space<hbm>>
    %dma_wait3A_320 = arith.constant 0 : i32
    %dma_wait3A_321 = tpu.memref_slice %arg6[%add3A_296, %dma_wait3A_320] : memref<16384x384xf32, #tpu.memory_space<hbm>> -> memref<32x384xf32, #tpu.memory_space<hbm>>
    %dma_wait3A_322 = arith.constant 0 : i32
    %dma_wait3A_323 = arith.constant 128 : i32
    %dma_wait3A_324 = tpu.memref_slice %arg15[%dma_wait3A_322, %dma_wait3A_323] : memref<32x512xf32, #tpu.memory_space<vmem>> -> memref<32x384xf32, #tpu.memory_space<vmem>>
    tpu.wait_dma2 semaphore(%arg27 : memref<!tpu.dma_semaphore, #tpu.memory_space<semaphore_mem>>) src(%dma_wait3A_324 : memref<32x384xf32, #tpu.memory_space<vmem>>) dst(%dma_wait3A_321 : memref<32x384xf32, #tpu.memory_space<hbm>>)
    %dma_start3A_325 = arith.constant 256 : i32
    %dma_start3A_326 = tpu.memref_slice %arg7[%dma_start3A_325] : memref<512xi32, #tpu.memory_space<vmem>> -> memref<32xi32, #tpu.memory_space<vmem>>
    %dma_start3A_327 = arith.constant 0 : i32
    %dma_start3A_328 = arith.constant 0 : i32
    %dma_start3A_329 = tpu.memref_slice %arg2[%dma_start3A_327, %dma_start3A_328] : memref<100000x512xf32, #tpu.memory_space<hbm>> -> memref<100000x512xf32, #tpu.memory_space<hbm>>
    tpu.enqueue_indirect_dma source(%dma_start3A_329 : memref<100000x512xf32, #tpu.memory_space<hbm>>) target(%arg12 : memref<32x512xf32, #tpu.memory_space<vmem>>) offsets(%dma_start3A_326 : memref<32xi32, #tpu.memory_space<vmem>>) semaphore(%arg18 : memref<!tpu.dma_semaphore, #tpu.memory_space<semaphore_mem>>)
    %dma_start3A_330 = arith.constant 256 : i32
    %dma_start3A_331 = tpu.memref_slice %arg8[%dma_start3A_330] : memref<512xi32, #tpu.memory_space<vmem>> -> memref<32xi32, #tpu.memory_space<vmem>>
    %dma_start3A_332 = arith.constant 0 : i32
    %dma_start3A_333 = arith.constant 0 : i32
    %dma_start3A_334 = tpu.memref_slice %arg2[%dma_start3A_332, %dma_start3A_333] : memref<100000x512xf32, #tpu.memory_space<hbm>> -> memref<100000x512xf32, #tpu.memory_space<hbm>>
    tpu.enqueue_indirect_dma source(%dma_start3A_334 : memref<100000x512xf32, #tpu.memory_space<hbm>>) target(%arg15 : memref<32x512xf32, #tpu.memory_space<vmem>>) offsets(%dma_start3A_331 : memref<32xi32, #tpu.memory_space<vmem>>) semaphore(%arg21 : memref<!tpu.dma_semaphore, #tpu.memory_space<semaphore_mem>>)
    %dma_wait3A_335 = arith.constant 192 : i32
    %dma_wait3A_336 = tpu.memref_slice %arg7[%dma_wait3A_335] : memref<512xi32, #tpu.memory_space<vmem>> -> memref<32xi32, #tpu.memory_space<vmem>>
    %dma_wait3A_337 = arith.constant 0 : i32
    %dma_wait3A_338 = arith.constant 0 : i32
    %dma_wait3A_339 = tpu.memref_slice %arg2[%dma_wait3A_337, %dma_wait3A_338] : memref<100000x512xf32, #tpu.memory_space<hbm>> -> memref<100000x512xf32, #tpu.memory_space<hbm>>
    tpu.wait_indirect_dma semaphore(%arg16 : memref<!tpu.dma_semaphore, #tpu.memory_space<semaphore_mem>>) src(%dma_wait3A_339 : memref<100000x512xf32, #tpu.memory_space<hbm>>) dst(%arg10 : memref<32x512xf32, #tpu.memory_space<vmem>>)
    %dma_wait3A_340 = arith.constant 192 : i32
    %dma_wait3A_341 = tpu.memref_slice %arg8[%dma_wait3A_340] : memref<512xi32, #tpu.memory_space<vmem>> -> memref<32xi32, #tpu.memory_space<vmem>>
    %dma_wait3A_342 = arith.constant 0 : i32
    %dma_wait3A_343 = arith.constant 0 : i32
    %dma_wait3A_344 = tpu.memref_slice %arg2[%dma_wait3A_342, %dma_wait3A_343] : memref<100000x512xf32, #tpu.memory_space<hbm>> -> memref<100000x512xf32, #tpu.memory_space<hbm>>
    tpu.wait_indirect_dma semaphore(%arg19 : memref<!tpu.dma_semaphore, #tpu.memory_space<semaphore_mem>>) src(%dma_wait3A_344 : memref<100000x512xf32, #tpu.memory_space<hbm>>) dst(%arg13 : memref<32x512xf32, #tpu.memory_space<vmem>>)
    %add3A_345 = arith.constant 192 : i32
    %add3A_346 = arith.addi %mul3A_2, %add3A_345 : i32
    %dma_start3A_347 = arith.constant 0 : i32
    %dma_start3A_348 = tpu.memref_slice %arg5[%add3A_346, %dma_start3A_347] : memref<16384x512xf32, #tpu.memory_space<hbm>> -> memref<32x512xf32, #tpu.memory_space<hbm>>
    %dma_start3A_349 = arith.constant 0 : i32
    %dma_start3A_350 = tpu.memref_slice %arg5[%add3A_346, %dma_start3A_349] : memref<16384x512xf32, #tpu.memory_space<hbm>> -> memref<32x512xf32, #tpu.memory_space<hbm>>
    tpu.enqueue_dma source(%arg10 : memref<32x512xf32, #tpu.memory_space<vmem>>) target(%dma_start3A_350 : memref<32x512xf32, #tpu.memory_space<hbm>>) target_semaphore(%arg22 : memref<!tpu.dma_semaphore, #tpu.memory_space<semaphore_mem>>)
    %dma_start3A_351 = arith.constant 0 : i32
    %dma_start3A_352 = arith.constant 128 : i32
    %dma_start3A_353 = tpu.memref_slice %arg13[%dma_start3A_351, %dma_start3A_352] : memref<32x512xf32, #tpu.memory_space<vmem>> -> memref<32x384xf32, #tpu.memory_space<vmem>>
    %dma_start3A_354 = arith.constant 0 : i32
    %dma_start3A_355 = tpu.memref_slice %arg6[%add3A_346, %dma_start3A_354] : memref<16384x384xf32, #tpu.memory_space<hbm>> -> memref<32x384xf32, #tpu.memory_space<hbm>>
    %dma_start3A_356 = arith.constant 0 : i32
    %dma_start3A_357 = tpu.memref_slice %arg6[%add3A_346, %dma_start3A_356] : memref<16384x384xf32, #tpu.memory_space<hbm>> -> memref<32x384xf32, #tpu.memory_space<hbm>>
    %dma_start3A_358 = arith.constant 0 : i32
    %dma_start3A_359 = arith.constant 128 : i32
    %dma_start3A_360 = tpu.memref_slice %arg13[%dma_start3A_358, %dma_start3A_359] : memref<32x512xf32, #tpu.memory_space<vmem>> -> memref<32x384xf32, #tpu.memory_space<vmem>>
    tpu.enqueue_dma source(%dma_start3A_360 : memref<32x384xf32, #tpu.memory_space<vmem>>) target(%dma_start3A_357 : memref<32x384xf32, #tpu.memory_space<hbm>>) target_semaphore(%arg25 : memref<!tpu.dma_semaphore, #tpu.memory_space<semaphore_mem>>)
    %dma_wait3A_361 = arith.constant 0 : i32
    %dma_wait3A_362 = tpu.memref_slice %arg5[%add3A_346, %dma_wait3A_361] : memref<16384x512xf32, #tpu.memory_space<hbm>> -> memref<32x512xf32, #tpu.memory_space<hbm>>
    %dma_wait3A_363 = arith.constant 0 : i32
    %dma_wait3A_364 = tpu.memref_slice %arg5[%add3A_346, %dma_wait3A_363] : memref<16384x512xf32, #tpu.memory_space<hbm>> -> memref<32x512xf32, #tpu.memory_space<hbm>>
    tpu.wait_dma2 semaphore(%arg22 : memref<!tpu.dma_semaphore, #tpu.memory_space<semaphore_mem>>) src(%arg10 : memref<32x512xf32, #tpu.memory_space<vmem>>) dst(%dma_wait3A_364 : memref<32x512xf32, #tpu.memory_space<hbm>>)
    %dma_wait3A_365 = arith.constant 0 : i32
    %dma_wait3A_366 = arith.constant 128 : i32
    %dma_wait3A_367 = tpu.memref_slice %arg13[%dma_wait3A_365, %dma_wait3A_366] : memref<32x512xf32, #tpu.memory_space<vmem>> -> memref<32x384xf32, #tpu.memory_space<vmem>>
    %dma_wait3A_368 = arith.constant 0 : i32
    %dma_wait3A_369 = tpu.memref_slice %arg6[%add3A_346, %dma_wait3A_368] : memref<16384x384xf32, #tpu.memory_space<hbm>> -> memref<32x384xf32, #tpu.memory_space<hbm>>
    %dma_wait3A_370 = arith.constant 0 : i32
    %dma_wait3A_371 = tpu.memref_slice %arg6[%add3A_346, %dma_wait3A_370] : memref<16384x384xf32, #tpu.memory_space<hbm>> -> memref<32x384xf32, #tpu.memory_space<hbm>>
    %dma_wait3A_372 = arith.constant 0 : i32
    %dma_wait3A_373 = arith.constant 128 : i32
    %dma_wait3A_374 = tpu.memref_slice %arg13[%dma_wait3A_372, %dma_wait3A_373] : memref<32x512xf32, #tpu.memory_space<vmem>> -> memref<32x384xf32, #tpu.memory_space<vmem>>
    tpu.wait_dma2 semaphore(%arg25 : memref<!tpu.dma_semaphore, #tpu.memory_space<semaphore_mem>>) src(%dma_wait3A_374 : memref<32x384xf32, #tpu.memory_space<vmem>>) dst(%dma_wait3A_371 : memref<32x384xf32, #tpu.memory_space<hbm>>)
    %dma_start3A_375 = arith.constant 288 : i32
    %dma_start3A_376 = tpu.memref_slice %arg7[%dma_start3A_375] : memref<512xi32, #tpu.memory_space<vmem>> -> memref<32xi32, #tpu.memory_space<vmem>>
    %dma_start3A_377 = arith.constant 0 : i32
    %dma_start3A_378 = arith.constant 0 : i32
    %dma_start3A_379 = tpu.memref_slice %arg2[%dma_start3A_377, %dma_start3A_378] : memref<100000x512xf32, #tpu.memory_space<hbm>> -> memref<100000x512xf32, #tpu.memory_space<hbm>>
    tpu.enqueue_indirect_dma source(%dma_start3A_379 : memref<100000x512xf32, #tpu.memory_space<hbm>>) target(%arg10 : memref<32x512xf32, #tpu.memory_space<vmem>>) offsets(%dma_start3A_376 : memref<32xi32, #tpu.memory_space<vmem>>) semaphore(%arg16 : memref<!tpu.dma_semaphore, #tpu.memory_space<semaphore_mem>>)
    %dma_start3A_380 = arith.constant 288 : i32
    %dma_start3A_381 = tpu.memref_slice %arg8[%dma_start3A_380] : memref<512xi32, #tpu.memory_space<vmem>> -> memref<32xi32, #tpu.memory_space<vmem>>
    %dma_start3A_382 = arith.constant 0 : i32
    %dma_start3A_383 = arith.constant 0 : i32
    %dma_start3A_384 = tpu.memref_slice %arg2[%dma_start3A_382, %dma_start3A_383] : memref<100000x512xf32, #tpu.memory_space<hbm>> -> memref<100000x512xf32, #tpu.memory_space<hbm>>
    tpu.enqueue_indirect_dma source(%dma_start3A_384 : memref<100000x512xf32, #tpu.memory_space<hbm>>) target(%arg13 : memref<32x512xf32, #tpu.memory_space<vmem>>) offsets(%dma_start3A_381 : memref<32xi32, #tpu.memory_space<vmem>>) semaphore(%arg19 : memref<!tpu.dma_semaphore, #tpu.memory_space<semaphore_mem>>)
    %dma_wait3A_385 = arith.constant 224 : i32
    %dma_wait3A_386 = tpu.memref_slice %arg7[%dma_wait3A_385] : memref<512xi32, #tpu.memory_space<vmem>> -> memref<32xi32, #tpu.memory_space<vmem>>
    %dma_wait3A_387 = arith.constant 0 : i32
    %dma_wait3A_388 = arith.constant 0 : i32
    %dma_wait3A_389 = tpu.memref_slice %arg2[%dma_wait3A_387, %dma_wait3A_388] : memref<100000x512xf32, #tpu.memory_space<hbm>> -> memref<100000x512xf32, #tpu.memory_space<hbm>>
    tpu.wait_indirect_dma semaphore(%arg17 : memref<!tpu.dma_semaphore, #tpu.memory_space<semaphore_mem>>) src(%dma_wait3A_389 : memref<100000x512xf32, #tpu.memory_space<hbm>>) dst(%arg11 : memref<32x512xf32, #tpu.memory_space<vmem>>)
    %dma_wait3A_390 = arith.constant 224 : i32
    %dma_wait3A_391 = tpu.memref_slice %arg8[%dma_wait3A_390] : memref<512xi32, #tpu.memory_space<vmem>> -> memref<32xi32, #tpu.memory_space<vmem>>
    %dma_wait3A_392 = arith.constant 0 : i32
    %dma_wait3A_393 = arith.constant 0 : i32
    %dma_wait3A_394 = tpu.memref_slice %arg2[%dma_wait3A_392, %dma_wait3A_393] : memref<100000x512xf32, #tpu.memory_space<hbm>> -> memref<100000x512xf32, #tpu.memory_space<hbm>>
    tpu.wait_indirect_dma semaphore(%arg20 : memref<!tpu.dma_semaphore, #tpu.memory_space<semaphore_mem>>) src(%dma_wait3A_394 : memref<100000x512xf32, #tpu.memory_space<hbm>>) dst(%arg14 : memref<32x512xf32, #tpu.memory_space<vmem>>)
    %add3A_395 = arith.constant 224 : i32
    %add3A_396 = arith.addi %mul3A_2, %add3A_395 : i32
    %dma_start3A_397 = arith.constant 0 : i32
    %dma_start3A_398 = tpu.memref_slice %arg5[%add3A_396, %dma_start3A_397] : memref<16384x512xf32, #tpu.memory_space<hbm>> -> memref<32x512xf32, #tpu.memory_space<hbm>>
    %dma_start3A_399 = arith.constant 0 : i32
    %dma_start3A_400 = tpu.memref_slice %arg5[%add3A_396, %dma_start3A_399] : memref<16384x512xf32, #tpu.memory_space<hbm>> -> memref<32x512xf32, #tpu.memory_space<hbm>>
    tpu.enqueue_dma source(%arg11 : memref<32x512xf32, #tpu.memory_space<vmem>>) target(%dma_start3A_400 : memref<32x512xf32, #tpu.memory_space<hbm>>) target_semaphore(%arg23 : memref<!tpu.dma_semaphore, #tpu.memory_space<semaphore_mem>>)
    %dma_start3A_401 = arith.constant 0 : i32
    %dma_start3A_402 = arith.constant 128 : i32
    %dma_start3A_403 = tpu.memref_slice %arg14[%dma_start3A_401, %dma_start3A_402] : memref<32x512xf32, #tpu.memory_space<vmem>> -> memref<32x384xf32, #tpu.memory_space<vmem>>
    %dma_start3A_404 = arith.constant 0 : i32
    %dma_start3A_405 = tpu.memref_slice %arg6[%add3A_396, %dma_start3A_404] : memref<16384x384xf32, #tpu.memory_space<hbm>> -> memref<32x384xf32, #tpu.memory_space<hbm>>
    %dma_start3A_406 = arith.constant 0 : i32
    %dma_start3A_407 = tpu.memref_slice %arg6[%add3A_396, %dma_start3A_406] : memref<16384x384xf32, #tpu.memory_space<hbm>> -> memref<32x384xf32, #tpu.memory_space<hbm>>
    %dma_start3A_408 = arith.constant 0 : i32
    %dma_start3A_409 = arith.constant 128 : i32
    %dma_start3A_410 = tpu.memref_slice %arg14[%dma_start3A_408, %dma_start3A_409] : memref<32x512xf32, #tpu.memory_space<vmem>> -> memref<32x384xf32, #tpu.memory_space<vmem>>
    tpu.enqueue_dma source(%dma_start3A_410 : memref<32x384xf32, #tpu.memory_space<vmem>>) target(%dma_start3A_407 : memref<32x384xf32, #tpu.memory_space<hbm>>) target_semaphore(%arg26 : memref<!tpu.dma_semaphore, #tpu.memory_space<semaphore_mem>>)
    %dma_wait3A_411 = arith.constant 0 : i32
    %dma_wait3A_412 = tpu.memref_slice %arg5[%add3A_396, %dma_wait3A_411] : memref<16384x512xf32, #tpu.memory_space<hbm>> -> memref<32x512xf32, #tpu.memory_space<hbm>>
    %dma_wait3A_413 = arith.constant 0 : i32
    %dma_wait3A_414 = tpu.memref_slice %arg5[%add3A_396, %dma_wait3A_413] : memref<16384x512xf32, #tpu.memory_space<hbm>> -> memref<32x512xf32, #tpu.memory_space<hbm>>
    tpu.wait_dma2 semaphore(%arg23 : memref<!tpu.dma_semaphore, #tpu.memory_space<semaphore_mem>>) src(%arg11 : memref<32x512xf32, #tpu.memory_space<vmem>>) dst(%dma_wait3A_414 : memref<32x512xf32, #tpu.memory_space<hbm>>)
    %dma_wait3A_415 = arith.constant 0 : i32
    %dma_wait3A_416 = arith.constant 128 : i32
    %dma_wait3A_417 = tpu.memref_slice %arg14[%dma_wait3A_415, %dma_wait3A_416] : memref<32x512xf32, #tpu.memory_space<vmem>> -> memref<32x384xf32, #tpu.memory_space<vmem>>
    %dma_wait3A_418 = arith.constant 0 : i32
    %dma_wait3A_419 = tpu.memref_slice %arg6[%add3A_396, %dma_wait3A_418] : memref<16384x384xf32, #tpu.memory_space<hbm>> -> memref<32x384xf32, #tpu.memory_space<hbm>>
    %dma_wait3A_420 = arith.constant 0 : i32
    %dma_wait3A_421 = tpu.memref_slice %arg6[%add3A_396, %dma_wait3A_420] : memref<16384x384xf32, #tpu.memory_space<hbm>> -> memref<32x384xf32, #tpu.memory_space<hbm>>
    %dma_wait3A_422 = arith.constant 0 : i32
    %dma_wait3A_423 = arith.constant 128 : i32
    %dma_wait3A_424 = tpu.memref_slice %arg14[%dma_wait3A_422, %dma_wait3A_423] : memref<32x512xf32, #tpu.memory_space<vmem>> -> memref<32x384xf32, #tpu.memory_space<vmem>>
    tpu.wait_dma2 semaphore(%arg26 : memref<!tpu.dma_semaphore, #tpu.memory_space<semaphore_mem>>) src(%dma_wait3A_424 : memref<32x384xf32, #tpu.memory_space<vmem>>) dst(%dma_wait3A_421 : memref<32x384xf32, #tpu.memory_space<hbm>>)
    %dma_start3A_425 = arith.constant 320 : i32
    %dma_start3A_426 = tpu.memref_slice %arg7[%dma_start3A_425] : memref<512xi32, #tpu.memory_space<vmem>> -> memref<32xi32, #tpu.memory_space<vmem>>
    %dma_start3A_427 = arith.constant 0 : i32
    %dma_start3A_428 = arith.constant 0 : i32
    %dma_start3A_429 = tpu.memref_slice %arg2[%dma_start3A_427, %dma_start3A_428] : memref<100000x512xf32, #tpu.memory_space<hbm>> -> memref<100000x512xf32, #tpu.memory_space<hbm>>
    tpu.enqueue_indirect_dma source(%dma_start3A_429 : memref<100000x512xf32, #tpu.memory_space<hbm>>) target(%arg11 : memref<32x512xf32, #tpu.memory_space<vmem>>) offsets(%dma_start3A_426 : memref<32xi32, #tpu.memory_space<vmem>>) semaphore(%arg17 : memref<!tpu.dma_semaphore, #tpu.memory_space<semaphore_mem>>)
    %dma_start3A_430 = arith.constant 320 : i32
    %dma_start3A_431 = tpu.memref_slice %arg8[%dma_start3A_430] : memref<512xi32, #tpu.memory_space<vmem>> -> memref<32xi32, #tpu.memory_space<vmem>>
    %dma_start3A_432 = arith.constant 0 : i32
    %dma_start3A_433 = arith.constant 0 : i32
    %dma_start3A_434 = tpu.memref_slice %arg2[%dma_start3A_432, %dma_start3A_433] : memref<100000x512xf32, #tpu.memory_space<hbm>> -> memref<100000x512xf32, #tpu.memory_space<hbm>>
    tpu.enqueue_indirect_dma source(%dma_start3A_434 : memref<100000x512xf32, #tpu.memory_space<hbm>>) target(%arg14 : memref<32x512xf32, #tpu.memory_space<vmem>>) offsets(%dma_start3A_431 : memref<32xi32, #tpu.memory_space<vmem>>) semaphore(%arg20 : memref<!tpu.dma_semaphore, #tpu.memory_space<semaphore_mem>>)
    %dma_wait3A_435 = arith.constant 256 : i32
    %dma_wait3A_436 = tpu.memref_slice %arg7[%dma_wait3A_435] : memref<512xi32, #tpu.memory_space<vmem>> -> memref<32xi32, #tpu.memory_space<vmem>>
    %dma_wait3A_437 = arith.constant 0 : i32
    %dma_wait3A_438 = arith.constant 0 : i32
    %dma_wait3A_439 = tpu.memref_slice %arg2[%dma_wait3A_437, %dma_wait3A_438] : memref<100000x512xf32, #tpu.memory_space<hbm>> -> memref<100000x512xf32, #tpu.memory_space<hbm>>
    tpu.wait_indirect_dma semaphore(%arg18 : memref<!tpu.dma_semaphore, #tpu.memory_space<semaphore_mem>>) src(%dma_wait3A_439 : memref<100000x512xf32, #tpu.memory_space<hbm>>) dst(%arg12 : memref<32x512xf32, #tpu.memory_space<vmem>>)
    %dma_wait3A_440 = arith.constant 256 : i32
    %dma_wait3A_441 = tpu.memref_slice %arg8[%dma_wait3A_440] : memref<512xi32, #tpu.memory_space<vmem>> -> memref<32xi32, #tpu.memory_space<vmem>>
    %dma_wait3A_442 = arith.constant 0 : i32
    %dma_wait3A_443 = arith.constant 0 : i32
    %dma_wait3A_444 = tpu.memref_slice %arg2[%dma_wait3A_442, %dma_wait3A_443] : memref<100000x512xf32, #tpu.memory_space<hbm>> -> memref<100000x512xf32, #tpu.memory_space<hbm>>
    tpu.wait_indirect_dma semaphore(%arg21 : memref<!tpu.dma_semaphore, #tpu.memory_space<semaphore_mem>>) src(%dma_wait3A_444 : memref<100000x512xf32, #tpu.memory_space<hbm>>) dst(%arg15 : memref<32x512xf32, #tpu.memory_space<vmem>>)
    %add3A_445 = arith.constant 256 : i32
    %add3A_446 = arith.addi %mul3A_2, %add3A_445 : i32
    %dma_start3A_447 = arith.constant 0 : i32
    %dma_start3A_448 = tpu.memref_slice %arg5[%add3A_446, %dma_start3A_447] : memref<16384x512xf32, #tpu.memory_space<hbm>> -> memref<32x512xf32, #tpu.memory_space<hbm>>
    %dma_start3A_449 = arith.constant 0 : i32
    %dma_start3A_450 = tpu.memref_slice %arg5[%add3A_446, %dma_start3A_449] : memref<16384x512xf32, #tpu.memory_space<hbm>> -> memref<32x512xf32, #tpu.memory_space<hbm>>
    tpu.enqueue_dma source(%arg12 : memref<32x512xf32, #tpu.memory_space<vmem>>) target(%dma_start3A_450 : memref<32x512xf32, #tpu.memory_space<hbm>>) target_semaphore(%arg24 : memref<!tpu.dma_semaphore, #tpu.memory_space<semaphore_mem>>)
    %dma_start3A_451 = arith.constant 0 : i32
    %dma_start3A_452 = arith.constant 128 : i32
    %dma_start3A_453 = tpu.memref_slice %arg15[%dma_start3A_451, %dma_start3A_452] : memref<32x512xf32, #tpu.memory_space<vmem>> -> memref<32x384xf32, #tpu.memory_space<vmem>>
    %dma_start3A_454 = arith.constant 0 : i32
    %dma_start3A_455 = tpu.memref_slice %arg6[%add3A_446, %dma_start3A_454] : memref<16384x384xf32, #tpu.memory_space<hbm>> -> memref<32x384xf32, #tpu.memory_space<hbm>>
    %dma_start3A_456 = arith.constant 0 : i32
    %dma_start3A_457 = tpu.memref_slice %arg6[%add3A_446, %dma_start3A_456] : memref<16384x384xf32, #tpu.memory_space<hbm>> -> memref<32x384xf32, #tpu.memory_space<hbm>>
    %dma_start3A_458 = arith.constant 0 : i32
    %dma_start3A_459 = arith.constant 128 : i32
    %dma_start3A_460 = tpu.memref_slice %arg15[%dma_start3A_458, %dma_start3A_459] : memref<32x512xf32, #tpu.memory_space<vmem>> -> memref<32x384xf32, #tpu.memory_space<vmem>>
    tpu.enqueue_dma source(%dma_start3A_460 : memref<32x384xf32, #tpu.memory_space<vmem>>) target(%dma_start3A_457 : memref<32x384xf32, #tpu.memory_space<hbm>>) target_semaphore(%arg27 : memref<!tpu.dma_semaphore, #tpu.memory_space<semaphore_mem>>)
    %dma_wait3A_461 = arith.constant 0 : i32
    %dma_wait3A_462 = tpu.memref_slice %arg5[%add3A_446, %dma_wait3A_461] : memref<16384x512xf32, #tpu.memory_space<hbm>> -> memref<32x512xf32, #tpu.memory_space<hbm>>
    %dma_wait3A_463 = arith.constant 0 : i32
    %dma_wait3A_464 = tpu.memref_slice %arg5[%add3A_446, %dma_wait3A_463] : memref<16384x512xf32, #tpu.memory_space<hbm>> -> memref<32x512xf32, #tpu.memory_space<hbm>>
    tpu.wait_dma2 semaphore(%arg24 : memref<!tpu.dma_semaphore, #tpu.memory_space<semaphore_mem>>) src(%arg12 : memref<32x512xf32, #tpu.memory_space<vmem>>) dst(%dma_wait3A_464 : memref<32x512xf32, #tpu.memory_space<hbm>>)
    %dma_wait3A_465 = arith.constant 0 : i32
    %dma_wait3A_466 = arith.constant 128 : i32
    %dma_wait3A_467 = tpu.memref_slice %arg15[%dma_wait3A_465, %dma_wait3A_466] : memref<32x512xf32, #tpu.memory_space<vmem>> -> memref<32x384xf32, #tpu.memory_space<vmem>>
    %dma_wait3A_468 = arith.constant 0 : i32
    %dma_wait3A_469 = tpu.memref_slice %arg6[%add3A_446, %dma_wait3A_468] : memref<16384x384xf32, #tpu.memory_space<hbm>> -> memref<32x384xf32, #tpu.memory_space<hbm>>
    %dma_wait3A_470 = arith.constant 0 : i32
    %dma_wait3A_471 = tpu.memref_slice %arg6[%add3A_446, %dma_wait3A_470] : memref<16384x384xf32, #tpu.memory_space<hbm>> -> memref<32x384xf32, #tpu.memory_space<hbm>>
    %dma_wait3A_472 = arith.constant 0 : i32
    %dma_wait3A_473 = arith.constant 128 : i32
    %dma_wait3A_474 = tpu.memref_slice %arg15[%dma_wait3A_472, %dma_wait3A_473] : memref<32x512xf32, #tpu.memory_space<vmem>> -> memref<32x384xf32, #tpu.memory_space<vmem>>
    tpu.wait_dma2 semaphore(%arg27 : memref<!tpu.dma_semaphore, #tpu.memory_space<semaphore_mem>>) src(%dma_wait3A_474 : memref<32x384xf32, #tpu.memory_space<vmem>>) dst(%dma_wait3A_471 : memref<32x384xf32, #tpu.memory_space<hbm>>)
    %dma_start3A_475 = arith.constant 352 : i32
    %dma_start3A_476 = tpu.memref_slice %arg7[%dma_start3A_475] : memref<512xi32, #tpu.memory_space<vmem>> -> memref<32xi32, #tpu.memory_space<vmem>>
    %dma_start3A_477 = arith.constant 0 : i32
    %dma_start3A_478 = arith.constant 0 : i32
    %dma_start3A_479 = tpu.memref_slice %arg2[%dma_start3A_477, %dma_start3A_478] : memref<100000x512xf32, #tpu.memory_space<hbm>> -> memref<100000x512xf32, #tpu.memory_space<hbm>>
    tpu.enqueue_indirect_dma source(%dma_start3A_479 : memref<100000x512xf32, #tpu.memory_space<hbm>>) target(%arg12 : memref<32x512xf32, #tpu.memory_space<vmem>>) offsets(%dma_start3A_476 : memref<32xi32, #tpu.memory_space<vmem>>) semaphore(%arg18 : memref<!tpu.dma_semaphore, #tpu.memory_space<semaphore_mem>>)
    %dma_start3A_480 = arith.constant 352 : i32
    %dma_start3A_481 = tpu.memref_slice %arg8[%dma_start3A_480] : memref<512xi32, #tpu.memory_space<vmem>> -> memref<32xi32, #tpu.memory_space<vmem>>
    %dma_start3A_482 = arith.constant 0 : i32
    %dma_start3A_483 = arith.constant 0 : i32
    %dma_start3A_484 = tpu.memref_slice %arg2[%dma_start3A_482, %dma_start3A_483] : memref<100000x512xf32, #tpu.memory_space<hbm>> -> memref<100000x512xf32, #tpu.memory_space<hbm>>
    tpu.enqueue_indirect_dma source(%dma_start3A_484 : memref<100000x512xf32, #tpu.memory_space<hbm>>) target(%arg15 : memref<32x512xf32, #tpu.memory_space<vmem>>) offsets(%dma_start3A_481 : memref<32xi32, #tpu.memory_space<vmem>>) semaphore(%arg21 : memref<!tpu.dma_semaphore, #tpu.memory_space<semaphore_mem>>)
    %dma_wait3A_485 = arith.constant 288 : i32
    %dma_wait3A_486 = tpu.memref_slice %arg7[%dma_wait3A_485] : memref<512xi32, #tpu.memory_space<vmem>> -> memref<32xi32, #tpu.memory_space<vmem>>
    %dma_wait3A_487 = arith.constant 0 : i32
    %dma_wait3A_488 = arith.constant 0 : i32
    %dma_wait3A_489 = tpu.memref_slice %arg2[%dma_wait3A_487, %dma_wait3A_488] : memref<100000x512xf32, #tpu.memory_space<hbm>> -> memref<100000x512xf32, #tpu.memory_space<hbm>>
    tpu.wait_indirect_dma semaphore(%arg16 : memref<!tpu.dma_semaphore, #tpu.memory_space<semaphore_mem>>) src(%dma_wait3A_489 : memref<100000x512xf32, #tpu.memory_space<hbm>>) dst(%arg10 : memref<32x512xf32, #tpu.memory_space<vmem>>)
    %dma_wait3A_490 = arith.constant 288 : i32
    %dma_wait3A_491 = tpu.memref_slice %arg8[%dma_wait3A_490] : memref<512xi32, #tpu.memory_space<vmem>> -> memref<32xi32, #tpu.memory_space<vmem>>
    %dma_wait3A_492 = arith.constant 0 : i32
    %dma_wait3A_493 = arith.constant 0 : i32
    %dma_wait3A_494 = tpu.memref_slice %arg2[%dma_wait3A_492, %dma_wait3A_493] : memref<100000x512xf32, #tpu.memory_space<hbm>> -> memref<100000x512xf32, #tpu.memory_space<hbm>>
    tpu.wait_indirect_dma semaphore(%arg19 : memref<!tpu.dma_semaphore, #tpu.memory_space<semaphore_mem>>) src(%dma_wait3A_494 : memref<100000x512xf32, #tpu.memory_space<hbm>>) dst(%arg13 : memref<32x512xf32, #tpu.memory_space<vmem>>)
    %add3A_495 = arith.constant 288 : i32
    %add3A_496 = arith.addi %mul3A_2, %add3A_495 : i32
    %dma_start3A_497 = arith.constant 0 : i32
    %dma_start3A_498 = tpu.memref_slice %arg5[%add3A_496, %dma_start3A_497] : memref<16384x512xf32, #tpu.memory_space<hbm>> -> memref<32x512xf32, #tpu.memory_space<hbm>>
    %dma_start3A_499 = arith.constant 0 : i32
    %dma_start3A_500 = tpu.memref_slice %arg5[%add3A_496, %dma_start3A_499] : memref<16384x512xf32, #tpu.memory_space<hbm>> -> memref<32x512xf32, #tpu.memory_space<hbm>>
    tpu.enqueue_dma source(%arg10 : memref<32x512xf32, #tpu.memory_space<vmem>>) target(%dma_start3A_500 : memref<32x512xf32, #tpu.memory_space<hbm>>) target_semaphore(%arg22 : memref<!tpu.dma_semaphore, #tpu.memory_space<semaphore_mem>>)
    %dma_start3A_501 = arith.constant 0 : i32
    %dma_start3A_502 = arith.constant 128 : i32
    %dma_start3A_503 = tpu.memref_slice %arg13[%dma_start3A_501, %dma_start3A_502] : memref<32x512xf32, #tpu.memory_space<vmem>> -> memref<32x384xf32, #tpu.memory_space<vmem>>
    %dma_start3A_504 = arith.constant 0 : i32
    %dma_start3A_505 = tpu.memref_slice %arg6[%add3A_496, %dma_start3A_504] : memref<16384x384xf32, #tpu.memory_space<hbm>> -> memref<32x384xf32, #tpu.memory_space<hbm>>
    %dma_start3A_506 = arith.constant 0 : i32
    %dma_start3A_507 = tpu.memref_slice %arg6[%add3A_496, %dma_start3A_506] : memref<16384x384xf32, #tpu.memory_space<hbm>> -> memref<32x384xf32, #tpu.memory_space<hbm>>
    %dma_start3A_508 = arith.constant 0 : i32
    %dma_start3A_509 = arith.constant 128 : i32
    %dma_start3A_510 = tpu.memref_slice %arg13[%dma_start3A_508, %dma_start3A_509] : memref<32x512xf32, #tpu.memory_space<vmem>> -> memref<32x384xf32, #tpu.memory_space<vmem>>
    tpu.enqueue_dma source(%dma_start3A_510 : memref<32x384xf32, #tpu.memory_space<vmem>>) target(%dma_start3A_507 : memref<32x384xf32, #tpu.memory_space<hbm>>) target_semaphore(%arg25 : memref<!tpu.dma_semaphore, #tpu.memory_space<semaphore_mem>>)
    %dma_wait3A_511 = arith.constant 0 : i32
    %dma_wait3A_512 = tpu.memref_slice %arg5[%add3A_496, %dma_wait3A_511] : memref<16384x512xf32, #tpu.memory_space<hbm>> -> memref<32x512xf32, #tpu.memory_space<hbm>>
    %dma_wait3A_513 = arith.constant 0 : i32
    %dma_wait3A_514 = tpu.memref_slice %arg5[%add3A_496, %dma_wait3A_513] : memref<16384x512xf32, #tpu.memory_space<hbm>> -> memref<32x512xf32, #tpu.memory_space<hbm>>
    tpu.wait_dma2 semaphore(%arg22 : memref<!tpu.dma_semaphore, #tpu.memory_space<semaphore_mem>>) src(%arg10 : memref<32x512xf32, #tpu.memory_space<vmem>>) dst(%dma_wait3A_514 : memref<32x512xf32, #tpu.memory_space<hbm>>)
    %dma_wait3A_515 = arith.constant 0 : i32
    %dma_wait3A_516 = arith.constant 128 : i32
    %dma_wait3A_517 = tpu.memref_slice %arg13[%dma_wait3A_515, %dma_wait3A_516] : memref<32x512xf32, #tpu.memory_space<vmem>> -> memref<32x384xf32, #tpu.memory_space<vmem>>
    %dma_wait3A_518 = arith.constant 0 : i32
    %dma_wait3A_519 = tpu.memref_slice %arg6[%add3A_496, %dma_wait3A_518] : memref<16384x384xf32, #tpu.memory_space<hbm>> -> memref<32x384xf32, #tpu.memory_space<hbm>>
    %dma_wait3A_520 = arith.constant 0 : i32
    %dma_wait3A_521 = tpu.memref_slice %arg6[%add3A_496, %dma_wait3A_520] : memref<16384x384xf32, #tpu.memory_space<hbm>> -> memref<32x384xf32, #tpu.memory_space<hbm>>
    %dma_wait3A_522 = arith.constant 0 : i32
    %dma_wait3A_523 = arith.constant 128 : i32
    %dma_wait3A_524 = tpu.memref_slice %arg13[%dma_wait3A_522, %dma_wait3A_523] : memref<32x512xf32, #tpu.memory_space<vmem>> -> memref<32x384xf32, #tpu.memory_space<vmem>>
    tpu.wait_dma2 semaphore(%arg25 : memref<!tpu.dma_semaphore, #tpu.memory_space<semaphore_mem>>) src(%dma_wait3A_524 : memref<32x384xf32, #tpu.memory_space<vmem>>) dst(%dma_wait3A_521 : memref<32x384xf32, #tpu.memory_space<hbm>>)
    %dma_start3A_525 = arith.constant 384 : i32
    %dma_start3A_526 = tpu.memref_slice %arg7[%dma_start3A_525] : memref<512xi32, #tpu.memory_space<vmem>> -> memref<32xi32, #tpu.memory_space<vmem>>
    %dma_start3A_527 = arith.constant 0 : i32
    %dma_start3A_528 = arith.constant 0 : i32
    %dma_start3A_529 = tpu.memref_slice %arg2[%dma_start3A_527, %dma_start3A_528] : memref<100000x512xf32, #tpu.memory_space<hbm>> -> memref<100000x512xf32, #tpu.memory_space<hbm>>
    tpu.enqueue_indirect_dma source(%dma_start3A_529 : memref<100000x512xf32, #tpu.memory_space<hbm>>) target(%arg10 : memref<32x512xf32, #tpu.memory_space<vmem>>) offsets(%dma_start3A_526 : memref<32xi32, #tpu.memory_space<vmem>>) semaphore(%arg16 : memref<!tpu.dma_semaphore, #tpu.memory_space<semaphore_mem>>)
    %dma_start3A_530 = arith.constant 384 : i32
    %dma_start3A_531 = tpu.memref_slice %arg8[%dma_start3A_530] : memref<512xi32, #tpu.memory_space<vmem>> -> memref<32xi32, #tpu.memory_space<vmem>>
    %dma_start3A_532 = arith.constant 0 : i32
    %dma_start3A_533 = arith.constant 0 : i32
    %dma_start3A_534 = tpu.memref_slice %arg2[%dma_start3A_532, %dma_start3A_533] : memref<100000x512xf32, #tpu.memory_space<hbm>> -> memref<100000x512xf32, #tpu.memory_space<hbm>>
    tpu.enqueue_indirect_dma source(%dma_start3A_534 : memref<100000x512xf32, #tpu.memory_space<hbm>>) target(%arg13 : memref<32x512xf32, #tpu.memory_space<vmem>>) offsets(%dma_start3A_531 : memref<32xi32, #tpu.memory_space<vmem>>) semaphore(%arg19 : memref<!tpu.dma_semaphore, #tpu.memory_space<semaphore_mem>>)
    %dma_wait3A_535 = arith.constant 320 : i32
    %dma_wait3A_536 = tpu.memref_slice %arg7[%dma_wait3A_535] : memref<512xi32, #tpu.memory_space<vmem>> -> memref<32xi32, #tpu.memory_space<vmem>>
    %dma_wait3A_537 = arith.constant 0 : i32
    %dma_wait3A_538 = arith.constant 0 : i32
    %dma_wait3A_539 = tpu.memref_slice %arg2[%dma_wait3A_537, %dma_wait3A_538] : memref<100000x512xf32, #tpu.memory_space<hbm>> -> memref<100000x512xf32, #tpu.memory_space<hbm>>
    tpu.wait_indirect_dma semaphore(%arg17 : memref<!tpu.dma_semaphore, #tpu.memory_space<semaphore_mem>>) src(%dma_wait3A_539 : memref<100000x512xf32, #tpu.memory_space<hbm>>) dst(%arg11 : memref<32x512xf32, #tpu.memory_space<vmem>>)
    %dma_wait3A_540 = arith.constant 320 : i32
    %dma_wait3A_541 = tpu.memref_slice %arg8[%dma_wait3A_540] : memref<512xi32, #tpu.memory_space<vmem>> -> memref<32xi32, #tpu.memory_space<vmem>>
    %dma_wait3A_542 = arith.constant 0 : i32
    %dma_wait3A_543 = arith.constant 0 : i32
    %dma_wait3A_544 = tpu.memref_slice %arg2[%dma_wait3A_542, %dma_wait3A_543] : memref<100000x512xf32, #tpu.memory_space<hbm>> -> memref<100000x512xf32, #tpu.memory_space<hbm>>
    tpu.wait_indirect_dma semaphore(%arg20 : memref<!tpu.dma_semaphore, #tpu.memory_space<semaphore_mem>>) src(%dma_wait3A_544 : memref<100000x512xf32, #tpu.memory_space<hbm>>) dst(%arg14 : memref<32x512xf32, #tpu.memory_space<vmem>>)
    %add3A_545 = arith.constant 320 : i32
    %add3A_546 = arith.addi %mul3A_2, %add3A_545 : i32
    %dma_start3A_547 = arith.constant 0 : i32
    %dma_start3A_548 = tpu.memref_slice %arg5[%add3A_546, %dma_start3A_547] : memref<16384x512xf32, #tpu.memory_space<hbm>> -> memref<32x512xf32, #tpu.memory_space<hbm>>
    %dma_start3A_549 = arith.constant 0 : i32
    %dma_start3A_550 = tpu.memref_slice %arg5[%add3A_546, %dma_start3A_549] : memref<16384x512xf32, #tpu.memory_space<hbm>> -> memref<32x512xf32, #tpu.memory_space<hbm>>
    tpu.enqueue_dma source(%arg11 : memref<32x512xf32, #tpu.memory_space<vmem>>) target(%dma_start3A_550 : memref<32x512xf32, #tpu.memory_space<hbm>>) target_semaphore(%arg23 : memref<!tpu.dma_semaphore, #tpu.memory_space<semaphore_mem>>)
    %dma_start3A_551 = arith.constant 0 : i32
    %dma_start3A_552 = arith.constant 128 : i32
    %dma_start3A_553 = tpu.memref_slice %arg14[%dma_start3A_551, %dma_start3A_552] : memref<32x512xf32, #tpu.memory_space<vmem>> -> memref<32x384xf32, #tpu.memory_space<vmem>>
    %dma_start3A_554 = arith.constant 0 : i32
    %dma_start3A_555 = tpu.memref_slice %arg6[%add3A_546, %dma_start3A_554] : memref<16384x384xf32, #tpu.memory_space<hbm>> -> memref<32x384xf32, #tpu.memory_space<hbm>>
    %dma_start3A_556 = arith.constant 0 : i32
    %dma_start3A_557 = tpu.memref_slice %arg6[%add3A_546, %dma_start3A_556] : memref<16384x384xf32, #tpu.memory_space<hbm>> -> memref<32x384xf32, #tpu.memory_space<hbm>>
    %dma_start3A_558 = arith.constant 0 : i32
    %dma_start3A_559 = arith.constant 128 : i32
    %dma_start3A_560 = tpu.memref_slice %arg14[%dma_start3A_558, %dma_start3A_559] : memref<32x512xf32, #tpu.memory_space<vmem>> -> memref<32x384xf32, #tpu.memory_space<vmem>>
    tpu.enqueue_dma source(%dma_start3A_560 : memref<32x384xf32, #tpu.memory_space<vmem>>) target(%dma_start3A_557 : memref<32x384xf32, #tpu.memory_space<hbm>>) target_semaphore(%arg26 : memref<!tpu.dma_semaphore, #tpu.memory_space<semaphore_mem>>)
    %dma_wait3A_561 = arith.constant 0 : i32
    %dma_wait3A_562 = tpu.memref_slice %arg5[%add3A_546, %dma_wait3A_561] : memref<16384x512xf32, #tpu.memory_space<hbm>> -> memref<32x512xf32, #tpu.memory_space<hbm>>
    %dma_wait3A_563 = arith.constant 0 : i32
    %dma_wait3A_564 = tpu.memref_slice %arg5[%add3A_546, %dma_wait3A_563] : memref<16384x512xf32, #tpu.memory_space<hbm>> -> memref<32x512xf32, #tpu.memory_space<hbm>>
    tpu.wait_dma2 semaphore(%arg23 : memref<!tpu.dma_semaphore, #tpu.memory_space<semaphore_mem>>) src(%arg11 : memref<32x512xf32, #tpu.memory_space<vmem>>) dst(%dma_wait3A_564 : memref<32x512xf32, #tpu.memory_space<hbm>>)
    %dma_wait3A_565 = arith.constant 0 : i32
    %dma_wait3A_566 = arith.constant 128 : i32
    %dma_wait3A_567 = tpu.memref_slice %arg14[%dma_wait3A_565, %dma_wait3A_566] : memref<32x512xf32, #tpu.memory_space<vmem>> -> memref<32x384xf32, #tpu.memory_space<vmem>>
    %dma_wait3A_568 = arith.constant 0 : i32
    %dma_wait3A_569 = tpu.memref_slice %arg6[%add3A_546, %dma_wait3A_568] : memref<16384x384xf32, #tpu.memory_space<hbm>> -> memref<32x384xf32, #tpu.memory_space<hbm>>
    %dma_wait3A_570 = arith.constant 0 : i32
    %dma_wait3A_571 = tpu.memref_slice %arg6[%add3A_546, %dma_wait3A_570] : memref<16384x384xf32, #tpu.memory_space<hbm>> -> memref<32x384xf32, #tpu.memory_space<hbm>>
    %dma_wait3A_572 = arith.constant 0 : i32
    %dma_wait3A_573 = arith.constant 128 : i32
    %dma_wait3A_574 = tpu.memref_slice %arg14[%dma_wait3A_572, %dma_wait3A_573] : memref<32x512xf32, #tpu.memory_space<vmem>> -> memref<32x384xf32, #tpu.memory_space<vmem>>
    tpu.wait_dma2 semaphore(%arg26 : memref<!tpu.dma_semaphore, #tpu.memory_space<semaphore_mem>>) src(%dma_wait3A_574 : memref<32x384xf32, #tpu.memory_space<vmem>>) dst(%dma_wait3A_571 : memref<32x384xf32, #tpu.memory_space<hbm>>)
    %dma_start3A_575 = arith.constant 416 : i32
    %dma_start3A_576 = tpu.memref_slice %arg7[%dma_start3A_575] : memref<512xi32, #tpu.memory_space<vmem>> -> memref<32xi32, #tpu.memory_space<vmem>>
    %dma_start3A_577 = arith.constant 0 : i32
    %dma_start3A_578 = arith.constant 0 : i32
    %dma_start3A_579 = tpu.memref_slice %arg2[%dma_start3A_577, %dma_start3A_578] : memref<100000x512xf32, #tpu.memory_space<hbm>> -> memref<100000x512xf32, #tpu.memory_space<hbm>>
    tpu.enqueue_indirect_dma source(%dma_start3A_579 : memref<100000x512xf32, #tpu.memory_space<hbm>>) target(%arg11 : memref<32x512xf32, #tpu.memory_space<vmem>>) offsets(%dma_start3A_576 : memref<32xi32, #tpu.memory_space<vmem>>) semaphore(%arg17 : memref<!tpu.dma_semaphore, #tpu.memory_space<semaphore_mem>>)
    %dma_start3A_580 = arith.constant 416 : i32
    %dma_start3A_581 = tpu.memref_slice %arg8[%dma_start3A_580] : memref<512xi32, #tpu.memory_space<vmem>> -> memref<32xi32, #tpu.memory_space<vmem>>
    %dma_start3A_582 = arith.constant 0 : i32
    %dma_start3A_583 = arith.constant 0 : i32
    %dma_start3A_584 = tpu.memref_slice %arg2[%dma_start3A_582, %dma_start3A_583] : memref<100000x512xf32, #tpu.memory_space<hbm>> -> memref<100000x512xf32, #tpu.memory_space<hbm>>
    tpu.enqueue_indirect_dma source(%dma_start3A_584 : memref<100000x512xf32, #tpu.memory_space<hbm>>) target(%arg14 : memref<32x512xf32, #tpu.memory_space<vmem>>) offsets(%dma_start3A_581 : memref<32xi32, #tpu.memory_space<vmem>>) semaphore(%arg20 : memref<!tpu.dma_semaphore, #tpu.memory_space<semaphore_mem>>)
    %dma_wait3A_585 = arith.constant 352 : i32
    %dma_wait3A_586 = tpu.memref_slice %arg7[%dma_wait3A_585] : memref<512xi32, #tpu.memory_space<vmem>> -> memref<32xi32, #tpu.memory_space<vmem>>
    %dma_wait3A_587 = arith.constant 0 : i32
    %dma_wait3A_588 = arith.constant 0 : i32
    %dma_wait3A_589 = tpu.memref_slice %arg2[%dma_wait3A_587, %dma_wait3A_588] : memref<100000x512xf32, #tpu.memory_space<hbm>> -> memref<100000x512xf32, #tpu.memory_space<hbm>>
    tpu.wait_indirect_dma semaphore(%arg18 : memref<!tpu.dma_semaphore, #tpu.memory_space<semaphore_mem>>) src(%dma_wait3A_589 : memref<100000x512xf32, #tpu.memory_space<hbm>>) dst(%arg12 : memref<32x512xf32, #tpu.memory_space<vmem>>)
    %dma_wait3A_590 = arith.constant 352 : i32
    %dma_wait3A_591 = tpu.memref_slice %arg8[%dma_wait3A_590] : memref<512xi32, #tpu.memory_space<vmem>> -> memref<32xi32, #tpu.memory_space<vmem>>
    %dma_wait3A_592 = arith.constant 0 : i32
    %dma_wait3A_593 = arith.constant 0 : i32
    %dma_wait3A_594 = tpu.memref_slice %arg2[%dma_wait3A_592, %dma_wait3A_593] : memref<100000x512xf32, #tpu.memory_space<hbm>> -> memref<100000x512xf32, #tpu.memory_space<hbm>>
    tpu.wait_indirect_dma semaphore(%arg21 : memref<!tpu.dma_semaphore, #tpu.memory_space<semaphore_mem>>) src(%dma_wait3A_594 : memref<100000x512xf32, #tpu.memory_space<hbm>>) dst(%arg15 : memref<32x512xf32, #tpu.memory_space<vmem>>)
    %add3A_595 = arith.constant 352 : i32
    %add3A_596 = arith.addi %mul3A_2, %add3A_595 : i32
    %dma_start3A_597 = arith.constant 0 : i32
    %dma_start3A_598 = tpu.memref_slice %arg5[%add3A_596, %dma_start3A_597] : memref<16384x512xf32, #tpu.memory_space<hbm>> -> memref<32x512xf32, #tpu.memory_space<hbm>>
    %dma_start3A_599 = arith.constant 0 : i32
    %dma_start3A_600 = tpu.memref_slice %arg5[%add3A_596, %dma_start3A_599] : memref<16384x512xf32, #tpu.memory_space<hbm>> -> memref<32x512xf32, #tpu.memory_space<hbm>>
    tpu.enqueue_dma source(%arg12 : memref<32x512xf32, #tpu.memory_space<vmem>>) target(%dma_start3A_600 : memref<32x512xf32, #tpu.memory_space<hbm>>) target_semaphore(%arg24 : memref<!tpu.dma_semaphore, #tpu.memory_space<semaphore_mem>>)
    %dma_start3A_601 = arith.constant 0 : i32
    %dma_start3A_602 = arith.constant 128 : i32
    %dma_start3A_603 = tpu.memref_slice %arg15[%dma_start3A_601, %dma_start3A_602] : memref<32x512xf32, #tpu.memory_space<vmem>> -> memref<32x384xf32, #tpu.memory_space<vmem>>
    %dma_start3A_604 = arith.constant 0 : i32
    %dma_start3A_605 = tpu.memref_slice %arg6[%add3A_596, %dma_start3A_604] : memref<16384x384xf32, #tpu.memory_space<hbm>> -> memref<32x384xf32, #tpu.memory_space<hbm>>
    %dma_start3A_606 = arith.constant 0 : i32
    %dma_start3A_607 = tpu.memref_slice %arg6[%add3A_596, %dma_start3A_606] : memref<16384x384xf32, #tpu.memory_space<hbm>> -> memref<32x384xf32, #tpu.memory_space<hbm>>
    %dma_start3A_608 = arith.constant 0 : i32
    %dma_start3A_609 = arith.constant 128 : i32
    %dma_start3A_610 = tpu.memref_slice %arg15[%dma_start3A_608, %dma_start3A_609] : memref<32x512xf32, #tpu.memory_space<vmem>> -> memref<32x384xf32, #tpu.memory_space<vmem>>
    tpu.enqueue_dma source(%dma_start3A_610 : memref<32x384xf32, #tpu.memory_space<vmem>>) target(%dma_start3A_607 : memref<32x384xf32, #tpu.memory_space<hbm>>) target_semaphore(%arg27 : memref<!tpu.dma_semaphore, #tpu.memory_space<semaphore_mem>>)
    %dma_wait3A_611 = arith.constant 0 : i32
    %dma_wait3A_612 = tpu.memref_slice %arg5[%add3A_596, %dma_wait3A_611] : memref<16384x512xf32, #tpu.memory_space<hbm>> -> memref<32x512xf32, #tpu.memory_space<hbm>>
    %dma_wait3A_613 = arith.constant 0 : i32
    %dma_wait3A_614 = tpu.memref_slice %arg5[%add3A_596, %dma_wait3A_613] : memref<16384x512xf32, #tpu.memory_space<hbm>> -> memref<32x512xf32, #tpu.memory_space<hbm>>
    tpu.wait_dma2 semaphore(%arg24 : memref<!tpu.dma_semaphore, #tpu.memory_space<semaphore_mem>>) src(%arg12 : memref<32x512xf32, #tpu.memory_space<vmem>>) dst(%dma_wait3A_614 : memref<32x512xf32, #tpu.memory_space<hbm>>)
    %dma_wait3A_615 = arith.constant 0 : i32
    %dma_wait3A_616 = arith.constant 128 : i32
    %dma_wait3A_617 = tpu.memref_slice %arg15[%dma_wait3A_615, %dma_wait3A_616] : memref<32x512xf32, #tpu.memory_space<vmem>> -> memref<32x384xf32, #tpu.memory_space<vmem>>
    %dma_wait3A_618 = arith.constant 0 : i32
    %dma_wait3A_619 = tpu.memref_slice %arg6[%add3A_596, %dma_wait3A_618] : memref<16384x384xf32, #tpu.memory_space<hbm>> -> memref<32x384xf32, #tpu.memory_space<hbm>>
    %dma_wait3A_620 = arith.constant 0 : i32
    %dma_wait3A_621 = tpu.memref_slice %arg6[%add3A_596, %dma_wait3A_620] : memref<16384x384xf32, #tpu.memory_space<hbm>> -> memref<32x384xf32, #tpu.memory_space<hbm>>
    %dma_wait3A_622 = arith.constant 0 : i32
    %dma_wait3A_623 = arith.constant 128 : i32
    %dma_wait3A_624 = tpu.memref_slice %arg15[%dma_wait3A_622, %dma_wait3A_623] : memref<32x512xf32, #tpu.memory_space<vmem>> -> memref<32x384xf32, #tpu.memory_space<vmem>>
    tpu.wait_dma2 semaphore(%arg27 : memref<!tpu.dma_semaphore, #tpu.memory_space<semaphore_mem>>) src(%dma_wait3A_624 : memref<32x384xf32, #tpu.memory_space<vmem>>) dst(%dma_wait3A_621 : memref<32x384xf32, #tpu.memory_space<hbm>>)
    %dma_start3A_625 = arith.constant 448 : i32
    %dma_start3A_626 = tpu.memref_slice %arg7[%dma_start3A_625] : memref<512xi32, #tpu.memory_space<vmem>> -> memref<32xi32, #tpu.memory_space<vmem>>
    %dma_start3A_627 = arith.constant 0 : i32
    %dma_start3A_628 = arith.constant 0 : i32
    %dma_start3A_629 = tpu.memref_slice %arg2[%dma_start3A_627, %dma_start3A_628] : memref<100000x512xf32, #tpu.memory_space<hbm>> -> memref<100000x512xf32, #tpu.memory_space<hbm>>
    tpu.enqueue_indirect_dma source(%dma_start3A_629 : memref<100000x512xf32, #tpu.memory_space<hbm>>) target(%arg12 : memref<32x512xf32, #tpu.memory_space<vmem>>) offsets(%dma_start3A_626 : memref<32xi32, #tpu.memory_space<vmem>>) semaphore(%arg18 : memref<!tpu.dma_semaphore, #tpu.memory_space<semaphore_mem>>)
    %dma_start3A_630 = arith.constant 448 : i32
    %dma_start3A_631 = tpu.memref_slice %arg8[%dma_start3A_630] : memref<512xi32, #tpu.memory_space<vmem>> -> memref<32xi32, #tpu.memory_space<vmem>>
    %dma_start3A_632 = arith.constant 0 : i32
    %dma_start3A_633 = arith.constant 0 : i32
    %dma_start3A_634 = tpu.memref_slice %arg2[%dma_start3A_632, %dma_start3A_633] : memref<100000x512xf32, #tpu.memory_space<hbm>> -> memref<100000x512xf32, #tpu.memory_space<hbm>>
    tpu.enqueue_indirect_dma source(%dma_start3A_634 : memref<100000x512xf32, #tpu.memory_space<hbm>>) target(%arg15 : memref<32x512xf32, #tpu.memory_space<vmem>>) offsets(%dma_start3A_631 : memref<32xi32, #tpu.memory_space<vmem>>) semaphore(%arg21 : memref<!tpu.dma_semaphore, #tpu.memory_space<semaphore_mem>>)
    %dma_wait3A_635 = arith.constant 384 : i32
    %dma_wait3A_636 = tpu.memref_slice %arg7[%dma_wait3A_635] : memref<512xi32, #tpu.memory_space<vmem>> -> memref<32xi32, #tpu.memory_space<vmem>>
    %dma_wait3A_637 = arith.constant 0 : i32
    %dma_wait3A_638 = arith.constant 0 : i32
    %dma_wait3A_639 = tpu.memref_slice %arg2[%dma_wait3A_637, %dma_wait3A_638] : memref<100000x512xf32, #tpu.memory_space<hbm>> -> memref<100000x512xf32, #tpu.memory_space<hbm>>
    tpu.wait_indirect_dma semaphore(%arg16 : memref<!tpu.dma_semaphore, #tpu.memory_space<semaphore_mem>>) src(%dma_wait3A_639 : memref<100000x512xf32, #tpu.memory_space<hbm>>) dst(%arg10 : memref<32x512xf32, #tpu.memory_space<vmem>>)
    %dma_wait3A_640 = arith.constant 384 : i32
    %dma_wait3A_641 = tpu.memref_slice %arg8[%dma_wait3A_640] : memref<512xi32, #tpu.memory_space<vmem>> -> memref<32xi32, #tpu.memory_space<vmem>>
    %dma_wait3A_642 = arith.constant 0 : i32
    %dma_wait3A_643 = arith.constant 0 : i32
    %dma_wait3A_644 = tpu.memref_slice %arg2[%dma_wait3A_642, %dma_wait3A_643] : memref<100000x512xf32, #tpu.memory_space<hbm>> -> memref<100000x512xf32, #tpu.memory_space<hbm>>
    tpu.wait_indirect_dma semaphore(%arg19 : memref<!tpu.dma_semaphore, #tpu.memory_space<semaphore_mem>>) src(%dma_wait3A_644 : memref<100000x512xf32, #tpu.memory_space<hbm>>) dst(%arg13 : memref<32x512xf32, #tpu.memory_space<vmem>>)
    %add3A_645 = arith.constant 384 : i32
    %add3A_646 = arith.addi %mul3A_2, %add3A_645 : i32
    %dma_start3A_647 = arith.constant 0 : i32
    %dma_start3A_648 = tpu.memref_slice %arg5[%add3A_646, %dma_start3A_647] : memref<16384x512xf32, #tpu.memory_space<hbm>> -> memref<32x512xf32, #tpu.memory_space<hbm>>
    %dma_start3A_649 = arith.constant 0 : i32
    %dma_start3A_650 = tpu.memref_slice %arg5[%add3A_646, %dma_start3A_649] : memref<16384x512xf32, #tpu.memory_space<hbm>> -> memref<32x512xf32, #tpu.memory_space<hbm>>
    tpu.enqueue_dma source(%arg10 : memref<32x512xf32, #tpu.memory_space<vmem>>) target(%dma_start3A_650 : memref<32x512xf32, #tpu.memory_space<hbm>>) target_semaphore(%arg22 : memref<!tpu.dma_semaphore, #tpu.memory_space<semaphore_mem>>)
    %dma_start3A_651 = arith.constant 0 : i32
    %dma_start3A_652 = arith.constant 128 : i32
    %dma_start3A_653 = tpu.memref_slice %arg13[%dma_start3A_651, %dma_start3A_652] : memref<32x512xf32, #tpu.memory_space<vmem>> -> memref<32x384xf32, #tpu.memory_space<vmem>>
    %dma_start3A_654 = arith.constant 0 : i32
    %dma_start3A_655 = tpu.memref_slice %arg6[%add3A_646, %dma_start3A_654] : memref<16384x384xf32, #tpu.memory_space<hbm>> -> memref<32x384xf32, #tpu.memory_space<hbm>>
    %dma_start3A_656 = arith.constant 0 : i32
    %dma_start3A_657 = tpu.memref_slice %arg6[%add3A_646, %dma_start3A_656] : memref<16384x384xf32, #tpu.memory_space<hbm>> -> memref<32x384xf32, #tpu.memory_space<hbm>>
    %dma_start3A_658 = arith.constant 0 : i32
    %dma_start3A_659 = arith.constant 128 : i32
    %dma_start3A_660 = tpu.memref_slice %arg13[%dma_start3A_658, %dma_start3A_659] : memref<32x512xf32, #tpu.memory_space<vmem>> -> memref<32x384xf32, #tpu.memory_space<vmem>>
    tpu.enqueue_dma source(%dma_start3A_660 : memref<32x384xf32, #tpu.memory_space<vmem>>) target(%dma_start3A_657 : memref<32x384xf32, #tpu.memory_space<hbm>>) target_semaphore(%arg25 : memref<!tpu.dma_semaphore, #tpu.memory_space<semaphore_mem>>)
    %dma_wait3A_661 = arith.constant 0 : i32
    %dma_wait3A_662 = tpu.memref_slice %arg5[%add3A_646, %dma_wait3A_661] : memref<16384x512xf32, #tpu.memory_space<hbm>> -> memref<32x512xf32, #tpu.memory_space<hbm>>
    %dma_wait3A_663 = arith.constant 0 : i32
    %dma_wait3A_664 = tpu.memref_slice %arg5[%add3A_646, %dma_wait3A_663] : memref<16384x512xf32, #tpu.memory_space<hbm>> -> memref<32x512xf32, #tpu.memory_space<hbm>>
    tpu.wait_dma2 semaphore(%arg22 : memref<!tpu.dma_semaphore, #tpu.memory_space<semaphore_mem>>) src(%arg10 : memref<32x512xf32, #tpu.memory_space<vmem>>) dst(%dma_wait3A_664 : memref<32x512xf32, #tpu.memory_space<hbm>>)
    %dma_wait3A_665 = arith.constant 0 : i32
    %dma_wait3A_666 = arith.constant 128 : i32
    %dma_wait3A_667 = tpu.memref_slice %arg13[%dma_wait3A_665, %dma_wait3A_666] : memref<32x512xf32, #tpu.memory_space<vmem>> -> memref<32x384xf32, #tpu.memory_space<vmem>>
    %dma_wait3A_668 = arith.constant 0 : i32
    %dma_wait3A_669 = tpu.memref_slice %arg6[%add3A_646, %dma_wait3A_668] : memref<16384x384xf32, #tpu.memory_space<hbm>> -> memref<32x384xf32, #tpu.memory_space<hbm>>
    %dma_wait3A_670 = arith.constant 0 : i32
    %dma_wait3A_671 = tpu.memref_slice %arg6[%add3A_646, %dma_wait3A_670] : memref<16384x384xf32, #tpu.memory_space<hbm>> -> memref<32x384xf32, #tpu.memory_space<hbm>>
    %dma_wait3A_672 = arith.constant 0 : i32
    %dma_wait3A_673 = arith.constant 128 : i32
    %dma_wait3A_674 = tpu.memref_slice %arg13[%dma_wait3A_672, %dma_wait3A_673] : memref<32x512xf32, #tpu.memory_space<vmem>> -> memref<32x384xf32, #tpu.memory_space<vmem>>
    tpu.wait_dma2 semaphore(%arg25 : memref<!tpu.dma_semaphore, #tpu.memory_space<semaphore_mem>>) src(%dma_wait3A_674 : memref<32x384xf32, #tpu.memory_space<vmem>>) dst(%dma_wait3A_671 : memref<32x384xf32, #tpu.memory_space<hbm>>)
    %dma_start3A_675 = arith.constant 480 : i32
    %dma_start3A_676 = tpu.memref_slice %arg7[%dma_start3A_675] : memref<512xi32, #tpu.memory_space<vmem>> -> memref<32xi32, #tpu.memory_space<vmem>>
    %dma_start3A_677 = arith.constant 0 : i32
    %dma_start3A_678 = arith.constant 0 : i32
    %dma_start3A_679 = tpu.memref_slice %arg2[%dma_start3A_677, %dma_start3A_678] : memref<100000x512xf32, #tpu.memory_space<hbm>> -> memref<100000x512xf32, #tpu.memory_space<hbm>>
    tpu.enqueue_indirect_dma source(%dma_start3A_679 : memref<100000x512xf32, #tpu.memory_space<hbm>>) target(%arg10 : memref<32x512xf32, #tpu.memory_space<vmem>>) offsets(%dma_start3A_676 : memref<32xi32, #tpu.memory_space<vmem>>) semaphore(%arg16 : memref<!tpu.dma_semaphore, #tpu.memory_space<semaphore_mem>>)
    %dma_start3A_680 = arith.constant 480 : i32
    %dma_start3A_681 = tpu.memref_slice %arg8[%dma_start3A_680] : memref<512xi32, #tpu.memory_space<vmem>> -> memref<32xi32, #tpu.memory_space<vmem>>
    %dma_start3A_682 = arith.constant 0 : i32
    %dma_start3A_683 = arith.constant 0 : i32
    %dma_start3A_684 = tpu.memref_slice %arg2[%dma_start3A_682, %dma_start3A_683] : memref<100000x512xf32, #tpu.memory_space<hbm>> -> memref<100000x512xf32, #tpu.memory_space<hbm>>
    tpu.enqueue_indirect_dma source(%dma_start3A_684 : memref<100000x512xf32, #tpu.memory_space<hbm>>) target(%arg13 : memref<32x512xf32, #tpu.memory_space<vmem>>) offsets(%dma_start3A_681 : memref<32xi32, #tpu.memory_space<vmem>>) semaphore(%arg19 : memref<!tpu.dma_semaphore, #tpu.memory_space<semaphore_mem>>)
    %dma_wait3A_685 = arith.constant 416 : i32
    %dma_wait3A_686 = tpu.memref_slice %arg7[%dma_wait3A_685] : memref<512xi32, #tpu.memory_space<vmem>> -> memref<32xi32, #tpu.memory_space<vmem>>
    %dma_wait3A_687 = arith.constant 0 : i32
    %dma_wait3A_688 = arith.constant 0 : i32
    %dma_wait3A_689 = tpu.memref_slice %arg2[%dma_wait3A_687, %dma_wait3A_688] : memref<100000x512xf32, #tpu.memory_space<hbm>> -> memref<100000x512xf32, #tpu.memory_space<hbm>>
    tpu.wait_indirect_dma semaphore(%arg17 : memref<!tpu.dma_semaphore, #tpu.memory_space<semaphore_mem>>) src(%dma_wait3A_689 : memref<100000x512xf32, #tpu.memory_space<hbm>>) dst(%arg11 : memref<32x512xf32, #tpu.memory_space<vmem>>)
    %dma_wait3A_690 = arith.constant 416 : i32
    %dma_wait3A_691 = tpu.memref_slice %arg8[%dma_wait3A_690] : memref<512xi32, #tpu.memory_space<vmem>> -> memref<32xi32, #tpu.memory_space<vmem>>
    %dma_wait3A_692 = arith.constant 0 : i32
    %dma_wait3A_693 = arith.constant 0 : i32
    %dma_wait3A_694 = tpu.memref_slice %arg2[%dma_wait3A_692, %dma_wait3A_693] : memref<100000x512xf32, #tpu.memory_space<hbm>> -> memref<100000x512xf32, #tpu.memory_space<hbm>>
    tpu.wait_indirect_dma semaphore(%arg20 : memref<!tpu.dma_semaphore, #tpu.memory_space<semaphore_mem>>) src(%dma_wait3A_694 : memref<100000x512xf32, #tpu.memory_space<hbm>>) dst(%arg14 : memref<32x512xf32, #tpu.memory_space<vmem>>)
    %add3A_695 = arith.constant 416 : i32
    %add3A_696 = arith.addi %mul3A_2, %add3A_695 : i32
    %dma_start3A_697 = arith.constant 0 : i32
    %dma_start3A_698 = tpu.memref_slice %arg5[%add3A_696, %dma_start3A_697] : memref<16384x512xf32, #tpu.memory_space<hbm>> -> memref<32x512xf32, #tpu.memory_space<hbm>>
    %dma_start3A_699 = arith.constant 0 : i32
    %dma_start3A_700 = tpu.memref_slice %arg5[%add3A_696, %dma_start3A_699] : memref<16384x512xf32, #tpu.memory_space<hbm>> -> memref<32x512xf32, #tpu.memory_space<hbm>>
    tpu.enqueue_dma source(%arg11 : memref<32x512xf32, #tpu.memory_space<vmem>>) target(%dma_start3A_700 : memref<32x512xf32, #tpu.memory_space<hbm>>) target_semaphore(%arg23 : memref<!tpu.dma_semaphore, #tpu.memory_space<semaphore_mem>>)
    %dma_start3A_701 = arith.constant 0 : i32
    %dma_start3A_702 = arith.constant 128 : i32
    %dma_start3A_703 = tpu.memref_slice %arg14[%dma_start3A_701, %dma_start3A_702] : memref<32x512xf32, #tpu.memory_space<vmem>> -> memref<32x384xf32, #tpu.memory_space<vmem>>
    %dma_start3A_704 = arith.constant 0 : i32
    %dma_start3A_705 = tpu.memref_slice %arg6[%add3A_696, %dma_start3A_704] : memref<16384x384xf32, #tpu.memory_space<hbm>> -> memref<32x384xf32, #tpu.memory_space<hbm>>
    %dma_start3A_706 = arith.constant 0 : i32
    %dma_start3A_707 = tpu.memref_slice %arg6[%add3A_696, %dma_start3A_706] : memref<16384x384xf32, #tpu.memory_space<hbm>> -> memref<32x384xf32, #tpu.memory_space<hbm>>
    %dma_start3A_708 = arith.constant 0 : i32
    %dma_start3A_709 = arith.constant 128 : i32
    %dma_start3A_710 = tpu.memref_slice %arg14[%dma_start3A_708, %dma_start3A_709] : memref<32x512xf32, #tpu.memory_space<vmem>> -> memref<32x384xf32, #tpu.memory_space<vmem>>
    tpu.enqueue_dma source(%dma_start3A_710 : memref<32x384xf32, #tpu.memory_space<vmem>>) target(%dma_start3A_707 : memref<32x384xf32, #tpu.memory_space<hbm>>) target_semaphore(%arg26 : memref<!tpu.dma_semaphore, #tpu.memory_space<semaphore_mem>>)
    %dma_wait3A_711 = arith.constant 448 : i32
    %dma_wait3A_712 = tpu.memref_slice %arg7[%dma_wait3A_711] : memref<512xi32, #tpu.memory_space<vmem>> -> memref<32xi32, #tpu.memory_space<vmem>>
    %dma_wait3A_713 = arith.constant 0 : i32
    %dma_wait3A_714 = arith.constant 0 : i32
    %dma_wait3A_715 = tpu.memref_slice %arg2[%dma_wait3A_713, %dma_wait3A_714] : memref<100000x512xf32, #tpu.memory_space<hbm>> -> memref<100000x512xf32, #tpu.memory_space<hbm>>
    tpu.wait_indirect_dma semaphore(%arg18 : memref<!tpu.dma_semaphore, #tpu.memory_space<semaphore_mem>>) src(%dma_wait3A_715 : memref<100000x512xf32, #tpu.memory_space<hbm>>) dst(%arg12 : memref<32x512xf32, #tpu.memory_space<vmem>>)
    %dma_wait3A_716 = arith.constant 448 : i32
    %dma_wait3A_717 = tpu.memref_slice %arg8[%dma_wait3A_716] : memref<512xi32, #tpu.memory_space<vmem>> -> memref<32xi32, #tpu.memory_space<vmem>>
    %dma_wait3A_718 = arith.constant 0 : i32
    %dma_wait3A_719 = arith.constant 0 : i32
    %dma_wait3A_720 = tpu.memref_slice %arg2[%dma_wait3A_718, %dma_wait3A_719] : memref<100000x512xf32, #tpu.memory_space<hbm>> -> memref<100000x512xf32, #tpu.memory_space<hbm>>
    tpu.wait_indirect_dma semaphore(%arg21 : memref<!tpu.dma_semaphore, #tpu.memory_space<semaphore_mem>>) src(%dma_wait3A_720 : memref<100000x512xf32, #tpu.memory_space<hbm>>) dst(%arg15 : memref<32x512xf32, #tpu.memory_space<vmem>>)
    %add3A_721 = arith.constant 448 : i32
    %add3A_722 = arith.addi %mul3A_2, %add3A_721 : i32
    %dma_start3A_723 = arith.constant 0 : i32
    %dma_start3A_724 = tpu.memref_slice %arg5[%add3A_722, %dma_start3A_723] : memref<16384x512xf32, #tpu.memory_space<hbm>> -> memref<32x512xf32, #tpu.memory_space<hbm>>
    %dma_start3A_725 = arith.constant 0 : i32
    %dma_start3A_726 = tpu.memref_slice %arg5[%add3A_722, %dma_start3A_725] : memref<16384x512xf32, #tpu.memory_space<hbm>> -> memref<32x512xf32, #tpu.memory_space<hbm>>
    tpu.enqueue_dma source(%arg12 : memref<32x512xf32, #tpu.memory_space<vmem>>) target(%dma_start3A_726 : memref<32x512xf32, #tpu.memory_space<hbm>>) target_semaphore(%arg24 : memref<!tpu.dma_semaphore, #tpu.memory_space<semaphore_mem>>)
    %dma_start3A_727 = arith.constant 0 : i32
    %dma_start3A_728 = arith.constant 128 : i32
    %dma_start3A_729 = tpu.memref_slice %arg15[%dma_start3A_727, %dma_start3A_728] : memref<32x512xf32, #tpu.memory_space<vmem>> -> memref<32x384xf32, #tpu.memory_space<vmem>>
    %dma_start3A_730 = arith.constant 0 : i32
    %dma_start3A_731 = tpu.memref_slice %arg6[%add3A_722, %dma_start3A_730] : memref<16384x384xf32, #tpu.memory_space<hbm>> -> memref<32x384xf32, #tpu.memory_space<hbm>>
    %dma_start3A_732 = arith.constant 0 : i32
    %dma_start3A_733 = tpu.memref_slice %arg6[%add3A_722, %dma_start3A_732] : memref<16384x384xf32, #tpu.memory_space<hbm>> -> memref<32x384xf32, #tpu.memory_space<hbm>>
    %dma_start3A_734 = arith.constant 0 : i32
    %dma_start3A_735 = arith.constant 128 : i32
    %dma_start3A_736 = tpu.memref_slice %arg15[%dma_start3A_734, %dma_start3A_735] : memref<32x512xf32, #tpu.memory_space<vmem>> -> memref<32x384xf32, #tpu.memory_space<vmem>>
    tpu.enqueue_dma source(%dma_start3A_736 : memref<32x384xf32, #tpu.memory_space<vmem>>) target(%dma_start3A_733 : memref<32x384xf32, #tpu.memory_space<hbm>>) target_semaphore(%arg27 : memref<!tpu.dma_semaphore, #tpu.memory_space<semaphore_mem>>)
    %dma_wait3A_737 = arith.constant 480 : i32
    %dma_wait3A_738 = tpu.memref_slice %arg7[%dma_wait3A_737] : memref<512xi32, #tpu.memory_space<vmem>> -> memref<32xi32, #tpu.memory_space<vmem>>
    %dma_wait3A_739 = arith.constant 0 : i32
    %dma_wait3A_740 = arith.constant 0 : i32
    %dma_wait3A_741 = tpu.memref_slice %arg2[%dma_wait3A_739, %dma_wait3A_740] : memref<100000x512xf32, #tpu.memory_space<hbm>> -> memref<100000x512xf32, #tpu.memory_space<hbm>>
    tpu.wait_indirect_dma semaphore(%arg16 : memref<!tpu.dma_semaphore, #tpu.memory_space<semaphore_mem>>) src(%dma_wait3A_741 : memref<100000x512xf32, #tpu.memory_space<hbm>>) dst(%arg10 : memref<32x512xf32, #tpu.memory_space<vmem>>)
    %dma_wait3A_742 = arith.constant 480 : i32
    %dma_wait3A_743 = tpu.memref_slice %arg8[%dma_wait3A_742] : memref<512xi32, #tpu.memory_space<vmem>> -> memref<32xi32, #tpu.memory_space<vmem>>
    %dma_wait3A_744 = arith.constant 0 : i32
    %dma_wait3A_745 = arith.constant 0 : i32
    %dma_wait3A_746 = tpu.memref_slice %arg2[%dma_wait3A_744, %dma_wait3A_745] : memref<100000x512xf32, #tpu.memory_space<hbm>> -> memref<100000x512xf32, #tpu.memory_space<hbm>>
    tpu.wait_indirect_dma semaphore(%arg19 : memref<!tpu.dma_semaphore, #tpu.memory_space<semaphore_mem>>) src(%dma_wait3A_746 : memref<100000x512xf32, #tpu.memory_space<hbm>>) dst(%arg13 : memref<32x512xf32, #tpu.memory_space<vmem>>)
    %add3A_747 = arith.constant 480 : i32
    %add3A_748 = arith.addi %mul3A_2, %add3A_747 : i32
    %dma_start3A_749 = arith.constant 0 : i32
    %dma_start3A_750 = tpu.memref_slice %arg5[%add3A_748, %dma_start3A_749] : memref<16384x512xf32, #tpu.memory_space<hbm>> -> memref<32x512xf32, #tpu.memory_space<hbm>>
    %dma_start3A_751 = arith.constant 0 : i32
    %dma_start3A_752 = tpu.memref_slice %arg5[%add3A_748, %dma_start3A_751] : memref<16384x512xf32, #tpu.memory_space<hbm>> -> memref<32x512xf32, #tpu.memory_space<hbm>>
    tpu.enqueue_dma source(%arg10 : memref<32x512xf32, #tpu.memory_space<vmem>>) target(%dma_start3A_752 : memref<32x512xf32, #tpu.memory_space<hbm>>) target_semaphore(%arg22 : memref<!tpu.dma_semaphore, #tpu.memory_space<semaphore_mem>>)
    %dma_start3A_753 = arith.constant 0 : i32
    %dma_start3A_754 = arith.constant 128 : i32
    %dma_start3A_755 = tpu.memref_slice %arg13[%dma_start3A_753, %dma_start3A_754] : memref<32x512xf32, #tpu.memory_space<vmem>> -> memref<32x384xf32, #tpu.memory_space<vmem>>
    %dma_start3A_756 = arith.constant 0 : i32
    %dma_start3A_757 = tpu.memref_slice %arg6[%add3A_748, %dma_start3A_756] : memref<16384x384xf32, #tpu.memory_space<hbm>> -> memref<32x384xf32, #tpu.memory_space<hbm>>
    %dma_start3A_758 = arith.constant 0 : i32
    %dma_start3A_759 = tpu.memref_slice %arg6[%add3A_748, %dma_start3A_758] : memref<16384x384xf32, #tpu.memory_space<hbm>> -> memref<32x384xf32, #tpu.memory_space<hbm>>
    %dma_start3A_760 = arith.constant 0 : i32
    %dma_start3A_761 = arith.constant 128 : i32
    %dma_start3A_762 = tpu.memref_slice %arg13[%dma_start3A_760, %dma_start3A_761] : memref<32x512xf32, #tpu.memory_space<vmem>> -> memref<32x384xf32, #tpu.memory_space<vmem>>
    tpu.enqueue_dma source(%dma_start3A_762 : memref<32x384xf32, #tpu.memory_space<vmem>>) target(%dma_start3A_759 : memref<32x384xf32, #tpu.memory_space<hbm>>) target_semaphore(%arg25 : memref<!tpu.dma_semaphore, #tpu.memory_space<semaphore_mem>>)
    %dma_wait3A_763 = arith.constant 0 : i32
    %dma_wait3A_764 = tpu.memref_slice %arg5[%add3A_722, %dma_wait3A_763] : memref<16384x512xf32, #tpu.memory_space<hbm>> -> memref<32x512xf32, #tpu.memory_space<hbm>>
    %dma_wait3A_765 = arith.constant 0 : i32
    %dma_wait3A_766 = tpu.memref_slice %arg5[%add3A_722, %dma_wait3A_765] : memref<16384x512xf32, #tpu.memory_space<hbm>> -> memref<32x512xf32, #tpu.memory_space<hbm>>
    tpu.wait_dma2 semaphore(%arg24 : memref<!tpu.dma_semaphore, #tpu.memory_space<semaphore_mem>>) src(%arg12 : memref<32x512xf32, #tpu.memory_space<vmem>>) dst(%dma_wait3A_766 : memref<32x512xf32, #tpu.memory_space<hbm>>)
    %dma_wait3A_767 = arith.constant 0 : i32
    %dma_wait3A_768 = arith.constant 128 : i32
    %dma_wait3A_769 = tpu.memref_slice %arg15[%dma_wait3A_767, %dma_wait3A_768] : memref<32x512xf32, #tpu.memory_space<vmem>> -> memref<32x384xf32, #tpu.memory_space<vmem>>
    %dma_wait3A_770 = arith.constant 0 : i32
    %dma_wait3A_771 = tpu.memref_slice %arg6[%add3A_722, %dma_wait3A_770] : memref<16384x384xf32, #tpu.memory_space<hbm>> -> memref<32x384xf32, #tpu.memory_space<hbm>>
    %dma_wait3A_772 = arith.constant 0 : i32
    %dma_wait3A_773 = tpu.memref_slice %arg6[%add3A_722, %dma_wait3A_772] : memref<16384x384xf32, #tpu.memory_space<hbm>> -> memref<32x384xf32, #tpu.memory_space<hbm>>
    %dma_wait3A_774 = arith.constant 0 : i32
    %dma_wait3A_775 = arith.constant 128 : i32
    %dma_wait3A_776 = tpu.memref_slice %arg15[%dma_wait3A_774, %dma_wait3A_775] : memref<32x512xf32, #tpu.memory_space<vmem>> -> memref<32x384xf32, #tpu.memory_space<vmem>>
    tpu.wait_dma2 semaphore(%arg27 : memref<!tpu.dma_semaphore, #tpu.memory_space<semaphore_mem>>) src(%dma_wait3A_776 : memref<32x384xf32, #tpu.memory_space<vmem>>) dst(%dma_wait3A_773 : memref<32x384xf32, #tpu.memory_space<hbm>>)
    %dma_wait3A_777 = arith.constant 0 : i32
    %dma_wait3A_778 = tpu.memref_slice %arg5[%add3A_748, %dma_wait3A_777] : memref<16384x512xf32, #tpu.memory_space<hbm>> -> memref<32x512xf32, #tpu.memory_space<hbm>>
    %dma_wait3A_779 = arith.constant 0 : i32
    %dma_wait3A_780 = tpu.memref_slice %arg5[%add3A_748, %dma_wait3A_779] : memref<16384x512xf32, #tpu.memory_space<hbm>> -> memref<32x512xf32, #tpu.memory_space<hbm>>
    tpu.wait_dma2 semaphore(%arg22 : memref<!tpu.dma_semaphore, #tpu.memory_space<semaphore_mem>>) src(%arg10 : memref<32x512xf32, #tpu.memory_space<vmem>>) dst(%dma_wait3A_780 : memref<32x512xf32, #tpu.memory_space<hbm>>)
    %dma_wait3A_781 = arith.constant 0 : i32
    %dma_wait3A_782 = arith.constant 128 : i32
    %dma_wait3A_783 = tpu.memref_slice %arg13[%dma_wait3A_781, %dma_wait3A_782] : memref<32x512xf32, #tpu.memory_space<vmem>> -> memref<32x384xf32, #tpu.memory_space<vmem>>
    %dma_wait3A_784 = arith.constant 0 : i32
    %dma_wait3A_785 = tpu.memref_slice %arg6[%add3A_748, %dma_wait3A_784] : memref<16384x384xf32, #tpu.memory_space<hbm>> -> memref<32x384xf32, #tpu.memory_space<hbm>>
    %dma_wait3A_786 = arith.constant 0 : i32
    %dma_wait3A_787 = tpu.memref_slice %arg6[%add3A_748, %dma_wait3A_786] : memref<16384x384xf32, #tpu.memory_space<hbm>> -> memref<32x384xf32, #tpu.memory_space<hbm>>
    %dma_wait3A_788 = arith.constant 0 : i32
    %dma_wait3A_789 = arith.constant 128 : i32
    %dma_wait3A_790 = tpu.memref_slice %arg13[%dma_wait3A_788, %dma_wait3A_789] : memref<32x512xf32, #tpu.memory_space<vmem>> -> memref<32x384xf32, #tpu.memory_space<vmem>>
    tpu.wait_dma2 semaphore(%arg25 : memref<!tpu.dma_semaphore, #tpu.memory_space<semaphore_mem>>) src(%dma_wait3A_790 : memref<32x384xf32, #tpu.memory_space<vmem>>) dst(%dma_wait3A_787 : memref<32x384xf32, #tpu.memory_space<hbm>>)
    return
  }
}

module attributes {stable_mosaic.version = 14 : i64} {
  func.func @_loss_body(%arg0: i32, %arg1: memref<512x512xf32, #tpu.memory_space<vmem>>, %arg2: memref<512x384xf32, #tpu.memory_space<vmem>>, %arg3: memref<6x128x64xf32, #tpu.memory_space<vmem>>, %arg4: memref<6x64xf32, #tpu.memory_space<vmem>>, %arg5: memref<6x64x128xf32, #tpu.memory_space<vmem>>, %arg6: memref<6x128xf32, #tpu.memory_space<vmem>>, %arg7: memref<6x128x64xf32, #tpu.memory_space<vmem>>, %arg8: memref<6x64xf32, #tpu.memory_space<vmem>>, %arg9: memref<6x64x128xf32, #tpu.memory_space<vmem>>, %arg10: memref<6x128xf32, #tpu.memory_space<vmem>>, %arg11: memref<2800x512xf32, #tpu.memory_space<vmem>>, %arg12: memref<1x1xf32, #tpu.memory_space<smem>>, %arg13: memref<2800x512xf32, #tpu.memory_space<vmem>>, %arg14: memref<1xf32, #tpu.memory_space<smem>>, %arg15: memref<!tpu.dma_semaphore, #tpu.memory_space<semaphore_mem>>) attributes {dimension_semantics = [#tpu.dimension_semantics<arbitrary>], iteration_bounds = array<i64: 36>, scalar_prefetch = 0 : i64, scratch_operands = 2 : i64, tpu.core_type = #tpu.core_type<tc>, window_params = [{transform_indices = @transform_0, window_bounds = array<i64: 512, 512>}, {transform_indices = @transform_1, window_bounds = array<i64: 512, 384>}, {pipeline_mode = #tpu.pipeline_mode<synchronous>, transform_indices = @transform_2, window_bounds = array<i64: 6, 128, 64>}, {pipeline_mode = #tpu.pipeline_mode<synchronous>, transform_indices = @transform_3, window_bounds = array<i64: 6, 64>}, {pipeline_mode = #tpu.pipeline_mode<synchronous>, transform_indices = @transform_4, window_bounds = array<i64: 6, 64, 128>}, {pipeline_mode = #tpu.pipeline_mode<synchronous>, transform_indices = @transform_5, window_bounds = array<i64: 6, 128>}, {pipeline_mode = #tpu.pipeline_mode<synchronous>, transform_indices = @transform_6, window_bounds = array<i64: 6, 128, 64>}, {pipeline_mode = #tpu.pipeline_mode<synchronous>, transform_indices = @transform_7, window_bounds = array<i64: 6, 64>}, {pipeline_mode = #tpu.pipeline_mode<synchronous>, transform_indices = @transform_8, window_bounds = array<i64: 6, 64, 128>}, {pipeline_mode = #tpu.pipeline_mode<synchronous>, transform_indices = @transform_9, window_bounds = array<i64: 6, 128>}, {transform_indices = @transform_10, window_bounds = array<i64: 2800, 512>}, {transform_indices = @transform_11, window_bounds = array<i64: 1, 1>}, {transform_indices = @transform_12, window_bounds = array<i64: 2800, 512>}]} {
    tpu.enqueue_dma source(%arg11 : memref<2800x512xf32, #tpu.memory_space<vmem>>) target(%arg13 : memref<2800x512xf32, #tpu.memory_space<vmem>>) target_semaphore(%arg15 : memref<!tpu.dma_semaphore, #tpu.memory_space<semaphore_mem>>)
    %eq3A = arith.constant 0 : i32
    %eq3A_0 = arith.cmpi eq, %arg0, %eq3A : i32
    %convert_element_type3A = arith.extui %eq3A_0 : i1 to i32
    %cond3A = arith.constant 0 : i32
    %cond3A_1 = arith.cmpi ne, %convert_element_type3A, %cond3A : i32
    scf.if %cond3A_1 {
      %swap3A = arith.constant 0.000000e+00 : f32
      %swap3A_11 = arith.constant 0 : index
      %swap3A_12 = memref.load %arg14[%swap3A_11] : memref<1xf32, #tpu.memory_space<smem>>
      memref.store %swap3A, %arg14[%swap3A_11] : memref<1xf32, #tpu.memory_space<smem>>
    } else {
    }
    %lt3A = arith.constant 32 : i32
    %lt3A_2 = arith.cmpi slt, %arg0, %lt3A : i32
    %convert_element_type3A_3 = arith.extui %lt3A_2 : i1 to i32
    %cond3A_4 = arith.constant 0 : i32
    %cond3A_5 = arith.cmpi ne, %convert_element_type3A_3, %cond3A_4 : i32
    scf.if %cond3A_5 {
      %get3A = arith.constant 0 : index
      %get3A_11 = arith.constant 0 : index
      %get3A_12 = vector.load %arg1[%get3A, %get3A_11] : memref<512x512xf32, #tpu.memory_space<vmem>>, vector<512x128xf32>
      %get3A_13 = arith.constant 0 : index
      %get3A_14 = arith.constant 128 : index
      %get3A_15 = vector.load %arg1[%get3A_13, %get3A_14] : memref<512x512xf32, #tpu.memory_space<vmem>>, vector<512x128xf32>
      %get3A_16 = arith.constant 0 : index
      %get3A_17 = arith.constant 0 : index
      %get3A_18 = vector.load %arg2[%get3A_16, %get3A_17] : memref<512x384xf32, #tpu.memory_space<vmem>>, vector<512x128xf32>
      %get3A_19 = arith.constant 0 : index
      %get3A_20 = arith.constant 0 : index
      %get3A_21 = arith.constant 0 : index
      %get3A_22 = vector.load %arg3[%get3A_19, %get3A_20, %get3A_21] : memref<6x128x64xf32, #tpu.memory_space<vmem>>, vector<1x128x64xf32>
      %get3A_23 = vector.shape_cast %get3A_22 : vector<1x128x64xf32> to vector<128x64xf32>
      %dot_general3A = arith.constant dense<0.000000e+00> : vector<512x64xf32>
      %dot_general3A_24 = tpu.matmul %get3A_12, %get3A_23, %dot_general3A {dimension_numbers = #tpu.dot_dimension_numbers<[1], [0], [0], [1], [0, 0, 1, 1], [], []>, transpose_lhs_hint = false} : vector<512x128xf32>, vector<128x64xf32>, vector<512x64xf32> -> vector<512x64xf32>
      %get3A_25 = arith.constant 0 : index
      %get3A_26 = arith.constant 0 : index
      %get3A_27 = vector.load %arg4[%get3A_25, %get3A_26] : memref<6x64xf32, #tpu.memory_space<vmem>>, vector<1x64xf32>
      %add3A = vector.broadcast %get3A_27 : vector<1x64xf32> to vector<512x64xf32>
      %add3A_28 = arith.addf %dot_general3A_24, %add3A : vector<512x64xf32>
      %max3A = arith.constant 0.000000e+00 : f32
      %max3A_29 = vector.broadcast %max3A : f32 to vector<512x64xf32>
      %max3A_30 = arith.maximumf %add3A_28, %max3A_29 : vector<512x64xf32>
      %get3A_31 = arith.constant 0 : index
      %get3A_32 = arith.constant 0 : index
      %get3A_33 = arith.constant 0 : index
      %get3A_34 = vector.load %arg5[%get3A_31, %get3A_32, %get3A_33] : memref<6x64x128xf32, #tpu.memory_space<vmem>>, vector<1x64x128xf32>
      %get3A_35 = vector.shape_cast %get3A_34 : vector<1x64x128xf32> to vector<64x128xf32>
      %dot_general3A_36 = arith.constant dense<0.000000e+00> : vector<512x128xf32>
      %dot_general3A_37 = tpu.matmul %max3A_30, %get3A_35, %dot_general3A_36 {dimension_numbers = #tpu.dot_dimension_numbers<[1], [0], [0], [1], [0, 0, 1, 1], [], []>, transpose_lhs_hint = false} : vector<512x64xf32>, vector<64x128xf32>, vector<512x128xf32> -> vector<512x128xf32>
      %get3A_38 = arith.constant 0 : index
      %get3A_39 = arith.constant 0 : index
      %get3A_40 = vector.load %arg6[%get3A_38, %get3A_39] : memref<6x128xf32, #tpu.memory_space<vmem>>, vector<1x128xf32>
      %add3A_41 = vector.broadcast %get3A_40 : vector<1x128xf32> to vector<512x128xf32>
      %add3A_42 = arith.addf %dot_general3A_37, %add3A_41 : vector<512x128xf32>
      %get3A_43 = arith.constant 0 : index
      %get3A_44 = arith.constant 0 : index
      %get3A_45 = arith.constant 0 : index
      %get3A_46 = vector.load %arg7[%get3A_43, %get3A_44, %get3A_45] : memref<6x128x64xf32, #tpu.memory_space<vmem>>, vector<1x128x64xf32>
      %get3A_47 = vector.shape_cast %get3A_46 : vector<1x128x64xf32> to vector<128x64xf32>
      %dot_general3A_48 = arith.constant dense<0.000000e+00> : vector<512x64xf32>
      %dot_general3A_49 = tpu.matmul %get3A_12, %get3A_47, %dot_general3A_48 {dimension_numbers = #tpu.dot_dimension_numbers<[1], [0], [0], [1], [0, 0, 1, 1], [], []>, transpose_lhs_hint = false} : vector<512x128xf32>, vector<128x64xf32>, vector<512x64xf32> -> vector<512x64xf32>
      %get3A_50 = arith.constant 0 : index
      %get3A_51 = arith.constant 0 : index
      %get3A_52 = vector.load %arg8[%get3A_50, %get3A_51] : memref<6x64xf32, #tpu.memory_space<vmem>>, vector<1x64xf32>
      %add3A_53 = vector.broadcast %get3A_52 : vector<1x64xf32> to vector<512x64xf32>
      %add3A_54 = arith.addf %dot_general3A_49, %add3A_53 : vector<512x64xf32>
      %max3A_55 = arith.constant 0.000000e+00 : f32
      %max3A_56 = vector.broadcast %max3A_55 : f32 to vector<512x64xf32>
      %max3A_57 = arith.maximumf %add3A_54, %max3A_56 : vector<512x64xf32>
      %get3A_58 = arith.constant 0 : index
      %get3A_59 = arith.constant 0 : index
      %get3A_60 = arith.constant 0 : index
      %get3A_61 = vector.load %arg9[%get3A_58, %get3A_59, %get3A_60] : memref<6x64x128xf32, #tpu.memory_space<vmem>>, vector<1x64x128xf32>
      %get3A_62 = vector.shape_cast %get3A_61 : vector<1x64x128xf32> to vector<64x128xf32>
      %dot_general3A_63 = arith.constant dense<0.000000e+00> : vector<512x128xf32>
      %dot_general3A_64 = tpu.matmul %max3A_57, %get3A_62, %dot_general3A_63 {dimension_numbers = #tpu.dot_dimension_numbers<[1], [0], [0], [1], [0, 0, 1, 1], [], []>, transpose_lhs_hint = false} : vector<512x64xf32>, vector<64x128xf32>, vector<512x128xf32> -> vector<512x128xf32>
      %get3A_65 = arith.constant 0 : index
      %get3A_66 = arith.constant 0 : index
      %get3A_67 = vector.load %arg10[%get3A_65, %get3A_66] : memref<6x128xf32, #tpu.memory_space<vmem>>, vector<1x128xf32>
      %add3A_68 = vector.broadcast %get3A_67 : vector<1x128xf32> to vector<512x128xf32>
      %add3A_69 = arith.addf %dot_general3A_64, %add3A_68 : vector<512x128xf32>
      %tanh3A = math.tanh %add3A_69 : vector<512x128xf32>
      %neg3A = arith.constant 0.000000e+00 : f32
      %neg3A_70 = vector.broadcast %neg3A : f32 to vector<512x128xf32>
      %neg3A_71 = arith.subf %neg3A_70, %tanh3A : vector<512x128xf32>
      %exp3A = math.exp %neg3A_71 : vector<512x128xf32>
      %sub3A = arith.subf %add3A_42, %get3A_18 : vector<512x128xf32>
      %integer_pow3A = arith.mulf %sub3A, %sub3A : vector<512x128xf32>
      %sub3A_72 = arith.subf %add3A_42, %get3A_15 : vector<512x128xf32>
      %integer_pow3A_73 = arith.mulf %sub3A_72, %sub3A_72 : vector<512x128xf32>
      %sub3A_74 = arith.subf %integer_pow3A, %integer_pow3A_73 : vector<512x128xf32>
      %mul3A = arith.mulf %exp3A, %sub3A_74 : vector<512x128xf32>
      %reduce_sum3A = vector.shape_cast %mul3A : vector<512x128xf32> to vector<1x512x128xf32>
      %reduce_sum3A_75 = arith.constant dense<0.000000e+00> : vector<1xf32>
      %reduce_sum3A_76 = vector.multi_reduction <add>, %reduce_sum3A, %reduce_sum3A_75 [1, 2] : vector<1x512x128xf32> to vector<1xf32>
      %reduce_sum3A_77 = vector.shape_cast %reduce_sum3A_76 : vector<1xf32> to vector<1x1x1xf32>
      %reduce_sum3A_78 = vector.extract %reduce_sum3A_77[0, 0, 0] : f32 from vector<1x1x1xf32>
      %add3A_79 = arith.constant 0.000000e+00 : f32
      %add3A_80 = arith.addf %add3A_79, %reduce_sum3A_78 : f32
      %get3A_81 = arith.constant 0 : index
      %get3A_82 = arith.constant 256 : index
      %get3A_83 = vector.load %arg1[%get3A_81, %get3A_82] : memref<512x512xf32, #tpu.memory_space<vmem>>, vector<512x128xf32>
      %get3A_84 = arith.constant 0 : index
      %get3A_85 = arith.constant 128 : index
      %get3A_86 = vector.load %arg2[%get3A_84, %get3A_85] : memref<512x384xf32, #tpu.memory_space<vmem>>, vector<512x128xf32>
      %get3A_87 = arith.constant 1 : index
      %get3A_88 = arith.constant 0 : index
      %get3A_89 = arith.constant 0 : index
      %get3A_90 = vector.load %arg3[%get3A_87, %get3A_88, %get3A_89] : memref<6x128x64xf32, #tpu.memory_space<vmem>>, vector<1x128x64xf32>
      %get3A_91 = vector.shape_cast %get3A_90 : vector<1x128x64xf32> to vector<128x64xf32>
      %dot_general3A_92 = arith.constant dense<0.000000e+00> : vector<512x64xf32>
      %dot_general3A_93 = tpu.matmul %get3A_12, %get3A_91, %dot_general3A_92 {dimension_numbers = #tpu.dot_dimension_numbers<[1], [0], [0], [1], [0, 0, 1, 1], [], []>, transpose_lhs_hint = false} : vector<512x128xf32>, vector<128x64xf32>, vector<512x64xf32> -> vector<512x64xf32>
      %get3A_94 = arith.constant 1 : index
      %get3A_95 = arith.constant 0 : index
      %get3A_96 = vector.load %arg4[%get3A_94, %get3A_95] : memref<6x64xf32, #tpu.memory_space<vmem>>, vector<1x64xf32>
      %add3A_97 = vector.broadcast %get3A_96 : vector<1x64xf32> to vector<512x64xf32>
      %add3A_98 = arith.addf %dot_general3A_93, %add3A_97 : vector<512x64xf32>
      %max3A_99 = arith.constant 0.000000e+00 : f32
      %max3A_100 = vector.broadcast %max3A_99 : f32 to vector<512x64xf32>
      %max3A_101 = arith.maximumf %add3A_98, %max3A_100 : vector<512x64xf32>
      %get3A_102 = arith.constant 1 : index
      %get3A_103 = arith.constant 0 : index
      %get3A_104 = arith.constant 0 : index
      %get3A_105 = vector.load %arg5[%get3A_102, %get3A_103, %get3A_104] : memref<6x64x128xf32, #tpu.memory_space<vmem>>, vector<1x64x128xf32>
      %get3A_106 = vector.shape_cast %get3A_105 : vector<1x64x128xf32> to vector<64x128xf32>
      %dot_general3A_107 = arith.constant dense<0.000000e+00> : vector<512x128xf32>
      %dot_general3A_108 = tpu.matmul %max3A_101, %get3A_106, %dot_general3A_107 {dimension_numbers = #tpu.dot_dimension_numbers<[1], [0], [0], [1], [0, 0, 1, 1], [], []>, transpose_lhs_hint = false} : vector<512x64xf32>, vector<64x128xf32>, vector<512x128xf32> -> vector<512x128xf32>
      %get3A_109 = arith.constant 1 : index
      %get3A_110 = arith.constant 0 : index
      %get3A_111 = vector.load %arg6[%get3A_109, %get3A_110] : memref<6x128xf32, #tpu.memory_space<vmem>>, vector<1x128xf32>
      %add3A_112 = vector.broadcast %get3A_111 : vector<1x128xf32> to vector<512x128xf32>
      %add3A_113 = arith.addf %dot_general3A_108, %add3A_112 : vector<512x128xf32>
      %get3A_114 = arith.constant 1 : index
      %get3A_115 = arith.constant 0 : index
      %get3A_116 = arith.constant 0 : index
      %get3A_117 = vector.load %arg7[%get3A_114, %get3A_115, %get3A_116] : memref<6x128x64xf32, #tpu.memory_space<vmem>>, vector<1x128x64xf32>
      %get3A_118 = vector.shape_cast %get3A_117 : vector<1x128x64xf32> to vector<128x64xf32>
      %dot_general3A_119 = arith.constant dense<0.000000e+00> : vector<512x64xf32>
      %dot_general3A_120 = tpu.matmul %get3A_12, %get3A_118, %dot_general3A_119 {dimension_numbers = #tpu.dot_dimension_numbers<[1], [0], [0], [1], [0, 0, 1, 1], [], []>, transpose_lhs_hint = false} : vector<512x128xf32>, vector<128x64xf32>, vector<512x64xf32> -> vector<512x64xf32>
      %get3A_121 = arith.constant 1 : index
      %get3A_122 = arith.constant 0 : index
      %get3A_123 = vector.load %arg8[%get3A_121, %get3A_122] : memref<6x64xf32, #tpu.memory_space<vmem>>, vector<1x64xf32>
      %add3A_124 = vector.broadcast %get3A_123 : vector<1x64xf32> to vector<512x64xf32>
      %add3A_125 = arith.addf %dot_general3A_120, %add3A_124 : vector<512x64xf32>
      %max3A_126 = arith.constant 0.000000e+00 : f32
      %max3A_127 = vector.broadcast %max3A_126 : f32 to vector<512x64xf32>
      %max3A_128 = arith.maximumf %add3A_125, %max3A_127 : vector<512x64xf32>
      %get3A_129 = arith.constant 1 : index
      %get3A_130 = arith.constant 0 : index
      %get3A_131 = arith.constant 0 : index
      %get3A_132 = vector.load %arg9[%get3A_129, %get3A_130, %get3A_131] : memref<6x64x128xf32, #tpu.memory_space<vmem>>, vector<1x64x128xf32>
      %get3A_133 = vector.shape_cast %get3A_132 : vector<1x64x128xf32> to vector<64x128xf32>
      %dot_general3A_134 = arith.constant dense<0.000000e+00> : vector<512x128xf32>
      %dot_general3A_135 = tpu.matmul %max3A_128, %get3A_133, %dot_general3A_134 {dimension_numbers = #tpu.dot_dimension_numbers<[1], [0], [0], [1], [0, 0, 1, 1], [], []>, transpose_lhs_hint = false} : vector<512x64xf32>, vector<64x128xf32>, vector<512x128xf32> -> vector<512x128xf32>
      %get3A_136 = arith.constant 1 : index
      %get3A_137 = arith.constant 0 : index
      %get3A_138 = vector.load %arg10[%get3A_136, %get3A_137] : memref<6x128xf32, #tpu.memory_space<vmem>>, vector<1x128xf32>
      %add3A_139 = vector.broadcast %get3A_138 : vector<1x128xf32> to vector<512x128xf32>
      %add3A_140 = arith.addf %dot_general3A_135, %add3A_139 : vector<512x128xf32>
      %tanh3A_141 = math.tanh %add3A_140 : vector<512x128xf32>
      %neg3A_142 = arith.constant 0.000000e+00 : f32
      %neg3A_143 = vector.broadcast %neg3A_142 : f32 to vector<512x128xf32>
      %neg3A_144 = arith.subf %neg3A_143, %tanh3A_141 : vector<512x128xf32>
      %exp3A_145 = math.exp %neg3A_144 : vector<512x128xf32>
      %sub3A_146 = arith.subf %add3A_113, %get3A_86 : vector<512x128xf32>
      %integer_pow3A_147 = arith.mulf %sub3A_146, %sub3A_146 : vector<512x128xf32>
      %sub3A_148 = arith.subf %add3A_113, %get3A_83 : vector<512x128xf32>
      %integer_pow3A_149 = arith.mulf %sub3A_148, %sub3A_148 : vector<512x128xf32>
      %sub3A_150 = arith.subf %integer_pow3A_147, %integer_pow3A_149 : vector<512x128xf32>
      %mul3A_151 = arith.mulf %exp3A_145, %sub3A_150 : vector<512x128xf32>
      %reduce_sum3A_152 = vector.shape_cast %mul3A_151 : vector<512x128xf32> to vector<1x512x128xf32>
      %reduce_sum3A_153 = arith.constant dense<0.000000e+00> : vector<1xf32>
      %reduce_sum3A_154 = vector.multi_reduction <add>, %reduce_sum3A_152, %reduce_sum3A_153 [1, 2] : vector<1x512x128xf32> to vector<1xf32>
      %reduce_sum3A_155 = vector.shape_cast %reduce_sum3A_154 : vector<1xf32> to vector<1x1x1xf32>
      %reduce_sum3A_156 = vector.extract %reduce_sum3A_155[0, 0, 0] : f32 from vector<1x1x1xf32>
      %add3A_157 = arith.addf %add3A_80, %reduce_sum3A_156 : f32
      %get3A_158 = arith.constant 0 : index
      %get3A_159 = arith.constant 384 : index
      %get3A_160 = vector.load %arg1[%get3A_158, %get3A_159] : memref<512x512xf32, #tpu.memory_space<vmem>>, vector<512x128xf32>
      %get3A_161 = arith.constant 0 : index
      %get3A_162 = arith.constant 256 : index
      %get3A_163 = vector.load %arg2[%get3A_161, %get3A_162] : memref<512x384xf32, #tpu.memory_space<vmem>>, vector<512x128xf32>
      %get3A_164 = arith.constant 2 : index
      %get3A_165 = arith.constant 0 : index
      %get3A_166 = arith.constant 0 : index
      %get3A_167 = vector.load %arg3[%get3A_164, %get3A_165, %get3A_166] : memref<6x128x64xf32, #tpu.memory_space<vmem>>, vector<1x128x64xf32>
      %get3A_168 = vector.shape_cast %get3A_167 : vector<1x128x64xf32> to vector<128x64xf32>
      %dot_general3A_169 = arith.constant dense<0.000000e+00> : vector<512x64xf32>
      %dot_general3A_170 = tpu.matmul %get3A_12, %get3A_168, %dot_general3A_169 {dimension_numbers = #tpu.dot_dimension_numbers<[1], [0], [0], [1], [0, 0, 1, 1], [], []>, transpose_lhs_hint = false} : vector<512x128xf32>, vector<128x64xf32>, vector<512x64xf32> -> vector<512x64xf32>
      %get3A_171 = arith.constant 2 : index
      %get3A_172 = arith.constant 0 : index
      %get3A_173 = vector.load %arg4[%get3A_171, %get3A_172] : memref<6x64xf32, #tpu.memory_space<vmem>>, vector<1x64xf32>
      %add3A_174 = vector.broadcast %get3A_173 : vector<1x64xf32> to vector<512x64xf32>
      %add3A_175 = arith.addf %dot_general3A_170, %add3A_174 : vector<512x64xf32>
      %max3A_176 = arith.constant 0.000000e+00 : f32
      %max3A_177 = vector.broadcast %max3A_176 : f32 to vector<512x64xf32>
      %max3A_178 = arith.maximumf %add3A_175, %max3A_177 : vector<512x64xf32>
      %get3A_179 = arith.constant 2 : index
      %get3A_180 = arith.constant 0 : index
      %get3A_181 = arith.constant 0 : index
      %get3A_182 = vector.load %arg5[%get3A_179, %get3A_180, %get3A_181] : memref<6x64x128xf32, #tpu.memory_space<vmem>>, vector<1x64x128xf32>
      %get3A_183 = vector.shape_cast %get3A_182 : vector<1x64x128xf32> to vector<64x128xf32>
      %dot_general3A_184 = arith.constant dense<0.000000e+00> : vector<512x128xf32>
      %dot_general3A_185 = tpu.matmul %max3A_178, %get3A_183, %dot_general3A_184 {dimension_numbers = #tpu.dot_dimension_numbers<[1], [0], [0], [1], [0, 0, 1, 1], [], []>, transpose_lhs_hint = false} : vector<512x64xf32>, vector<64x128xf32>, vector<512x128xf32> -> vector<512x128xf32>
      %get3A_186 = arith.constant 2 : index
      %get3A_187 = arith.constant 0 : index
      %get3A_188 = vector.load %arg6[%get3A_186, %get3A_187] : memref<6x128xf32, #tpu.memory_space<vmem>>, vector<1x128xf32>
      %add3A_189 = vector.broadcast %get3A_188 : vector<1x128xf32> to vector<512x128xf32>
      %add3A_190 = arith.addf %dot_general3A_185, %add3A_189 : vector<512x128xf32>
      %get3A_191 = arith.constant 2 : index
      %get3A_192 = arith.constant 0 : index
      %get3A_193 = arith.constant 0 : index
      %get3A_194 = vector.load %arg7[%get3A_191, %get3A_192, %get3A_193] : memref<6x128x64xf32, #tpu.memory_space<vmem>>, vector<1x128x64xf32>
      %get3A_195 = vector.shape_cast %get3A_194 : vector<1x128x64xf32> to vector<128x64xf32>
      %dot_general3A_196 = arith.constant dense<0.000000e+00> : vector<512x64xf32>
      %dot_general3A_197 = tpu.matmul %get3A_12, %get3A_195, %dot_general3A_196 {dimension_numbers = #tpu.dot_dimension_numbers<[1], [0], [0], [1], [0, 0, 1, 1], [], []>, transpose_lhs_hint = false} : vector<512x128xf32>, vector<128x64xf32>, vector<512x64xf32> -> vector<512x64xf32>
      %get3A_198 = arith.constant 2 : index
      %get3A_199 = arith.constant 0 : index
      %get3A_200 = vector.load %arg8[%get3A_198, %get3A_199] : memref<6x64xf32, #tpu.memory_space<vmem>>, vector<1x64xf32>
      %add3A_201 = vector.broadcast %get3A_200 : vector<1x64xf32> to vector<512x64xf32>
      %add3A_202 = arith.addf %dot_general3A_197, %add3A_201 : vector<512x64xf32>
      %max3A_203 = arith.constant 0.000000e+00 : f32
      %max3A_204 = vector.broadcast %max3A_203 : f32 to vector<512x64xf32>
      %max3A_205 = arith.maximumf %add3A_202, %max3A_204 : vector<512x64xf32>
      %get3A_206 = arith.constant 2 : index
      %get3A_207 = arith.constant 0 : index
      %get3A_208 = arith.constant 0 : index
      %get3A_209 = vector.load %arg9[%get3A_206, %get3A_207, %get3A_208] : memref<6x64x128xf32, #tpu.memory_space<vmem>>, vector<1x64x128xf32>
      %get3A_210 = vector.shape_cast %get3A_209 : vector<1x64x128xf32> to vector<64x128xf32>
      %dot_general3A_211 = arith.constant dense<0.000000e+00> : vector<512x128xf32>
      %dot_general3A_212 = tpu.matmul %max3A_205, %get3A_210, %dot_general3A_211 {dimension_numbers = #tpu.dot_dimension_numbers<[1], [0], [0], [1], [0, 0, 1, 1], [], []>, transpose_lhs_hint = false} : vector<512x64xf32>, vector<64x128xf32>, vector<512x128xf32> -> vector<512x128xf32>
      %get3A_213 = arith.constant 2 : index
      %get3A_214 = arith.constant 0 : index
      %get3A_215 = vector.load %arg10[%get3A_213, %get3A_214] : memref<6x128xf32, #tpu.memory_space<vmem>>, vector<1x128xf32>
      %add3A_216 = vector.broadcast %get3A_215 : vector<1x128xf32> to vector<512x128xf32>
      %add3A_217 = arith.addf %dot_general3A_212, %add3A_216 : vector<512x128xf32>
      %tanh3A_218 = math.tanh %add3A_217 : vector<512x128xf32>
      %neg3A_219 = arith.constant 0.000000e+00 : f32
      %neg3A_220 = vector.broadcast %neg3A_219 : f32 to vector<512x128xf32>
      %neg3A_221 = arith.subf %neg3A_220, %tanh3A_218 : vector<512x128xf32>
      %exp3A_222 = math.exp %neg3A_221 : vector<512x128xf32>
      %sub3A_223 = arith.subf %add3A_190, %get3A_163 : vector<512x128xf32>
      %integer_pow3A_224 = arith.mulf %sub3A_223, %sub3A_223 : vector<512x128xf32>
      %sub3A_225 = arith.subf %add3A_190, %get3A_160 : vector<512x128xf32>
      %integer_pow3A_226 = arith.mulf %sub3A_225, %sub3A_225 : vector<512x128xf32>
      %sub3A_227 = arith.subf %integer_pow3A_224, %integer_pow3A_226 : vector<512x128xf32>
      %mul3A_228 = arith.mulf %exp3A_222, %sub3A_227 : vector<512x128xf32>
      %reduce_sum3A_229 = vector.shape_cast %mul3A_228 : vector<512x128xf32> to vector<1x512x128xf32>
      %reduce_sum3A_230 = arith.constant dense<0.000000e+00> : vector<1xf32>
      %reduce_sum3A_231 = vector.multi_reduction <add>, %reduce_sum3A_229, %reduce_sum3A_230 [1, 2] : vector<1x512x128xf32> to vector<1xf32>
      %reduce_sum3A_232 = vector.shape_cast %reduce_sum3A_231 : vector<1xf32> to vector<1x1x1xf32>
      %reduce_sum3A_233 = vector.extract %reduce_sum3A_232[0, 0, 0] : f32 from vector<1x1x1xf32>
      %add3A_234 = arith.addf %add3A_157, %reduce_sum3A_233 : f32
      %get3A_235 = arith.constant 0 : index
      %get3A_236 = arith.constant 128 : index
      %get3A_237 = vector.load %arg1[%get3A_235, %get3A_236] : memref<512x512xf32, #tpu.memory_space<vmem>>, vector<512x128xf32>
      %get3A_238 = arith.constant 0 : index
      %get3A_239 = arith.constant 256 : index
      %get3A_240 = vector.load %arg1[%get3A_238, %get3A_239] : memref<512x512xf32, #tpu.memory_space<vmem>>, vector<512x128xf32>
      %get3A_241 = arith.constant 0 : index
      %get3A_242 = arith.constant 128 : index
      %get3A_243 = vector.load %arg2[%get3A_241, %get3A_242] : memref<512x384xf32, #tpu.memory_space<vmem>>, vector<512x128xf32>
      %get3A_244 = arith.constant 3 : index
      %get3A_245 = arith.constant 0 : index
      %get3A_246 = arith.constant 0 : index
      %get3A_247 = vector.load %arg3[%get3A_244, %get3A_245, %get3A_246] : memref<6x128x64xf32, #tpu.memory_space<vmem>>, vector<1x128x64xf32>
      %get3A_248 = vector.shape_cast %get3A_247 : vector<1x128x64xf32> to vector<128x64xf32>
      %dot_general3A_249 = arith.constant dense<0.000000e+00> : vector<512x64xf32>
      %dot_general3A_250 = tpu.matmul %get3A_237, %get3A_248, %dot_general3A_249 {dimension_numbers = #tpu.dot_dimension_numbers<[1], [0], [0], [1], [0, 0, 1, 1], [], []>, transpose_lhs_hint = false} : vector<512x128xf32>, vector<128x64xf32>, vector<512x64xf32> -> vector<512x64xf32>
      %get3A_251 = arith.constant 3 : index
      %get3A_252 = arith.constant 0 : index
      %get3A_253 = vector.load %arg4[%get3A_251, %get3A_252] : memref<6x64xf32, #tpu.memory_space<vmem>>, vector<1x64xf32>
      %add3A_254 = vector.broadcast %get3A_253 : vector<1x64xf32> to vector<512x64xf32>
      %add3A_255 = arith.addf %dot_general3A_250, %add3A_254 : vector<512x64xf32>
      %max3A_256 = arith.constant 0.000000e+00 : f32
      %max3A_257 = vector.broadcast %max3A_256 : f32 to vector<512x64xf32>
      %max3A_258 = arith.maximumf %add3A_255, %max3A_257 : vector<512x64xf32>
      %get3A_259 = arith.constant 3 : index
      %get3A_260 = arith.constant 0 : index
      %get3A_261 = arith.constant 0 : index
      %get3A_262 = vector.load %arg5[%get3A_259, %get3A_260, %get3A_261] : memref<6x64x128xf32, #tpu.memory_space<vmem>>, vector<1x64x128xf32>
      %get3A_263 = vector.shape_cast %get3A_262 : vector<1x64x128xf32> to vector<64x128xf32>
      %dot_general3A_264 = arith.constant dense<0.000000e+00> : vector<512x128xf32>
      %dot_general3A_265 = tpu.matmul %max3A_258, %get3A_263, %dot_general3A_264 {dimension_numbers = #tpu.dot_dimension_numbers<[1], [0], [0], [1], [0, 0, 1, 1], [], []>, transpose_lhs_hint = false} : vector<512x64xf32>, vector<64x128xf32>, vector<512x128xf32> -> vector<512x128xf32>
      %get3A_266 = arith.constant 3 : index
      %get3A_267 = arith.constant 0 : index
      %get3A_268 = vector.load %arg6[%get3A_266, %get3A_267] : memref<6x128xf32, #tpu.memory_space<vmem>>, vector<1x128xf32>
      %add3A_269 = vector.broadcast %get3A_268 : vector<1x128xf32> to vector<512x128xf32>
      %add3A_270 = arith.addf %dot_general3A_265, %add3A_269 : vector<512x128xf32>
      %get3A_271 = arith.constant 3 : index
      %get3A_272 = arith.constant 0 : index
      %get3A_273 = arith.constant 0 : index
      %get3A_274 = vector.load %arg7[%get3A_271, %get3A_272, %get3A_273] : memref<6x128x64xf32, #tpu.memory_space<vmem>>, vector<1x128x64xf32>
      %get3A_275 = vector.shape_cast %get3A_274 : vector<1x128x64xf32> to vector<128x64xf32>
      %dot_general3A_276 = arith.constant dense<0.000000e+00> : vector<512x64xf32>
      %dot_general3A_277 = tpu.matmul %get3A_237, %get3A_275, %dot_general3A_276 {dimension_numbers = #tpu.dot_dimension_numbers<[1], [0], [0], [1], [0, 0, 1, 1], [], []>, transpose_lhs_hint = false} : vector<512x128xf32>, vector<128x64xf32>, vector<512x64xf32> -> vector<512x64xf32>
      %get3A_278 = arith.constant 3 : index
      %get3A_279 = arith.constant 0 : index
      %get3A_280 = vector.load %arg8[%get3A_278, %get3A_279] : memref<6x64xf32, #tpu.memory_space<vmem>>, vector<1x64xf32>
      %add3A_281 = vector.broadcast %get3A_280 : vector<1x64xf32> to vector<512x64xf32>
      %add3A_282 = arith.addf %dot_general3A_277, %add3A_281 : vector<512x64xf32>
      %max3A_283 = arith.constant 0.000000e+00 : f32
      %max3A_284 = vector.broadcast %max3A_283 : f32 to vector<512x64xf32>
      %max3A_285 = arith.maximumf %add3A_282, %max3A_284 : vector<512x64xf32>
      %get3A_286 = arith.constant 3 : index
      %get3A_287 = arith.constant 0 : index
      %get3A_288 = arith.constant 0 : index
      %get3A_289 = vector.load %arg9[%get3A_286, %get3A_287, %get3A_288] : memref<6x64x128xf32, #tpu.memory_space<vmem>>, vector<1x64x128xf32>
      %get3A_290 = vector.shape_cast %get3A_289 : vector<1x64x128xf32> to vector<64x128xf32>
      %dot_general3A_291 = arith.constant dense<0.000000e+00> : vector<512x128xf32>
      %dot_general3A_292 = tpu.matmul %max3A_285, %get3A_290, %dot_general3A_291 {dimension_numbers = #tpu.dot_dimension_numbers<[1], [0], [0], [1], [0, 0, 1, 1], [], []>, transpose_lhs_hint = false} : vector<512x64xf32>, vector<64x128xf32>, vector<512x128xf32> -> vector<512x128xf32>
      %get3A_293 = arith.constant 3 : index
      %get3A_294 = arith.constant 0 : index
      %get3A_295 = vector.load %arg10[%get3A_293, %get3A_294] : memref<6x128xf32, #tpu.memory_space<vmem>>, vector<1x128xf32>
      %add3A_296 = vector.broadcast %get3A_295 : vector<1x128xf32> to vector<512x128xf32>
      %add3A_297 = arith.addf %dot_general3A_292, %add3A_296 : vector<512x128xf32>
      %tanh3A_298 = math.tanh %add3A_297 : vector<512x128xf32>
      %neg3A_299 = arith.constant 0.000000e+00 : f32
      %neg3A_300 = vector.broadcast %neg3A_299 : f32 to vector<512x128xf32>
      %neg3A_301 = arith.subf %neg3A_300, %tanh3A_298 : vector<512x128xf32>
      %exp3A_302 = math.exp %neg3A_301 : vector<512x128xf32>
      %sub3A_303 = arith.subf %add3A_270, %get3A_243 : vector<512x128xf32>
      %integer_pow3A_304 = arith.mulf %sub3A_303, %sub3A_303 : vector<512x128xf32>
      %sub3A_305 = arith.subf %add3A_270, %get3A_240 : vector<512x128xf32>
      %integer_pow3A_306 = arith.mulf %sub3A_305, %sub3A_305 : vector<512x128xf32>
      %sub3A_307 = arith.subf %integer_pow3A_304, %integer_pow3A_306 : vector<512x128xf32>
      %mul3A_308 = arith.mulf %exp3A_302, %sub3A_307 : vector<512x128xf32>
      %reduce_sum3A_309 = vector.shape_cast %mul3A_308 : vector<512x128xf32> to vector<1x512x128xf32>
      %reduce_sum3A_310 = arith.constant dense<0.000000e+00> : vector<1xf32>
      %reduce_sum3A_311 = vector.multi_reduction <add>, %reduce_sum3A_309, %reduce_sum3A_310 [1, 2] : vector<1x512x128xf32> to vector<1xf32>
      %reduce_sum3A_312 = vector.shape_cast %reduce_sum3A_311 : vector<1xf32> to vector<1x1x1xf32>
      %reduce_sum3A_313 = vector.extract %reduce_sum3A_312[0, 0, 0] : f32 from vector<1x1x1xf32>
      %add3A_314 = arith.addf %add3A_234, %reduce_sum3A_313 : f32
      %get3A_315 = arith.constant 0 : index
      %get3A_316 = arith.constant 384 : index
      %get3A_317 = vector.load %arg1[%get3A_315, %get3A_316] : memref<512x512xf32, #tpu.memory_space<vmem>>, vector<512x128xf32>
      %get3A_318 = arith.constant 0 : index
      %get3A_319 = arith.constant 256 : index
      %get3A_320 = vector.load %arg2[%get3A_318, %get3A_319] : memref<512x384xf32, #tpu.memory_space<vmem>>, vector<512x128xf32>
      %get3A_321 = arith.constant 4 : index
      %get3A_322 = arith.constant 0 : index
      %get3A_323 = arith.constant 0 : index
      %get3A_324 = vector.load %arg3[%get3A_321, %get3A_322, %get3A_323] : memref<6x128x64xf32, #tpu.memory_space<vmem>>, vector<1x128x64xf32>
      %get3A_325 = vector.shape_cast %get3A_324 : vector<1x128x64xf32> to vector<128x64xf32>
      %dot_general3A_326 = arith.constant dense<0.000000e+00> : vector<512x64xf32>
      %dot_general3A_327 = tpu.matmul %get3A_237, %get3A_325, %dot_general3A_326 {dimension_numbers = #tpu.dot_dimension_numbers<[1], [0], [0], [1], [0, 0, 1, 1], [], []>, transpose_lhs_hint = false} : vector<512x128xf32>, vector<128x64xf32>, vector<512x64xf32> -> vector<512x64xf32>
      %get3A_328 = arith.constant 4 : index
      %get3A_329 = arith.constant 0 : index
      %get3A_330 = vector.load %arg4[%get3A_328, %get3A_329] : memref<6x64xf32, #tpu.memory_space<vmem>>, vector<1x64xf32>
      %add3A_331 = vector.broadcast %get3A_330 : vector<1x64xf32> to vector<512x64xf32>
      %add3A_332 = arith.addf %dot_general3A_327, %add3A_331 : vector<512x64xf32>
      %max3A_333 = arith.constant 0.000000e+00 : f32
      %max3A_334 = vector.broadcast %max3A_333 : f32 to vector<512x64xf32>
      %max3A_335 = arith.maximumf %add3A_332, %max3A_334 : vector<512x64xf32>
      %get3A_336 = arith.constant 4 : index
      %get3A_337 = arith.constant 0 : index
      %get3A_338 = arith.constant 0 : index
      %get3A_339 = vector.load %arg5[%get3A_336, %get3A_337, %get3A_338] : memref<6x64x128xf32, #tpu.memory_space<vmem>>, vector<1x64x128xf32>
      %get3A_340 = vector.shape_cast %get3A_339 : vector<1x64x128xf32> to vector<64x128xf32>
      %dot_general3A_341 = arith.constant dense<0.000000e+00> : vector<512x128xf32>
      %dot_general3A_342 = tpu.matmul %max3A_335, %get3A_340, %dot_general3A_341 {dimension_numbers = #tpu.dot_dimension_numbers<[1], [0], [0], [1], [0, 0, 1, 1], [], []>, transpose_lhs_hint = false} : vector<512x64xf32>, vector<64x128xf32>, vector<512x128xf32> -> vector<512x128xf32>
      %get3A_343 = arith.constant 4 : index
      %get3A_344 = arith.constant 0 : index
      %get3A_345 = vector.load %arg6[%get3A_343, %get3A_344] : memref<6x128xf32, #tpu.memory_space<vmem>>, vector<1x128xf32>
      %add3A_346 = vector.broadcast %get3A_345 : vector<1x128xf32> to vector<512x128xf32>
      %add3A_347 = arith.addf %dot_general3A_342, %add3A_346 : vector<512x128xf32>
      %get3A_348 = arith.constant 4 : index
      %get3A_349 = arith.constant 0 : index
      %get3A_350 = arith.constant 0 : index
      %get3A_351 = vector.load %arg7[%get3A_348, %get3A_349, %get3A_350] : memref<6x128x64xf32, #tpu.memory_space<vmem>>, vector<1x128x64xf32>
      %get3A_352 = vector.shape_cast %get3A_351 : vector<1x128x64xf32> to vector<128x64xf32>
      %dot_general3A_353 = arith.constant dense<0.000000e+00> : vector<512x64xf32>
      %dot_general3A_354 = tpu.matmul %get3A_237, %get3A_352, %dot_general3A_353 {dimension_numbers = #tpu.dot_dimension_numbers<[1], [0], [0], [1], [0, 0, 1, 1], [], []>, transpose_lhs_hint = false} : vector<512x128xf32>, vector<128x64xf32>, vector<512x64xf32> -> vector<512x64xf32>
      %get3A_355 = arith.constant 4 : index
      %get3A_356 = arith.constant 0 : index
      %get3A_357 = vector.load %arg8[%get3A_355, %get3A_356] : memref<6x64xf32, #tpu.memory_space<vmem>>, vector<1x64xf32>
      %add3A_358 = vector.broadcast %get3A_357 : vector<1x64xf32> to vector<512x64xf32>
      %add3A_359 = arith.addf %dot_general3A_354, %add3A_358 : vector<512x64xf32>
      %max3A_360 = arith.constant 0.000000e+00 : f32
      %max3A_361 = vector.broadcast %max3A_360 : f32 to vector<512x64xf32>
      %max3A_362 = arith.maximumf %add3A_359, %max3A_361 : vector<512x64xf32>
      %get3A_363 = arith.constant 4 : index
      %get3A_364 = arith.constant 0 : index
      %get3A_365 = arith.constant 0 : index
      %get3A_366 = vector.load %arg9[%get3A_363, %get3A_364, %get3A_365] : memref<6x64x128xf32, #tpu.memory_space<vmem>>, vector<1x64x128xf32>
      %get3A_367 = vector.shape_cast %get3A_366 : vector<1x64x128xf32> to vector<64x128xf32>
      %dot_general3A_368 = arith.constant dense<0.000000e+00> : vector<512x128xf32>
      %dot_general3A_369 = tpu.matmul %max3A_362, %get3A_367, %dot_general3A_368 {dimension_numbers = #tpu.dot_dimension_numbers<[1], [0], [0], [1], [0, 0, 1, 1], [], []>, transpose_lhs_hint = false} : vector<512x64xf32>, vector<64x128xf32>, vector<512x128xf32> -> vector<512x128xf32>
      %get3A_370 = arith.constant 4 : index
      %get3A_371 = arith.constant 0 : index
      %get3A_372 = vector.load %arg10[%get3A_370, %get3A_371] : memref<6x128xf32, #tpu.memory_space<vmem>>, vector<1x128xf32>
      %add3A_373 = vector.broadcast %get3A_372 : vector<1x128xf32> to vector<512x128xf32>
      %add3A_374 = arith.addf %dot_general3A_369, %add3A_373 : vector<512x128xf32>
      %tanh3A_375 = math.tanh %add3A_374 : vector<512x128xf32>
      %neg3A_376 = arith.constant 0.000000e+00 : f32
      %neg3A_377 = vector.broadcast %neg3A_376 : f32 to vector<512x128xf32>
      %neg3A_378 = arith.subf %neg3A_377, %tanh3A_375 : vector<512x128xf32>
      %exp3A_379 = math.exp %neg3A_378 : vector<512x128xf32>
      %sub3A_380 = arith.subf %add3A_347, %get3A_320 : vector<512x128xf32>
      %integer_pow3A_381 = arith.mulf %sub3A_380, %sub3A_380 : vector<512x128xf32>
      %sub3A_382 = arith.subf %add3A_347, %get3A_317 : vector<512x128xf32>
      %integer_pow3A_383 = arith.mulf %sub3A_382, %sub3A_382 : vector<512x128xf32>
      %sub3A_384 = arith.subf %integer_pow3A_381, %integer_pow3A_383 : vector<512x128xf32>
      %mul3A_385 = arith.mulf %exp3A_379, %sub3A_384 : vector<512x128xf32>
      %reduce_sum3A_386 = vector.shape_cast %mul3A_385 : vector<512x128xf32> to vector<1x512x128xf32>
      %reduce_sum3A_387 = arith.constant dense<0.000000e+00> : vector<1xf32>
      %reduce_sum3A_388 = vector.multi_reduction <add>, %reduce_sum3A_386, %reduce_sum3A_387 [1, 2] : vector<1x512x128xf32> to vector<1xf32>
      %reduce_sum3A_389 = vector.shape_cast %reduce_sum3A_388 : vector<1xf32> to vector<1x1x1xf32>
      %reduce_sum3A_390 = vector.extract %reduce_sum3A_389[0, 0, 0] : f32 from vector<1x1x1xf32>
      %add3A_391 = arith.addf %add3A_314, %reduce_sum3A_390 : f32
      %get3A_392 = arith.constant 0 : index
      %get3A_393 = arith.constant 256 : index
      %get3A_394 = vector.load %arg1[%get3A_392, %get3A_393] : memref<512x512xf32, #tpu.memory_space<vmem>>, vector<512x128xf32>
      %get3A_395 = arith.constant 0 : index
      %get3A_396 = arith.constant 384 : index
      %get3A_397 = vector.load %arg1[%get3A_395, %get3A_396] : memref<512x512xf32, #tpu.memory_space<vmem>>, vector<512x128xf32>
      %get3A_398 = arith.constant 0 : index
      %get3A_399 = arith.constant 256 : index
      %get3A_400 = vector.load %arg2[%get3A_398, %get3A_399] : memref<512x384xf32, #tpu.memory_space<vmem>>, vector<512x128xf32>
      %get3A_401 = arith.constant 5 : index
      %get3A_402 = arith.constant 0 : index
      %get3A_403 = arith.constant 0 : index
      %get3A_404 = vector.load %arg3[%get3A_401, %get3A_402, %get3A_403] : memref<6x128x64xf32, #tpu.memory_space<vmem>>, vector<1x128x64xf32>
      %get3A_405 = vector.shape_cast %get3A_404 : vector<1x128x64xf32> to vector<128x64xf32>
      %dot_general3A_406 = arith.constant dense<0.000000e+00> : vector<512x64xf32>
      %dot_general3A_407 = tpu.matmul %get3A_394, %get3A_405, %dot_general3A_406 {dimension_numbers = #tpu.dot_dimension_numbers<[1], [0], [0], [1], [0, 0, 1, 1], [], []>, transpose_lhs_hint = false} : vector<512x128xf32>, vector<128x64xf32>, vector<512x64xf32> -> vector<512x64xf32>
      %get3A_408 = arith.constant 5 : index
      %get3A_409 = arith.constant 0 : index
      %get3A_410 = vector.load %arg4[%get3A_408, %get3A_409] : memref<6x64xf32, #tpu.memory_space<vmem>>, vector<1x64xf32>
      %add3A_411 = vector.broadcast %get3A_410 : vector<1x64xf32> to vector<512x64xf32>
      %add3A_412 = arith.addf %dot_general3A_407, %add3A_411 : vector<512x64xf32>
      %max3A_413 = arith.constant 0.000000e+00 : f32
      %max3A_414 = vector.broadcast %max3A_413 : f32 to vector<512x64xf32>
      %max3A_415 = arith.maximumf %add3A_412, %max3A_414 : vector<512x64xf32>
      %get3A_416 = arith.constant 5 : index
      %get3A_417 = arith.constant 0 : index
      %get3A_418 = arith.constant 0 : index
      %get3A_419 = vector.load %arg5[%get3A_416, %get3A_417, %get3A_418] : memref<6x64x128xf32, #tpu.memory_space<vmem>>, vector<1x64x128xf32>
      %get3A_420 = vector.shape_cast %get3A_419 : vector<1x64x128xf32> to vector<64x128xf32>
      %dot_general3A_421 = arith.constant dense<0.000000e+00> : vector<512x128xf32>
      %dot_general3A_422 = tpu.matmul %max3A_415, %get3A_420, %dot_general3A_421 {dimension_numbers = #tpu.dot_dimension_numbers<[1], [0], [0], [1], [0, 0, 1, 1], [], []>, transpose_lhs_hint = false} : vector<512x64xf32>, vector<64x128xf32>, vector<512x128xf32> -> vector<512x128xf32>
      %get3A_423 = arith.constant 5 : index
      %get3A_424 = arith.constant 0 : index
      %get3A_425 = vector.load %arg6[%get3A_423, %get3A_424] : memref<6x128xf32, #tpu.memory_space<vmem>>, vector<1x128xf32>
      %add3A_426 = vector.broadcast %get3A_425 : vector<1x128xf32> to vector<512x128xf32>
      %add3A_427 = arith.addf %dot_general3A_422, %add3A_426 : vector<512x128xf32>
      %get3A_428 = arith.constant 5 : index
      %get3A_429 = arith.constant 0 : index
      %get3A_430 = arith.constant 0 : index
      %get3A_431 = vector.load %arg7[%get3A_428, %get3A_429, %get3A_430] : memref<6x128x64xf32, #tpu.memory_space<vmem>>, vector<1x128x64xf32>
      %get3A_432 = vector.shape_cast %get3A_431 : vector<1x128x64xf32> to vector<128x64xf32>
      %dot_general3A_433 = arith.constant dense<0.000000e+00> : vector<512x64xf32>
      %dot_general3A_434 = tpu.matmul %get3A_394, %get3A_432, %dot_general3A_433 {dimension_numbers = #tpu.dot_dimension_numbers<[1], [0], [0], [1], [0, 0, 1, 1], [], []>, transpose_lhs_hint = false} : vector<512x128xf32>, vector<128x64xf32>, vector<512x64xf32> -> vector<512x64xf32>
      %get3A_435 = arith.constant 5 : index
      %get3A_436 = arith.constant 0 : index
      %get3A_437 = vector.load %arg8[%get3A_435, %get3A_436] : memref<6x64xf32, #tpu.memory_space<vmem>>, vector<1x64xf32>
      %add3A_438 = vector.broadcast %get3A_437 : vector<1x64xf32> to vector<512x64xf32>
      %add3A_439 = arith.addf %dot_general3A_434, %add3A_438 : vector<512x64xf32>
      %max3A_440 = arith.constant 0.000000e+00 : f32
      %max3A_441 = vector.broadcast %max3A_440 : f32 to vector<512x64xf32>
      %max3A_442 = arith.maximumf %add3A_439, %max3A_441 : vector<512x64xf32>
      %get3A_443 = arith.constant 5 : index
      %get3A_444 = arith.constant 0 : index
      %get3A_445 = arith.constant 0 : index
      %get3A_446 = vector.load %arg9[%get3A_443, %get3A_444, %get3A_445] : memref<6x64x128xf32, #tpu.memory_space<vmem>>, vector<1x64x128xf32>
      %get3A_447 = vector.shape_cast %get3A_446 : vector<1x64x128xf32> to vector<64x128xf32>
      %dot_general3A_448 = arith.constant dense<0.000000e+00> : vector<512x128xf32>
      %dot_general3A_449 = tpu.matmul %max3A_442, %get3A_447, %dot_general3A_448 {dimension_numbers = #tpu.dot_dimension_numbers<[1], [0], [0], [1], [0, 0, 1, 1], [], []>, transpose_lhs_hint = false} : vector<512x64xf32>, vector<64x128xf32>, vector<512x128xf32> -> vector<512x128xf32>
      %get3A_450 = arith.constant 5 : index
      %get3A_451 = arith.constant 0 : index
      %get3A_452 = vector.load %arg10[%get3A_450, %get3A_451] : memref<6x128xf32, #tpu.memory_space<vmem>>, vector<1x128xf32>
      %add3A_453 = vector.broadcast %get3A_452 : vector<1x128xf32> to vector<512x128xf32>
      %add3A_454 = arith.addf %dot_general3A_449, %add3A_453 : vector<512x128xf32>
      %tanh3A_455 = math.tanh %add3A_454 : vector<512x128xf32>
      %neg3A_456 = arith.constant 0.000000e+00 : f32
      %neg3A_457 = vector.broadcast %neg3A_456 : f32 to vector<512x128xf32>
      %neg3A_458 = arith.subf %neg3A_457, %tanh3A_455 : vector<512x128xf32>
      %exp3A_459 = math.exp %neg3A_458 : vector<512x128xf32>
      %sub3A_460 = arith.subf %add3A_427, %get3A_400 : vector<512x128xf32>
      %integer_pow3A_461 = arith.mulf %sub3A_460, %sub3A_460 : vector<512x128xf32>
      %sub3A_462 = arith.subf %add3A_427, %get3A_397 : vector<512x128xf32>
      %integer_pow3A_463 = arith.mulf %sub3A_462, %sub3A_462 : vector<512x128xf32>
      %sub3A_464 = arith.subf %integer_pow3A_461, %integer_pow3A_463 : vector<512x128xf32>
      %mul3A_465 = arith.mulf %exp3A_459, %sub3A_464 : vector<512x128xf32>
      %reduce_sum3A_466 = vector.shape_cast %mul3A_465 : vector<512x128xf32> to vector<1x512x128xf32>
      %reduce_sum3A_467 = arith.constant dense<0.000000e+00> : vector<1xf32>
      %reduce_sum3A_468 = vector.multi_reduction <add>, %reduce_sum3A_466, %reduce_sum3A_467 [1, 2] : vector<1x512x128xf32> to vector<1xf32>
      %reduce_sum3A_469 = vector.shape_cast %reduce_sum3A_468 : vector<1xf32> to vector<1x1x1xf32>
      %reduce_sum3A_470 = vector.extract %reduce_sum3A_469[0, 0, 0] : f32 from vector<1x1x1xf32>
      %add3A_471 = arith.addf %add3A_391, %reduce_sum3A_470 : f32
      %get3A_472 = arith.constant 0 : index
      %get3A_473 = memref.load %arg14[%get3A_472] : memref<1xf32, #tpu.memory_space<smem>>
      %add3A_474 = arith.addf %get3A_473, %add3A_471 : f32
      %swap3A = arith.constant 0 : index
      %swap3A_475 = memref.load %arg14[%swap3A] : memref<1xf32, #tpu.memory_space<smem>>
      memref.store %add3A_474, %arg14[%swap3A] : memref<1xf32, #tpu.memory_space<smem>>
    } else {
    }
    tpu.wait_dma2 semaphore(%arg15 : memref<!tpu.dma_semaphore, #tpu.memory_space<semaphore_mem>>) src(%arg11 : memref<2800x512xf32, #tpu.memory_space<vmem>>) dst(%arg13 : memref<2800x512xf32, #tpu.memory_space<vmem>>)
    %eq3A_6 = arith.constant 35 : i32
    %eq3A_7 = arith.cmpi eq, %arg0, %eq3A_6 : i32
    %convert_element_type3A_8 = arith.extui %eq3A_7 : i1 to i32
    %cond3A_9 = arith.constant 0 : i32
    %cond3A_10 = arith.cmpi ne, %convert_element_type3A_8, %cond3A_9 : i32
    scf.if %cond3A_10 {
      %get3A = arith.constant 0 : index
      %get3A_11 = memref.load %arg14[%get3A] : memref<1xf32, #tpu.memory_space<smem>>
      %div3A = arith.constant 3.276800e+04 : f32
      %div3A_12 = arith.divf %get3A_11, %div3A : f32
      %swap3A = arith.constant 0 : index
      %swap3A_13 = arith.constant 0 : index
      %swap3A_14 = memref.load %arg12[%swap3A, %swap3A_13] : memref<1x1xf32, #tpu.memory_space<smem>>
      memref.store %div3A_12, %arg12[%swap3A, %swap3A_13] : memref<1x1xf32, #tpu.memory_space<smem>>
    } else {
    }
    return
  }
  func.func @transform_0(%arg0: i32) -> (i32, i32) {
    %min3A = arith.constant 31 : i32
    %min3A_0 = arith.minsi %arg0, %min3A : i32
    %c0_i32 = arith.constant 0 : i32
    %c0_i32_1 = arith.constant 0 : i32
    return %min3A_0, %c0_i32 : i32, i32
  }
  func.func @transform_1(%arg0: i32) -> (i32, i32) {
    %min3A = arith.constant 31 : i32
    %min3A_0 = arith.minsi %arg0, %min3A : i32
    %c0_i32 = arith.constant 0 : i32
    %c0_i32_1 = arith.constant 0 : i32
    return %min3A_0, %c0_i32 : i32, i32
  }
  func.func @transform_2(%arg0: i32) -> (i32, i32, i32) {
    %c0_i32 = arith.constant 0 : i32
    %c0_i32_0 = arith.constant 0 : i32
    %c0_i32_1 = arith.constant 0 : i32
    %c0_i32_2 = arith.constant 0 : i32
    return %c0_i32, %c0_i32_0, %c0_i32_1 : i32, i32, i32
  }
  func.func @transform_3(%arg0: i32) -> (i32, i32) {
    %c0_i32 = arith.constant 0 : i32
    %c0_i32_0 = arith.constant 0 : i32
    %c0_i32_1 = arith.constant 0 : i32
    return %c0_i32, %c0_i32_0 : i32, i32
  }
  func.func @transform_4(%arg0: i32) -> (i32, i32, i32) {
    %c0_i32 = arith.constant 0 : i32
    %c0_i32_0 = arith.constant 0 : i32
    %c0_i32_1 = arith.constant 0 : i32
    %c0_i32_2 = arith.constant 0 : i32
    return %c0_i32, %c0_i32_0, %c0_i32_1 : i32, i32, i32
  }
  func.func @transform_5(%arg0: i32) -> (i32, i32) {
    %c0_i32 = arith.constant 0 : i32
    %c0_i32_0 = arith.constant 0 : i32
    %c0_i32_1 = arith.constant 0 : i32
    return %c0_i32, %c0_i32_0 : i32, i32
  }
  func.func @transform_6(%arg0: i32) -> (i32, i32, i32) {
    %c0_i32 = arith.constant 0 : i32
    %c0_i32_0 = arith.constant 0 : i32
    %c0_i32_1 = arith.constant 0 : i32
    %c0_i32_2 = arith.constant 0 : i32
    return %c0_i32, %c0_i32_0, %c0_i32_1 : i32, i32, i32
  }
  func.func @transform_7(%arg0: i32) -> (i32, i32) {
    %c0_i32 = arith.constant 0 : i32
    %c0_i32_0 = arith.constant 0 : i32
    %c0_i32_1 = arith.constant 0 : i32
    return %c0_i32, %c0_i32_0 : i32, i32
  }
  func.func @transform_8(%arg0: i32) -> (i32, i32, i32) {
    %c0_i32 = arith.constant 0 : i32
    %c0_i32_0 = arith.constant 0 : i32
    %c0_i32_1 = arith.constant 0 : i32
    %c0_i32_2 = arith.constant 0 : i32
    return %c0_i32, %c0_i32_0, %c0_i32_1 : i32, i32, i32
  }
  func.func @transform_9(%arg0: i32) -> (i32, i32) {
    %c0_i32 = arith.constant 0 : i32
    %c0_i32_0 = arith.constant 0 : i32
    %c0_i32_1 = arith.constant 0 : i32
    return %c0_i32, %c0_i32_0 : i32, i32
  }
  func.func @transform_10(%arg0: i32) -> (i32, i32) {
    %c0_i32 = arith.constant 0 : i32
    %c0_i32_0 = arith.constant 0 : i32
    return %arg0, %c0_i32 : i32, i32
  }
  func.func @transform_11(%arg0: i32) -> (i32, i32) {
    %c0_i32 = arith.constant 0 : i32
    %c0_i32_0 = arith.constant 0 : i32
    %c0_i32_1 = arith.constant 0 : i32
    return %c0_i32, %c0_i32_0 : i32, i32
  }
  func.func @transform_12(%arg0: i32) -> (i32, i32) {
    %c0_i32 = arith.constant 0 : i32
    %c0_i32_0 = arith.constant 0 : i32
    return %arg0, %c0_i32 : i32, i32
  }
}

</mosaic_0001>

<sc_bundles>
// kernel: kernel.5.cloned.1.call-start
scs
__scs_entry_jumppad:
0x0: {  	(pc) =	sbr.rel $0x88, $3  }
0x1: {  	(tag) =	ssettag $0x0;
	lr =	simm.s32 $0x1  }
0x2: {  	[smem:$0x3F95] =	sst lr;
	_ =	strace $0xD0000000  }
0x3: {  	_ = 	snop  }
0x4: {  	_ = 	snop  }
0x5: {  	_ = 	snop  }
0x6: {  	_ = 	snop  }
0x7: {  	_ = 	snop  }
__scs_overlays_trampoline_lowered:
0x8: {  	[smem:$0x3FA4] =	sst s0  }
0x9: {  	[smem:$0x3FA5] =	sst s1  }
0xa: {  	[smem:$0x3FA6] =	sst s2  }
0xb: {  	[smem:$0x3FA7] =	sst s3  }
0xc: {  	[smem:$0x3FA8] =	sst s4  }
0xd: {  	[smem:$0x3FA9] =	sst s5  }
0xe: {  	[smem:$0x3FAA] =	sst s6  }
0xf: {  	[smem:$0x3FAB] =	sst s7  }
0x10: {  	[smem:$0x3FAC] =	sst s8  }
0x11: {  	[smem:$0x3FAD] =	sst s9;
	s0 =	simm.s32 @!p0 $0x0  }
0x12: {  	s1 =	sld [smem:$0x3F93];
	s0 =	simm.s32 @p0 $0x1  }
0x13: {  	[smem:$0x3FAE] =	sst s0;
	s0 =	simm.s32 @!p1 $0x0  }
0x14: {  	s2 =	sld [smem:$0x3F92];
	s0 =	simm.s32 @p1 $0x1  }
0x15: {  	[smem:$0x3FAF] =	sst s0;
	s0 =	simm.s32 @!p2 $0x0  }
0x16: {  	s3 =	sld [smem:$0x3FDB];
	s0 =	simm.s32 @p2 $0x1  }
0x17: {  	s4 =	simm.s32 $0x1BF5;
	[smem:$0x3FB1] =	sst s0  }
0x18: {  	s0 =	sld [smem:$0x3F94];
	_ =	swait.ge [sflag:s4], $0x0  }
0x19: {  	s7 =	sld [smem:$0x3F95]  }
0x1a: {  	s8 =	sadd.s32 $0xFFFFE003, lr  }
0x1b: {  	s9 =	sadd.s32 $0xFFFFFEF7, lr;
	s5 =	simm.s32 $0xFFFFFFFF;
	p2 =	slt.u32 s8, $0xFFFFF086  }
0x1c: {  	p1 =	slt.u32 s9, $0xF7A;
	s5 =	simm.s32 @!p2 $0x0  }
0x1d: {  	s5 =	simm.s32 @p1 $0x1;
	p0 =	seq.s32 s7, s2  }
0x1e: {  	s7 =	smul.u32 @!p0 $0xF7A, s2;
	p2 =	seq.s32 @!p0 s5, $0x0  }
0x1f: {  	s9 =	smul.u32 $0xF7A, s1;
	s8 =	simm.s32 @!p0 $0x1BF5;
	p2 =	por !p2, p0  }
0x20: {  	[sflag:s8] =	ssyncset.s32 @!p0 $0xFFFFF086;
	s6 =	sadd.s32 @!p0 s3, s7;
	s7 =	simm.s32 @!p0 $0x108  }
0x21: {  	s3 =	sadd.s32 s3, s9;
	s6 =	sadd.s32 @!p0 $0x88, s6;
	s7 =	simm.s32 @p2 $0x1082  }
0x22: {  	[simem:s7], [sflag:s8] =	dma.local @!p0 [hbm:s6], $0xF7A  }
0x23: {  	s9 =	sor.u32 $0xD0000000, s2;
	s6 =	simm.s32 $0x108;
	_ =	swait.ge @!p0 [sflag:s8], $0x0  }
0x24: {  	s3 =	sadd.s32 $0x88, s3;
	s6 =	simm.s32 @!p1 $0x1082;
	[sflag:s4] =	ssyncset.s32 $0xFFFFF086  }
0x25: {  	[simem:s6], [sflag:s4] =	dma.local [hbm:s3], $0xF7A  }
0x26: {  	[smem:$0x3F95] =	sst s1;
	(tag) =	ssettag s2;
	_ =	strace s9  }
0x27: {  	s1 =	sld [smem:$0x3FA5]  }
0x28: {  	s2 =	sld [smem:$0x3FA6]  }
0x29: {  	s4 =	sld [smem:$0x3FA8]  }
0x2a: {  	p0 =	seq.s32 s5, $0x0;
	s5 =	sld [smem:$0x3FA9]  }
0x2b: {  	s6 =	sld [smem:$0x3FAA]  }
0x2c: {  	s7 =	sld [smem:$0x3FAB]  }
0x2d: {  	s3 =	simm.s32 $0x108;
	s8 =	sld [smem:$0x3FAC]  }
0x2e: {  	s3 =	simm.s32 @!p0 $0x1082;
	s9 =	sld [smem:$0x3FAD]  }
0x2f: {  	lr =	sadd.s32 s0, s3;
	s0 =	sld [smem:$0x3FA4]  }
0x30: {  	s3 =	sld [smem:$0x3FA7]  }
0x31: {  	[smem:$0x3FB0] =	sst s10  }
0x32: {  	s10 =	sld [smem:$0x3FAE];
	_ =	sdelay $0x3  }
0x33: {  	p0 =	seq.s32 s10, $0x1;
	s10 =	sld [smem:$0x3FB0];
	_ =	sdelay $0x3  }
0x34: {  	[smem:$0x3FB0] =	sst s10  }
0x35: {  	s10 =	sld [smem:$0x3FAF];
	_ =	sdelay $0x3  }
0x36: {  	p1 =	seq.s32 s10, $0x1;
	s10 =	sld [smem:$0x3FB0];
	_ =	sdelay $0x3  }
0x37: {  	[smem:$0x3FB0] =	sst s10  }
0x38: {  	s10 =	sld [smem:$0x3FB1]  }
0x39: {  	_ = 	snop;
	(pc) =	sbr.ind lr, $3  }
0x3a: {  	_ = 	snop  }
0x3b: {  	_ = 	snop  }
0x3c: {  	p2 =	seq.s32 s10, $0x1;
	s10 =	sld [smem:$0x3FB0]  }
0x3d: {  	_ =	shalt  }
0x3e: {  	_ =	shalt  }
0x3f: {  	_ =	shalt  }
0x40: {  	_ =	shalt  }
0x41: {  	_ =	shalt  }
0x42: {  	_ =	shalt  }
0x43: {  	_ =	shalt  }
0x44: {  	_ =	shalt  }
0x45: {  	_ =	shalt  }
0x46: {  	_ =	shalt  }
0x47: {  	_ =	shalt  }
0x48: {  	_ =	shalt  }
0x49: {  	_ =	shalt  }
0x4a: {  	_ =	shalt  }
0x4b: {  	_ =	shalt  }
0x4c: {  	_ =	shalt  }
0x4d: {  	_ =	shalt  }
0x4e: {  	_ =	shalt  }
0x4f: {  	_ =	shalt  }
0x50: {  	_ =	shalt  }
0x51: {  	_ =	shalt  }
0x52: {  	_ =	shalt  }
0x53: {  	_ =	shalt  }
0x54: {  	_ =	shalt  }
0x55: {  	_ =	shalt  }
0x56: {  	_ =	shalt  }
0x57: {  	_ =	shalt  }
0x58: {  	_ =	shalt  }
0x59: {  	_ =	shalt  }
0x5a: {  	_ =	shalt  }
0x5b: {  	_ =	shalt  }
0x5c: {  	_ =	shalt  }
0x5d: {  	_ =	shalt  }
0x5e: {  	_ =	shalt  }
0x5f: {  	_ =	shalt  }
0x60: {  	_ =	shalt  }
0x61: {  	_ =	shalt  }
0x62: {  	_ =	shalt  }
0x63: {  	_ =	shalt  }
0x64: {  	_ =	shalt  }
0x65: {  	_ =	shalt  }
0x66: {  	_ =	shalt  }
0x67: {  	_ =	shalt  }
0x68: {  	_ =	shalt  }
0x69: {  	_ =	shalt  }
0x6a: {  	_ =	shalt  }
0x6b: {  	_ =	shalt  }
0x6c: {  	_ =	shalt  }
0x6d: {  	_ =	shalt  }
0x6e: {  	_ =	shalt  }
0x6f: {  	_ =	shalt  }
0x70: {  	_ =	shalt  }
0x71: {  	_ =	shalt  }
0x72: {  	_ =	shalt  }
0x73: {  	_ =	shalt  }
0x74: {  	_ =	shalt  }
0x75: {  	_ =	shalt  }
0x76: {  	_ =	shalt  }
0x77: {  	_ =	shalt  }
0x78: {  	_ =	shalt  }
0x79: {  	_ =	shalt  }
0x7a: {  	_ =	shalt  }
0x7b: {  	_ =	shalt  }
0x7c: {  	_ =	shalt  }
0x7d: {  	_ =	shalt  }
0x7e: {  	_ =	shalt  }
0x7f: {  	_ =	shalt  }
0x80: {  	_ =	shalt  }
0x81: {  	_ =	shalt  }
0x82: {  	_ =	shalt  }
0x83: {  	_ =	shalt  }
0x84: {  	_ =	shalt  }
0x85: {  	_ =	shalt  }
0x86: {  	_ =	shalt  }
0x87: {  	_ =	shalt  }
.Lfunc_end0:
.L_simem_size_0:
called_computation_lowered:
.L_overlay_start_0:
0x88: {  	s2 =	sld [smem:$0x3FD9]  }
0x89: {  	s3 =	sld [smem:$0x3FFE];
	_ =	sdelay $0x1  }
0x8a: {  	s1 =	srdreg.scid  }
0x8b: {  	s0 =	sand.u32 $0x1, s1  }
0x8c: {  	s14 =	sshll.u32 s0, $0xA;
	s2 =	sadd.s32 s3, s2  }
0x8d: {  	s2 =	sadd.s32 s2, s14  }
0x8e: {  	[smem:$0x3FBC] =	sst s2  }
0x8f: {  	_ = 	snop  }
0x90: {  	s2 =	sld [smem:$0x3FD0];
	_ =	sdelay $0x1  }
0x91: {  	s15 =	sld [smem:$0x3FC9]  }
0x92: {  	s5 =	simm.s32 $0xB;
	s6 =	simm.s32 $0x10;
	s4 =	sld [smem:$0x3FBF]  }
0x93: {  	[smem:s6], [sflag:s5] =	dma.local [hbm:s2], $0x1  }
0x94: {  	_ =	swait.eq [sflag:s5], $0x1  }
0x95: {  	[sflag:s5] =	ssyncset.done $0x0  }
0x96: {  	s16 =	sld [smem:$0x10];
	[sflag:s5] =	ssyncadd.s32 $0xFFFFFFFF  }
0x97: {  	s17 =	sld [smem:$0x12];
	(tm) =	ssettm $0x1  }
0x98: {  	s18 =	sld [smem:$0x3FFB];
	_ =	sdelay $0x3  }
0x99: {  	_ =	strace s18  }
0x9a: {  	s6 =	sld [smem:$0x3FFC];
	_ =	sdelay $0x3  }
0x9b: {  	_ =	strace s6  }
0x9c: {  	s6 =	sld [smem:$0x3FFD];
	_ =	sdelay $0x3  }
0x9d: {  	_ =	strace s6  }
0x9e: {  	_ =	strace $0x8FFFFFFF  }
0x9f: {  	s19 =	sld [smem:$0x3FDB];
	_ =	sdelay $0x1  }
0xa0: {  	s7 =	simm.s32 $_scs_section_size  }
0xa1: {  	s8 =	simm.s32 $_size__tile_overlayer_lowered;
	s9 =	simm.s32 $_tile_overlayer_lowered  }
0xa2: {  	s22 =	simm.s32 $0x1BFF;
	s21 =	sshll.u32 s9, $0x1;
	s6 =	sadd.s32 s7, s19  }
0xa3: {  	s10 =	simm.s32 $0x0;
	s20 =	sshll.u32 s8, $0x1;
	s8 =	sadd.s32 s21, s6  }
0xa4: {  	[timem:s10], [sflag:s22] =	dma.local [hbm:s8], s20  }
0xa5: {  	_ =	swait.ge [sflag:s22], s20  }
0xa6: {  	s7 =	ssub.s32 $0x0, s20;
	[sflag:s22] =	ssyncset.done $0x0  }
0xa7: {  	[sflag:s22] =	ssyncadd.s32 s7;
	_ =	sdelay $0x1  }
0xa8: {  	s23 =	simm.s32 $0x1B8B  }
0xa9: {  	_ =	swait.ge [sflag:s23], $0x1  }
0xaa: {  	[sflag:s23] =	ssyncset.done $0x0  }
0xab: {  	s25 =	simm.s32 $0x1B8E;
	s24 =	sld [smem:$0x3FFE];
	[sflag:s23] =	ssyncadd.s32 $0xFFFFFFFF  }
0xac: {  	s26 =	simm.s32 $execute0_lowered;
	[smem:$0x3FD2] =	sst s25  }
0xad: {  	s8 =	sshll.u32 s26, $0x1;
	_ =	strace $0x80000046;
	[dreg:$0x1] =	wrdreg $0xFFFFFFFF  }
0xae: {  	s28 =	simm.s32 $_size_execute0_lowered;
	s6 =	sadd.s32 s6, s8;
	[dreg:$0x0] =	wrdreg $0x0  }
0xaf: {  	s8 =	sshll.u32 s28, $0x1;
	[dreg:$0x2] =	wrdreg s6  }
0xb0: {  	[dreg:$0x3] =	wrdreg s8  }
0xb1: {  	[dreg:$0x4] =	wrdreg $0xC0  }
0xb2: {  	_ =	task [dreg:s10], $0x5FFFF  }
0xb3: {  	[dreg:$0x1] =	wrdreg $0xFFFFFFFF  }
0xb4: {  	[dreg:$0x0] =	wrdreg $0x60  }
0xb5: {  	[dreg:$0x2] =	wrdreg s15  }
0xb6: {  	[dreg:$0x3] =	wrdreg s4  }
0xb7: {  	[dreg:$0x4] =	wrdreg s17  }
0xb8: {  	[dreg:$0x5] =	wrdreg s16  }
0xb9: {  	[dreg:$0x6] =	wrdreg s24  }
0xba: {  	[dreg:$0x7] =	wrdreg $0x9  }
0xbb: {  	_ =	task.clear_ibuf [dreg:s10], $0x8FFFF;
	_ =	strace $0x90000046  }
0xbc: {  	s29 =	simm.s32 $0x9;
	_ =	strace $0x80000048  }
0xbd: {  	_ =	swait.ge [sflag:s29], $0x1  }
0xbe: {  	[sflag:s29] =	ssyncadd.s32 $0xFFFFFFFF  }
0xbf: {  	_ =	strace $0x90000048  }
0xc0: {  	_ =	sfence  }
0xc1: {  	s30 =	sld [smem:$0x0];
	_ =	sdelay $0x2  }
0xc2: {  	s31 =	sshll.u32 s1, $0xD;
	s1 =	sshrl.u32 s1, $0x2  }
0xc3: {  	s3 =	sand.u32 $0x4000, s31;
	s1 =	sadd.s32 s1, s30  }
0xc4: {  	s0 =	sor.u32 s3, s0;
	s1 =	sshll.u32 s1, $0x11  }
0xc5: {  	s0 =	sor.u32 s1, s0  }
0xc6: {  	s0 =	sadd.s32 $0x8F2B, s0  }
0xc7: {  	[sflag:s0] =	ssyncadd.remote.s32 $0x1  }
0xc8: {  	_ =	sfence.sel $0xFFFF  }
0xc9: {  	[dreg:$0x0] =	wrdreg $0xFFFFFFFF;
	(pc) =	sbr.abs _section_cstart, $3  }
0xca: {  	[dreg:$0x1] =	wrdreg $0xFFFFFFFF  }
0xcb: {  	_ =	task.clear_ibuf [dreg:s10], $0x2FFFF;
	_ =	strace $0x9FFFFFFF  }
0xcc: {  	(tm) =	ssettm $0x7FFFFFFF  }
0xcd: {  	_ =	shalt  }
tec
execute0_lowered:
.L_overlay_start_1:
0x0: {  	(tag) =	ssettag $0x1  }
0x1: {  	s1 =	rddreg [dreg:$0x0]  }
0x2: {  	s9 =	rddreg [dreg:$0x1]  }
0x3: {  	s5 =	rddreg [dreg:$0x2]  }
0x4: {  	s0 =	rddreg [dreg:$0x3]  }
0x5: {  	s2 =	rddreg [dreg:$0x4];
	s3 =	srdreg.scid  }
0x6: {  	s6 =	stileid.u32;
	s4 =	simm.s32 $0x0;
	s30 =	simm.s32 $0x3  }
0x7: {  	s3 =	sand.u32 $0x1, s3;
	s6 =	sshll.u32 s6, $0xA;
	[smem:$0x7FF] =	sst s4  }
0x8: {  	s2 =	sadd.s32 $0x1E00, s2;
	s7 =	sshll.u32 s3, $0x9;
	s3 =	ssub.s32 $0x2, s3  }
0x9: {  	_ =	strace $0x80000047;
	s7 =	sor.u32 s7, s6;
	s8 =	sshrl.u32 s3, $0x1  }
0xa: {  	s6 =	sshrl.u32 s7, $0x3;
	s3 =	ssub.s32 s3, s8;
	s7 =	sshll.u32 s7, $0x6  }
0xb: {  	s9 =	sadd.s32 s9, s6;
	s5 =	sadd.s32 s5, s6;
	s11 =	smul.u32 $0x180, s6  }
0xc: {  	s7 =	sadd.s32 s0, s7;
	s12 =	sor.u32 $0x4, s6;
	s16 =	sor.u32 $0x8, s6  }
0xd: {  	s18 =	sor.u32 $0xC, s6;
	s21 =	sor.u32 $0x10, s6;
	s23 =	sor.u32 $0x14, s6  }
0xe: {  	s26 =	sor.u32 $0x18, s6;
	s29 =	sor.u32 $0x1C, s6;
	[dreg:$0x6] =	wrdreg s9  }
0xf: {  	s10 =	sor.u32 $0x20, s6;
	[dreg:$0x7] =	wrdreg s5;
	s5 =	sadd.s32 $0x100, s1  }
0x10: {  	[dreg:$0x8] =	wrdreg s7;
	s14 =	sshll.u32 s12, $0x9;
	s15 =	smul.u32 $0x180, s12  }
0x11: {  	s17 =	sshll.u32 s16, $0x9;
	s9 =	smul.u32 $0x180, s16;
	s20 =	sshll.u32 s18, $0x9  }
0x12: {  	s22 =	sshll.u32 s21, $0x9;
	s25 =	sshll.u32 s23, $0x9;
	s28 =	sshll.u32 s26, $0x9  }
0x13: {  	s12 =	sor.u32 $0x24, s6;
	s13 =	sadd.s32 s2, s11;
	s7 =	sadd.s32 s0, s14  }
0x14: {  	s11 =	sshll.u32 s10, $0x9;
	s14 =	sshll.u32 s12, $0x9;
	[dreg:$0x18] =	wrdreg s13  }
0x15: {  	[dreg:$0x9] =	wrdreg s7;
	s8 =	sadd.s32 s2, s15;
	s7 =	sadd.s32 s0, s17  }
0x16: {  	s19 =	sadd.s32 s2, s9;
	s9 =	smul.u32 $0x180, s21;
	[dreg:$0x19] =	wrdreg s8  }
0x17: {  	s15 =	sor.u32 $0x28, s6;
	s17 =	sor.u32 $0x2C, s6;
	[dreg:$0xa] =	wrdreg s7  }
0x18: {  	[dreg:$0x1a] =	wrdreg s19;
	s7 =	sadd.s32 s0, s20;
	s8 =	smul.u32 $0x180, s18  }
0x19: {  	s16 =	sshll.u32 s15, $0x9;
	[dreg:$0xb] =	wrdreg s7;
	s7 =	sadd.s32 s0, s22  }
0x1a: {  	s19 =	sshll.u32 s17, $0x9;
	s24 =	sadd.s32 s2, s9;
	[dreg:$0xc] =	wrdreg s7  }
0x1b: {  	s20 =	sor.u32 $0x30, s6;
	s8 =	sadd.s32 s2, s8;
	[dreg:$0x1c] =	wrdreg s24  }
0x1c: {  	s9 =	smul.u32 $0x180, s26;
	s7 =	sadd.s32 s0, s25;
	[dreg:$0x1b] =	wrdreg s8  }
0x1d: {  	s8 =	smul.u32 $0x180, s23;
	[dreg:$0xd] =	wrdreg s7;
	s7 =	sadd.s32 s0, s28  }
0x1e: {  	s31 =	sadd.s32 s2, s9;
	s9 =	sshll.u32 s29, $0x9;
	[dreg:$0xe] =	wrdreg s7  }
0x1f: {  	s21 =	sshll.u32 s20, $0x9;
	[dreg:$0x1e] =	wrdreg s31;
	s7 =	sadd.s32 s0, s9  }
0x20: {  	s9 =	smul.u32 $0x180, s10;
	s8 =	sadd.s32 s2, s8;
	[dreg:$0xf] =	wrdreg s7  }
0x21: {  	s24 =	sor.u32 $0x38, s6;
	s7 =	sadd.s32 s0, s11;
	[dreg:$0x1d] =	wrdreg s8  }
0x22: {  	s25 =	sshll.u32 s24, $0x9;
	[dreg:$0x10] =	wrdreg s7;
	s13 =	sadd.s32 s2, s9  }
0x23: {  	s8 =	smul.u32 $0x180, s29;
	s7 =	sadd.s32 s0, s14;
	[smem:$0x7F6] =	sst s13  }
0x24: {  	s9 =	smul.u32 $0x180, s15;
	[dreg:$0x11] =	wrdreg s7;
	s7 =	sadd.s32 s0, s16  }
0x25: {  	s26 =	smul.u32 $0x180, s24;
	s8 =	sadd.s32 s2, s8;
	[dreg:$0x12] =	wrdreg s7  }
0x26: {  	s24 =	simm.s32 $0x1;
	s18 =	sadd.s32 s2, s9;
	[dreg:$0x1f] =	wrdreg s8  }
0x27: {  	s7 =	sadd.s32 s0, s19;
	s9 =	smul.u32 $0x180, s20;
	[smem:$0x7F8] =	sst s18  }
0x28: {  	s8 =	smul.u32 $0x180, s12;
	[dreg:$0x13] =	wrdreg s7;
	s18 =	sor.u32 $0x34, s6  }
0x29: {  	s7 =	sadd.s32 s0, s21;
	s6 =	sor.u32 $0x3C, s6;
	s22 =	sshll.u32 s18, $0x9  }
0x2a: {  	[dreg:$0x14] =	wrdreg s7;
	s19 =	smul.u32 $0x180, s18;
	s7 =	sadd.s32 s0, s25  }
0x2b: {  	s28 =	sshll.u32 s6, $0x9;
	s9 =	sadd.s32 s2, s9;
	[dreg:$0x16] =	wrdreg s7  }
0x2c: {  	s6 =	smul.u32 $0x180, s6;
	s8 =	sadd.s32 s2, s8;
	[smem:$0x7FA] =	sst s9  }
0x2d: {  	s23 =	sadd.s32 s0, s22;
	s0 =	sadd.s32 s0, s28;
	[smem:$0x7F7] =	sst s8  }
0x2e: {  	s7 =	sadd.s32 s2, s26;
	s26 =	simm.s32 $0x4;
	[dreg:$0x15] =	wrdreg s23  }
0x2f: {  	s9 =	simm.s32 $0xC;
	s8 =	smul.u32 $0x180, s17;
	[smem:$0x7FC] =	sst s7  }
0x30: {  	s29 =	sadd.s32 s2, s19;
	[dreg:$0x17] =	wrdreg s0;
	s31 =	sadd.s32 s2, s6  }
0x31: {  	v2 =	vlaneseq.u32;
	s0 =	simm.s32 $0x7;
	s7 =	simm.s32 $0x6;
	[smem:$0x7FB] =	sst s29  }
0x32: {  	vm0 =	vmmov $0xffff;
	v1 =	vshrl.u32 v2, $0x3;
	[smem:$0x7FD] =	sst s31;
	s8 =	sadd.s32 s2, s8;
	s2 =	smax.u32 s3, $0x1  }
0x33: {  	v0 =	vand.u32 $0x7, v2;
	v2 =	vor.u32 $0x8, v2;
	v1 =	vmul.u32 $0x8, v1;
	s3 =	simm.s32 $0xA;
	[smem:$0x7F9] =	sst s8;
	s8 =	simm.s32 $0x9  }
.LBB2_1:
0x34: {  	[smem:$0x7F5] =	sst s2  }
0x35: {  	s10 =	rddreg [dreg:$0x6];
	s11 =	simm.s32 $0xE  }
0x36: {  	[tilespmem:s4], [sflag:$0xE] =	stream.linear.gather [hbm4b:s10+s4], $0x200, $0x38;
	[tilespmem:$0x18600] =	vst v63  }
0x37: {  	_ =	swait.ge [sflag:s11], $0x200  }
0x38: {  	[sflag:s11] =	ssyncset.done $0x0  }
0x39: {  	s12 =	simm.s32 $0x400;
	s31 =	rddreg [dreg:$0x7];
	[sflag:s11] =	ssyncadd.s32 $0xFFFFFE00  }
0x3a: {  	[tilespmem:s12], [sflag:$0xE] =	stream.linear.gather [hbm4b:s31+s4], $0x200, $0x38;
	[tilespmem:$0x18600] =	vst v63  }
0x3b: {  	_ =	swait.ge [sflag:s11], $0x200  }
0x3c: {  	[sflag:s11] =	ssyncset.done $0x0  }
0x3d: {  	[sflag:s11] =	ssyncadd.s32 $0xFFFFFE00  }
0x3e: {  	s6 =	simm.s32 $0x200;
	s11 =	simm.s32 $0xD;
	s2 =	rddreg [dreg:$0x1]  }
0x3f: {  	[tilespmem:s6], [sflag:$0xD] =	stream.indirect.gather [hbm4b:s2+s6], $0x1, s12, s6, $0xb8;
	[tilespmem:$0x18600] =	vst v63  }
0x40: {  	_ =	swait.ge [sflag:s11], $0x200  }
0x41: {  	[sflag:s11] =	ssyncset.done $0x0  }
0x42: {  	[sflag:s11] =	ssyncadd.s32 $0xFFFFFE00  }
0x43: {  	v3 =	vld [tilespmem:$0x0];
	_ =	sdelay $0x4  }
0x44: {  	v4 =	vshll.u32 v3, $0x2  }
0x45: {  	v3 =	vand.u32 $0x7, v3;
	v4 =	vand.u32 $0xFFFFFFE0, v4  }
0x46: {  	v3 =	vor.u32 v3, v4  }
0x47: {  	v4 =	vperm.xlane v3, v0;
	_ =	sdelay $0x1  }
0x48: {  	v4 =	vadd.s32 v1, v4;
	_ =	sdelay $0x1  }
0x49: {  	v3 =	vperm.xlane v3, v2;
	_ =	sdelay $0x1  }
0x4a: {  	s12 =	simm.s32 $0x600;
	v3 =	vadd.s32 v1, v3  }
0x4b: {  	[tilespmem:s12], [sflag:$0x1] =	stream.indirect_vreg.gather [hbm4b:s1+s4], $0x80, v4, vm0, $0xb8;
	[tilespmem:$0x18600] =	vst v63  }
0x4c: {  	s13 =	simm.s32 $0xE00  }
0x4d: {  	[tilespmem:s13], [sflag:$0x1] =	stream.indirect_vreg.gather [hbm4b:s5+s4], $0x80, v4, vm0, $0xb8;
	[tilespmem:$0x18600] =	vst v63  }
0x4e: {  	s14 =	simm.s32 $0x1600  }
0x4f: {  	[tilespmem:s14], [sflag:$0x1] =	stream.indirect_vreg.gather [hbm4b:s1+s4], $0x80, v3, vm0, $0xb8;
	[tilespmem:$0x18600] =	vst v63  }
0x50: {  	s15 =	simm.s32 $0x1E00  }
0x51: {  	[tilespmem:s15], [sflag:$0x1] =	stream.indirect_vreg.gather [hbm4b:s5+s4], $0x80, v3, vm0, $0xb8;
	[tilespmem:$0x18600] =	vst v63  }
0x52: {  	v3 =	vld [tilespmem:$0x10];
	_ =	sdelay $0x4  }
0x53: {  	v57 =	vshll.u32 v3, $0x2  }
0x54: {  	v3 =	vand.u32 $0x7, v3;
	v4 =	vand.u32 $0xFFFFFFE0, v57  }
0x55: {  	v3 =	vor.u32 v3, v4  }
0x56: {  	v4 =	vperm.xlane v3, v0;
	_ =	sdelay $0x1  }
0x57: {  	v4 =	vadd.s32 v1, v4;
	_ =	sdelay $0x1  }
0x58: {  	v3 =	vperm.xlane v3, v2;
	_ =	sdelay $0x1  }
0x59: {  	s16 =	simm.s32 $0x2600;
	v3 =	vadd.s32 v1, v3  }
0x5a: {  	[tilespmem:s16], [sflag:$0x1] =	stream.indirect_vreg.gather [hbm4b:s1+s4], $0x80, v4, vm0, $0xb8;
	[tilespmem:$0x18600] =	vst v63  }
0x5b: {  	s17 =	simm.s32 $0x2E00  }
0x5c: {  	[tilespmem:s17], [sflag:$0x1] =	stream.indirect_vreg.gather [hbm4b:s5+s4], $0x80, v4, vm0, $0xb8;
	[tilespmem:$0x18600] =	vst v63  }
0x5d: {  	s18 =	simm.s32 $0x3600  }
0x5e: {  	[tilespmem:s18], [sflag:$0x1] =	stream.indirect_vreg.gather [hbm4b:s1+s4], $0x80, v3, vm0, $0xb8;
	[tilespmem:$0x18600] =	vst v63  }
0x5f: {  	s19 =	simm.s32 $0x3E00  }
0x60: {  	[tilespmem:s19], [sflag:$0x1] =	stream.indirect_vreg.gather [hbm4b:s5+s4], $0x80, v3, vm0, $0xb8;
	[tilespmem:$0x18600] =	vst v63  }
0x61: {  	v3 =	vld [tilespmem:$0x200];
	_ =	sdelay $0x4  }
0x62: {  	v58 =	vshll.u32 v3, $0x2  }
0x63: {  	v3 =	vand.u32 $0x7, v3;
	v4 =	vand.u32 $0xFFFFFFE0, v58  }
0x64: {  	v3 =	vor.u32 v3, v4  }
0x65: {  	v4 =	vperm.xlane v3, v0;
	_ =	sdelay $0x1  }
0x66: {  	v4 =	vadd.s32 v1, v4;
	_ =	sdelay $0x1  }
0x67: {  	v3 =	vperm.xlane v3, v2;
	_ =	sdelay $0x1  }
0x68: {  	s20 =	simm.s32 $0xC600;
	v3 =	vadd.s32 v1, v3  }
0x69: {  	[tilespmem:s20], [sflag:$0x4] =	stream.indirect_vreg.gather [hbm4b:s1+s4], $0x80, v4, vm0, $0xb8;
	[tilespmem:$0x18600] =	vst v63  }
0x6a: {  	s21 =	simm.s32 $0xCE00  }
0x6b: {  	[tilespmem:s21], [sflag:$0x4] =	stream.indirect_vreg.gather [hbm4b:s5+s4], $0x80, v4, vm0, $0xb8;
	[tilespmem:$0x18600] =	vst v63  }
0x6c: {  	s23 =	simm.s32 $0xD600  }
0x6d: {  	[tilespmem:s23], [sflag:$0x4] =	stream.indirect_vreg.gather [hbm4b:s1+s4], $0x80, v3, vm0, $0xb8;
	[tilespmem:$0x18600] =	vst v63  }
0x6e: {  	s25 =	simm.s32 $0xDE00  }
0x6f: {  	[tilespmem:s25], [sflag:$0x4] =	stream.indirect_vreg.gather [hbm4b:s5+s4], $0x80, v3, vm0, $0xb8;
	[tilespmem:$0x18600] =	vst v63  }
0x70: {  	v3 =	vld [tilespmem:$0x210];
	_ =	sdelay $0x4  }
0x71: {  	v59 =	vshll.u32 v3, $0x2  }
0x72: {  	v3 =	vand.u32 $0x7, v3;
	v4 =	vand.u32 $0xFFFFFFE0, v59  }
0x73: {  	v3 =	vor.u32 v3, v4  }
0x74: {  	v4 =	vperm.xlane v3, v0;
	_ =	sdelay $0x1  }
0x75: {  	v4 =	vadd.s32 v1, v4;
	_ =	sdelay $0x1  }
0x76: {  	v3 =	vperm.xlane v3, v2;
	_ =	sdelay $0x1  }
0x77: {  	s28 =	simm.s32 $0xE600;
	v3 =	vadd.s32 v1, v3  }
0x78: {  	[tilespmem:s28], [sflag:$0x4] =	stream.indirect_vreg.gather [hbm4b:s1+s4], $0x80, v4, vm0, $0xb8;
	[tilespmem:$0x18600] =	vst v63  }
0x79: {  	s6 =	simm.s32 $0xEE00  }
0x7a: {  	[tilespmem:s6], [sflag:$0x4] =	stream.indirect_vreg.gather [hbm4b:s5+s4], $0x80, v4, vm0, $0xb8;
	[tilespmem:$0x18600] =	vst v63  }
0x7b: {  	s11 =	simm.s32 $0xF600  }
0x7c: {  	[tilespmem:s11], [sflag:$0x4] =	stream.indirect_vreg.gather [hbm4b:s1+s4], $0x80, v3, vm0, $0xb8;
	[tilespmem:$0x18600] =	vst v63  }
0x7d: {  	s14 =	simm.s32 $0xFE00  }
0x7e: {  	[tilespmem:s14], [sflag:$0x4] =	stream.indirect_vreg.gather [hbm4b:s5+s4], $0x80, v3, vm0, $0xb8;
	[tilespmem:$0x18600] =	vst v63  }
0x7f: {  	v3 =	vld [tilespmem:$0x20];
	_ =	sdelay $0x4  }
0x80: {  	v60 =	vshll.u32 v3, $0x2  }
0x81: {  	v3 =	vand.u32 $0x7, v3;
	v4 =	vand.u32 $0xFFFFFFE0, v60  }
0x82: {  	v3 =	vor.u32 v3, v4  }
0x83: {  	v4 =	vperm.xlane v3, v0;
	_ =	sdelay $0x1  }
0x84: {  	v4 =	vadd.s32 v1, v4;
	_ =	sdelay $0x1  }
0x85: {  	v3 =	vperm.xlane v3, v2;
	_ =	sdelay $0x1  }
0x86: {  	s18 =	simm.s32 $0x4600;
	v3 =	vadd.s32 v1, v3  }
0x87: {  	[tilespmem:s18], [sflag:$0x2] =	stream.indirect_vreg.gather [hbm4b:s1+s4], $0x80, v4, vm0, $0xb8;
	[tilespmem:$0x18600] =	vst v63  }
0x88: {  	s23 =	simm.s32 $0x4E00  }
0x89: {  	[tilespmem:s23], [sflag:$0x2] =	stream.indirect_vreg.gather [hbm4b:s5+s4], $0x80, v4, vm0, $0xb8;
	[tilespmem:$0x18600] =	vst v63  }
0x8a: {  	s25 =	simm.s32 $0x5600  }
0x8b: {  	[tilespmem:s25], [sflag:$0x2] =	stream.indirect_vreg.gather [hbm4b:s1+s4], $0x80, v3, vm0, $0xb8;
	[tilespmem:$0x18600] =	vst v63  }
0x8c: {  	s28 =	simm.s32 $0x5E00  }
0x8d: {  	[tilespmem:s28], [sflag:$0x2] =	stream.indirect_vreg.gather [hbm4b:s5+s4], $0x80, v3, vm0, $0xb8;
	[tilespmem:$0x18600] =	vst v63  }
0x8e: {  	v3 =	vld [tilespmem:$0x30];
	_ =	sdelay $0x4  }
0x8f: {  	v61 =	vshll.u32 v3, $0x2  }
0x90: {  	v3 =	vand.u32 $0x7, v3;
	v4 =	vand.u32 $0xFFFFFFE0, v61  }
0x91: {  	v3 =	vor.u32 v3, v4  }
0x92: {  	v4 =	vperm.xlane v3, v0;
	_ =	sdelay $0x1  }
0x93: {  	v4 =	vadd.s32 v1, v4;
	_ =	sdelay $0x1  }
0x94: {  	v3 =	vperm.xlane v3, v2;
	_ =	sdelay $0x1  }
0x95: {  	s11 =	simm.s32 $0x6600;
	v3 =	vadd.s32 v1, v3  }
0x96: {  	[tilespmem:s11], [sflag:$0x2] =	stream.indirect_vreg.gather [hbm4b:s1+s4], $0x80, v4, vm0, $0xb8;
	[tilespmem:$0x18600] =	vst v63  }
0x97: {  	s14 =	simm.s32 $0x6E00  }
0x98: {  	[tilespmem:s14], [sflag:$0x2] =	stream.indirect_vreg.gather [hbm4b:s5+s4], $0x80, v4, vm0, $0xb8;
	[tilespmem:$0x18600] =	vst v63  }
0x99: {  	s18 =	simm.s32 $0x7600  }
0x9a: {  	[tilespmem:s18], [sflag:$0x2] =	stream.indirect_vreg.gather [hbm4b:s1+s4], $0x80, v3, vm0, $0xb8;
	[tilespmem:$0x18600] =	vst v63  }
0x9b: {  	s25 =	simm.s32 $0x7E00  }
0x9c: {  	[tilespmem:s25], [sflag:$0x2] =	stream.indirect_vreg.gather [hbm4b:s5+s4], $0x80, v3, vm0, $0xb8;
	[tilespmem:$0x18600] =	vst v63  }
0x9d: {  	v3 =	vld [tilespmem:$0x220];
	_ =	sdelay $0x4  }
0x9e: {  	v62 =	vshll.u32 v3, $0x2  }
0x9f: {  	v3 =	vand.u32 $0x7, v3;
	v4 =	vand.u32 $0xFFFFFFE0, v62  }
0xa0: {  	v3 =	vor.u32 v3, v4  }
0xa1: {  	v4 =	vperm.xlane v3, v0;
	_ =	sdelay $0x1  }
0xa2: {  	v4 =	vadd.s32 v1, v4;
	_ =	sdelay $0x1  }
0xa3: {  	v3 =	vperm.xlane v3, v2;
	_ =	sdelay $0x1  }
0xa4: {  	s28 =	simm.s32 $0x10600;
	v3 =	vadd.s32 v1, v3  }
0xa5: {  	[tilespmem:s28], [sflag:$0x5] =	stream.indirect_vreg.gather [hbm4b:s1+s4], $0x80, v4, vm0, $0xb8;
	[tilespmem:$0x18600] =	vst v63  }
0xa6: {  	s11 =	simm.s32 $0x10E00  }
0xa7: {  	[tilespmem:s11], [sflag:$0x5] =	stream.indirect_vreg.gather [hbm4b:s5+s4], $0x80, v4, vm0, $0xb8;
	[tilespmem:$0x18600] =	vst v63  }
0xa8: {  	s14 =	simm.s32 $0x11600  }
0xa9: {  	[tilespmem:s14], [sflag:$0x5] =	stream.indirect_vreg.gather [hbm4b:s1+s4], $0x80, v3, vm0, $0xb8;
	[tilespmem:$0x18600] =	vst v63  }
0xaa: {  	s25 =	simm.s32 $0x11E00  }
0xab: {  	[tilespmem:s25], [sflag:$0x5] =	stream.indirect_vreg.gather [hbm4b:s5+s4], $0x80, v3, vm0, $0xb8;
	[tilespmem:$0x18600] =	vst v63  }
0xac: {  	v3 =	vld [tilespmem:$0x230];
	_ =	sdelay $0x4  }
0xad: {  	v63 =	vshll.u32 v3, $0x2  }
0xae: {  	v3 =	vand.u32 $0x7, v3;
	v4 =	vand.u32 $0xFFFFFFE0, v63  }
0xaf: {  	v3 =	vor.u32 v3, v4  }
0xb0: {  	v4 =	vperm.xlane v3, v0;
	_ =	sdelay $0x1  }
0xb1: {  	v4 =	vadd.s32 v1, v4;
	_ =	sdelay $0x1  }
0xb2: {  	v3 =	vperm.xlane v3, v2;
	_ =	sdelay $0x1  }
0xb3: {  	s28 =	simm.s32 $0x12600;
	v3 =	vadd.s32 v1, v3  }
0xb4: {  	[tilespmem:s28], [sflag:$0x5] =	stream.indirect_vreg.gather [hbm4b:s1+s4], $0x80, v4, vm0, $0xb8;
	[tilespmem:$0x18600] =	vst v63  }
0xb5: {  	s11 =	simm.s32 $0x12E00  }
0xb6: {  	[tilespmem:s11], [sflag:$0x5] =	stream.indirect_vreg.gather [hbm4b:s5+s4], $0x80, v4, vm0, $0xb8;
	[tilespmem:$0x18600] =	vst v63  }
0xb7: {  	s14 =	simm.s32 $0x13600  }
0xb8: {  	[tilespmem:s14], [sflag:$0x5] =	stream.indirect_vreg.gather [hbm4b:s1+s4], $0x80, v3, vm0, $0xb8;
	[tilespmem:$0x18600] =	vst v63  }
0xb9: {  	s28 =	simm.s32 $0x13E00  }
0xba: {  	[tilespmem:s28], [sflag:$0x5] =	stream.indirect_vreg.gather [hbm4b:s5+s4], $0x80, v3, vm0, $0xb8;
	[tilespmem:$0x18600] =	vst v63  }
0xbb: {  	v3 =	vld [tilespmem:$0x40];
	_ =	sdelay $0x4  }
0xbc: {  	v8 =	vshll.u32 v3, $0x2  }
0xbd: {  	v3 =	vand.u32 $0x7, v3;
	v4 =	vand.u32 $0xFFFFFFE0, v8  }
0xbe: {  	v3 =	vor.u32 v3, v4  }
0xbf: {  	v4 =	vperm.xlane v3, v0;
	_ =	sdelay $0x1  }
0xc0: {  	v4 =	vadd.s32 v1, v4;
	_ =	sdelay $0x1  }
0xc1: {  	v3 =	vperm.xlane v3, v2;
	_ =	sdelay $0x1  }
0xc2: {  	s11 =	simm.s32 $0x8600;
	v3 =	vadd.s32 v1, v3  }
0xc3: {  	[tilespmem:s11], [sflag:$0x3] =	stream.indirect_vreg.gather [hbm4b:s1+s4], $0x80, v4, vm0, $0xb8;
	[tilespmem:$0x18600] =	vst v63  }
0xc4: {  	s14 =	simm.s32 $0x8E00  }
0xc5: {  	[tilespmem:s14], [sflag:$0x3] =	stream.indirect_vreg.gather [hbm4b:s5+s4], $0x80, v4, vm0, $0xb8;
	[tilespmem:$0x18600] =	vst v63  }
0xc6: {  	s11 =	simm.s32 $0x9600  }
0xc7: {  	[tilespmem:s11], [sflag:$0x3] =	stream.indirect_vreg.gather [hbm4b:s1+s4], $0x80, v3, vm0, $0xb8;
	[tilespmem:$0x18600] =	vst v63  }
0xc8: {  	s14 =	simm.s32 $0x9E00  }
0xc9: {  	[tilespmem:s14], [sflag:$0x3] =	stream.indirect_vreg.gather [hbm4b:s5+s4], $0x80, v3, vm0, $0xb8;
	[tilespmem:$0x18600] =	vst v63  }
0xca: {  	v3 =	vld [tilespmem:$0x50];
	_ =	sdelay $0x4  }
0xcb: {  	v9 =	vshll.u32 v3, $0x2  }
0xcc: {  	v3 =	vand.u32 $0x7, v3;
	v4 =	vand.u32 $0xFFFFFFE0, v9  }
0xcd: {  	v3 =	vor.u32 v3, v4  }
0xce: {  	v4 =	vperm.xlane v3, v0;
	_ =	sdelay $0x1  }
0xcf: {  	v4 =	vadd.s32 v1, v4;
	_ =	sdelay $0x1  }
0xd0: {  	v3 =	vperm.xlane v3, v2;
	_ =	sdelay $0x1  }
0xd1: {  	s11 =	simm.s32 $0xA600;
	v3 =	vadd.s32 v1, v3  }
0xd2: {  	[tilespmem:s11], [sflag:$0x3] =	stream.indirect_vreg.gather [hbm4b:s1+s4], $0x80, v4, vm0, $0xb8;
	[tilespmem:$0x18600] =	vst v63  }
0xd3: {  	s14 =	simm.s32 $0xAE00  }
0xd4: {  	[tilespmem:s14], [sflag:$0x3] =	stream.indirect_vreg.gather [hbm4b:s5+s4], $0x80, v4, vm0, $0xb8;
	[tilespmem:$0x18600] =	vst v63  }
0xd5: {  	s11 =	simm.s32 $0xB600  }
0xd6: {  	[tilespmem:s11], [sflag:$0x3] =	stream.indirect_vreg.gather [hbm4b:s1+s4], $0x80, v3, vm0, $0xb8;
	[tilespmem:$0x18600] =	vst v63  }
0xd7: {  	s14 =	simm.s32 $0xBE00  }
0xd8: {  	[tilespmem:s14], [sflag:$0x3] =	stream.indirect_vreg.gather [hbm4b:s5+s4], $0x80, v3, vm0, $0xb8;
	[tilespmem:$0x18600] =	vst v63  }
0xd9: {  	v3 =	vld [tilespmem:$0x240];
	_ =	sdelay $0x4  }
0xda: {  	v10 =	vshll.u32 v3, $0x2  }
0xdb: {  	v3 =	vand.u32 $0x7, v3;
	v4 =	vand.u32 $0xFFFFFFE0, v10  }
0xdc: {  	v3 =	vor.u32 v3, v4  }
0xdd: {  	v4 =	vperm.xlane v3, v0;
	_ =	sdelay $0x1  }
0xde: {  	v4 =	vadd.s32 v1, v4;
	_ =	sdelay $0x1  }
0xdf: {  	v3 =	vperm.xlane v3, v2;
	_ =	sdelay $0x1  }
0xe0: {  	s11 =	simm.s32 $0x14600;
	v3 =	vadd.s32 v1, v3  }
0xe1: {  	[tilespmem:s11], [sflag:$0x6] =	stream.indirect_vreg.gather [hbm4b:s1+s4], $0x80, v4, vm0, $0xb8;
	[tilespmem:$0x18600] =	vst v63  }
0xe2: {  	s14 =	simm.s32 $0x14E00  }
0xe3: {  	[tilespmem:s14], [sflag:$0x6] =	stream.indirect_vreg.gather [hbm4b:s5+s4], $0x80, v4, vm0, $0xb8;
	[tilespmem:$0x18600] =	vst v63  }
0xe4: {  	s11 =	simm.s32 $0x15600  }
0xe5: {  	[tilespmem:s11], [sflag:$0x6] =	stream.indirect_vreg.gather [hbm4b:s1+s4], $0x80, v3, vm0, $0xb8;
	[tilespmem:$0x18600] =	vst v63  }
0xe6: {  	s14 =	simm.s32 $0x15E00  }
0xe7: {  	[tilespmem:s14], [sflag:$0x6] =	stream.indirect_vreg.gather [hbm4b:s5+s4], $0x80, v3, vm0, $0xb8;
	[tilespmem:$0x18600] =	vst v63  }
0xe8: {  	v3 =	vld [tilespmem:$0x250];
	_ =	sdelay $0x4  }
0xe9: {  	v11 =	vshll.u32 v3, $0x2  }
0xea: {  	v3 =	vand.u32 $0x7, v3;
	v4 =	vand.u32 $0xFFFFFFE0, v11  }
0xeb: {  	v3 =	vor.u32 v3, v4  }
0xec: {  	v4 =	vperm.xlane v3, v0;
	_ =	sdelay $0x1  }
0xed: {  	v4 =	vadd.s32 v1, v4;
	_ =	sdelay $0x1  }
0xee: {  	v3 =	vperm.xlane v3, v2;
	_ =	sdelay $0x1  }
0xef: {  	s11 =	simm.s32 $0x16600;
	v3 =	vadd.s32 v1, v3  }
0xf0: {  	[tilespmem:s11], [sflag:$0x6] =	stream.indirect_vreg.gather [hbm4b:s1+s4], $0x80, v4, vm0, $0xb8;
	[tilespmem:$0x18600] =	vst v63  }
0xf1: {  	s14 =	simm.s32 $0x16E00  }
0xf2: {  	[tilespmem:s14], [sflag:$0x6] =	stream.indirect_vreg.gather [hbm4b:s5+s4], $0x80, v4, vm0, $0xb8;
	[tilespmem:$0x18600] =	vst v63  }
0xf3: {  	s11 =	simm.s32 $0x17600  }
0xf4: {  	[tilespmem:s11], [sflag:$0x6] =	stream.indirect_vreg.gather [hbm4b:s1+s4], $0x80, v3, vm0, $0xb8;
	[tilespmem:$0x18600] =	vst v63  }
0xf5: {  	s14 =	simm.s32 $0x17E00  }
0xf6: {  	[tilespmem:s14], [sflag:$0x6] =	stream.indirect_vreg.gather [hbm4b:s5+s4], $0x80, v3, vm0, $0xb8;
	[tilespmem:$0x18600] =	vst v63  }
0xf7: {  	_ =	swait.ge [sflag:s24], $0x4000  }
0xf8: {  	[sflag:s24] =	ssyncset.done $0x0  }
0xf9: {  	[sflag:s24] =	ssyncadd.s32 $0xFFFFC000  }
0xfa: {  	_ =	swait.ge [sflag:s26], $0x4000  }
0xfb: {  	[sflag:s26] =	ssyncset.done $0x0  }
0xfc: {  	s22 =	simm.s32 $0x600;
	s11 =	rddreg [dreg:$0x8];
	[sflag:s26] =	ssyncadd.s32 $0xFFFFC000  }
0xfd: {  	[hbm4b:s11+s4] =	stream.linear.scatter [tilespmem:s22], [sflag:$0x7], $0x4000, $0x38;
	[tilespmem:$0x18600] =	vst v63  }
0xfe: {  	s14 =	simm.s32 $0xCA00;
	s11 =	rddreg [dreg:$0x18]  }
0xff: {  	[hbm4b:s11+s4] =	stream.linear.scatter [tilespmem:s14], [sflag:$0xA], $0xC00, $0x38;
	[tilespmem:$0x18600] =	vst v63  }
0x100: {  	s10 =	sadd.s32 $0x180, s11;
	s14 =	simm.s32 $0xDA00  }
0x101: {  	[hbm4b:s10+s4] =	stream.linear.scatter [tilespmem:s14], [sflag:$0xA], $0xC00, $0x38;
	[tilespmem:$0x18600] =	vst v63  }
0x102: {  	s10 =	sadd.s32 $0x300, s11;
	s14 =	simm.s32 $0xEA00  }
0x103: {  	[hbm4b:s10+s4] =	stream.linear.scatter [tilespmem:s14], [sflag:$0xA], $0xC00, $0x38;
	[tilespmem:$0x18600] =	vst v63  }
0x104: {  	s11 =	sadd.s32 $0x480, s11;
	s14 =	simm.s32 $0xFA00  }
0x105: {  	[hbm4b:s11+s4] =	stream.linear.scatter [tilespmem:s14], [sflag:$0xA], $0xC00, $0x38;
	[tilespmem:$0x18600] =	vst v63  }
0x106: {  	_ =	swait.ge [sflag:s0], $0x4000  }
0x107: {  	[sflag:s0] =	ssyncset.done $0x0  }
0x108: {  	[sflag:s0] =	ssyncadd.s32 $0xFFFFC000  }
0x109: {  	_ =	swait.ge [sflag:s3], $0x3000  }
0x10a: {  	[sflag:s3] =	ssyncset.done $0x0  }
0x10b: {  	[sflag:s3] =	ssyncadd.s32 $0xFFFFD000  }
0x10c: {  	v3 =	vld [tilespmem:$0x60];
	_ =	sdelay $0x4  }
0x10d: {  	v12 =	vshll.u32 v3, $0x2  }
0x10e: {  	v3 =	vand.u32 $0x7, v3;
	v4 =	vand.u32 $0xFFFFFFE0, v12  }
0x10f: {  	v3 =	vor.u32 v3, v4  }
0x110: {  	v4 =	vperm.xlane v3, v0;
	_ =	sdelay $0x1  }
0x111: {  	v4 =	vadd.s32 v1, v4;
	_ =	sdelay $0x1  }
0x112: {  	v3 =	vperm.xlane v3, v2;
	_ =	sdelay $0x1  }
0x113: {  	v3 =	vadd.s32 v1, v3  }
0x114: {  	[tilespmem:s22], [sflag:$0x1] =	stream.indirect_vreg.gather [hbm4b:s1+s4], $0x80, v4, vm0, $0xb8;
	[tilespmem:$0x18600] =	vst v63  }
0x115: {  	s29 =	simm.s32 $0xE00  }
0x116: {  	[tilespmem:s29], [sflag:$0x1] =	stream.indirect_vreg.gather [hbm4b:s5+s4], $0x80, v4, vm0, $0xb8;
	[tilespmem:$0x18600] =	vst v63  }
0x117: {  	s11 =	simm.s32 $0x1600  }
0x118: {  	[tilespmem:s11], [sflag:$0x1] =	stream.indirect_vreg.gather [hbm4b:s1+s4], $0x80, v3, vm0, $0xb8;
	[tilespmem:$0x18600] =	vst v63  }
0x119: {  	s31 =	simm.s32 $0x1E00  }
0x11a: {  	[tilespmem:s31], [sflag:$0x1] =	stream.indirect_vreg.gather [hbm4b:s5+s4], $0x80, v3, vm0, $0xb8;
	[tilespmem:$0x18600] =	vst v63  }
0x11b: {  	v3 =	vld [tilespmem:$0x70];
	_ =	sdelay $0x4  }
0x11c: {  	v13 =	vshll.u32 v3, $0x2  }
0x11d: {  	v3 =	vand.u32 $0x7, v3;
	v4 =	vand.u32 $0xFFFFFFE0, v13  }
0x11e: {  	v3 =	vor.u32 v3, v4  }
0x11f: {  	v4 =	vperm.xlane v3, v0;
	_ =	sdelay $0x1  }
0x120: {  	v4 =	vadd.s32 v1, v4;
	_ =	sdelay $0x1  }
0x121: {  	v3 =	vperm.xlane v3, v2;
	_ =	sdelay $0x1  }
0x122: {  	s14 =	simm.s32 $0x2600;
	v3 =	vadd.s32 v1, v3  }
0x123: {  	[tilespmem:s14], [sflag:$0x1] =	stream.indirect_vreg.gather [hbm4b:s1+s4], $0x80, v4, vm0, $0xb8;
	[tilespmem:$0x18600] =	vst v63  }
0x124: {  	s15 =	simm.s32 $0x2E00  }
0x125: {  	[tilespmem:s15], [sflag:$0x1] =	stream.indirect_vreg.gather [hbm4b:s5+s4], $0x80, v4, vm0, $0xb8;
	[tilespmem:$0x18600] =	vst v63  }
0x126: {  	s15 =	simm.s32 $0x3600  }
0x127: {  	[tilespmem:s15], [sflag:$0x1] =	stream.indirect_vreg.gather [hbm4b:s1+s4], $0x80, v3, vm0, $0xb8;
	[tilespmem:$0x18600] =	vst v63  }
0x128: {  	s2 =	simm.s32 $0x3E00  }
0x129: {  	[tilespmem:s2], [sflag:$0x1] =	stream.indirect_vreg.gather [hbm4b:s5+s4], $0x80, v3, vm0, $0xb8;
	[tilespmem:$0x18600] =	vst v63  }
0x12a: {  	v3 =	vld [tilespmem:$0x260];
	_ =	sdelay $0x4  }
0x12b: {  	v14 =	vshll.u32 v3, $0x2  }
0x12c: {  	v3 =	vand.u32 $0x7, v3;
	v4 =	vand.u32 $0xFFFFFFE0, v14  }
0x12d: {  	v3 =	vor.u32 v3, v4  }
0x12e: {  	v4 =	vperm.xlane v3, v0;
	_ =	sdelay $0x1  }
0x12f: {  	v4 =	vadd.s32 v1, v4;
	_ =	sdelay $0x1  }
0x130: {  	v3 =	vperm.xlane v3, v2;
	_ =	sdelay $0x1  }
0x131: {  	s13 =	simm.s32 $0xC600;
	v3 =	vadd.s32 v1, v3  }
0x132: {  	[tilespmem:s13], [sflag:$0x4] =	stream.indirect_vreg.gather [hbm4b:s1+s4], $0x80, v4, vm0, $0xb8;
	[tilespmem:$0x18600] =	vst v63  }
0x133: {  	s17 =	simm.s32 $0xCE00  }
0x134: {  	[tilespmem:s17], [sflag:$0x4] =	stream.indirect_vreg.gather [hbm4b:s5+s4], $0x80, v4, vm0, $0xb8;
	[tilespmem:$0x18600] =	vst v63  }
0x135: {  	s16 =	simm.s32 $0xD600  }
0x136: {  	[tilespmem:s16], [sflag:$0x4] =	stream.indirect_vreg.gather [hbm4b:s1+s4], $0x80, v3, vm0, $0xb8;
	[tilespmem:$0x18600] =	vst v63  }
0x137: {  	s12 =	simm.s32 $0xDE00  }
0x138: {  	[tilespmem:s12], [sflag:$0x4] =	stream.indirect_vreg.gather [hbm4b:s5+s4], $0x80, v3, vm0, $0xb8;
	[tilespmem:$0x18600] =	vst v63  }
0x139: {  	v3 =	vld [tilespmem:$0x270];
	_ =	sdelay $0x4  }
0x13a: {  	v15 =	vshll.u32 v3, $0x2  }
0x13b: {  	v3 =	vand.u32 $0x7, v3;
	v4 =	vand.u32 $0xFFFFFFE0, v15  }
0x13c: {  	v3 =	vor.u32 v3, v4  }
0x13d: {  	v4 =	vperm.xlane v3, v0;
	_ =	sdelay $0x1  }
0x13e: {  	v4 =	vadd.s32 v1, v4;
	_ =	sdelay $0x1  }
0x13f: {  	v3 =	vperm.xlane v3, v2;
	_ =	sdelay $0x1  }
0x140: {  	s19 =	simm.s32 $0xE600;
	v3 =	vadd.s32 v1, v3  }
0x141: {  	[tilespmem:s19], [sflag:$0x4] =	stream.indirect_vreg.gather [hbm4b:s1+s4], $0x80, v4, vm0, $0xb8;
	[tilespmem:$0x18600] =	vst v63  }
0x142: {  	s20 =	simm.s32 $0xEE00  }
0x143: {  	[tilespmem:s20], [sflag:$0x4] =	stream.indirect_vreg.gather [hbm4b:s5+s4], $0x80, v4, vm0, $0xb8;
	[tilespmem:$0x18600] =	vst v63  }
0x144: {  	s21 =	simm.s32 $0xF600  }
0x145: {  	[tilespmem:s21], [sflag:$0x4] =	stream.indirect_vreg.gather [hbm4b:s1+s4], $0x80, v3, vm0, $0xb8;
	[tilespmem:$0x18600] =	vst v63  }
0x146: {  	s6 =	simm.s32 $0xFE00;
	s29 =	simm.s32 $0x2  }
0x147: {  	[tilespmem:s6], [sflag:$0x4] =	stream.indirect_vreg.gather [hbm4b:s5+s4], $0x80, v3, vm0, $0xb8;
	[tilespmem:$0x18600] =	vst v63  }
0x148: {  	_ =	swait.ge [sflag:s29], $0x4000  }
0x149: {  	[sflag:s29] =	ssyncset.done $0x0  }
0x14a: {  	s6 =	simm.s32 $0x5;
	[sflag:s29] =	ssyncadd.s32 $0xFFFFC000  }
0x14b: {  	_ =	swait.ge [sflag:s6], $0x4000  }
0x14c: {  	[sflag:s6] =	ssyncset.done $0x0  }
0x14d: {  	s20 =	simm.s32 $0x4600;
	s19 =	rddreg [dreg:$0x9];
	[sflag:s6] =	ssyncadd.s32 $0xFFFFC000  }
0x14e: {  	[hbm4b:s19+s4] =	stream.linear.scatter [tilespmem:s20], [sflag:$0x8], $0x4000, $0x38;
	[tilespmem:$0x18600] =	vst v63  }
0x14f: {  	s31 =	simm.s32 $0x10A00;
	s22 =	rddreg [dreg:$0x19]  }
0x150: {  	[hbm4b:s22+s4] =	stream.linear.scatter [tilespmem:s31], [sflag:$0xB], $0xC00, $0x38;
	[tilespmem:$0x18600] =	vst v63  }
0x151: {  	s13 =	simm.s32 $0x11A00;
	s2 =	sadd.s32 $0x180, s22  }
0x152: {  	[hbm4b:s2+s4] =	stream.linear.scatter [tilespmem:s13], [sflag:$0xB], $0xC00, $0x38;
	[tilespmem:$0x18600] =	vst v63  }
0x153: {  	s15 =	simm.s32 $0x12A00;
	s14 =	sadd.s32 $0x300, s22  }
0x154: {  	[hbm4b:s14+s4] =	stream.linear.scatter [tilespmem:s15], [sflag:$0xB], $0xC00, $0x38;
	[tilespmem:$0x18600] =	vst v63  }
0x155: {  	s17 =	simm.s32 $0x13A00;
	s21 =	simm.s32 $0x8;
	s16 =	sadd.s32 $0x480, s22  }
0x156: {  	[hbm4b:s16+s4] =	stream.linear.scatter [tilespmem:s17], [sflag:$0xB], $0xC00, $0x38;
	[tilespmem:$0x18600] =	vst v63  }
0x157: {  	_ =	swait.ge [sflag:s21], $0x4000  }
0x158: {  	[sflag:s21] =	ssyncset.done $0x0  }
0x159: {  	s31 =	simm.s32 $0xB;
	[sflag:s21] =	ssyncadd.s32 $0xFFFFC000  }
0x15a: {  	_ =	swait.ge [sflag:s31], $0x3000  }
0x15b: {  	[sflag:s31] =	ssyncset.done $0x0  }
0x15c: {  	[sflag:s31] =	ssyncadd.s32 $0xFFFFD000  }
0x15d: {  	v3 =	vld [tilespmem:$0x80];
	_ =	sdelay $0x4  }
0x15e: {  	v16 =	vshll.u32 v3, $0x2  }
0x15f: {  	v3 =	vand.u32 $0x7, v3;
	v4 =	vand.u32 $0xFFFFFFE0, v16  }
0x160: {  	v3 =	vor.u32 v3, v4  }
0x161: {  	v4 =	vperm.xlane v3, v0;
	_ =	sdelay $0x1  }
0x162: {  	v4 =	vadd.s32 v1, v4;
	_ =	sdelay $0x1  }
0x163: {  	v3 =	vperm.xlane v3, v2;
	_ =	sdelay $0x1  }
0x164: {  	v3 =	vadd.s32 v1, v3  }
0x165: {  	[tilespmem:s20], [sflag:$0x2] =	stream.indirect_vreg.gather [hbm4b:s1+s4], $0x80, v4, vm0, $0xb8;
	[tilespmem:$0x18600] =	vst v63  }
0x166: {  	s19 =	simm.s32 $0x4E00  }
0x167: {  	[tilespmem:s19], [sflag:$0x2] =	stream.indirect_vreg.gather [hbm4b:s5+s4], $0x80, v4, vm0, $0xb8;
	[tilespmem:$0x18600] =	vst v63  }
0x168: {  	s20 =	simm.s32 $0x5600  }
0x169: {  	[tilespmem:s20], [sflag:$0x2] =	stream.indirect_vreg.gather [hbm4b:s1+s4], $0x80, v3, vm0, $0xb8;
	[tilespmem:$0x18600] =	vst v63  }
0x16a: {  	s23 =	simm.s32 $0x5E00  }
0x16b: {  	[tilespmem:s23], [sflag:$0x2] =	stream.indirect_vreg.gather [hbm4b:s5+s4], $0x80, v3, vm0, $0xb8;
	[tilespmem:$0x18600] =	vst v63  }
0x16c: {  	v3 =	vld [tilespmem:$0x90];
	_ =	sdelay $0x4  }
0x16d: {  	v17 =	vshll.u32 v3, $0x2  }
0x16e: {  	v3 =	vand.u32 $0x7, v3;
	v4 =	vand.u32 $0xFFFFFFE0, v17  }
0x16f: {  	v3 =	vor.u32 v3, v4  }
0x170: {  	v4 =	vperm.xlane v3, v0;
	_ =	sdelay $0x1  }
0x171: {  	v4 =	vadd.s32 v1, v4;
	_ =	sdelay $0x1  }
0x172: {  	v3 =	vperm.xlane v3, v2;
	_ =	sdelay $0x1  }
0x173: {  	s22 =	simm.s32 $0x6600;
	v3 =	vadd.s32 v1, v3  }
0x174: {  	[tilespmem:s22], [sflag:$0x2] =	stream.indirect_vreg.gather [hbm4b:s1+s4], $0x80, v4, vm0, $0xb8;
	[tilespmem:$0x18600] =	vst v63  }
0x175: {  	s23 =	simm.s32 $0x6E00  }
0x176: {  	[tilespmem:s23], [sflag:$0x2] =	stream.indirect_vreg.gather [hbm4b:s5+s4], $0x80, v4, vm0, $0xb8;
	[tilespmem:$0x18600] =	vst v63  }
0x177: {  	s10 =	simm.s32 $0x7600  }
0x178: {  	[tilespmem:s10], [sflag:$0x2] =	stream.indirect_vreg.gather [hbm4b:s1+s4], $0x80, v3, vm0, $0xb8;
	[tilespmem:$0x18600] =	vst v63  }
0x179: {  	s18 =	simm.s32 $0x7E00  }
0x17a: {  	[tilespmem:s18], [sflag:$0x2] =	stream.indirect_vreg.gather [hbm4b:s5+s4], $0x80, v3, vm0, $0xb8;
	[tilespmem:$0x18600] =	vst v63  }
0x17b: {  	v3 =	vld [tilespmem:$0x280];
	_ =	sdelay $0x4  }
0x17c: {  	v18 =	vshll.u32 v3, $0x2  }
0x17d: {  	v3 =	vand.u32 $0x7, v3;
	v4 =	vand.u32 $0xFFFFFFE0, v18  }
0x17e: {  	v3 =	vor.u32 v3, v4  }
0x17f: {  	v4 =	vperm.xlane v3, v0;
	_ =	sdelay $0x1  }
0x180: {  	v4 =	vadd.s32 v1, v4;
	_ =	sdelay $0x1  }
0x181: {  	v3 =	vperm.xlane v3, v2;
	_ =	sdelay $0x1  }
0x182: {  	s11 =	simm.s32 $0x10600;
	v3 =	vadd.s32 v1, v3  }
0x183: {  	[tilespmem:s11], [sflag:$0x5] =	stream.indirect_vreg.gather [hbm4b:s1+s4], $0x80, v4, vm0, $0xb8;
	[tilespmem:$0x18600] =	vst v63  }
0x184: {  	s12 =	simm.s32 $0x10E00  }
0x185: {  	[tilespmem:s12], [sflag:$0x5] =	stream.indirect_vreg.gather [hbm4b:s5+s4], $0x80, v4, vm0, $0xb8;
	[tilespmem:$0x18600] =	vst v63  }
0x186: {  	s13 =	simm.s32 $0x11600  }
0x187: {  	[tilespmem:s13], [sflag:$0x5] =	stream.indirect_vreg.gather [hbm4b:s1+s4], $0x80, v3, vm0, $0xb8;
	[tilespmem:$0x18600] =	vst v63  }
0x188: {  	s25 =	simm.s32 $0x11E00  }
0x189: {  	[tilespmem:s25], [sflag:$0x5] =	stream.indirect_vreg.gather [hbm4b:s5+s4], $0x80, v3, vm0, $0xb8;
	[tilespmem:$0x18600] =	vst v63  }
0x18a: {  	v3 =	vld [tilespmem:$0x290];
	_ =	sdelay $0x4  }
0x18b: {  	v19 =	vshll.u32 v3, $0x2  }
0x18c: {  	v3 =	vand.u32 $0x7, v3;
	v4 =	vand.u32 $0xFFFFFFE0, v19  }
0x18d: {  	v3 =	vor.u32 v3, v4  }
0x18e: {  	v4 =	vperm.xlane v3, v0;
	_ =	sdelay $0x1  }
0x18f: {  	v4 =	vadd.s32 v1, v4;
	_ =	sdelay $0x1  }
0x190: {  	v3 =	vperm.xlane v3, v2;
	_ =	sdelay $0x1  }
0x191: {  	s14 =	simm.s32 $0x12600;
	v3 =	vadd.s32 v1, v3  }
0x192: {  	[tilespmem:s14], [sflag:$0x5] =	stream.indirect_vreg.gather [hbm4b:s1+s4], $0x80, v4, vm0, $0xb8;
	[tilespmem:$0x18600] =	vst v63  }
0x193: {  	s15 =	simm.s32 $0x12E00  }
0x194: {  	[tilespmem:s15], [sflag:$0x5] =	stream.indirect_vreg.gather [hbm4b:s5+s4], $0x80, v4, vm0, $0xb8;
	[tilespmem:$0x18600] =	vst v63  }
0x195: {  	s16 =	simm.s32 $0x13600  }
0x196: {  	[tilespmem:s16], [sflag:$0x5] =	stream.indirect_vreg.gather [hbm4b:s1+s4], $0x80, v3, vm0, $0xb8;
	[tilespmem:$0x18600] =	vst v63  }
0x197: {  	s28 =	simm.s32 $0x13E00  }
0x198: {  	[tilespmem:s28], [sflag:$0x5] =	stream.indirect_vreg.gather [hbm4b:s5+s4], $0x80, v3, vm0, $0xb8;
	[tilespmem:$0x18600] =	vst v63  }
0x199: {  	_ =	swait.ge [sflag:s30], $0x4000  }
0x19a: {  	[sflag:s30] =	ssyncset.done $0x0  }
0x19b: {  	[sflag:s30] =	ssyncadd.s32 $0xFFFFC000  }
0x19c: {  	_ =	swait.ge [sflag:s7], $0x4000  }
0x19d: {  	[sflag:s7] =	ssyncset.done $0x0  }
0x19e: {  	s18 =	simm.s32 $0x8600;
	s17 =	rddreg [dreg:$0xa];
	[sflag:s7] =	ssyncadd.s32 $0xFFFFC000  }
0x19f: {  	[hbm4b:s17+s4] =	stream.linear.scatter [tilespmem:s18], [sflag:$0x9], $0x4000, $0x38;
	[tilespmem:$0x18600] =	vst v63  }
0x1a0: {  	s20 =	simm.s32 $0x14A00;
	s19 =	rddreg [dreg:$0x1a]  }
0x1a1: {  	[hbm4b:s19+s4] =	stream.linear.scatter [tilespmem:s20], [sflag:$0xC], $0xC00, $0x38;
	[tilespmem:$0x18600] =	vst v63  }
0x1a2: {  	s23 =	simm.s32 $0x15A00;
	s22 =	sadd.s32 $0x180, s19  }
0x1a3: {  	[hbm4b:s22+s4] =	stream.linear.scatter [tilespmem:s23], [sflag:$0xC], $0xC00, $0x38;
	[tilespmem:$0x18600] =	vst v63  }
0x1a4: {  	s28 =	simm.s32 $0x16A00;
	s25 =	sadd.s32 $0x300, s19  }
0x1a5: {  	[hbm4b:s25+s4] =	stream.linear.scatter [tilespmem:s28], [sflag:$0xC], $0xC00, $0x38;
	[tilespmem:$0x18600] =	vst v63  }
0x1a6: {  	s14 =	simm.s32 $0x17A00;
	s13 =	sadd.s32 $0x480, s19  }
0x1a7: {  	[hbm4b:s13+s4] =	stream.linear.scatter [tilespmem:s14], [sflag:$0xC], $0xC00, $0x38;
	[tilespmem:$0x18600] =	vst v63  }
0x1a8: {  	_ =	swait.ge [sflag:s8], $0x4000  }
0x1a9: {  	[sflag:s8] =	ssyncset.done $0x0  }
0x1aa: {  	[sflag:s8] =	ssyncadd.s32 $0xFFFFC000  }
0x1ab: {  	_ =	swait.ge [sflag:s9], $0x3000  }
0x1ac: {  	[sflag:s9] =	ssyncset.done $0x0  }
0x1ad: {  	[sflag:s9] =	ssyncadd.s32 $0xFFFFD000  }
0x1ae: {  	v3 =	vld [tilespmem:$0xA0];
	_ =	sdelay $0x4  }
0x1af: {  	v20 =	vshll.u32 v3, $0x2  }
0x1b0: {  	v3 =	vand.u32 $0x7, v3;
	v4 =	vand.u32 $0xFFFFFFE0, v20  }
0x1b1: {  	v3 =	vor.u32 v3, v4  }
0x1b2: {  	v4 =	vperm.xlane v3, v0;
	_ =	sdelay $0x1  }
0x1b3: {  	v4 =	vadd.s32 v1, v4;
	_ =	sdelay $0x1  }
0x1b4: {  	v3 =	vperm.xlane v3, v2;
	_ =	sdelay $0x1  }
0x1b5: {  	v3 =	vadd.s32 v1, v3  }
0x1b6: {  	[tilespmem:s18], [sflag:$0x3] =	stream.indirect_vreg.gather [hbm4b:s1+s4], $0x80, v4, vm0, $0xb8;
	[tilespmem:$0x18600] =	vst v63  }
0x1b7: {  	s20 =	simm.s32 $0x8E00  }
0x1b8: {  	[tilespmem:s20], [sflag:$0x3] =	stream.indirect_vreg.gather [hbm4b:s5+s4], $0x80, v4, vm0, $0xb8;
	[tilespmem:$0x18600] =	vst v63  }
0x1b9: {  	s19 =	simm.s32 $0x9600  }
0x1ba: {  	[tilespmem:s19], [sflag:$0x3] =	stream.indirect_vreg.gather [hbm4b:s1+s4], $0x80, v3, vm0, $0xb8;
	[tilespmem:$0x18600] =	vst v63  }
0x1bb: {  	s15 =	simm.s32 $0x9E00  }
0x1bc: {  	[tilespmem:s15], [sflag:$0x3] =	stream.indirect_vreg.gather [hbm4b:s5+s4], $0x80, v3, vm0, $0xb8;
	[tilespmem:$0x18600] =	vst v63  }
0x1bd: {  	v3 =	vld [tilespmem:$0xB0];
	_ =	sdelay $0x4  }
0x1be: {  	v21 =	vshll.u32 v3, $0x2  }
0x1bf: {  	v3 =	vand.u32 $0x7, v3;
	v4 =	vand.u32 $0xFFFFFFE0, v21  }
0x1c0: {  	v3 =	vor.u32 v3, v4  }
0x1c1: {  	v4 =	vperm.xlane v3, v0;
	_ =	sdelay $0x1  }
0x1c2: {  	v4 =	vadd.s32 v1, v4;
	_ =	sdelay $0x1  }
0x1c3: {  	v3 =	vperm.xlane v3, v2;
	_ =	sdelay $0x1  }
0x1c4: {  	s22 =	simm.s32 $0xA600;
	v3 =	vadd.s32 v1, v3  }
0x1c5: {  	[tilespmem:s22], [sflag:$0x3] =	stream.indirect_vreg.gather [hbm4b:s1+s4], $0x80, v4, vm0, $0xb8;
	[tilespmem:$0x18600] =	vst v63  }
0x1c6: {  	s16 =	simm.s32 $0xAE00  }
0x1c7: {  	[tilespmem:s16], [sflag:$0x3] =	stream.indirect_vreg.gather [hbm4b:s5+s4], $0x80, v4, vm0, $0xb8;
	[tilespmem:$0x18600] =	vst v63  }
0x1c8: {  	s17 =	simm.s32 $0xB600  }
0x1c9: {  	[tilespmem:s17], [sflag:$0x3] =	stream.indirect_vreg.gather [hbm4b:s1+s4], $0x80, v3, vm0, $0xb8;
	[tilespmem:$0x18600] =	vst v63  }
0x1ca: {  	s18 =	simm.s32 $0xBE00  }
0x1cb: {  	[tilespmem:s18], [sflag:$0x3] =	stream.indirect_vreg.gather [hbm4b:s5+s4], $0x80, v3, vm0, $0xb8;
	[tilespmem:$0x18600] =	vst v63  }
0x1cc: {  	v3 =	vld [tilespmem:$0x2A0];
	_ =	sdelay $0x4  }
0x1cd: {  	v22 =	vshll.u32 v3, $0x2  }
0x1ce: {  	v3 =	vand.u32 $0x7, v3;
	v4 =	vand.u32 $0xFFFFFFE0, v22  }
0x1cf: {  	v3 =	vor.u32 v3, v4  }
0x1d0: {  	v4 =	vperm.xlane v3, v0;
	_ =	sdelay $0x1  }
0x1d1: {  	v4 =	vadd.s32 v1, v4;
	_ =	sdelay $0x1  }
0x1d2: {  	v3 =	vperm.xlane v3, v2;
	_ =	sdelay $0x1  }
0x1d3: {  	s14 =	simm.s32 $0x14600;
	v3 =	vadd.s32 v1, v3  }
0x1d4: {  	[tilespmem:s14], [sflag:$0x6] =	stream.indirect_vreg.gather [hbm4b:s1+s4], $0x80, v4, vm0, $0xb8;
	[tilespmem:$0x18600] =	vst v63  }
0x1d5: {  	s23 =	simm.s32 $0x14E00  }
0x1d6: {  	[tilespmem:s23], [sflag:$0x6] =	stream.indirect_vreg.gather [hbm4b:s5+s4], $0x80, v4, vm0, $0xb8;
	[tilespmem:$0x18600] =	vst v63  }
0x1d7: {  	s25 =	simm.s32 $0x15600  }
0x1d8: {  	[tilespmem:s25], [sflag:$0x6] =	stream.indirect_vreg.gather [hbm4b:s1+s4], $0x80, v3, vm0, $0xb8;
	[tilespmem:$0x18600] =	vst v63  }
0x1d9: {  	s28 =	simm.s32 $0x15E00  }
0x1da: {  	[tilespmem:s28], [sflag:$0x6] =	stream.indirect_vreg.gather [hbm4b:s5+s4], $0x80, v3, vm0, $0xb8;
	[tilespmem:$0x18600] =	vst v63  }
0x1db: {  	v3 =	vld [tilespmem:$0x2B0];
	_ =	sdelay $0x4  }
0x1dc: {  	v23 =	vshll.u32 v3, $0x2  }
0x1dd: {  	v3 =	vand.u32 $0x7, v3;
	v4 =	vand.u32 $0xFFFFFFE0, v23  }
0x1de: {  	v3 =	vor.u32 v3, v4  }
0x1df: {  	v4 =	vperm.xlane v3, v0;
	_ =	sdelay $0x1  }
0x1e0: {  	v4 =	vadd.s32 v1, v4;
	_ =	sdelay $0x1  }
0x1e1: {  	v3 =	vperm.xlane v3, v2;
	_ =	sdelay $0x1  }
0x1e2: {  	s10 =	simm.s32 $0x16600;
	v3 =	vadd.s32 v1, v3  }
0x1e3: {  	[tilespmem:s10], [sflag:$0x6] =	stream.indirect_vreg.gather [hbm4b:s1+s4], $0x80, v4, vm0, $0xb8;
	[tilespmem:$0x18600] =	vst v63  }
0x1e4: {  	s18 =	simm.s32 $0x16E00  }
0x1e5: {  	[tilespmem:s18], [sflag:$0x6] =	stream.indirect_vreg.gather [hbm4b:s5+s4], $0x80, v4, vm0, $0xb8;
	[tilespmem:$0x18600] =	vst v63  }
0x1e6: {  	s25 =	simm.s32 $0x17600  }
0x1e7: {  	[tilespmem:s25], [sflag:$0x6] =	stream.indirect_vreg.gather [hbm4b:s1+s4], $0x80, v3, vm0, $0xb8;
	[tilespmem:$0x18600] =	vst v63  }
0x1e8: {  	s11 =	simm.s32 $0x17E00  }
0x1e9: {  	[tilespmem:s11], [sflag:$0x6] =	stream.indirect_vreg.gather [hbm4b:s5+s4], $0x80, v3, vm0, $0xb8;
	[tilespmem:$0x18600] =	vst v63  }
0x1ea: {  	_ =	swait.ge [sflag:s24], $0x4000  }
0x1eb: {  	[sflag:s24] =	ssyncset.done $0x0  }
0x1ec: {  	[sflag:s24] =	ssyncadd.s32 $0xFFFFC000  }
0x1ed: {  	_ =	swait.ge [sflag:s26], $0x4000  }
0x1ee: {  	[sflag:s26] =	ssyncset.done $0x0  }
0x1ef: {  	s23 =	simm.s32 $0x600;
	s12 =	rddreg [dreg:$0xb];
	[sflag:s26] =	ssyncadd.s32 $0xFFFFC000  }
0x1f0: {  	[hbm4b:s12+s4] =	stream.linear.scatter [tilespmem:s23], [sflag:$0x7], $0x4000, $0x38;
	[tilespmem:$0x18600] =	vst v63  }
0x1f1: {  	s17 =	simm.s32 $0xCA00;
	s13 =	rddreg [dreg:$0x1b]  }
0x1f2: {  	[hbm4b:s13+s4] =	stream.linear.scatter [tilespmem:s17], [sflag:$0xA], $0xC00, $0x38;
	[tilespmem:$0x18600] =	vst v63  }
0x1f3: {  	s2 =	simm.s32 $0xDA00;
	s15 =	sadd.s32 $0x180, s13  }
0x1f4: {  	[hbm4b:s15+s4] =	stream.linear.scatter [tilespmem:s2], [sflag:$0xA], $0xC00, $0x38;
	[tilespmem:$0x18600] =	vst v63  }
0x1f5: {  	s28 =	simm.s32 $0xEA00;
	s16 =	sadd.s32 $0x300, s13  }
0x1f6: {  	[hbm4b:s16+s4] =	stream.linear.scatter [tilespmem:s28], [sflag:$0xA], $0xC00, $0x38;
	[tilespmem:$0x18600] =	vst v63  }
0x1f7: {  	s11 =	sadd.s32 $0x480, s13;
	s12 =	simm.s32 $0xFA00  }
0x1f8: {  	[hbm4b:s11+s4] =	stream.linear.scatter [tilespmem:s12], [sflag:$0xA], $0xC00, $0x38;
	[tilespmem:$0x18600] =	vst v63  }
0x1f9: {  	_ =	swait.ge [sflag:s0], $0x4000  }
0x1fa: {  	[sflag:s0] =	ssyncset.done $0x0  }
0x1fb: {  	[sflag:s0] =	ssyncadd.s32 $0xFFFFC000  }
0x1fc: {  	_ =	swait.ge [sflag:s3], $0x3000  }
0x1fd: {  	[sflag:s3] =	ssyncset.done $0x0  }
0x1fe: {  	[sflag:s3] =	ssyncadd.s32 $0xFFFFD000  }
0x1ff: {  	v3 =	vld [tilespmem:$0xC0];
	_ =	sdelay $0x4  }
0x200: {  	v24 =	vshll.u32 v3, $0x2  }
0x201: {  	v3 =	vand.u32 $0x7, v3;
	v4 =	vand.u32 $0xFFFFFFE0, v24  }
0x202: {  	v3 =	vor.u32 v3, v4  }
0x203: {  	v4 =	vperm.xlane v3, v0;
	_ =	sdelay $0x1  }
0x204: {  	v4 =	vadd.s32 v1, v4;
	_ =	sdelay $0x1  }
0x205: {  	v3 =	vperm.xlane v3, v2;
	_ =	sdelay $0x1  }
0x206: {  	v3 =	vadd.s32 v1, v3  }
0x207: {  	[tilespmem:s23], [sflag:$0x1] =	stream.indirect_vreg.gather [hbm4b:s1+s4], $0x80, v4, vm0, $0xb8;
	[tilespmem:$0x18600] =	vst v63  }
0x208: {  	s13 =	simm.s32 $0xE00  }
0x209: {  	[tilespmem:s13], [sflag:$0x1] =	stream.indirect_vreg.gather [hbm4b:s5+s4], $0x80, v4, vm0, $0xb8;
	[tilespmem:$0x18600] =	vst v63  }
0x20a: {  	s12 =	simm.s32 $0x1600  }
0x20b: {  	[tilespmem:s12], [sflag:$0x1] =	stream.indirect_vreg.gather [hbm4b:s1+s4], $0x80, v3, vm0, $0xb8;
	[tilespmem:$0x18600] =	vst v63  }
0x20c: {  	s15 =	simm.s32 $0x1E00  }
0x20d: {  	[tilespmem:s15], [sflag:$0x1] =	stream.indirect_vreg.gather [hbm4b:s5+s4], $0x80, v3, vm0, $0xb8;
	[tilespmem:$0x18600] =	vst v63  }
0x20e: {  	v3 =	vld [tilespmem:$0xD0];
	_ =	sdelay $0x4  }
0x20f: {  	v25 =	vshll.u32 v3, $0x2  }
0x210: {  	v3 =	vand.u32 $0x7, v3;
	v4 =	vand.u32 $0xFFFFFFE0, v25  }
0x211: {  	v3 =	vor.u32 v3, v4  }
0x212: {  	v4 =	vperm.xlane v3, v0;
	_ =	sdelay $0x1  }
0x213: {  	v4 =	vadd.s32 v1, v4;
	_ =	sdelay $0x1  }
0x214: {  	v3 =	vperm.xlane v3, v2;
	_ =	sdelay $0x1  }
0x215: {  	s16 =	simm.s32 $0x2600;
	v3 =	vadd.s32 v1, v3  }
0x216: {  	[tilespmem:s16], [sflag:$0x1] =	stream.indirect_vreg.gather [hbm4b:s1+s4], $0x80, v4, vm0, $0xb8;
	[tilespmem:$0x18600] =	vst v63  }
0x217: {  	s23 =	simm.s32 $0x2E00  }
0x218: {  	[tilespmem:s23], [sflag:$0x1] =	stream.indirect_vreg.gather [hbm4b:s5+s4], $0x80, v4, vm0, $0xb8;
	[tilespmem:$0x18600] =	vst v63  }
0x219: {  	s28 =	simm.s32 $0x3600  }
0x21a: {  	[tilespmem:s28], [sflag:$0x1] =	stream.indirect_vreg.gather [hbm4b:s1+s4], $0x80, v3, vm0, $0xb8;
	[tilespmem:$0x18600] =	vst v63  }
0x21b: {  	s11 =	simm.s32 $0x3E00  }
0x21c: {  	[tilespmem:s11], [sflag:$0x1] =	stream.indirect_vreg.gather [hbm4b:s5+s4], $0x80, v3, vm0, $0xb8;
	[tilespmem:$0x18600] =	vst v63  }
0x21d: {  	v3 =	vld [tilespmem:$0x2C0];
	_ =	sdelay $0x4  }
0x21e: {  	v26 =	vshll.u32 v3, $0x2  }
0x21f: {  	v3 =	vand.u32 $0x7, v3;
	v4 =	vand.u32 $0xFFFFFFE0, v26  }
0x220: {  	v3 =	vor.u32 v3, v4  }
0x221: {  	v4 =	vperm.xlane v3, v0;
	_ =	sdelay $0x1  }
0x222: {  	v4 =	vadd.s32 v1, v4;
	_ =	sdelay $0x1  }
0x223: {  	v3 =	vperm.xlane v3, v2;
	_ =	sdelay $0x1  }
0x224: {  	s13 =	simm.s32 $0xC600;
	v3 =	vadd.s32 v1, v3  }
0x225: {  	[tilespmem:s13], [sflag:$0x4] =	stream.indirect_vreg.gather [hbm4b:s1+s4], $0x80, v4, vm0, $0xb8;
	[tilespmem:$0x18600] =	vst v63  }
0x226: {  	s15 =	simm.s32 $0xCE00  }
0x227: {  	[tilespmem:s15], [sflag:$0x4] =	stream.indirect_vreg.gather [hbm4b:s5+s4], $0x80, v4, vm0, $0xb8;
	[tilespmem:$0x18600] =	vst v63  }
0x228: {  	s16 =	simm.s32 $0xD600  }
0x229: {  	[tilespmem:s16], [sflag:$0x4] =	stream.indirect_vreg.gather [hbm4b:s1+s4], $0x80, v3, vm0, $0xb8;
	[tilespmem:$0x18600] =	vst v63  }
0x22a: {  	s23 =	simm.s32 $0xDE00  }
0x22b: {  	[tilespmem:s23], [sflag:$0x4] =	stream.indirect_vreg.gather [hbm4b:s5+s4], $0x80, v3, vm0, $0xb8;
	[tilespmem:$0x18600] =	vst v63  }
0x22c: {  	v3 =	vld [tilespmem:$0x2D0];
	_ =	sdelay $0x4  }
0x22d: {  	v27 =	vshll.u32 v3, $0x2  }
0x22e: {  	v3 =	vand.u32 $0x7, v3;
	v4 =	vand.u32 $0xFFFFFFE0, v27  }
0x22f: {  	v3 =	vor.u32 v3, v4  }
0x230: {  	v4 =	vperm.xlane v3, v0;
	_ =	sdelay $0x1  }
0x231: {  	v4 =	vadd.s32 v1, v4;
	_ =	sdelay $0x1  }
0x232: {  	v3 =	vperm.xlane v3, v2;
	_ =	sdelay $0x1  }
0x233: {  	s28 =	simm.s32 $0xE600;
	v3 =	vadd.s32 v1, v3  }
0x234: {  	[tilespmem:s28], [sflag:$0x4] =	stream.indirect_vreg.gather [hbm4b:s1+s4], $0x80, v4, vm0, $0xb8;
	[tilespmem:$0x18600] =	vst v63  }
0x235: {  	s11 =	simm.s32 $0xEE00  }
0x236: {  	[tilespmem:s11], [sflag:$0x4] =	stream.indirect_vreg.gather [hbm4b:s5+s4], $0x80, v4, vm0, $0xb8;
	[tilespmem:$0x18600] =	vst v63  }
0x237: {  	s13 =	simm.s32 $0xF600  }
0x238: {  	[tilespmem:s13], [sflag:$0x4] =	stream.indirect_vreg.gather [hbm4b:s1+s4], $0x80, v3, vm0, $0xb8;
	[tilespmem:$0x18600] =	vst v63  }
0x239: {  	s15 =	simm.s32 $0xFE00  }
0x23a: {  	[tilespmem:s15], [sflag:$0x4] =	stream.indirect_vreg.gather [hbm4b:s5+s4], $0x80, v3, vm0, $0xb8;
	[tilespmem:$0x18600] =	vst v63  }
0x23b: {  	_ =	swait.ge [sflag:s29], $0x4000  }
0x23c: {  	[sflag:s29] =	ssyncset.done $0x0  }
0x23d: {  	[sflag:s29] =	ssyncadd.s32 $0xFFFFC000  }
0x23e: {  	_ =	swait.ge [sflag:s6], $0x4000  }
0x23f: {  	[sflag:s6] =	ssyncset.done $0x0  }
0x240: {  	s13 =	simm.s32 $0x4600;
	s16 =	rddreg [dreg:$0xc];
	[sflag:s6] =	ssyncadd.s32 $0xFFFFC000  }
0x241: {  	[hbm4b:s16+s4] =	stream.linear.scatter [tilespmem:s13], [sflag:$0x8], $0x4000, $0x38;
	[tilespmem:$0x18600] =	vst v63  }
0x242: {  	s15 =	simm.s32 $0x10A00;
	s11 =	rddreg [dreg:$0x1c]  }
0x243: {  	[hbm4b:s11+s4] =	stream.linear.scatter [tilespmem:s15], [sflag:$0xB], $0xC00, $0x38;
	[tilespmem:$0x18600] =	vst v63  }
0x244: {  	s28 =	simm.s32 $0x11A00;
	s23 =	sadd.s32 $0x180, s11  }
0x245: {  	[hbm4b:s23+s4] =	stream.linear.scatter [tilespmem:s28], [sflag:$0xB], $0xC00, $0x38;
	[tilespmem:$0x18600] =	vst v63  }
0x246: {  	s23 =	sadd.s32 $0x300, s11;
	s28 =	simm.s32 $0x12A00  }
0x247: {  	[hbm4b:s23+s4] =	stream.linear.scatter [tilespmem:s28], [sflag:$0xB], $0xC00, $0x38;
	[tilespmem:$0x18600] =	vst v63  }
0x248: {  	s23 =	sadd.s32 $0x480, s11;
	s28 =	simm.s32 $0x13A00  }
0x249: {  	[hbm4b:s23+s4] =	stream.linear.scatter [tilespmem:s28], [sflag:$0xB], $0xC00, $0x38;
	[tilespmem:$0x18600] =	vst v63  }
0x24a: {  	_ =	swait.ge [sflag:s21], $0x4000  }
0x24b: {  	[sflag:s21] =	ssyncset.done $0x0  }
0x24c: {  	[sflag:s21] =	ssyncadd.s32 $0xFFFFC000  }
0x24d: {  	_ =	swait.ge [sflag:s31], $0x3000  }
0x24e: {  	[sflag:s31] =	ssyncset.done $0x0  }
0x24f: {  	[sflag:s31] =	ssyncadd.s32 $0xFFFFD000  }
0x250: {  	v3 =	vld [tilespmem:$0xE0];
	_ =	sdelay $0x4  }
0x251: {  	v28 =	vshll.u32 v3, $0x2  }
0x252: {  	v3 =	vand.u32 $0x7, v3;
	v4 =	vand.u32 $0xFFFFFFE0, v28  }
0x253: {  	v3 =	vor.u32 v3, v4  }
0x254: {  	v4 =	vperm.xlane v3, v0;
	_ =	sdelay $0x1  }
0x255: {  	v4 =	vadd.s32 v1, v4;
	_ =	sdelay $0x1  }
0x256: {  	v3 =	vperm.xlane v3, v2;
	_ =	sdelay $0x1  }
0x257: {  	v3 =	vadd.s32 v1, v3  }
0x258: {  	[tilespmem:s13], [sflag:$0x2] =	stream.indirect_vreg.gather [hbm4b:s1+s4], $0x80, v4, vm0, $0xb8;
	[tilespmem:$0x18600] =	vst v63  }
0x259: {  	s11 =	simm.s32 $0x4E00  }
0x25a: {  	[tilespmem:s11], [sflag:$0x2] =	stream.indirect_vreg.gather [hbm4b:s5+s4], $0x80, v4, vm0, $0xb8;
	[tilespmem:$0x18600] =	vst v63  }
0x25b: {  	s13 =	simm.s32 $0x5600  }
0x25c: {  	[tilespmem:s13], [sflag:$0x2] =	stream.indirect_vreg.gather [hbm4b:s1+s4], $0x80, v3, vm0, $0xb8;
	[tilespmem:$0x18600] =	vst v63  }
0x25d: {  	s16 =	simm.s32 $0x5E00  }
0x25e: {  	[tilespmem:s16], [sflag:$0x2] =	stream.indirect_vreg.gather [hbm4b:s5+s4], $0x80, v3, vm0, $0xb8;
	[tilespmem:$0x18600] =	vst v63  }
0x25f: {  	v3 =	vld [tilespmem:$0xF0];
	_ =	sdelay $0x4  }
0x260: {  	v29 =	vshll.u32 v3, $0x2  }
0x261: {  	v3 =	vand.u32 $0x7, v3;
	v4 =	vand.u32 $0xFFFFFFE0, v29  }
0x262: {  	v3 =	vor.u32 v3, v4  }
0x263: {  	v4 =	vperm.xlane v3, v0;
	_ =	sdelay $0x1  }
0x264: {  	v4 =	vadd.s32 v1, v4;
	_ =	sdelay $0x1  }
0x265: {  	v3 =	vperm.xlane v3, v2;
	_ =	sdelay $0x1  }
0x266: {  	s23 =	simm.s32 $0x6600;
	v3 =	vadd.s32 v1, v3  }
0x267: {  	[tilespmem:s23], [sflag:$0x2] =	stream.indirect_vreg.gather [hbm4b:s1+s4], $0x80, v4, vm0, $0xb8;
	[tilespmem:$0x18600] =	vst v63  }
0x268: {  	s11 =	simm.s32 $0x6E00  }
0x269: {  	[tilespmem:s11], [sflag:$0x2] =	stream.indirect_vreg.gather [hbm4b:s5+s4], $0x80, v4, vm0, $0xb8;
	[tilespmem:$0x18600] =	vst v63  }
0x26a: {  	s13 =	simm.s32 $0x7600  }
0x26b: {  	[tilespmem:s13], [sflag:$0x2] =	stream.indirect_vreg.gather [hbm4b:s1+s4], $0x80, v3, vm0, $0xb8;
	[tilespmem:$0x18600] =	vst v63  }
0x26c: {  	s16 =	simm.s32 $0x7E00  }
0x26d: {  	[tilespmem:s16], [sflag:$0x2] =	stream.indirect_vreg.gather [hbm4b:s5+s4], $0x80, v3, vm0, $0xb8;
	[tilespmem:$0x18600] =	vst v63  }
0x26e: {  	v3 =	vld [tilespmem:$0x2E0];
	_ =	sdelay $0x4  }
0x26f: {  	v30 =	vshll.u32 v3, $0x2  }
0x270: {  	v3 =	vand.u32 $0x7, v3;
	v4 =	vand.u32 $0xFFFFFFE0, v30  }
0x271: {  	v3 =	vor.u32 v3, v4  }
0x272: {  	v4 =	vperm.xlane v3, v0;
	_ =	sdelay $0x1  }
0x273: {  	v4 =	vadd.s32 v1, v4;
	_ =	sdelay $0x1  }
0x274: {  	v3 =	vperm.xlane v3, v2;
	_ =	sdelay $0x1  }
0x275: {  	s23 =	simm.s32 $0x10600;
	v3 =	vadd.s32 v1, v3  }
0x276: {  	[tilespmem:s23], [sflag:$0x5] =	stream.indirect_vreg.gather [hbm4b:s1+s4], $0x80, v4, vm0, $0xb8;
	[tilespmem:$0x18600] =	vst v63  }
0x277: {  	s11 =	simm.s32 $0x10E00  }
0x278: {  	[tilespmem:s11], [sflag:$0x5] =	stream.indirect_vreg.gather [hbm4b:s5+s4], $0x80, v4, vm0, $0xb8;
	[tilespmem:$0x18600] =	vst v63  }
0x279: {  	s13 =	simm.s32 $0x11600  }
0x27a: {  	[tilespmem:s13], [sflag:$0x5] =	stream.indirect_vreg.gather [hbm4b:s1+s4], $0x80, v3, vm0, $0xb8;
	[tilespmem:$0x18600] =	vst v63  }
0x27b: {  	s16 =	simm.s32 $0x11E00  }
0x27c: {  	[tilespmem:s16], [sflag:$0x5] =	stream.indirect_vreg.gather [hbm4b:s5+s4], $0x80, v3, vm0, $0xb8;
	[tilespmem:$0x18600] =	vst v63  }
0x27d: {  	v3 =	vld [tilespmem:$0x2F0];
	_ =	sdelay $0x4  }
0x27e: {  	v31 =	vshll.u32 v3, $0x2  }
0x27f: {  	v3 =	vand.u32 $0x7, v3;
	v4 =	vand.u32 $0xFFFFFFE0, v31  }
0x280: {  	v3 =	vor.u32 v3, v4  }
0x281: {  	v4 =	vperm.xlane v3, v0;
	_ =	sdelay $0x1  }
0x282: {  	v4 =	vadd.s32 v1, v4;
	_ =	sdelay $0x1  }
0x283: {  	v3 =	vperm.xlane v3, v2;
	_ =	sdelay $0x1  }
0x284: {  	s23 =	simm.s32 $0x12600;
	v3 =	vadd.s32 v1, v3  }
0x285: {  	[tilespmem:s23], [sflag:$0x5] =	stream.indirect_vreg.gather [hbm4b:s1+s4], $0x80, v4, vm0, $0xb8;
	[tilespmem:$0x18600] =	vst v63  }
0x286: {  	s11 =	simm.s32 $0x12E00  }
0x287: {  	[tilespmem:s11], [sflag:$0x5] =	stream.indirect_vreg.gather [hbm4b:s5+s4], $0x80, v4, vm0, $0xb8;
	[tilespmem:$0x18600] =	vst v63  }
0x288: {  	s13 =	simm.s32 $0x13600  }
0x289: {  	[tilespmem:s13], [sflag:$0x5] =	stream.indirect_vreg.gather [hbm4b:s1+s4], $0x80, v3, vm0, $0xb8;
	[tilespmem:$0x18600] =	vst v63  }
0x28a: {  	s16 =	simm.s32 $0x13E00  }
0x28b: {  	[tilespmem:s16], [sflag:$0x5] =	stream.indirect_vreg.gather [hbm4b:s5+s4], $0x80, v3, vm0, $0xb8;
	[tilespmem:$0x18600] =	vst v63  }
0x28c: {  	_ =	swait.ge [sflag:s30], $0x4000  }
0x28d: {  	[sflag:s30] =	ssyncset.done $0x0  }
0x28e: {  	[sflag:s30] =	ssyncadd.s32 $0xFFFFC000  }
0x28f: {  	_ =	swait.ge [sflag:s7], $0x4000  }
0x290: {  	[sflag:s7] =	ssyncset.done $0x0  }
0x291: {  	s16 =	simm.s32 $0x8600;
	s23 =	rddreg [dreg:$0xd];
	[sflag:s7] =	ssyncadd.s32 $0xFFFFC000  }
0x292: {  	[hbm4b:s23+s4] =	stream.linear.scatter [tilespmem:s16], [sflag:$0x9], $0x4000, $0x38;
	[tilespmem:$0x18600] =	vst v63  }
0x293: {  	s13 =	simm.s32 $0x14A00;
	s11 =	rddreg [dreg:$0x1d]  }
0x294: {  	[hbm4b:s11+s4] =	stream.linear.scatter [tilespmem:s13], [sflag:$0xC], $0xC00, $0x38;
	[tilespmem:$0x18600] =	vst v63  }
0x295: {  	s10 =	sadd.s32 $0x180, s11;
	s23 =	simm.s32 $0x15A00  }
0x296: {  	[hbm4b:s10+s4] =	stream.linear.scatter [tilespmem:s23], [sflag:$0xC], $0xC00, $0x38;
	[tilespmem:$0x18600] =	vst v63  }
0x297: {  	s10 =	sadd.s32 $0x300, s11;
	s23 =	simm.s32 $0x16A00  }
0x298: {  	[hbm4b:s10+s4] =	stream.linear.scatter [tilespmem:s23], [sflag:$0xC], $0xC00, $0x38;
	[tilespmem:$0x18600] =	vst v63  }
0x299: {  	s11 =	sadd.s32 $0x480, s11;
	s23 =	simm.s32 $0x17A00  }
0x29a: {  	[hbm4b:s11+s4] =	stream.linear.scatter [tilespmem:s23], [sflag:$0xC], $0xC00, $0x38;
	[tilespmem:$0x18600] =	vst v63  }
0x29b: {  	_ =	swait.ge [sflag:s8], $0x4000  }
0x29c: {  	[sflag:s8] =	ssyncset.done $0x0  }
0x29d: {  	[sflag:s8] =	ssyncadd.s32 $0xFFFFC000  }
0x29e: {  	_ =	swait.ge [sflag:s9], $0x3000  }
0x29f: {  	[sflag:s9] =	ssyncset.done $0x0  }
0x2a0: {  	[sflag:s9] =	ssyncadd.s32 $0xFFFFD000  }
0x2a1: {  	v3 =	vld [tilespmem:$0x100];
	_ =	sdelay $0x4  }
0x2a2: {  	v32 =	vshll.u32 v3, $0x2  }
0x2a3: {  	v3 =	vand.u32 $0x7, v3;
	v4 =	vand.u32 $0xFFFFFFE0, v32  }
0x2a4: {  	v3 =	vor.u32 v3, v4  }
0x2a5: {  	v4 =	vperm.xlane v3, v0;
	_ =	sdelay $0x1  }
0x2a6: {  	v4 =	vadd.s32 v1, v4;
	_ =	sdelay $0x1  }
0x2a7: {  	v3 =	vperm.xlane v3, v2;
	_ =	sdelay $0x1  }
0x2a8: {  	v3 =	vadd.s32 v1, v3  }
0x2a9: {  	[tilespmem:s16], [sflag:$0x3] =	stream.indirect_vreg.gather [hbm4b:s1+s4], $0x80, v4, vm0, $0xb8;
	[tilespmem:$0x18600] =	vst v63  }
0x2aa: {  	_ = 	snop  }
0x2ab: {  	[tilespmem:s20], [sflag:$0x3] =	stream.indirect_vreg.gather [hbm4b:s5+s4], $0x80, v4, vm0, $0xb8;
	[tilespmem:$0x18600] =	vst v63  }
0x2ac: {  	_ = 	snop  }
0x2ad: {  	[tilespmem:s19], [sflag:$0x3] =	stream.indirect_vreg.gather [hbm4b:s1+s4], $0x80, v3, vm0, $0xb8;
	[tilespmem:$0x18600] =	vst v63  }
0x2ae: {  	s20 =	simm.s32 $0x9E00  }
0x2af: {  	[tilespmem:s20], [sflag:$0x3] =	stream.indirect_vreg.gather [hbm4b:s5+s4], $0x80, v3, vm0, $0xb8;
	[tilespmem:$0x18600] =	vst v63  }
0x2b0: {  	v3 =	vld [tilespmem:$0x110];
	_ =	sdelay $0x4  }
0x2b1: {  	v33 =	vshll.u32 v3, $0x2  }
0x2b2: {  	v3 =	vand.u32 $0x7, v3;
	v4 =	vand.u32 $0xFFFFFFE0, v33  }
0x2b3: {  	v3 =	vor.u32 v3, v4  }
0x2b4: {  	v4 =	vperm.xlane v3, v0;
	_ =	sdelay $0x1  }
0x2b5: {  	v4 =	vadd.s32 v1, v4;
	_ =	sdelay $0x1  }
0x2b6: {  	v3 =	vperm.xlane v3, v2;
	_ =	sdelay $0x1  }
0x2b7: {  	v3 =	vadd.s32 v1, v3  }
0x2b8: {  	[tilespmem:s22], [sflag:$0x3] =	stream.indirect_vreg.gather [hbm4b:s1+s4], $0x80, v4, vm0, $0xb8;
	[tilespmem:$0x18600] =	vst v63  }
0x2b9: {  	s23 =	simm.s32 $0xAE00  }
0x2ba: {  	[tilespmem:s23], [sflag:$0x3] =	stream.indirect_vreg.gather [hbm4b:s5+s4], $0x80, v4, vm0, $0xb8;
	[tilespmem:$0x18600] =	vst v63  }
0x2bb: {  	s11 =	simm.s32 $0xB600  }
0x2bc: {  	[tilespmem:s11], [sflag:$0x3] =	stream.indirect_vreg.gather [hbm4b:s1+s4], $0x80, v3, vm0, $0xb8;
	[tilespmem:$0x18600] =	vst v63  }
0x2bd: {  	s22 =	simm.s32 $0xBE00  }
0x2be: {  	[tilespmem:s22], [sflag:$0x3] =	stream.indirect_vreg.gather [hbm4b:s5+s4], $0x80, v3, vm0, $0xb8;
	[tilespmem:$0x18600] =	vst v63  }
0x2bf: {  	v3 =	vld [tilespmem:$0x300];
	_ =	sdelay $0x4  }
0x2c0: {  	v34 =	vshll.u32 v3, $0x2  }
0x2c1: {  	v3 =	vand.u32 $0x7, v3;
	v4 =	vand.u32 $0xFFFFFFE0, v34  }
0x2c2: {  	v3 =	vor.u32 v3, v4  }
0x2c3: {  	v4 =	vperm.xlane v3, v0;
	_ =	sdelay $0x1  }
0x2c4: {  	v4 =	vadd.s32 v1, v4;
	_ =	sdelay $0x1  }
0x2c5: {  	v3 =	vperm.xlane v3, v2;
	_ =	sdelay $0x1  }
0x2c6: {  	v3 =	vadd.s32 v1, v3  }
0x2c7: {  	[tilespmem:s14], [sflag:$0x6] =	stream.indirect_vreg.gather [hbm4b:s1+s4], $0x80, v4, vm0, $0xb8;
	[tilespmem:$0x18600] =	vst v63  }
0x2c8: {  	s14 =	simm.s32 $0x14E00  }
0x2c9: {  	[tilespmem:s14], [sflag:$0x6] =	stream.indirect_vreg.gather [hbm4b:s5+s4], $0x80, v4, vm0, $0xb8;
	[tilespmem:$0x18600] =	vst v63  }
0x2ca: {  	s16 =	simm.s32 $0x15600  }
0x2cb: {  	[tilespmem:s16], [sflag:$0x6] =	stream.indirect_vreg.gather [hbm4b:s1+s4], $0x80, v3, vm0, $0xb8;
	[tilespmem:$0x18600] =	vst v63  }
0x2cc: {  	s23 =	simm.s32 $0x15E00  }
0x2cd: {  	[tilespmem:s23], [sflag:$0x6] =	stream.indirect_vreg.gather [hbm4b:s5+s4], $0x80, v3, vm0, $0xb8;
	[tilespmem:$0x18600] =	vst v63  }
0x2ce: {  	v3 =	vld [tilespmem:$0x310];
	_ =	sdelay $0x4  }
0x2cf: {  	v35 =	vshll.u32 v3, $0x2  }
0x2d0: {  	v3 =	vand.u32 $0x7, v3;
	v4 =	vand.u32 $0xFFFFFFE0, v35  }
0x2d1: {  	v3 =	vor.u32 v3, v4  }
0x2d2: {  	v4 =	vperm.xlane v3, v0;
	_ =	sdelay $0x1  }
0x2d3: {  	v4 =	vadd.s32 v1, v4;
	_ =	sdelay $0x1  }
0x2d4: {  	v3 =	vperm.xlane v3, v2;
	_ =	sdelay $0x1  }
0x2d5: {  	s19 =	simm.s32 $0x16600;
	v3 =	vadd.s32 v1, v3  }
0x2d6: {  	[tilespmem:s19], [sflag:$0x6] =	stream.indirect_vreg.gather [hbm4b:s1+s4], $0x80, v4, vm0, $0xb8;
	[tilespmem:$0x18600] =	vst v63  }
0x2d7: {  	_ = 	snop  }
0x2d8: {  	[tilespmem:s18], [sflag:$0x6] =	stream.indirect_vreg.gather [hbm4b:s5+s4], $0x80, v4, vm0, $0xb8;
	[tilespmem:$0x18600] =	vst v63  }
0x2d9: {  	_ = 	snop  }
0x2da: {  	[tilespmem:s25], [sflag:$0x6] =	stream.indirect_vreg.gather [hbm4b:s1+s4], $0x80, v3, vm0, $0xb8;
	[tilespmem:$0x18600] =	vst v63  }
0x2db: {  	s14 =	simm.s32 $0x17E00  }
0x2dc: {  	[tilespmem:s14], [sflag:$0x6] =	stream.indirect_vreg.gather [hbm4b:s5+s4], $0x80, v3, vm0, $0xb8;
	[tilespmem:$0x18600] =	vst v63  }
0x2dd: {  	_ =	swait.ge [sflag:s24], $0x4000  }
0x2de: {  	[sflag:s24] =	ssyncset.done $0x0  }
0x2df: {  	[sflag:s24] =	ssyncadd.s32 $0xFFFFC000  }
0x2e0: {  	_ =	swait.ge [sflag:s26], $0x4000  }
0x2e1: {  	[sflag:s26] =	ssyncset.done $0x0  }
0x2e2: {  	s19 =	simm.s32 $0x600;
	s11 =	rddreg [dreg:$0xe];
	[sflag:s26] =	ssyncadd.s32 $0xFFFFC000  }
0x2e3: {  	[hbm4b:s11+s4] =	stream.linear.scatter [tilespmem:s19], [sflag:$0x7], $0x4000, $0x38;
	[tilespmem:$0x18600] =	vst v63  }
0x2e4: {  	s16 =	rddreg [dreg:$0x1e]  }
0x2e5: {  	[hbm4b:s16+s4] =	stream.linear.scatter [tilespmem:s17], [sflag:$0xA], $0xC00, $0x38;
	[tilespmem:$0x18600] =	vst v63  }
0x2e6: {  	s18 =	sadd.s32 $0x180, s16  }
0x2e7: {  	[hbm4b:s18+s4] =	stream.linear.scatter [tilespmem:s2], [sflag:$0xA], $0xC00, $0x38;
	[tilespmem:$0x18600] =	vst v63  }
0x2e8: {  	s25 =	sadd.s32 $0x300, s16;
	s18 =	simm.s32 $0xEA00  }
0x2e9: {  	[hbm4b:s25+s4] =	stream.linear.scatter [tilespmem:s18], [sflag:$0xA], $0xC00, $0x38;
	[tilespmem:$0x18600] =	vst v63  }
0x2ea: {  	s16 =	sadd.s32 $0x480, s16;
	s17 =	simm.s32 $0xFA00  }
0x2eb: {  	[hbm4b:s16+s4] =	stream.linear.scatter [tilespmem:s17], [sflag:$0xA], $0xC00, $0x38;
	[tilespmem:$0x18600] =	vst v63  }
0x2ec: {  	s2 =	sld [smem:$0x7F5];
	_ =	swait.ge [sflag:s0], $0x4000  }
0x2ed: {  	[sflag:s0] =	ssyncset.done $0x0  }
0x2ee: {  	[sflag:s0] =	ssyncadd.s32 $0xFFFFC000  }
0x2ef: {  	_ =	swait.ge [sflag:s3], $0x3000  }
0x2f0: {  	[sflag:s3] =	ssyncset.done $0x0  }
0x2f1: {  	[sflag:s3] =	ssyncadd.s32 $0xFFFFD000  }
0x2f2: {  	v3 =	vld [tilespmem:$0x120];
	_ =	sdelay $0x4  }
0x2f3: {  	v36 =	vshll.u32 v3, $0x2  }
0x2f4: {  	v3 =	vand.u32 $0x7, v3;
	v4 =	vand.u32 $0xFFFFFFE0, v36  }
0x2f5: {  	v3 =	vor.u32 v3, v4  }
0x2f6: {  	v4 =	vperm.xlane v3, v0;
	_ =	sdelay $0x1  }
0x2f7: {  	v4 =	vadd.s32 v1, v4;
	_ =	sdelay $0x1  }
0x2f8: {  	v3 =	vperm.xlane v3, v2;
	_ =	sdelay $0x1  }
0x2f9: {  	v3 =	vadd.s32 v1, v3  }
0x2fa: {  	[tilespmem:s19], [sflag:$0x1] =	stream.indirect_vreg.gather [hbm4b:s1+s4], $0x80, v4, vm0, $0xb8;
	[tilespmem:$0x18600] =	vst v63  }
0x2fb: {  	s16 =	simm.s32 $0xE00  }
0x2fc: {  	[tilespmem:s16], [sflag:$0x1] =	stream.indirect_vreg.gather [hbm4b:s5+s4], $0x80, v4, vm0, $0xb8;
	[tilespmem:$0x18600] =	vst v63  }
0x2fd: {  	_ = 	snop  }
0x2fe: {  	[tilespmem:s12], [sflag:$0x1] =	stream.indirect_vreg.gather [hbm4b:s1+s4], $0x80, v3, vm0, $0xb8;
	[tilespmem:$0x18600] =	vst v63  }
0x2ff: {  	s25 =	simm.s32 $0x1E00  }
0x300: {  	[tilespmem:s25], [sflag:$0x1] =	stream.indirect_vreg.gather [hbm4b:s5+s4], $0x80, v3, vm0, $0xb8;
	[tilespmem:$0x18600] =	vst v63  }
0x301: {  	v3 =	vld [tilespmem:$0x130];
	_ =	sdelay $0x4  }
0x302: {  	v37 =	vshll.u32 v3, $0x2  }
0x303: {  	v3 =	vand.u32 $0x7, v3;
	v4 =	vand.u32 $0xFFFFFFE0, v37  }
0x304: {  	v3 =	vor.u32 v3, v4  }
0x305: {  	v4 =	vperm.xlane v3, v0;
	_ =	sdelay $0x1  }
0x306: {  	v4 =	vadd.s32 v1, v4;
	_ =	sdelay $0x1  }
0x307: {  	v3 =	vperm.xlane v3, v2;
	_ =	sdelay $0x1  }
0x308: {  	s11 =	simm.s32 $0x2600;
	v3 =	vadd.s32 v1, v3  }
0x309: {  	[tilespmem:s11], [sflag:$0x1] =	stream.indirect_vreg.gather [hbm4b:s1+s4], $0x80, v4, vm0, $0xb8;
	[tilespmem:$0x18600] =	vst v63  }
0x30a: {  	s12 =	simm.s32 $0x2E00  }
0x30b: {  	[tilespmem:s12], [sflag:$0x1] =	stream.indirect_vreg.gather [hbm4b:s5+s4], $0x80, v4, vm0, $0xb8;
	[tilespmem:$0x18600] =	vst v63  }
0x30c: {  	s19 =	simm.s32 $0x3600  }
0x30d: {  	[tilespmem:s19], [sflag:$0x1] =	stream.indirect_vreg.gather [hbm4b:s1+s4], $0x80, v3, vm0, $0xb8;
	[tilespmem:$0x18600] =	vst v63  }
0x30e: {  	s25 =	simm.s32 $0x3E00  }
0x30f: {  	[tilespmem:s25], [sflag:$0x1] =	stream.indirect_vreg.gather [hbm4b:s5+s4], $0x80, v3, vm0, $0xb8;
	[tilespmem:$0x18600] =	vst v63  }
0x310: {  	v3 =	vld [tilespmem:$0x320];
	_ =	sdelay $0x4  }
0x311: {  	v38 =	vshll.u32 v3, $0x2  }
0x312: {  	v3 =	vand.u32 $0x7, v3;
	v4 =	vand.u32 $0xFFFFFFE0, v38  }
0x313: {  	v3 =	vor.u32 v3, v4  }
0x314: {  	v4 =	vperm.xlane v3, v0;
	_ =	sdelay $0x1  }
0x315: {  	v4 =	vadd.s32 v1, v4;
	_ =	sdelay $0x1  }
0x316: {  	v3 =	vperm.xlane v3, v2;
	_ =	sdelay $0x1  }
0x317: {  	s11 =	simm.s32 $0xC600;
	v3 =	vadd.s32 v1, v3  }
0x318: {  	[tilespmem:s11], [sflag:$0x4] =	stream.indirect_vreg.gather [hbm4b:s1+s4], $0x80, v4, vm0, $0xb8;
	[tilespmem:$0x18600] =	vst v63  }
0x319: {  	s12 =	simm.s32 $0xCE00  }
0x31a: {  	[tilespmem:s12], [sflag:$0x4] =	stream.indirect_vreg.gather [hbm4b:s5+s4], $0x80, v4, vm0, $0xb8;
	[tilespmem:$0x18600] =	vst v63  }
0x31b: {  	s19 =	simm.s32 $0xD600  }
0x31c: {  	[tilespmem:s19], [sflag:$0x4] =	stream.indirect_vreg.gather [hbm4b:s1+s4], $0x80, v3, vm0, $0xb8;
	[tilespmem:$0x18600] =	vst v63  }
0x31d: {  	s25 =	simm.s32 $0xDE00  }
0x31e: {  	[tilespmem:s25], [sflag:$0x4] =	stream.indirect_vreg.gather [hbm4b:s5+s4], $0x80, v3, vm0, $0xb8;
	[tilespmem:$0x18600] =	vst v63  }
0x31f: {  	v3 =	vld [tilespmem:$0x330];
	_ =	sdelay $0x4  }
0x320: {  	v39 =	vshll.u32 v3, $0x2  }
0x321: {  	v3 =	vand.u32 $0x7, v3;
	v4 =	vand.u32 $0xFFFFFFE0, v39  }
0x322: {  	v3 =	vor.u32 v3, v4  }
0x323: {  	v4 =	vperm.xlane v3, v0;
	_ =	sdelay $0x1  }
0x324: {  	v4 =	vadd.s32 v1, v4;
	_ =	sdelay $0x1  }
0x325: {  	v3 =	vperm.xlane v3, v2;
	_ =	sdelay $0x1  }
0x326: {  	s11 =	simm.s32 $0xE600;
	v3 =	vadd.s32 v1, v3  }
0x327: {  	[tilespmem:s11], [sflag:$0x4] =	stream.indirect_vreg.gather [hbm4b:s1+s4], $0x80, v4, vm0, $0xb8;
	[tilespmem:$0x18600] =	vst v63  }
0x328: {  	s12 =	simm.s32 $0xEE00  }
0x329: {  	[tilespmem:s12], [sflag:$0x4] =	stream.indirect_vreg.gather [hbm4b:s5+s4], $0x80, v4, vm0, $0xb8;
	[tilespmem:$0x18600] =	vst v63  }
0x32a: {  	s19 =	simm.s32 $0xF600  }
0x32b: {  	[tilespmem:s19], [sflag:$0x4] =	stream.indirect_vreg.gather [hbm4b:s1+s4], $0x80, v3, vm0, $0xb8;
	[tilespmem:$0x18600] =	vst v63  }
0x32c: {  	s25 =	simm.s32 $0xFE00  }
0x32d: {  	[tilespmem:s25], [sflag:$0x4] =	stream.indirect_vreg.gather [hbm4b:s5+s4], $0x80, v3, vm0, $0xb8;
	[tilespmem:$0x18600] =	vst v63  }
0x32e: {  	_ =	swait.ge [sflag:s29], $0x4000  }
0x32f: {  	[sflag:s29] =	ssyncset.done $0x0  }
0x330: {  	[sflag:s29] =	ssyncadd.s32 $0xFFFFC000  }
0x331: {  	_ =	swait.ge [sflag:s6], $0x4000  }
0x332: {  	[sflag:s6] =	ssyncset.done $0x0  }
0x333: {  	s12 =	simm.s32 $0x4600;
	s11 =	rddreg [dreg:$0xf];
	[sflag:s6] =	ssyncadd.s32 $0xFFFFC000  }
0x334: {  	[hbm4b:s11+s4] =	stream.linear.scatter [tilespmem:s12], [sflag:$0x8], $0x4000, $0x38;
	[tilespmem:$0x18600] =	vst v63  }
0x335: {  	s11 =	rddreg [dreg:$0x1f]  }
0x336: {  	[hbm4b:s11+s4] =	stream.linear.scatter [tilespmem:s15], [sflag:$0xB], $0xC00, $0x38;
	[tilespmem:$0x18600] =	vst v63  }
0x337: {  	s25 =	simm.s32 $0x11A00;
	s19 =	sadd.s32 $0x180, s11  }
0x338: {  	[hbm4b:s19+s4] =	stream.linear.scatter [tilespmem:s25], [sflag:$0xB], $0xC00, $0x38;
	[tilespmem:$0x18600] =	vst v63  }
0x339: {  	s19 =	sadd.s32 $0x300, s11;
	s25 =	simm.s32 $0x12A00  }
0x33a: {  	[hbm4b:s19+s4] =	stream.linear.scatter [tilespmem:s25], [sflag:$0xB], $0xC00, $0x38;
	[tilespmem:$0x18600] =	vst v63  }
0x33b: {  	s15 =	sadd.s32 $0x480, s11  }
0x33c: {  	[hbm4b:s15+s4] =	stream.linear.scatter [tilespmem:s28], [sflag:$0xB], $0xC00, $0x38;
	[tilespmem:$0x18600] =	vst v63  }
0x33d: {  	_ =	swait.ge [sflag:s21], $0x4000  }
0x33e: {  	[sflag:s21] =	ssyncset.done $0x0  }
0x33f: {  	[sflag:s21] =	ssyncadd.s32 $0xFFFFC000  }
0x340: {  	_ =	swait.ge [sflag:s31], $0x3000  }
0x341: {  	[sflag:s31] =	ssyncset.done $0x0  }
0x342: {  	[sflag:s31] =	ssyncadd.s32 $0xFFFFD000  }
0x343: {  	v3 =	vld [tilespmem:$0x140];
	_ =	sdelay $0x4  }
0x344: {  	v40 =	vshll.u32 v3, $0x2  }
0x345: {  	v3 =	vand.u32 $0x7, v3;
	v4 =	vand.u32 $0xFFFFFFE0, v40  }
0x346: {  	v3 =	vor.u32 v3, v4  }
0x347: {  	v4 =	vperm.xlane v3, v0;
	_ =	sdelay $0x1  }
0x348: {  	v4 =	vadd.s32 v1, v4;
	_ =	sdelay $0x1  }
0x349: {  	v3 =	vperm.xlane v3, v2;
	_ =	sdelay $0x1  }
0x34a: {  	v3 =	vadd.s32 v1, v3  }
0x34b: {  	[tilespmem:s12], [sflag:$0x2] =	stream.indirect_vreg.gather [hbm4b:s1+s4], $0x80, v4, vm0, $0xb8;
	[tilespmem:$0x18600] =	vst v63  }
0x34c: {  	s19 =	simm.s32 $0x4E00  }
0x34d: {  	[tilespmem:s19], [sflag:$0x2] =	stream.indirect_vreg.gather [hbm4b:s5+s4], $0x80, v4, vm0, $0xb8;
	[tilespmem:$0x18600] =	vst v63  }
0x34e: {  	s25 =	simm.s32 $0x5600  }
0x34f: {  	[tilespmem:s25], [sflag:$0x2] =	stream.indirect_vreg.gather [hbm4b:s1+s4], $0x80, v3, vm0, $0xb8;
	[tilespmem:$0x18600] =	vst v63  }
0x350: {  	s28 =	simm.s32 $0x5E00  }
0x351: {  	[tilespmem:s28], [sflag:$0x2] =	stream.indirect_vreg.gather [hbm4b:s5+s4], $0x80, v3, vm0, $0xb8;
	[tilespmem:$0x18600] =	vst v63  }
0x352: {  	v3 =	vld [tilespmem:$0x150];
	_ =	sdelay $0x4  }
0x353: {  	v41 =	vshll.u32 v3, $0x2  }
0x354: {  	v3 =	vand.u32 $0x7, v3;
	v4 =	vand.u32 $0xFFFFFFE0, v41  }
0x355: {  	v3 =	vor.u32 v3, v4  }
0x356: {  	v4 =	vperm.xlane v3, v0;
	_ =	sdelay $0x1  }
0x357: {  	v4 =	vadd.s32 v1, v4;
	_ =	sdelay $0x1  }
0x358: {  	v3 =	vperm.xlane v3, v2;
	_ =	sdelay $0x1  }
0x359: {  	s11 =	simm.s32 $0x6600;
	v3 =	vadd.s32 v1, v3  }
0x35a: {  	[tilespmem:s11], [sflag:$0x2] =	stream.indirect_vreg.gather [hbm4b:s1+s4], $0x80, v4, vm0, $0xb8;
	[tilespmem:$0x18600] =	vst v63  }
0x35b: {  	s12 =	simm.s32 $0x6E00  }
0x35c: {  	[tilespmem:s12], [sflag:$0x2] =	stream.indirect_vreg.gather [hbm4b:s5+s4], $0x80, v4, vm0, $0xb8;
	[tilespmem:$0x18600] =	vst v63  }
0x35d: {  	s15 =	simm.s32 $0x7600  }
0x35e: {  	[tilespmem:s15], [sflag:$0x2] =	stream.indirect_vreg.gather [hbm4b:s1+s4], $0x80, v3, vm0, $0xb8;
	[tilespmem:$0x18600] =	vst v63  }
0x35f: {  	s19 =	simm.s32 $0x7E00  }
0x360: {  	[tilespmem:s19], [sflag:$0x2] =	stream.indirect_vreg.gather [hbm4b:s5+s4], $0x80, v3, vm0, $0xb8;
	[tilespmem:$0x18600] =	vst v63  }
0x361: {  	v3 =	vld [tilespmem:$0x340];
	_ =	sdelay $0x4  }
0x362: {  	v42 =	vshll.u32 v3, $0x2  }
0x363: {  	v3 =	vand.u32 $0x7, v3;
	v4 =	vand.u32 $0xFFFFFFE0, v42  }
0x364: {  	v3 =	vor.u32 v3, v4  }
0x365: {  	v4 =	vperm.xlane v3, v0;
	_ =	sdelay $0x1  }
0x366: {  	v4 =	vadd.s32 v1, v4;
	_ =	sdelay $0x1  }
0x367: {  	v3 =	vperm.xlane v3, v2;
	_ =	sdelay $0x1  }
0x368: {  	s25 =	simm.s32 $0x10600;
	v3 =	vadd.s32 v1, v3  }
0x369: {  	[tilespmem:s25], [sflag:$0x5] =	stream.indirect_vreg.gather [hbm4b:s1+s4], $0x80, v4, vm0, $0xb8;
	[tilespmem:$0x18600] =	vst v63  }
0x36a: {  	s28 =	simm.s32 $0x10E00  }
0x36b: {  	[tilespmem:s28], [sflag:$0x5] =	stream.indirect_vreg.gather [hbm4b:s5+s4], $0x80, v4, vm0, $0xb8;
	[tilespmem:$0x18600] =	vst v63  }
0x36c: {  	s11 =	simm.s32 $0x11600  }
0x36d: {  	[tilespmem:s11], [sflag:$0x5] =	stream.indirect_vreg.gather [hbm4b:s1+s4], $0x80, v3, vm0, $0xb8;
	[tilespmem:$0x18600] =	vst v63  }
0x36e: {  	s12 =	simm.s32 $0x11E00  }
0x36f: {  	[tilespmem:s12], [sflag:$0x5] =	stream.indirect_vreg.gather [hbm4b:s5+s4], $0x80, v3, vm0, $0xb8;
	[tilespmem:$0x18600] =	vst v63  }
0x370: {  	v3 =	vld [tilespmem:$0x350];
	_ =	sdelay $0x4  }
0x371: {  	v43 =	vshll.u32 v3, $0x2  }
0x372: {  	v3 =	vand.u32 $0x7, v3;
	v4 =	vand.u32 $0xFFFFFFE0, v43  }
0x373: {  	v3 =	vor.u32 v3, v4  }
0x374: {  	v4 =	vperm.xlane v3, v0;
	_ =	sdelay $0x1  }
0x375: {  	v4 =	vadd.s32 v1, v4;
	_ =	sdelay $0x1  }
0x376: {  	v3 =	vperm.xlane v3, v2;
	_ =	sdelay $0x1  }
0x377: {  	s15 =	simm.s32 $0x12600;
	v3 =	vadd.s32 v1, v3  }
0x378: {  	[tilespmem:s15], [sflag:$0x5] =	stream.indirect_vreg.gather [hbm4b:s1+s4], $0x80, v4, vm0, $0xb8;
	[tilespmem:$0x18600] =	vst v63  }
0x379: {  	s19 =	simm.s32 $0x12E00  }
0x37a: {  	[tilespmem:s19], [sflag:$0x5] =	stream.indirect_vreg.gather [hbm4b:s5+s4], $0x80, v4, vm0, $0xb8;
	[tilespmem:$0x18600] =	vst v63  }
0x37b: {  	s25 =	simm.s32 $0x13600  }
0x37c: {  	[tilespmem:s25], [sflag:$0x5] =	stream.indirect_vreg.gather [hbm4b:s1+s4], $0x80, v3, vm0, $0xb8;
	[tilespmem:$0x18600] =	vst v63  }
0x37d: {  	s28 =	simm.s32 $0x13E00  }
0x37e: {  	[tilespmem:s28], [sflag:$0x5] =	stream.indirect_vreg.gather [hbm4b:s5+s4], $0x80, v3, vm0, $0xb8;
	[tilespmem:$0x18600] =	vst v63  }
0x37f: {  	_ =	swait.ge [sflag:s30], $0x4000  }
0x380: {  	[sflag:s30] =	ssyncset.done $0x0  }
0x381: {  	[sflag:s30] =	ssyncadd.s32 $0xFFFFC000  }
0x382: {  	_ =	swait.ge [sflag:s7], $0x4000  }
0x383: {  	[sflag:s7] =	ssyncset.done $0x0  }
0x384: {  	s12 =	simm.s32 $0x8600;
	s11 =	rddreg [dreg:$0x10];
	[sflag:s7] =	ssyncadd.s32 $0xFFFFC000  }
0x385: {  	[hbm4b:s11+s4] =	stream.linear.scatter [tilespmem:s12], [sflag:$0x9], $0x4000, $0x38;
	[tilespmem:$0x18600] =	vst v63  }
0x386: {  	s11 =	sld [smem:$0x7F6];
	_ =	sdelay $0x2  }
0x387: {  	[hbm4b:s11+s4] =	stream.linear.scatter [tilespmem:s13], [sflag:$0xC], $0xC00, $0x38;
	[tilespmem:$0x18600] =	vst v63  }
0x388: {  	s15 =	simm.s32 $0x15A00;
	s13 =	sadd.s32 $0x180, s11  }
0x389: {  	[hbm4b:s13+s4] =	stream.linear.scatter [tilespmem:s15], [sflag:$0xC], $0xC00, $0x38;
	[tilespmem:$0x18600] =	vst v63  }
0x38a: {  	s28 =	simm.s32 $0x16A00;
	s19 =	sadd.s32 $0x300, s11  }
0x38b: {  	[hbm4b:s19+s4] =	stream.linear.scatter [tilespmem:s28], [sflag:$0xC], $0xC00, $0x38;
	[tilespmem:$0x18600] =	vst v63  }
0x38c: {  	s15 =	sadd.s32 $0x480, s11;
	s19 =	simm.s32 $0x17A00  }
0x38d: {  	[hbm4b:s15+s4] =	stream.linear.scatter [tilespmem:s19], [sflag:$0xC], $0xC00, $0x38;
	[tilespmem:$0x18600] =	vst v63  }
0x38e: {  	_ =	swait.ge [sflag:s8], $0x4000  }
0x38f: {  	[sflag:s8] =	ssyncset.done $0x0  }
0x390: {  	[sflag:s8] =	ssyncadd.s32 $0xFFFFC000  }
0x391: {  	_ =	swait.ge [sflag:s9], $0x3000  }
0x392: {  	[sflag:s9] =	ssyncset.done $0x0  }
0x393: {  	[sflag:s9] =	ssyncadd.s32 $0xFFFFD000  }
0x394: {  	v3 =	vld [tilespmem:$0x160];
	_ =	sdelay $0x4  }
0x395: {  	v44 =	vshll.u32 v3, $0x2  }
0x396: {  	v3 =	vand.u32 $0x7, v3;
	v4 =	vand.u32 $0xFFFFFFE0, v44  }
0x397: {  	v3 =	vor.u32 v3, v4  }
0x398: {  	v4 =	vperm.xlane v3, v0;
	_ =	sdelay $0x1  }
0x399: {  	v4 =	vadd.s32 v1, v4;
	_ =	sdelay $0x1  }
0x39a: {  	v3 =	vperm.xlane v3, v2;
	_ =	sdelay $0x1  }
0x39b: {  	v3 =	vadd.s32 v1, v3  }
0x39c: {  	[tilespmem:s12], [sflag:$0x3] =	stream.indirect_vreg.gather [hbm4b:s1+s4], $0x80, v4, vm0, $0xb8;
	[tilespmem:$0x18600] =	vst v63  }
0x39d: {  	s15 =	simm.s32 $0x8E00  }
0x39e: {  	[tilespmem:s15], [sflag:$0x3] =	stream.indirect_vreg.gather [hbm4b:s5+s4], $0x80, v4, vm0, $0xb8;
	[tilespmem:$0x18600] =	vst v63  }
0x39f: {  	s19 =	simm.s32 $0x9600  }
0x3a0: {  	[tilespmem:s19], [sflag:$0x3] =	stream.indirect_vreg.gather [hbm4b:s1+s4], $0x80, v3, vm0, $0xb8;
	[tilespmem:$0x18600] =	vst v63  }
0x3a1: {  	_ = 	snop  }
0x3a2: {  	[tilespmem:s20], [sflag:$0x3] =	stream.indirect_vreg.gather [hbm4b:s5+s4], $0x80, v3, vm0, $0xb8;
	[tilespmem:$0x18600] =	vst v63  }
0x3a3: {  	v3 =	vld [tilespmem:$0x170];
	_ =	sdelay $0x4  }
0x3a4: {  	v45 =	vshll.u32 v3, $0x2  }
0x3a5: {  	v3 =	vand.u32 $0x7, v3;
	v4 =	vand.u32 $0xFFFFFFE0, v45  }
0x3a6: {  	v3 =	vor.u32 v3, v4  }
0x3a7: {  	v4 =	vperm.xlane v3, v0;
	_ =	sdelay $0x1  }
0x3a8: {  	v4 =	vadd.s32 v1, v4;
	_ =	sdelay $0x1  }
0x3a9: {  	v3 =	vperm.xlane v3, v2;
	_ =	sdelay $0x1  }
0x3aa: {  	s20 =	simm.s32 $0xA600;
	v3 =	vadd.s32 v1, v3  }
0x3ab: {  	[tilespmem:s20], [sflag:$0x3] =	stream.indirect_vreg.gather [hbm4b:s1+s4], $0x80, v4, vm0, $0xb8;
	[tilespmem:$0x18600] =	vst v63  }
0x3ac: {  	s28 =	simm.s32 $0xAE00  }
0x3ad: {  	[tilespmem:s28], [sflag:$0x3] =	stream.indirect_vreg.gather [hbm4b:s5+s4], $0x80, v4, vm0, $0xb8;
	[tilespmem:$0x18600] =	vst v63  }
0x3ae: {  	s11 =	simm.s32 $0xB600  }
0x3af: {  	[tilespmem:s11], [sflag:$0x3] =	stream.indirect_vreg.gather [hbm4b:s1+s4], $0x80, v3, vm0, $0xb8;
	[tilespmem:$0x18600] =	vst v63  }
0x3b0: {  	_ = 	snop  }
0x3b1: {  	[tilespmem:s22], [sflag:$0x3] =	stream.indirect_vreg.gather [hbm4b:s5+s4], $0x80, v3, vm0, $0xb8;
	[tilespmem:$0x18600] =	vst v63  }
0x3b2: {  	v3 =	vld [tilespmem:$0x360];
	_ =	sdelay $0x4  }
0x3b3: {  	v46 =	vshll.u32 v3, $0x2  }
0x3b4: {  	v3 =	vand.u32 $0x7, v3;
	v4 =	vand.u32 $0xFFFFFFE0, v46  }
0x3b5: {  	v3 =	vor.u32 v3, v4  }
0x3b6: {  	v4 =	vperm.xlane v3, v0;
	_ =	sdelay $0x1  }
0x3b7: {  	v4 =	vadd.s32 v1, v4;
	_ =	sdelay $0x1  }
0x3b8: {  	v3 =	vperm.xlane v3, v2;
	_ =	sdelay $0x1  }
0x3b9: {  	s12 =	simm.s32 $0x14600;
	v3 =	vadd.s32 v1, v3  }
0x3ba: {  	[tilespmem:s12], [sflag:$0x6] =	stream.indirect_vreg.gather [hbm4b:s1+s4], $0x80, v4, vm0, $0xb8;
	[tilespmem:$0x18600] =	vst v63  }
0x3bb: {  	s13 =	simm.s32 $0x14E00  }
0x3bc: {  	[tilespmem:s13], [sflag:$0x6] =	stream.indirect_vreg.gather [hbm4b:s5+s4], $0x80, v4, vm0, $0xb8;
	[tilespmem:$0x18600] =	vst v63  }
0x3bd: {  	s20 =	simm.s32 $0x15600  }
0x3be: {  	[tilespmem:s20], [sflag:$0x6] =	stream.indirect_vreg.gather [hbm4b:s1+s4], $0x80, v3, vm0, $0xb8;
	[tilespmem:$0x18600] =	vst v63  }
0x3bf: {  	_ = 	snop  }
0x3c0: {  	[tilespmem:s23], [sflag:$0x6] =	stream.indirect_vreg.gather [hbm4b:s5+s4], $0x80, v3, vm0, $0xb8;
	[tilespmem:$0x18600] =	vst v63  }
0x3c1: {  	v3 =	vld [tilespmem:$0x370];
	_ =	sdelay $0x4  }
0x3c2: {  	v47 =	vshll.u32 v3, $0x2  }
0x3c3: {  	v3 =	vand.u32 $0x7, v3;
	v4 =	vand.u32 $0xFFFFFFE0, v47  }
0x3c4: {  	v3 =	vor.u32 v3, v4  }
0x3c5: {  	v4 =	vperm.xlane v3, v0;
	_ =	sdelay $0x1  }
0x3c6: {  	v4 =	vadd.s32 v1, v4;
	_ =	sdelay $0x1  }
0x3c7: {  	v3 =	vperm.xlane v3, v2;
	_ =	sdelay $0x1  }
0x3c8: {  	s22 =	simm.s32 $0x16600;
	v3 =	vadd.s32 v1, v3  }
0x3c9: {  	[tilespmem:s22], [sflag:$0x6] =	stream.indirect_vreg.gather [hbm4b:s1+s4], $0x80, v4, vm0, $0xb8;
	[tilespmem:$0x18600] =	vst v63  }
0x3ca: {  	s28 =	simm.s32 $0x16E00  }
0x3cb: {  	[tilespmem:s28], [sflag:$0x6] =	stream.indirect_vreg.gather [hbm4b:s5+s4], $0x80, v4, vm0, $0xb8;
	[tilespmem:$0x18600] =	vst v63  }
0x3cc: {  	s11 =	simm.s32 $0x17600  }
0x3cd: {  	[tilespmem:s11], [sflag:$0x6] =	stream.indirect_vreg.gather [hbm4b:s1+s4], $0x80, v3, vm0, $0xb8;
	[tilespmem:$0x18600] =	vst v63  }
0x3ce: {  	_ = 	snop  }
0x3cf: {  	[tilespmem:s14], [sflag:$0x6] =	stream.indirect_vreg.gather [hbm4b:s5+s4], $0x80, v3, vm0, $0xb8;
	[tilespmem:$0x18600] =	vst v63  }
0x3d0: {  	_ =	swait.ge [sflag:s24], $0x4000  }
0x3d1: {  	[sflag:s24] =	ssyncset.done $0x0  }
0x3d2: {  	[sflag:s24] =	ssyncadd.s32 $0xFFFFC000  }
0x3d3: {  	_ =	swait.ge [sflag:s26], $0x4000  }
0x3d4: {  	s12 =	rddreg [dreg:$0x11];
	[sflag:s26] =	ssyncset.done $0x0  }
0x3d5: {  	s14 =	simm.s32 $0x600;
	s13 =	sld [smem:$0x7F7];
	[sflag:s26] =	ssyncadd.s32 $0xFFFFC000  }
0x3d6: {  	[hbm4b:s12+s4] =	stream.linear.scatter [tilespmem:s14], [sflag:$0x7], $0x4000, $0x38;
	[tilespmem:$0x18600] =	vst v63  }
0x3d7: {  	s12 =	simm.s32 $0xCA00  }
0x3d8: {  	[hbm4b:s13+s4] =	stream.linear.scatter [tilespmem:s12], [sflag:$0xA], $0xC00, $0x38;
	[tilespmem:$0x18600] =	vst v63  }
0x3d9: {  	s20 =	simm.s32 $0xDA00;
	s22 =	sadd.s32 $0x180, s13  }
0x3da: {  	[hbm4b:s22+s4] =	stream.linear.scatter [tilespmem:s20], [sflag:$0xA], $0xC00, $0x38;
	[tilespmem:$0x18600] =	vst v63  }
0x3db: {  	s28 =	sadd.s32 $0x300, s13  }
0x3dc: {  	[hbm4b:s28+s4] =	stream.linear.scatter [tilespmem:s18], [sflag:$0xA], $0xC00, $0x38;
	[tilespmem:$0x18600] =	vst v63  }
0x3dd: {  	s13 =	sadd.s32 $0x480, s13  }
0x3de: {  	[hbm4b:s13+s4] =	stream.linear.scatter [tilespmem:s17], [sflag:$0xA], $0xC00, $0x38;
	[tilespmem:$0x18600] =	vst v63  }
0x3df: {  	_ =	swait.ge [sflag:s0], $0x4000  }
0x3e0: {  	[sflag:s0] =	ssyncset.done $0x0  }
0x3e1: {  	[sflag:s0] =	ssyncadd.s32 $0xFFFFC000  }
0x3e2: {  	_ =	swait.ge [sflag:s3], $0x3000  }
0x3e3: {  	[sflag:s3] =	ssyncset.done $0x0  }
0x3e4: {  	[sflag:s3] =	ssyncadd.s32 $0xFFFFD000  }
0x3e5: {  	v3 =	vld [tilespmem:$0x180];
	_ =	sdelay $0x4  }
0x3e6: {  	v48 =	vshll.u32 v3, $0x2  }
0x3e7: {  	v3 =	vand.u32 $0x7, v3;
	v4 =	vand.u32 $0xFFFFFFE0, v48  }
0x3e8: {  	v3 =	vor.u32 v3, v4  }
0x3e9: {  	v4 =	vperm.xlane v3, v0;
	_ =	sdelay $0x1  }
0x3ea: {  	v4 =	vadd.s32 v1, v4;
	_ =	sdelay $0x1  }
0x3eb: {  	v3 =	vperm.xlane v3, v2;
	_ =	sdelay $0x1  }
0x3ec: {  	v3 =	vadd.s32 v1, v3  }
0x3ed: {  	[tilespmem:s14], [sflag:$0x1] =	stream.indirect_vreg.gather [hbm4b:s1+s4], $0x80, v4, vm0, $0xb8;
	[tilespmem:$0x18600] =	vst v63  }
0x3ee: {  	_ = 	snop  }
0x3ef: {  	[tilespmem:s16], [sflag:$0x1] =	stream.indirect_vreg.gather [hbm4b:s5+s4], $0x80, v4, vm0, $0xb8;
	[tilespmem:$0x18600] =	vst v63  }
0x3f0: {  	s14 =	simm.s32 $0x1600  }
0x3f1: {  	[tilespmem:s14], [sflag:$0x1] =	stream.indirect_vreg.gather [hbm4b:s1+s4], $0x80, v3, vm0, $0xb8;
	[tilespmem:$0x18600] =	vst v63  }
0x3f2: {  	s16 =	simm.s32 $0x1E00  }
0x3f3: {  	[tilespmem:s16], [sflag:$0x1] =	stream.indirect_vreg.gather [hbm4b:s5+s4], $0x80, v3, vm0, $0xb8;
	[tilespmem:$0x18600] =	vst v63  }
0x3f4: {  	v3 =	vld [tilespmem:$0x190];
	_ =	sdelay $0x4  }
0x3f5: {  	v49 =	vshll.u32 v3, $0x2  }
0x3f6: {  	v3 =	vand.u32 $0x7, v3;
	v4 =	vand.u32 $0xFFFFFFE0, v49  }
0x3f7: {  	v3 =	vor.u32 v3, v4  }
0x3f8: {  	v4 =	vperm.xlane v3, v0;
	_ =	sdelay $0x1  }
0x3f9: {  	v4 =	vadd.s32 v1, v4;
	_ =	sdelay $0x1  }
0x3fa: {  	v3 =	vperm.xlane v3, v2;
	_ =	sdelay $0x1  }
0x3fb: {  	s18 =	simm.s32 $0x2600;
	v3 =	vadd.s32 v1, v3  }
0x3fc: {  	[tilespmem:s18], [sflag:$0x1] =	stream.indirect_vreg.gather [hbm4b:s1+s4], $0x80, v4, vm0, $0xb8;
	[tilespmem:$0x18600] =	vst v63  }
0x3fd: {  	s11 =	simm.s32 $0x2E00  }
0x3fe: {  	[tilespmem:s11], [sflag:$0x1] =	stream.indirect_vreg.gather [hbm4b:s5+s4], $0x80, v4, vm0, $0xb8;
	[tilespmem:$0x18600] =	vst v63  }
0x3ff: {  	s13 =	simm.s32 $0x3600  }
0x400: {  	[tilespmem:s13], [sflag:$0x1] =	stream.indirect_vreg.gather [hbm4b:s1+s4], $0x80, v3, vm0, $0xb8;
	[tilespmem:$0x18600] =	vst v63  }
0x401: {  	s14 =	simm.s32 $0x3E00  }
0x402: {  	[tilespmem:s14], [sflag:$0x1] =	stream.indirect_vreg.gather [hbm4b:s5+s4], $0x80, v3, vm0, $0xb8;
	[tilespmem:$0x18600] =	vst v63  }
0x403: {  	v3 =	vld [tilespmem:$0x380];
	_ =	sdelay $0x4  }
0x404: {  	v50 =	vshll.u32 v3, $0x2  }
0x405: {  	v3 =	vand.u32 $0x7, v3;
	v4 =	vand.u32 $0xFFFFFFE0, v50  }
0x406: {  	v3 =	vor.u32 v3, v4  }
0x407: {  	v4 =	vperm.xlane v3, v0;
	_ =	sdelay $0x1  }
0x408: {  	v4 =	vadd.s32 v1, v4;
	_ =	sdelay $0x1  }
0x409: {  	v3 =	vperm.xlane v3, v2;
	_ =	sdelay $0x1  }
0x40a: {  	s16 =	simm.s32 $0xC600;
	v3 =	vadd.s32 v1, v3  }
0x40b: {  	[tilespmem:s16], [sflag:$0x4] =	stream.indirect_vreg.gather [hbm4b:s1+s4], $0x80, v4, vm0, $0xb8;
	[tilespmem:$0x18600] =	vst v63  }
0x40c: {  	s18 =	simm.s32 $0xCE00  }
0x40d: {  	[tilespmem:s18], [sflag:$0x4] =	stream.indirect_vreg.gather [hbm4b:s5+s4], $0x80, v4, vm0, $0xb8;
	[tilespmem:$0x18600] =	vst v63  }
0x40e: {  	s11 =	simm.s32 $0xD600  }
0x40f: {  	[tilespmem:s11], [sflag:$0x4] =	stream.indirect_vreg.gather [hbm4b:s1+s4], $0x80, v3, vm0, $0xb8;
	[tilespmem:$0x18600] =	vst v63  }
0x410: {  	s13 =	simm.s32 $0xDE00  }
0x411: {  	[tilespmem:s13], [sflag:$0x4] =	stream.indirect_vreg.gather [hbm4b:s5+s4], $0x80, v3, vm0, $0xb8;
	[tilespmem:$0x18600] =	vst v63  }
0x412: {  	v3 =	vld [tilespmem:$0x390];
	_ =	sdelay $0x4  }
0x413: {  	v51 =	vshll.u32 v3, $0x2  }
0x414: {  	v3 =	vand.u32 $0x7, v3;
	v4 =	vand.u32 $0xFFFFFFE0, v51  }
0x415: {  	v3 =	vor.u32 v3, v4  }
0x416: {  	v4 =	vperm.xlane v3, v0;
	_ =	sdelay $0x1  }
0x417: {  	v4 =	vadd.s32 v1, v4;
	_ =	sdelay $0x1  }
0x418: {  	v3 =	vperm.xlane v3, v2;
	_ =	sdelay $0x1  }
0x419: {  	s14 =	simm.s32 $0xE600;
	v3 =	vadd.s32 v1, v3  }
0x41a: {  	[tilespmem:s14], [sflag:$0x4] =	stream.indirect_vreg.gather [hbm4b:s1+s4], $0x80, v4, vm0, $0xb8;
	[tilespmem:$0x18600] =	vst v63  }
0x41b: {  	s16 =	simm.s32 $0xEE00  }
0x41c: {  	[tilespmem:s16], [sflag:$0x4] =	stream.indirect_vreg.gather [hbm4b:s5+s4], $0x80, v4, vm0, $0xb8;
	[tilespmem:$0x18600] =	vst v63  }
0x41d: {  	s18 =	simm.s32 $0xF600  }
0x41e: {  	[tilespmem:s18], [sflag:$0x4] =	stream.indirect_vreg.gather [hbm4b:s1+s4], $0x80, v3, vm0, $0xb8;
	[tilespmem:$0x18600] =	vst v63  }
0x41f: {  	s11 =	simm.s32 $0xFE00  }
0x420: {  	[tilespmem:s11], [sflag:$0x4] =	stream.indirect_vreg.gather [hbm4b:s5+s4], $0x80, v3, vm0, $0xb8;
	[tilespmem:$0x18600] =	vst v63  }
0x421: {  	_ =	swait.ge [sflag:s29], $0x4000  }
0x422: {  	[sflag:s29] =	ssyncset.done $0x0  }
0x423: {  	[sflag:s29] =	ssyncadd.s32 $0xFFFFC000  }
0x424: {  	_ =	swait.ge [sflag:s6], $0x4000  }
0x425: {  	s13 =	rddreg [dreg:$0x12];
	[sflag:s6] =	ssyncset.done $0x0  }
0x426: {  	s18 =	simm.s32 $0x4600;
	s11 =	sld [smem:$0x7F8];
	[sflag:s6] =	ssyncadd.s32 $0xFFFFC000  }
0x427: {  	[hbm4b:s13+s4] =	stream.linear.scatter [tilespmem:s18], [sflag:$0x8], $0x4000, $0x38;
	[tilespmem:$0x18600] =	vst v63  }
0x428: {  	s14 =	simm.s32 $0x10A00  }
0x429: {  	[hbm4b:s11+s4] =	stream.linear.scatter [tilespmem:s14], [sflag:$0xB], $0xC00, $0x38;
	[tilespmem:$0x18600] =	vst v63  }
0x42a: {  	s13 =	simm.s32 $0x11A00;
	s16 =	sadd.s32 $0x180, s11  }
0x42b: {  	[hbm4b:s16+s4] =	stream.linear.scatter [tilespmem:s13], [sflag:$0xB], $0xC00, $0x38;
	[tilespmem:$0x18600] =	vst v63  }
0x42c: {  	s14 =	sadd.s32 $0x300, s11;
	s16 =	simm.s32 $0x12A00  }
0x42d: {  	[hbm4b:s14+s4] =	stream.linear.scatter [tilespmem:s16], [sflag:$0xB], $0xC00, $0x38;
	[tilespmem:$0x18600] =	vst v63  }
0x42e: {  	s13 =	sadd.s32 $0x480, s11;
	s14 =	simm.s32 $0x13A00  }
0x42f: {  	[hbm4b:s13+s4] =	stream.linear.scatter [tilespmem:s14], [sflag:$0xB], $0xC00, $0x38;
	[tilespmem:$0x18600] =	vst v63  }
0x430: {  	_ =	swait.ge [sflag:s21], $0x4000  }
0x431: {  	[sflag:s21] =	ssyncset.done $0x0  }
0x432: {  	[sflag:s21] =	ssyncadd.s32 $0xFFFFC000  }
0x433: {  	_ =	swait.ge [sflag:s31], $0x3000  }
0x434: {  	[sflag:s31] =	ssyncset.done $0x0  }
0x435: {  	[sflag:s31] =	ssyncadd.s32 $0xFFFFD000  }
0x436: {  	v3 =	vld [tilespmem:$0x1A0];
	_ =	sdelay $0x4  }
0x437: {  	v52 =	vshll.u32 v3, $0x2  }
0x438: {  	v3 =	vand.u32 $0x7, v3;
	v4 =	vand.u32 $0xFFFFFFE0, v52  }
0x439: {  	v3 =	vor.u32 v3, v4  }
0x43a: {  	v4 =	vperm.xlane v3, v0;
	_ =	sdelay $0x1  }
0x43b: {  	v4 =	vadd.s32 v1, v4;
	_ =	sdelay $0x1  }
0x43c: {  	v3 =	vperm.xlane v3, v2;
	_ =	sdelay $0x1  }
0x43d: {  	v3 =	vadd.s32 v1, v3  }
0x43e: {  	[tilespmem:s18], [sflag:$0x2] =	stream.indirect_vreg.gather [hbm4b:s1+s4], $0x80, v4, vm0, $0xb8;
	[tilespmem:$0x18600] =	vst v63  }
0x43f: {  	s16 =	simm.s32 $0x4E00  }
0x440: {  	[tilespmem:s16], [sflag:$0x2] =	stream.indirect_vreg.gather [hbm4b:s5+s4], $0x80, v4, vm0, $0xb8;
	[tilespmem:$0x18600] =	vst v63  }
0x441: {  	s18 =	simm.s32 $0x5600  }
0x442: {  	[tilespmem:s18], [sflag:$0x2] =	stream.indirect_vreg.gather [hbm4b:s1+s4], $0x80, v3, vm0, $0xb8;
	[tilespmem:$0x18600] =	vst v63  }
0x443: {  	s31 =	simm.s32 $0x5E00  }
0x444: {  	[tilespmem:s31], [sflag:$0x2] =	stream.indirect_vreg.gather [hbm4b:s5+s4], $0x80, v3, vm0, $0xb8;
	[tilespmem:$0x18600] =	vst v63  }
0x445: {  	v3 =	vld [tilespmem:$0x1B0];
	_ =	sdelay $0x4  }
0x446: {  	v53 =	vshll.u32 v3, $0x2  }
0x447: {  	v3 =	vand.u32 $0x7, v3;
	v4 =	vand.u32 $0xFFFFFFE0, v53  }
0x448: {  	v3 =	vor.u32 v3, v4  }
0x449: {  	v4 =	vperm.xlane v3, v0;
	_ =	sdelay $0x1  }
0x44a: {  	v4 =	vadd.s32 v1, v4;
	_ =	sdelay $0x1  }
0x44b: {  	v3 =	vperm.xlane v3, v2;
	_ =	sdelay $0x1  }
0x44c: {  	s11 =	simm.s32 $0x6600;
	v3 =	vadd.s32 v1, v3  }
0x44d: {  	[tilespmem:s11], [sflag:$0x2] =	stream.indirect_vreg.gather [hbm4b:s1+s4], $0x80, v4, vm0, $0xb8;
	[tilespmem:$0x18600] =	vst v63  }
0x44e: {  	s13 =	simm.s32 $0x6E00  }
0x44f: {  	[tilespmem:s13], [sflag:$0x2] =	stream.indirect_vreg.gather [hbm4b:s5+s4], $0x80, v4, vm0, $0xb8;
	[tilespmem:$0x18600] =	vst v63  }
0x450: {  	s14 =	simm.s32 $0x7600  }
0x451: {  	[tilespmem:s14], [sflag:$0x2] =	stream.indirect_vreg.gather [hbm4b:s1+s4], $0x80, v3, vm0, $0xb8;
	[tilespmem:$0x18600] =	vst v63  }
0x452: {  	s16 =	simm.s32 $0x7E00  }
0x453: {  	[tilespmem:s16], [sflag:$0x2] =	stream.indirect_vreg.gather [hbm4b:s5+s4], $0x80, v3, vm0, $0xb8;
	[tilespmem:$0x18600] =	vst v63  }
0x454: {  	v3 =	vld [tilespmem:$0x3A0];
	_ =	sdelay $0x4  }
0x455: {  	v54 =	vshll.u32 v3, $0x2  }
0x456: {  	v3 =	vand.u32 $0x7, v3;
	v4 =	vand.u32 $0xFFFFFFE0, v54  }
0x457: {  	v3 =	vor.u32 v3, v4  }
0x458: {  	v4 =	vperm.xlane v3, v0;
	_ =	sdelay $0x1  }
0x459: {  	v4 =	vadd.s32 v1, v4;
	_ =	sdelay $0x1  }
0x45a: {  	v3 =	vperm.xlane v3, v2;
	_ =	sdelay $0x1  }
0x45b: {  	s18 =	simm.s32 $0x10600;
	v3 =	vadd.s32 v1, v3  }
0x45c: {  	[tilespmem:s18], [sflag:$0x5] =	stream.indirect_vreg.gather [hbm4b:s1+s4], $0x80, v4, vm0, $0xb8;
	[tilespmem:$0x18600] =	vst v63  }
0x45d: {  	s31 =	simm.s32 $0x10E00  }
0x45e: {  	[tilespmem:s31], [sflag:$0x5] =	stream.indirect_vreg.gather [hbm4b:s5+s4], $0x80, v4, vm0, $0xb8;
	[tilespmem:$0x18600] =	vst v63  }
0x45f: {  	s11 =	simm.s32 $0x11600  }
0x460: {  	[tilespmem:s11], [sflag:$0x5] =	stream.indirect_vreg.gather [hbm4b:s1+s4], $0x80, v3, vm0, $0xb8;
	[tilespmem:$0x18600] =	vst v63  }
0x461: {  	s13 =	simm.s32 $0x11E00  }
0x462: {  	[tilespmem:s13], [sflag:$0x5] =	stream.indirect_vreg.gather [hbm4b:s5+s4], $0x80, v3, vm0, $0xb8;
	[tilespmem:$0x18600] =	vst v63  }
0x463: {  	v3 =	vld [tilespmem:$0x3B0];
	_ =	sdelay $0x4  }
0x464: {  	v55 =	vshll.u32 v3, $0x2  }
0x465: {  	v3 =	vand.u32 $0x7, v3;
	v4 =	vand.u32 $0xFFFFFFE0, v55  }
0x466: {  	v3 =	vor.u32 v3, v4  }
0x467: {  	v4 =	vperm.xlane v3, v0;
	_ =	sdelay $0x1  }
0x468: {  	v4 =	vadd.s32 v1, v4;
	_ =	sdelay $0x1  }
0x469: {  	v3 =	vperm.xlane v3, v2;
	_ =	sdelay $0x1  }
0x46a: {  	s14 =	simm.s32 $0x12600;
	v3 =	vadd.s32 v1, v3  }
0x46b: {  	[tilespmem:s14], [sflag:$0x5] =	stream.indirect_vreg.gather [hbm4b:s1+s4], $0x80, v4, vm0, $0xb8;
	[tilespmem:$0x18600] =	vst v63  }
0x46c: {  	s16 =	simm.s32 $0x12E00  }
0x46d: {  	[tilespmem:s16], [sflag:$0x5] =	stream.indirect_vreg.gather [hbm4b:s5+s4], $0x80, v4, vm0, $0xb8;
	[tilespmem:$0x18600] =	vst v63  }
0x46e: {  	s18 =	simm.s32 $0x13600  }
0x46f: {  	[tilespmem:s18], [sflag:$0x5] =	stream.indirect_vreg.gather [hbm4b:s1+s4], $0x80, v3, vm0, $0xb8;
	[tilespmem:$0x18600] =	vst v63  }
0x470: {  	s31 =	simm.s32 $0x13E00  }
0x471: {  	[tilespmem:s31], [sflag:$0x5] =	stream.indirect_vreg.gather [hbm4b:s5+s4], $0x80, v3, vm0, $0xb8;
	[tilespmem:$0x18600] =	vst v63  }
0x472: {  	_ =	swait.ge [sflag:s30], $0x4000  }
0x473: {  	[sflag:s30] =	ssyncset.done $0x0  }
0x474: {  	[sflag:s30] =	ssyncadd.s32 $0xFFFFC000  }
0x475: {  	_ =	swait.ge [sflag:s7], $0x4000  }
0x476: {  	s11 =	rddreg [dreg:$0x13];
	[sflag:s7] =	ssyncset.done $0x0  }
0x477: {  	s13 =	simm.s32 $0x8600;
	s14 =	sld [smem:$0x7F9];
	[sflag:s7] =	ssyncadd.s32 $0xFFFFC000  }
0x478: {  	[hbm4b:s11+s4] =	stream.linear.scatter [tilespmem:s13], [sflag:$0x9], $0x4000, $0x38;
	[tilespmem:$0x18600] =	vst v63  }
0x479: {  	s25 =	simm.s32 $0x14A00  }
0x47a: {  	[hbm4b:s14+s4] =	stream.linear.scatter [tilespmem:s25], [sflag:$0xC], $0xC00, $0x38;
	[tilespmem:$0x18600] =	vst v63  }
0x47b: {  	s31 =	simm.s32 $0x15A00;
	s18 =	sadd.s32 $0x180, s14  }
0x47c: {  	[hbm4b:s18+s4] =	stream.linear.scatter [tilespmem:s31], [sflag:$0xC], $0xC00, $0x38;
	[tilespmem:$0x18600] =	vst v63  }
0x47d: {  	s25 =	sadd.s32 $0x300, s14;
	s18 =	simm.s32 $0x16A00  }
0x47e: {  	[hbm4b:s25+s4] =	stream.linear.scatter [tilespmem:s18], [sflag:$0xC], $0xC00, $0x38;
	[tilespmem:$0x18600] =	vst v63  }
0x47f: {  	s14 =	sadd.s32 $0x480, s14;
	s25 =	simm.s32 $0x17A00  }
0x480: {  	[hbm4b:s14+s4] =	stream.linear.scatter [tilespmem:s25], [sflag:$0xC], $0xC00, $0x38;
	[tilespmem:$0x18600] =	vst v63  }
0x481: {  	_ =	swait.ge [sflag:s8], $0x4000  }
0x482: {  	[sflag:s8] =	ssyncset.done $0x0  }
0x483: {  	[sflag:s8] =	ssyncadd.s32 $0xFFFFC000  }
0x484: {  	_ =	swait.ge [sflag:s9], $0x3000  }
0x485: {  	[sflag:s9] =	ssyncset.done $0x0  }
0x486: {  	[sflag:s9] =	ssyncadd.s32 $0xFFFFD000  }
0x487: {  	v3 =	vld [tilespmem:$0x1C0];
	_ =	sdelay $0x4  }
0x488: {  	v56 =	vshll.u32 v3, $0x2  }
0x489: {  	v3 =	vand.u32 $0x7, v3;
	v4 =	vand.u32 $0xFFFFFFE0, v56  }
0x48a: {  	v3 =	vor.u32 v3, v4  }
0x48b: {  	v4 =	vperm.xlane v3, v0;
	_ =	sdelay $0x1  }
0x48c: {  	v4 =	vadd.s32 v1, v4;
	_ =	sdelay $0x1  }
0x48d: {  	v3 =	vperm.xlane v3, v2;
	_ =	sdelay $0x1  }
0x48e: {  	v3 =	vadd.s32 v1, v3  }
0x48f: {  	[tilespmem:s13], [sflag:$0x3] =	stream.indirect_vreg.gather [hbm4b:s1+s4], $0x80, v4, vm0, $0xb8;
	[tilespmem:$0x18600] =	vst v63  }
0x490: {  	_ = 	snop  }
0x491: {  	[tilespmem:s15], [sflag:$0x3] =	stream.indirect_vreg.gather [hbm4b:s5+s4], $0x80, v4, vm0, $0xb8;
	[tilespmem:$0x18600] =	vst v63  }
0x492: {  	_ = 	snop  }
0x493: {  	[tilespmem:s19], [sflag:$0x3] =	stream.indirect_vreg.gather [hbm4b:s1+s4], $0x80, v3, vm0, $0xb8;
	[tilespmem:$0x18600] =	vst v63  }
0x494: {  	s11 =	simm.s32 $0x9E00  }
0x495: {  	[tilespmem:s11], [sflag:$0x3] =	stream.indirect_vreg.gather [hbm4b:s5+s4], $0x80, v3, vm0, $0xb8;
	[tilespmem:$0x18600] =	vst v63  }
0x496: {  	v3 =	vld [tilespmem:$0x1D0];
	_ =	sdelay $0x4  }
0x497: {  	v57 =	vshll.u32 v3, $0x2  }
0x498: {  	v3 =	vand.u32 $0x7, v3;
	v4 =	vand.u32 $0xFFFFFFE0, v57  }
0x499: {  	v3 =	vor.u32 v3, v4  }
0x49a: {  	v4 =	vperm.xlane v3, v0;
	_ =	sdelay $0x1  }
0x49b: {  	v4 =	vadd.s32 v1, v4;
	_ =	sdelay $0x1  }
0x49c: {  	v3 =	vperm.xlane v3, v2;
	_ =	sdelay $0x1  }
0x49d: {  	s14 =	simm.s32 $0xA600;
	v3 =	vadd.s32 v1, v3  }
0x49e: {  	[tilespmem:s14], [sflag:$0x3] =	stream.indirect_vreg.gather [hbm4b:s1+s4], $0x80, v4, vm0, $0xb8;
	[tilespmem:$0x18600] =	vst v63  }
0x49f: {  	s15 =	simm.s32 $0xAE00  }
0x4a0: {  	[tilespmem:s15], [sflag:$0x3] =	stream.indirect_vreg.gather [hbm4b:s5+s4], $0x80, v4, vm0, $0xb8;
	[tilespmem:$0x18600] =	vst v63  }
0x4a1: {  	s19 =	simm.s32 $0xB600  }
0x4a2: {  	[tilespmem:s19], [sflag:$0x3] =	stream.indirect_vreg.gather [hbm4b:s1+s4], $0x80, v3, vm0, $0xb8;
	[tilespmem:$0x18600] =	vst v63  }
0x4a3: {  	s11 =	simm.s32 $0xBE00  }
0x4a4: {  	[tilespmem:s11], [sflag:$0x3] =	stream.indirect_vreg.gather [hbm4b:s5+s4], $0x80, v3, vm0, $0xb8;
	[tilespmem:$0x18600] =	vst v63  }
0x4a5: {  	v3 =	vld [tilespmem:$0x3C0];
	_ =	sdelay $0x4  }
0x4a6: {  	v58 =	vshll.u32 v3, $0x2  }
0x4a7: {  	v3 =	vand.u32 $0x7, v3;
	v4 =	vand.u32 $0xFFFFFFE0, v58  }
0x4a8: {  	v3 =	vor.u32 v3, v4  }
0x4a9: {  	v4 =	vperm.xlane v3, v0;
	_ =	sdelay $0x1  }
0x4aa: {  	v4 =	vadd.s32 v1, v4;
	_ =	sdelay $0x1  }
0x4ab: {  	v3 =	vperm.xlane v3, v2;
	_ =	sdelay $0x1  }
0x4ac: {  	s14 =	simm.s32 $0x14600;
	v3 =	vadd.s32 v1, v3  }
0x4ad: {  	[tilespmem:s14], [sflag:$0x6] =	stream.indirect_vreg.gather [hbm4b:s1+s4], $0x80, v4, vm0, $0xb8;
	[tilespmem:$0x18600] =	vst v63  }
0x4ae: {  	s15 =	simm.s32 $0x14E00  }
0x4af: {  	[tilespmem:s15], [sflag:$0x6] =	stream.indirect_vreg.gather [hbm4b:s5+s4], $0x80, v4, vm0, $0xb8;
	[tilespmem:$0x18600] =	vst v63  }
0x4b0: {  	s19 =	simm.s32 $0x15600  }
0x4b1: {  	[tilespmem:s19], [sflag:$0x6] =	stream.indirect_vreg.gather [hbm4b:s1+s4], $0x80, v3, vm0, $0xb8;
	[tilespmem:$0x18600] =	vst v63  }
0x4b2: {  	s23 =	simm.s32 $0x15E00  }
0x4b3: {  	[tilespmem:s23], [sflag:$0x6] =	stream.indirect_vreg.gather [hbm4b:s5+s4], $0x80, v3, vm0, $0xb8;
	[tilespmem:$0x18600] =	vst v63  }
0x4b4: {  	v3 =	vld [tilespmem:$0x3D0];
	_ =	sdelay $0x4  }
0x4b5: {  	v59 =	vshll.u32 v3, $0x2  }
0x4b6: {  	v3 =	vand.u32 $0x7, v3;
	v4 =	vand.u32 $0xFFFFFFE0, v59  }
0x4b7: {  	v3 =	vor.u32 v3, v4  }
0x4b8: {  	v4 =	vperm.xlane v3, v0;
	_ =	sdelay $0x1  }
0x4b9: {  	v4 =	vadd.s32 v1, v4;
	_ =	sdelay $0x1  }
0x4ba: {  	v3 =	vperm.xlane v3, v2;
	_ =	sdelay $0x1  }
0x4bb: {  	s23 =	simm.s32 $0x16600;
	v3 =	vadd.s32 v1, v3  }
0x4bc: {  	[tilespmem:s23], [sflag:$0x6] =	stream.indirect_vreg.gather [hbm4b:s1+s4], $0x80, v4, vm0, $0xb8;
	[tilespmem:$0x18600] =	vst v63  }
0x4bd: {  	s11 =	simm.s32 $0x16E00  }
0x4be: {  	[tilespmem:s11], [sflag:$0x6] =	stream.indirect_vreg.gather [hbm4b:s5+s4], $0x80, v4, vm0, $0xb8;
	[tilespmem:$0x18600] =	vst v63  }
0x4bf: {  	s14 =	simm.s32 $0x17600  }
0x4c0: {  	[tilespmem:s14], [sflag:$0x6] =	stream.indirect_vreg.gather [hbm4b:s1+s4], $0x80, v3, vm0, $0xb8;
	[tilespmem:$0x18600] =	vst v63  }
0x4c1: {  	s15 =	simm.s32 $0x17E00  }
0x4c2: {  	[tilespmem:s15], [sflag:$0x6] =	stream.indirect_vreg.gather [hbm4b:s5+s4], $0x80, v3, vm0, $0xb8;
	[tilespmem:$0x18600] =	vst v63  }
0x4c3: {  	_ =	swait.ge [sflag:s24], $0x4000  }
0x4c4: {  	[sflag:s24] =	ssyncset.done $0x0  }
0x4c5: {  	[sflag:s24] =	ssyncadd.s32 $0xFFFFC000  }
0x4c6: {  	_ =	swait.ge [sflag:s26], $0x4000  }
0x4c7: {  	s19 =	rddreg [dreg:$0x14];
	[sflag:s26] =	ssyncset.done $0x0  }
0x4c8: {  	s28 =	simm.s32 $0x600;
	s23 =	sld [smem:$0x7FA];
	[sflag:s26] =	ssyncadd.s32 $0xFFFFC000  }
0x4c9: {  	[hbm4b:s19+s4] =	stream.linear.scatter [tilespmem:s28], [sflag:$0x7], $0x4000, $0x38;
	[tilespmem:$0x18600] =	vst v63  }
0x4ca: {  	_ = 	snop  }
0x4cb: {  	[hbm4b:s23+s4] =	stream.linear.scatter [tilespmem:s12], [sflag:$0xA], $0xC00, $0x38;
	[tilespmem:$0x18600] =	vst v63  }
0x4cc: {  	s15 =	sadd.s32 $0x180, s23  }
0x4cd: {  	[hbm4b:s15+s4] =	stream.linear.scatter [tilespmem:s20], [sflag:$0xA], $0xC00, $0x38;
	[tilespmem:$0x18600] =	vst v63  }
0x4ce: {  	s22 =	simm.s32 $0xEA00;
	s19 =	sadd.s32 $0x300, s23  }
0x4cf: {  	[hbm4b:s19+s4] =	stream.linear.scatter [tilespmem:s22], [sflag:$0xA], $0xC00, $0x38;
	[tilespmem:$0x18600] =	vst v63  }
0x4d0: {  	s17 =	simm.s32 $0xFA00;
	s20 =	sadd.s32 $0x480, s23  }
0x4d1: {  	[hbm4b:s20+s4] =	stream.linear.scatter [tilespmem:s17], [sflag:$0xA], $0xC00, $0x38;
	[tilespmem:$0x18600] =	vst v63  }
0x4d2: {  	_ =	swait.ge [sflag:s0], $0x4000  }
0x4d3: {  	[sflag:s0] =	ssyncset.done $0x0  }
0x4d4: {  	[sflag:s0] =	ssyncadd.s32 $0xFFFFC000  }
0x4d5: {  	_ =	swait.ge [sflag:s3], $0x3000  }
0x4d6: {  	[sflag:s3] =	ssyncset.done $0x0  }
0x4d7: {  	[sflag:s3] =	ssyncadd.s32 $0xFFFFD000  }
0x4d8: {  	v3 =	vld [tilespmem:$0x1E0];
	_ =	sdelay $0x4  }
0x4d9: {  	v60 =	vshll.u32 v3, $0x2  }
0x4da: {  	v3 =	vand.u32 $0x7, v3;
	v4 =	vand.u32 $0xFFFFFFE0, v60  }
0x4db: {  	v3 =	vor.u32 v3, v4  }
0x4dc: {  	v4 =	vperm.xlane v3, v0;
	_ =	sdelay $0x1  }
0x4dd: {  	v4 =	vadd.s32 v1, v4;
	_ =	sdelay $0x1  }
0x4de: {  	v3 =	vperm.xlane v3, v2;
	_ =	sdelay $0x1  }
0x4df: {  	v3 =	vadd.s32 v1, v3  }
0x4e0: {  	[tilespmem:s28], [sflag:$0x1] =	stream.indirect_vreg.gather [hbm4b:s1+s4], $0x80, v4, vm0, $0xb8;
	[tilespmem:$0x18600] =	vst v63  }
0x4e1: {  	s23 =	simm.s32 $0xE00  }
0x4e2: {  	[tilespmem:s23], [sflag:$0x1] =	stream.indirect_vreg.gather [hbm4b:s5+s4], $0x80, v4, vm0, $0xb8;
	[tilespmem:$0x18600] =	vst v63  }
0x4e3: {  	s11 =	simm.s32 $0x1600  }
0x4e4: {  	[tilespmem:s11], [sflag:$0x1] =	stream.indirect_vreg.gather [hbm4b:s1+s4], $0x80, v3, vm0, $0xb8;
	[tilespmem:$0x18600] =	vst v63  }
0x4e5: {  	s15 =	simm.s32 $0x1E00  }
0x4e6: {  	[tilespmem:s15], [sflag:$0x1] =	stream.indirect_vreg.gather [hbm4b:s5+s4], $0x80, v3, vm0, $0xb8;
	[tilespmem:$0x18600] =	vst v63  }
0x4e7: {  	v3 =	vld [tilespmem:$0x1F0];
	_ =	sdelay $0x4  }
0x4e8: {  	v61 =	vshll.u32 v3, $0x2  }
0x4e9: {  	v3 =	vand.u32 $0x7, v3;
	v4 =	vand.u32 $0xFFFFFFE0, v61  }
0x4ea: {  	v3 =	vor.u32 v3, v4  }
0x4eb: {  	v4 =	vperm.xlane v3, v0;
	_ =	sdelay $0x1  }
0x4ec: {  	v4 =	vadd.s32 v1, v4;
	_ =	sdelay $0x1  }
0x4ed: {  	v3 =	vperm.xlane v3, v2;
	_ =	sdelay $0x1  }
0x4ee: {  	s19 =	simm.s32 $0x2600;
	v3 =	vadd.s32 v1, v3  }
0x4ef: {  	[tilespmem:s19], [sflag:$0x1] =	stream.indirect_vreg.gather [hbm4b:s1+s4], $0x80, v4, vm0, $0xb8;
	[tilespmem:$0x18600] =	vst v63  }
0x4f0: {  	s20 =	simm.s32 $0x2E00  }
0x4f1: {  	[tilespmem:s20], [sflag:$0x1] =	stream.indirect_vreg.gather [hbm4b:s5+s4], $0x80, v4, vm0, $0xb8;
	[tilespmem:$0x18600] =	vst v63  }
0x4f2: {  	s23 =	simm.s32 $0x3600  }
0x4f3: {  	[tilespmem:s23], [sflag:$0x1] =	stream.indirect_vreg.gather [hbm4b:s1+s4], $0x80, v3, vm0, $0xb8;
	[tilespmem:$0x18600] =	vst v63  }
0x4f4: {  	s11 =	simm.s32 $0x3E00  }
0x4f5: {  	[tilespmem:s11], [sflag:$0x1] =	stream.indirect_vreg.gather [hbm4b:s5+s4], $0x80, v3, vm0, $0xb8;
	[tilespmem:$0x18600] =	vst v63  }
0x4f6: {  	v3 =	vld [tilespmem:$0x3E0];
	_ =	sdelay $0x4  }
0x4f7: {  	v62 =	vshll.u32 v3, $0x2  }
0x4f8: {  	v3 =	vand.u32 $0x7, v3;
	v4 =	vand.u32 $0xFFFFFFE0, v62  }
0x4f9: {  	v3 =	vor.u32 v3, v4  }
0x4fa: {  	v4 =	vperm.xlane v3, v0;
	_ =	sdelay $0x1  }
0x4fb: {  	v4 =	vadd.s32 v1, v4;
	_ =	sdelay $0x1  }
0x4fc: {  	v3 =	vperm.xlane v3, v2;
	_ =	sdelay $0x1  }
0x4fd: {  	s15 =	simm.s32 $0xC600;
	v3 =	vadd.s32 v1, v3  }
0x4fe: {  	[tilespmem:s15], [sflag:$0x4] =	stream.indirect_vreg.gather [hbm4b:s1+s4], $0x80, v4, vm0, $0xb8;
	[tilespmem:$0x18600] =	vst v63  }
0x4ff: {  	s19 =	simm.s32 $0xCE00  }
0x500: {  	[tilespmem:s19], [sflag:$0x4] =	stream.indirect_vreg.gather [hbm4b:s5+s4], $0x80, v4, vm0, $0xb8;
	[tilespmem:$0x18600] =	vst v63  }
0x501: {  	s20 =	simm.s32 $0xD600  }
0x502: {  	[tilespmem:s20], [sflag:$0x4] =	stream.indirect_vreg.gather [hbm4b:s1+s4], $0x80, v3, vm0, $0xb8;
	[tilespmem:$0x18600] =	vst v63  }
0x503: {  	s23 =	simm.s32 $0xDE00  }
0x504: {  	[tilespmem:s23], [sflag:$0x4] =	stream.indirect_vreg.gather [hbm4b:s5+s4], $0x80, v3, vm0, $0xb8;
	[tilespmem:$0x18600] =	vst v63  }
0x505: {  	v3 =	vld [tilespmem:$0x3F0];
	_ =	sdelay $0x4  }
0x506: {  	v63 =	vshll.u32 v3, $0x2  }
0x507: {  	v3 =	vand.u32 $0x7, v3;
	v4 =	vand.u32 $0xFFFFFFE0, v63  }
0x508: {  	v3 =	vor.u32 v3, v4  }
0x509: {  	v4 =	vperm.xlane v3, v0;
	_ =	sdelay $0x1  }
0x50a: {  	v4 =	vadd.s32 v1, v4;
	_ =	sdelay $0x1  }
0x50b: {  	v3 =	vperm.xlane v3, v2;
	_ =	sdelay $0x1  }
0x50c: {  	s11 =	simm.s32 $0xE600;
	v3 =	vadd.s32 v1, v3  }
0x50d: {  	[tilespmem:s11], [sflag:$0x4] =	stream.indirect_vreg.gather [hbm4b:s1+s4], $0x80, v4, vm0, $0xb8;
	[tilespmem:$0x18600] =	vst v63  }
0x50e: {  	s15 =	simm.s32 $0xEE00  }
0x50f: {  	[tilespmem:s15], [sflag:$0x4] =	stream.indirect_vreg.gather [hbm4b:s5+s4], $0x80, v4, vm0, $0xb8;
	[tilespmem:$0x18600] =	vst v63  }
0x510: {  	s19 =	simm.s32 $0xF600  }
0x511: {  	[tilespmem:s19], [sflag:$0x4] =	stream.indirect_vreg.gather [hbm4b:s1+s4], $0x80, v3, vm0, $0xb8;
	[tilespmem:$0x18600] =	vst v63  }
0x512: {  	s20 =	simm.s32 $0xFE00  }
0x513: {  	[tilespmem:s20], [sflag:$0x4] =	stream.indirect_vreg.gather [hbm4b:s5+s4], $0x80, v3, vm0, $0xb8;
	[tilespmem:$0x18600] =	vst v63  }
0x514: {  	_ =	swait.ge [sflag:s29], $0x4000  }
0x515: {  	[sflag:s29] =	ssyncset.done $0x0  }
0x516: {  	[sflag:s29] =	ssyncadd.s32 $0xFFFFC000  }
0x517: {  	_ =	swait.ge [sflag:s6], $0x4000  }
0x518: {  	s23 =	rddreg [dreg:$0x15];
	[sflag:s6] =	ssyncset.done $0x0  }
0x519: {  	s21 =	simm.s32 $0x4600;
	s29 =	sld [smem:$0x7FB];
	[sflag:s6] =	ssyncadd.s32 $0xFFFFC000  }
0x51a: {  	[hbm4b:s23+s4] =	stream.linear.scatter [tilespmem:s21], [sflag:$0x8], $0x4000, $0x38;
	[tilespmem:$0x18600] =	vst v63  }
0x51b: {  	s10 =	simm.s32 $0x10A00  }
0x51c: {  	[hbm4b:s29+s4] =	stream.linear.scatter [tilespmem:s10], [sflag:$0xB], $0xC00, $0x38;
	[tilespmem:$0x18600] =	vst v63  }
0x51d: {  	s19 =	simm.s32 $0x11A00;
	s15 =	sadd.s32 $0x180, s29  }
0x51e: {  	[hbm4b:s15+s4] =	stream.linear.scatter [tilespmem:s19], [sflag:$0xB], $0xC00, $0x38;
	[tilespmem:$0x18600] =	vst v63  }
0x51f: {  	s21 =	simm.s32 $0x12A00;
	s20 =	sadd.s32 $0x300, s29  }
0x520: {  	[hbm4b:s20+s4] =	stream.linear.scatter [tilespmem:s21], [sflag:$0xB], $0xC00, $0x38;
	[tilespmem:$0x18600] =	vst v63  }
0x521: {  	s23 =	sadd.s32 $0x480, s29;
	s29 =	simm.s32 $0x13A00  }
0x522: {  	[hbm4b:s23+s4] =	stream.linear.scatter [tilespmem:s29], [sflag:$0xB], $0xC00, $0x38;
	[tilespmem:$0x18600] =	vst v63  }
0x523: {  	_ =	swait.ge [sflag:s30], $0x4000  }
0x524: {  	[sflag:s30] =	ssyncset.done $0x0  }
0x525: {  	[sflag:s30] =	ssyncadd.s32 $0xFFFFC000  }
0x526: {  	_ =	swait.ge [sflag:s7], $0x4000  }
0x527: {  	s11 =	rddreg [dreg:$0x16];
	[sflag:s7] =	ssyncset.done $0x0  }
0x528: {  	s13 =	simm.s32 $0x8600;
	s15 =	sld [smem:$0x7FC];
	[sflag:s7] =	ssyncadd.s32 $0xFFFFC000  }
0x529: {  	[hbm4b:s11+s4] =	stream.linear.scatter [tilespmem:s13], [sflag:$0x9], $0x4000, $0x38;
	[tilespmem:$0x18600] =	vst v63  }
0x52a: {  	s16 =	simm.s32 $0x14A00  }
0x52b: {  	[hbm4b:s15+s4] =	stream.linear.scatter [tilespmem:s16], [sflag:$0xC], $0xC00, $0x38;
	[tilespmem:$0x18600] =	vst v63  }
0x52c: {  	s19 =	sadd.s32 $0x180, s15  }
0x52d: {  	[hbm4b:s19+s4] =	stream.linear.scatter [tilespmem:s31], [sflag:$0xC], $0xC00, $0x38;
	[tilespmem:$0x18600] =	vst v63  }
0x52e: {  	s20 =	sadd.s32 $0x300, s15  }
0x52f: {  	[hbm4b:s20+s4] =	stream.linear.scatter [tilespmem:s18], [sflag:$0xC], $0xC00, $0x38;
	[tilespmem:$0x18600] =	vst v63  }
0x530: {  	s21 =	sadd.s32 $0x480, s15  }
0x531: {  	[hbm4b:s21+s4] =	stream.linear.scatter [tilespmem:s25], [sflag:$0xC], $0xC00, $0x38;
	[tilespmem:$0x18600] =	vst v63  }
0x532: {  	_ =	swait.ge [sflag:s24], $0x4000  }
0x533: {  	[sflag:s24] =	ssyncset.done $0x0  }
0x534: {  	[sflag:s24] =	ssyncadd.s32 $0xFFFFC000  }
0x535: {  	_ =	swait.ge [sflag:s26], $0x4000  }
0x536: {  	s23 =	rddreg [dreg:$0x17];
	[sflag:s26] =	ssyncset.done $0x0  }
0x537: {  	s25 =	sld [smem:$0x7FD];
	[sflag:s26] =	ssyncadd.s32 $0xFFFFC000  }
0x538: {  	[hbm4b:s23+s4] =	stream.linear.scatter [tilespmem:s28], [sflag:$0x7], $0x4000, $0x38;
	[tilespmem:$0x18600] =	vst v63  }
0x539: {  	s14 =	simm.s32 $0xCA00  }
0x53a: {  	[hbm4b:s25+s4] =	stream.linear.scatter [tilespmem:s14], [sflag:$0xA], $0xC00, $0x38;
	[tilespmem:$0x18600] =	vst v63  }
0x53b: {  	s12 =	simm.s32 $0xDA00;
	s28 =	sadd.s32 $0x180, s25  }
0x53c: {  	[hbm4b:s28+s4] =	stream.linear.scatter [tilespmem:s12], [sflag:$0xA], $0xC00, $0x38;
	[tilespmem:$0x18600] =	vst v63  }
0x53d: {  	s29 =	sadd.s32 $0x300, s25  }
0x53e: {  	[hbm4b:s29+s4] =	stream.linear.scatter [tilespmem:s22], [sflag:$0xA], $0xC00, $0x38;
	[tilespmem:$0x18600] =	vst v63  }
0x53f: {  	s31 =	sadd.s32 $0x480, s25  }
0x540: {  	[hbm4b:s31+s4] =	stream.linear.scatter [tilespmem:s17], [sflag:$0xA], $0xC00, $0x38;
	[tilespmem:$0x18600] =	vst v63  }
0x541: {  	_ =	swait.ge [sflag:s8], $0x4000  }
0x542: {  	[sflag:s8] =	ssyncset.done $0x0  }
0x543: {  	[sflag:s8] =	ssyncadd.s32 $0xFFFFC000  }
0x544: {  	_ =	swait.ge [sflag:s9], $0x3000  }
0x545: {  	[sflag:s9] =	ssyncset.done $0x0  }
0x546: {  	[sflag:s9] =	ssyncadd.s32 $0xFFFFD000  }
0x547: {  	p0 =	sne.s32 s2, $0x1;
	_ =	swait.ge [sflag:s0], $0x4000  }
.Ltmp0:
0x548: {  	[sflag:s0] =	ssyncset.done $0x0;
	(pc) =	sbr.rel @p0 .LBB2_1-.Ltmp0, $4  }
0x549: {  	[sflag:s0] =	ssyncadd.s32 $0xFFFFC000  }
0x54a: {  	_ =	swait.ge [sflag:s3], $0x3000  }
0x54b: {  	[sflag:s3] =	ssyncset.done $0x0  }
0x54c: {  	s2 =	sadd.s32 $0xFFFFFFFF, s2;
	[sflag:s3] =	ssyncadd.s32 $0xFFFFD000  }
0x54d: {  	_ =	sfence.sel $0x180000  }
0x54e: {  	[bflag:$0x0] =	sbarrier.arrive $0xFFFF  }
0x54f: {  	_ =	strace $0x90000047  }
0x550: {  	s0 =	stileid.u32;
	[bflag:$0x2] =	sbarrier.arrive $0xFFFF  }
0x551: {  	p0 =	sne.s32 s0, $0x0;
	s0 =	rddreg [dreg:$0x5]  }
0x552: {  	s0 =	sadd.s32 @!p0 $0x100000, s0  }
0x553: {  	[sflag:s0] =	ssyncadd.tile.s32 @!p0 $0x1;
	_ =	shalt  }
.Lfunc_end2:
_tile_overlayer_lowered:
.L_overlay_start_2:
0x554: {  	(tag) =	ssettag $0x2  }
0x555: {  	s0 =	rddreg [dreg:$0x0];
	s2 =	stileid.u32  }
0x556: {  	s1 =	rddreg [dreg:$0x1];
	p0 =	sne.s32 s2, $0x0  }
0x557: {  	s3 =	rddreg [dreg:$0x2];
	[bflag:$0x3] =	sbarrier.arrive $0xFFFF;
	s2 =	simm.s32 @!p0 $0x1C0E  }
0x558: {  	[timem:s3], [sflag:s2] =	dma.local @!p0 [hbm:s0], s1  }
0x559: {  	s0 =	simm.s32 @!p0 $0xE  }
0x55a: {  	_ =	swait.ge @!p0 [sflag:s0], s1  }
0x55b: {  	s1 =	ssub.s32 @!p0 $0x0, s1;
	[sflag:s0] =	ssyncset.done @!p0 $0x0  }
0x55c: {  	[sflag:s0] =	ssyncadd.s32 @!p0 s1  }
0x55d: {  	[bflag:$0x3] =	sbarrier.arrive $0xFFFF  }
0x55e: {  	_ =	shalt  }

// kernel: kernel.8.cloned.1.call-start
scs
__scs_entry_jumppad:
0x0: {  	(pc) =	sbr.rel $0x88, $3  }
0x1: {  	(tag) =	ssettag $0x0;
	lr =	simm.s32 $0x1  }
0x2: {  	[smem:$0x3F95] =	sst lr;
	_ =	strace $0xD0000000  }
0x3: {  	_ = 	snop  }
0x4: {  	_ = 	snop  }
0x5: {  	_ = 	snop  }
0x6: {  	_ = 	snop  }
0x7: {  	_ = 	snop  }
__scs_overlays_trampoline_lowered:
0x8: {  	[smem:$0x3FA4] =	sst s0  }
0x9: {  	[smem:$0x3FA5] =	sst s1  }
0xa: {  	[smem:$0x3FA6] =	sst s2  }
0xb: {  	[smem:$0x3FA7] =	sst s3  }
0xc: {  	[smem:$0x3FA8] =	sst s4  }
0xd: {  	[smem:$0x3FA9] =	sst s5  }
0xe: {  	[smem:$0x3FAA] =	sst s6  }
0xf: {  	[smem:$0x3FAB] =	sst s7  }
0x10: {  	[smem:$0x3FAC] =	sst s8  }
0x11: {  	[smem:$0x3FAD] =	sst s9;
	s0 =	simm.s32 @!p0 $0x0  }
0x12: {  	s1 =	sld [smem:$0x3F93];
	s0 =	simm.s32 @p0 $0x1  }
0x13: {  	[smem:$0x3FAE] =	sst s0;
	s0 =	simm.s32 @!p1 $0x0  }
0x14: {  	s2 =	sld [smem:$0x3F92];
	s0 =	simm.s32 @p1 $0x1  }
0x15: {  	[smem:$0x3FAF] =	sst s0;
	s0 =	simm.s32 @!p2 $0x0  }
0x16: {  	s3 =	sld [smem:$0x3FDB];
	s0 =	simm.s32 @p2 $0x1  }
0x17: {  	s4 =	simm.s32 $0x1BF5;
	[smem:$0x3FB1] =	sst s0  }
0x18: {  	s0 =	sld [smem:$0x3F94];
	_ =	swait.ge [sflag:s4], $0x0  }
0x19: {  	s7 =	sld [smem:$0x3F95]  }
0x1a: {  	s8 =	sadd.s32 $0xFFFFE003, lr  }
0x1b: {  	s9 =	sadd.s32 $0xFFFFFEF7, lr;
	s5 =	simm.s32 $0xFFFFFFFF;
	p2 =	slt.u32 s8, $0xFFFFF086  }
0x1c: {  	p1 =	slt.u32 s9, $0xF7A;
	s5 =	simm.s32 @!p2 $0x0  }
0x1d: {  	s5 =	simm.s32 @p1 $0x1;
	p0 =	seq.s32 s7, s2  }
0x1e: {  	s7 =	smul.u32 @!p0 $0xF7A, s2;
	p2 =	seq.s32 @!p0 s5, $0x0  }
0x1f: {  	s9 =	smul.u32 $0xF7A, s1;
	s8 =	simm.s32 @!p0 $0x1BF5;
	p2 =	por !p2, p0  }
0x20: {  	[sflag:s8] =	ssyncset.s32 @!p0 $0xFFFFF086;
	s6 =	sadd.s32 @!p0 s3, s7;
	s7 =	simm.s32 @!p0 $0x108  }
0x21: {  	s3 =	sadd.s32 s3, s9;
	s6 =	sadd.s32 @!p0 $0x88, s6;
	s7 =	simm.s32 @p2 $0x1082  }
0x22: {  	[simem:s7], [sflag:s8] =	dma.local @!p0 [hbm:s6], $0xF7A  }
0x23: {  	s9 =	sor.u32 $0xD0000000, s2;
	s6 =	simm.s32 $0x108;
	_ =	swait.ge @!p0 [sflag:s8], $0x0  }
0x24: {  	s3 =	sadd.s32 $0x88, s3;
	s6 =	simm.s32 @!p1 $0x1082;
	[sflag:s4] =	ssyncset.s32 $0xFFFFF086  }
0x25: {  	[simem:s6], [sflag:s4] =	dma.local [hbm:s3], $0xF7A  }
0x26: {  	[smem:$0x3F95] =	sst s1;
	(tag) =	ssettag s2;
	_ =	strace s9  }
0x27: {  	s1 =	sld [smem:$0x3FA5]  }
0x28: {  	s2 =	sld [smem:$0x3FA6]  }
0x29: {  	s4 =	sld [smem:$0x3FA8]  }
0x2a: {  	p0 =	seq.s32 s5, $0x0;
	s5 =	sld [smem:$0x3FA9]  }
0x2b: {  	s6 =	sld [smem:$0x3FAA]  }
0x2c: {  	s7 =	sld [smem:$0x3FAB]  }
0x2d: {  	s3 =	simm.s32 $0x108;
	s8 =	sld [smem:$0x3FAC]  }
0x2e: {  	s3 =	simm.s32 @!p0 $0x1082;
	s9 =	sld [smem:$0x3FAD]  }
0x2f: {  	lr =	sadd.s32 s0, s3;
	s0 =	sld [smem:$0x3FA4]  }
0x30: {  	s3 =	sld [smem:$0x3FA7]  }
0x31: {  	[smem:$0x3FB0] =	sst s10  }
0x32: {  	s10 =	sld [smem:$0x3FAE];
	_ =	sdelay $0x3  }
0x33: {  	p0 =	seq.s32 s10, $0x1;
	s10 =	sld [smem:$0x3FB0];
	_ =	sdelay $0x3  }
0x34: {  	[smem:$0x3FB0] =	sst s10  }
0x35: {  	s10 =	sld [smem:$0x3FAF];
	_ =	sdelay $0x3  }
0x36: {  	p1 =	seq.s32 s10, $0x1;
	s10 =	sld [smem:$0x3FB0];
	_ =	sdelay $0x3  }
0x37: {  	[smem:$0x3FB0] =	sst s10  }
0x38: {  	s10 =	sld [smem:$0x3FB1]  }
0x39: {  	_ = 	snop;
	(pc) =	sbr.ind lr, $3  }
0x3a: {  	_ = 	snop  }
0x3b: {  	_ = 	snop  }
0x3c: {  	p2 =	seq.s32 s10, $0x1;
	s10 =	sld [smem:$0x3FB0]  }
0x3d: {  	_ =	shalt  }
0x3e: {  	_ =	shalt  }
0x3f: {  	_ =	shalt  }
0x40: {  	_ =	shalt  }
0x41: {  	_ =	shalt  }
0x42: {  	_ =	shalt  }
0x43: {  	_ =	shalt  }
0x44: {  	_ =	shalt  }
0x45: {  	_ =	shalt  }
0x46: {  	_ =	shalt  }
0x47: {  	_ =	shalt  }
0x48: {  	_ =	shalt  }
0x49: {  	_ =	shalt  }
0x4a: {  	_ =	shalt  }
0x4b: {  	_ =	shalt  }
0x4c: {  	_ =	shalt  }
0x4d: {  	_ =	shalt  }
0x4e: {  	_ =	shalt  }
0x4f: {  	_ =	shalt  }
0x50: {  	_ =	shalt  }
0x51: {  	_ =	shalt  }
0x52: {  	_ =	shalt  }
0x53: {  	_ =	shalt  }
0x54: {  	_ =	shalt  }
0x55: {  	_ =	shalt  }
0x56: {  	_ =	shalt  }
0x57: {  	_ =	shalt  }
0x58: {  	_ =	shalt  }
0x59: {  	_ =	shalt  }
0x5a: {  	_ =	shalt  }
0x5b: {  	_ =	shalt  }
0x5c: {  	_ =	shalt  }
0x5d: {  	_ =	shalt  }
0x5e: {  	_ =	shalt  }
0x5f: {  	_ =	shalt  }
0x60: {  	_ =	shalt  }
0x61: {  	_ =	shalt  }
0x62: {  	_ =	shalt  }
0x63: {  	_ =	shalt  }
0x64: {  	_ =	shalt  }
0x65: {  	_ =	shalt  }
0x66: {  	_ =	shalt  }
0x67: {  	_ =	shalt  }
0x68: {  	_ =	shalt  }
0x69: {  	_ =	shalt  }
0x6a: {  	_ =	shalt  }
0x6b: {  	_ =	shalt  }
0x6c: {  	_ =	shalt  }
0x6d: {  	_ =	shalt  }
0x6e: {  	_ =	shalt  }
0x6f: {  	_ =	shalt  }
0x70: {  	_ =	shalt  }
0x71: {  	_ =	shalt  }
0x72: {  	_ =	shalt  }
0x73: {  	_ =	shalt  }
0x74: {  	_ =	shalt  }
0x75: {  	_ =	shalt  }
0x76: {  	_ =	shalt  }
0x77: {  	_ =	shalt  }
0x78: {  	_ =	shalt  }
0x79: {  	_ =	shalt  }
0x7a: {  	_ =	shalt  }
0x7b: {  	_ =	shalt  }
0x7c: {  	_ =	shalt  }
0x7d: {  	_ =	shalt  }
0x7e: {  	_ =	shalt  }
0x7f: {  	_ =	shalt  }
0x80: {  	_ =	shalt  }
0x81: {  	_ =	shalt  }
0x82: {  	_ =	shalt  }
0x83: {  	_ =	shalt  }
0x84: {  	_ =	shalt  }
0x85: {  	_ =	shalt  }
0x86: {  	_ =	shalt  }
0x87: {  	_ =	shalt  }
.Lfunc_end0:
.L_simem_size_0:
called_computation.1_lowered:
.L_overlay_start_0:
0x88: {  	s2 =	sld [smem:$0x3FD9]  }
0x89: {  	s3 =	sld [smem:$0x3FFE];
	_ =	sdelay $0x1  }
0x8a: {  	s1 =	srdreg.scid  }
0x8b: {  	s0 =	sand.u32 $0x1, s1  }
0x8c: {  	s16 =	sshll.u32 s0, $0xA;
	s2 =	sadd.s32 s3, s2  }
0x8d: {  	s2 =	sadd.s32 s2, s16  }
0x8e: {  	[smem:$0x3FBC] =	sst s2  }
0x8f: {  	_ = 	snop  }
0x90: {  	s4 =	sld [smem:$0x3FD0];
	_ =	sdelay $0x1  }
0x91: {  	s2 =	sld [smem:$0x3FC8]  }
0x92: {  	s5 =	simm.s32 $0xB;
	s6 =	simm.s32 $0x10;
	s17 =	sld [smem:$0x3FBE]  }
0x93: {  	[smem:s6], [sflag:s5] =	dma.local [hbm:s4], $0x1  }
0x94: {  	_ =	swait.eq [sflag:s5], $0x1  }
0x95: {  	[sflag:s5] =	ssyncset.done $0x0  }
0x96: {  	[sflag:s5] =	ssyncadd.s32 $0xFFFFFFFF  }
0x97: {  	s18 =	sld [smem:$0x11];
	(tm) =	ssettm $0x1  }
0x98: {  	s19 =	sld [smem:$0x3FFB];
	_ =	sdelay $0x3  }
0x99: {  	_ =	strace s19  }
0x9a: {  	s4 =	sld [smem:$0x3FFC];
	_ =	sdelay $0x3  }
0x9b: {  	_ =	strace s4  }
0x9c: {  	s4 =	sld [smem:$0x3FFD];
	_ =	sdelay $0x3  }
0x9d: {  	_ =	strace s4  }
0x9e: {  	_ =	strace $0x8FFFFFFF  }
0x9f: {  	s20 =	sld [smem:$0x3FDB];
	_ =	sdelay $0x1  }
0xa0: {  	s21 =	simm.s32 $_scs_section_size  }
0xa1: {  	s7 =	simm.s32 $_size__tile_overlayer_lowered;
	s8 =	simm.s32 $_tile_overlayer_lowered  }
0xa2: {  	s9 =	simm.s32 $0x1BFF;
	s22 =	sshll.u32 s8, $0x1;
	s6 =	sadd.s32 s21, s20  }
0xa3: {  	s23 =	simm.s32 $0x0;
	s7 =	sshll.u32 s7, $0x1;
	s8 =	sadd.s32 s22, s6  }
0xa4: {  	[timem:s23], [sflag:s9] =	dma.local [hbm:s8], s7  }
0xa5: {  	_ =	swait.ge [sflag:s9], s7  }
0xa6: {  	s7 =	ssub.s32 $0x0, s7;
	[sflag:s9] =	ssyncset.done $0x0  }
0xa7: {  	[sflag:s9] =	ssyncadd.s32 s7;
	_ =	sdelay $0x1  }
0xa8: {  	s24 =	simm.s32 $0x1B8B  }
0xa9: {  	_ =	swait.ge [sflag:s24], $0x1  }
0xaa: {  	[sflag:s24] =	ssyncset.done $0x0  }
0xab: {  	[sflag:s24] =	ssyncadd.s32 $0xFFFFFFFF  }
0xac: {  	s7 =	sld [smem:$0x0]  }
0xad: {  	s8 =	sand.u32 $0xFFFFFFFE, s1  }
0xae: {  	p0 =	sne.s32 s1, s8  }
0xaf: {  	s8 =	sshll.u32 @p0 s8, $0xE  }
0xb0: {  	s8 =	sadd.s32 @p0 $0x11B8D, s8;
	s9 =	sshll.u32 @p0 s7, $0x11  }
0xb1: {  	s8 =	sor.u32 @p0 s9, s8  }
0xb2: {  	[sflag:s8] =	ssyncadd.remote.s32 @p0 $0x1;
	_ =	sdelay $0x1  }
0xb3: {  	s8 =	simm.s32 @p0 $0x1B8D  }
0xb4: {  	_ =	swait.eq @p0 [sflag:s8], $0x1  }
0xb5: {  	[sflag:s8] =	ssyncadd.s32 @p0 $0xFFFFFFFF  }
0xb6: {  	s9 =	sshll.u32 @!p0 s1, $0xE  }
0xb7: {  	s9 =	sor.u32 @!p0 $0x4000, s9;
	s8 =	simm.s32 @!p0 $0x1B8D  }
0xb8: {  	s7 =	sshll.u32 @!p0 s7, $0x11;
	s9 =	sadd.s32 @!p0 $0x11B8D, s9;
	_ =	swait.eq @!p0 [sflag:s8], $0x1  }
0xb9: {  	s7 =	sor.u32 @!p0 s7, s9;
	[sflag:s8] =	ssyncadd.s32 @!p0 $0xFFFFFFFF  }
0xba: {  	s25 =	simm.s32 $0x1B8E;
	[sflag:s7] =	ssyncadd.remote.s32 @!p0 $0x1  }
0xbb: {  	s26 =	simm.s32 $execute0_lowered;
	[smem:$0x3FD2] =	sst s25  }
0xbc: {  	s7 =	sshll.u32 s26, $0x1;
	_ =	strace $0x80000049;
	[dreg:$0x1] =	wrdreg $0xFFFFFFFF  }
0xbd: {  	s28 =	simm.s32 $_size_execute0_lowered;
	s6 =	sadd.s32 s6, s7;
	[dreg:$0x0] =	wrdreg $0x0  }
0xbe: {  	s7 =	sshll.u32 s28, $0x1;
	[dreg:$0x2] =	wrdreg s6  }
0xbf: {  	[dreg:$0x3] =	wrdreg s7  }
0xc0: {  	[dreg:$0x4] =	wrdreg $0xC0  }
0xc1: {  	_ =	task [dreg:s23], $0x5FFFF  }
0xc2: {  	[dreg:$0x1] =	wrdreg $0xFFFFFFFF  }
0xc3: {  	[dreg:$0x0] =	wrdreg $0x60  }
0xc4: {  	[dreg:$0x2] =	wrdreg s2  }
0xc5: {  	[dreg:$0x3] =	wrdreg s17  }
0xc6: {  	[dreg:$0x4] =	wrdreg s18  }
0xc7: {  	[dreg:$0x5] =	wrdreg $0xA  }
0xc8: {  	_ =	task.clear_ibuf [dreg:s23], $0x6FFFF;
	_ =	strace $0x90000049  }
0xc9: {  	s29 =	simm.s32 $0xA;
	_ =	strace $0x8000004B  }
0xca: {  	_ =	swait.ge [sflag:s29], $0x1  }
0xcb: {  	[sflag:s29] =	ssyncadd.s32 $0xFFFFFFFF  }
0xcc: {  	_ =	strace $0x9000004B  }
0xcd: {  	_ =	sfence  }
0xce: {  	s30 =	sld [smem:$0x0];
	_ =	sdelay $0x2  }
0xcf: {  	s31 =	sshll.u32 s1, $0xD;
	s1 =	sshrl.u32 s1, $0x2  }
0xd0: {  	s3 =	sand.u32 $0x4000, s31;
	s1 =	sadd.s32 s1, s30  }
0xd1: {  	s0 =	sor.u32 s3, s0;
	s1 =	sshll.u32 s1, $0x11  }
0xd2: {  	s0 =	sor.u32 s1, s0  }
0xd3: {  	s0 =	sadd.s32 $0x8F2B, s0  }
0xd4: {  	[sflag:s0] =	ssyncadd.remote.s32 $0x1  }
0xd5: {  	_ =	sfence.sel $0xFFFF  }
0xd6: {  	[dreg:$0x0] =	wrdreg $0xFFFFFFFF;
	(pc) =	sbr.abs _section_cstart, $3  }
0xd7: {  	[dreg:$0x1] =	wrdreg $0xFFFFFFFF  }
0xd8: {  	_ =	task.clear_ibuf [dreg:s23], $0x2FFFF;
	_ =	strace $0x9FFFFFFF  }
0xd9: {  	(tm) =	ssettm $0x7FFFFFFF  }
tec
execute0_lowered:
.L_overlay_start_1:
0x0: {  	(tag) =	ssettag $0x1  }
0x1: {  	s2 =	rddreg [dreg:$0x0]  }
0x2: {  	s0 =	rddreg [dreg:$0x1]  }
0x3: {  	s1 =	rddreg [dreg:$0x2]  }
0x4: {  	s3 =	srdreg.scid;
	s4 =	stileid.u32;
	s24 =	simm.s32 $0x0  }
0x5: {  	s31 =	simm.s32 $0x5;
	s17 =	simm.s32 $0x80;
	s15 =	simm.s32 $0x200  }
0x6: {  	s13 =	simm.s32 $0x4200;
	s18 =	simm.s32 $0x1;
	s14 =	simm.s32 $0x400  }
0x7: {  	p0 =	por $0x0, $0x0;
	s16 =	simm.s32 $0x1000;
	s8 =	simm.s32 $0x3  }
0x8: {  	s30 =	simm.s32 $0x100;
	s19 =	simm.s32 $0x2;
	s3 =	sand.u32 $0x1, s3  }
0x9: {  	s4 =	sshll.u32 s4, $0xA;
	[smem:$0x7FF] =	sst s24;
	s5 =	sshll.u32 s3, $0x9  }
0xa: {  	_ =	strace $0x8000004A;
	s3 =	ssub.s32 $0x2, s3;
	s4 =	sor.u32 s5, s4  }
0xb: {  	s22 =	sshrl.u32 s3, $0x1;
	s5 =	sshrl.u32 s4, $0x3;
	s4 =	sshll.u32 s4, $0x6  }
0xc: {  	s0 =	sadd.s32 s0, s5;
	s26 =	sadd.s32 s1, s4;
	s1 =	ssub.s32 s3, s22  }
0xd: {  	s3 =	simm.s32 $0x4;
	[dreg:$0x4] =	wrdreg s0;
	s23 =	sadd.s32 $0x80, s26  }
0xe: {  	s28 =	sadd.s32 $0x100, s26;
	s29 =	sadd.s32 $0x180, s26;
	s25 =	smax.u32 s1, $0x1  }
0xf: {  	s20 =	sadd.s32 $0x2000, s26;
	s21 =	sadd.s32 $0x2080, s26;
	p1 =	sne.s32 s25, $0x1  }
.Ltmp0:
0x10: {  	s22 =	sadd.s32 $0x2100, s26;
	s9 =	sadd.s32 $0x4000, s26;
	(pc) =	sbr.rel @!p1 .LBB2_3-.Ltmp0, $4  }
0x11: {  	s10 =	sadd.s32 $0x4080, s26;
	s11 =	sadd.s32 $0x4100, s26;
	s12 =	sadd.s32 $0x4180, s26  }
0x12: {  	s4 =	sadd.s32 $0x6000, s26;
	s5 =	sadd.s32 $0x6080, s26;
	s6 =	sadd.s32 $0x6100, s26  }
0x13: {  	s7 =	sadd.s32 $0x6180, s26;
	[dreg:$0x5] =	wrdreg s23;
	s23 =	sadd.s32 $0x2180, s26  }
0x14: {  	s0 =	sadd.s32 $0xFFFFFFFF, s25;
	s25 =	simm.s32 $0x180;
	s1 =	rddreg [dreg:$0x4]  }
0x15: {  	[tilespmem:s24], [sflag:$0x5] =	stream.linear.gather [hbm4b:s1+s24], $0x200, $0x38;
	[tilespmem:$0x8200] =	vst v63  }
0x16: {  	_ =	swait.ge [sflag:s31], $0x200  }
0x17: {  	[sflag:s31] =	ssyncset.done $0x0  }
0x18: {  	[sflag:s31] =	ssyncadd.s32 $0xFFFFFE00  }
0x19: {  	[tilespmem:s15], [sflag:$0x1] =	stream.indirect.gather [hbm4b:s2+s17], $0x80, s24, s17, $0xb8;
	[tilespmem:$0x8200] =	vst v63  }
0x1a: {  	_ = 	snop  }
0x1b: {  	[tilespmem:s13], [sflag:$0x2] =	stream.indirect.gather [hbm4b:s2+s17], $0x80, s17, s17, $0xb8;
	[tilespmem:$0x8200] =	vst v63  }
0x1c: {  	_ =	swait.ge [sflag:s18], $0x4000  }
0x1d: {  	[sflag:s18] =	ssyncset.done $0x0  }
0x1e: {  	[sflag:s18] =	ssyncadd.s32 $0xFFFFC000  }
0x1f: {  	[hbm4b:s26+s14] =	stream.strided.scatter [tilespmem:s15], [sflag:$0x3], $0x4000, s16, s14, $0x38;
	[tilespmem:$0x8200] =	vst v63  }
0x20: {  	s1 =	rddreg [dreg:$0x5]  }
0x21: {  	[hbm4b:s1+s14] =	stream.strided.scatter [tilespmem:s15], [sflag:$0x3], $0x4000, s16, s14, $0x38;
	[tilespmem:$0x8200] =	vst v63  }
0x22: {  	_ = 	snop  }
0x23: {  	[hbm4b:s28+s14] =	stream.strided.scatter [tilespmem:s15], [sflag:$0x3], $0x4000, s16, s14, $0x38;
	[tilespmem:$0x8200] =	vst v63  }
0x24: {  	_ = 	snop  }
0x25: {  	[hbm4b:s29+s14] =	stream.strided.scatter [tilespmem:s15], [sflag:$0x3], $0x4000, s16, s14, $0x38;
	[tilespmem:$0x8200] =	vst v63  }
0x26: {  	_ =	swait.ge [sflag:s8], $0x4000  }
0x27: {  	[sflag:s8] =	ssyncset.done $0x0  }
0x28: {  	[sflag:s8] =	ssyncadd.s32 $0xFFFFC000  }
0x29: {  	_ =	swait.ge [sflag:s8], $0x4000  }
0x2a: {  	[sflag:s8] =	ssyncset.done $0x0  }
0x2b: {  	[sflag:s8] =	ssyncadd.s32 $0xFFFFC000  }
0x2c: {  	_ =	swait.ge [sflag:s8], $0x4000  }
0x2d: {  	[sflag:s8] =	ssyncset.done $0x0  }
0x2e: {  	[sflag:s8] =	ssyncadd.s32 $0xFFFFC000  }
0x2f: {  	_ =	swait.ge [sflag:s8], $0x4000  }
0x30: {  	[sflag:s8] =	ssyncset.done $0x0  }
0x31: {  	[sflag:s8] =	ssyncadd.s32 $0xFFFFC000  }
0x32: {  	[tilespmem:s15], [sflag:$0x1] =	stream.indirect.gather [hbm4b:s2+s17], $0x80, s30, s17, $0xb8;
	[tilespmem:$0x8200] =	vst v63  }
0x33: {  	_ =	swait.ge [sflag:s19], $0x4000  }
0x34: {  	[sflag:s19] =	ssyncset.done $0x0  }
0x35: {  	[sflag:s19] =	ssyncadd.s32 $0xFFFFC000  }
0x36: {  	[hbm4b:s20+s14] =	stream.strided.scatter [tilespmem:s13], [sflag:$0x4], $0x4000, s16, s14, $0x38;
	[tilespmem:$0x8200] =	vst v63  }
0x37: {  	_ = 	snop  }
0x38: {  	[hbm4b:s21+s14] =	stream.strided.scatter [tilespmem:s13], [sflag:$0x4], $0x4000, s16, s14, $0x38;
	[tilespmem:$0x8200] =	vst v63  }
0x39: {  	_ = 	snop  }
0x3a: {  	[hbm4b:s22+s14] =	stream.strided.scatter [tilespmem:s13], [sflag:$0x4], $0x4000, s16, s14, $0x38;
	[tilespmem:$0x8200] =	vst v63  }
0x3b: {  	_ = 	snop  }
0x3c: {  	[hbm4b:s23+s14] =	stream.strided.scatter [tilespmem:s13], [sflag:$0x4], $0x4000, s16, s14, $0x38;
	[tilespmem:$0x8200] =	vst v63  }
0x3d: {  	_ =	swait.ge [sflag:s3], $0x4000  }
0x3e: {  	[sflag:s3] =	ssyncset.done $0x0  }
0x3f: {  	[sflag:s3] =	ssyncadd.s32 $0xFFFFC000  }
0x40: {  	_ =	swait.ge [sflag:s3], $0x4000  }
0x41: {  	[sflag:s3] =	ssyncset.done $0x0  }
0x42: {  	[sflag:s3] =	ssyncadd.s32 $0xFFFFC000  }
0x43: {  	_ =	swait.ge [sflag:s3], $0x4000  }
0x44: {  	[sflag:s3] =	ssyncset.done $0x0  }
0x45: {  	[sflag:s3] =	ssyncadd.s32 $0xFFFFC000  }
0x46: {  	_ =	swait.ge [sflag:s3], $0x4000  }
0x47: {  	[sflag:s3] =	ssyncset.done $0x0  }
0x48: {  	[sflag:s3] =	ssyncadd.s32 $0xFFFFC000  }
0x49: {  	[tilespmem:s13], [sflag:$0x2] =	stream.indirect.gather [hbm4b:s2+s17], $0x80, s25, s17, $0xb8;
	[tilespmem:$0x8200] =	vst v63  }
0x4a: {  	_ =	swait.ge [sflag:s18], $0x4000  }
0x4b: {  	[sflag:s18] =	ssyncset.done $0x0  }
0x4c: {  	[sflag:s18] =	ssyncadd.s32 $0xFFFFC000  }
0x4d: {  	[hbm4b:s9+s14] =	stream.strided.scatter [tilespmem:s15], [sflag:$0x3], $0x4000, s16, s14, $0x38;
	[tilespmem:$0x8200] =	vst v63  }
0x4e: {  	_ = 	snop  }
0x4f: {  	[hbm4b:s10+s14] =	stream.strided.scatter [tilespmem:s15], [sflag:$0x3], $0x4000, s16, s14, $0x38;
	[tilespmem:$0x8200] =	vst v63  }
0x50: {  	_ = 	snop  }
0x51: {  	[hbm4b:s11+s14] =	stream.strided.scatter [tilespmem:s15], [sflag:$0x3], $0x4000, s16, s14, $0x38;
	[tilespmem:$0x8200] =	vst v63  }
0x52: {  	_ = 	snop  }
0x53: {  	[hbm4b:s12+s14] =	stream.strided.scatter [tilespmem:s15], [sflag:$0x3], $0x4000, s16, s14, $0x38;
	[tilespmem:$0x8200] =	vst v63  }
0x54: {  	_ =	swait.ge [sflag:s19], $0x4000  }
0x55: {  	[sflag:s19] =	ssyncset.done $0x0  }
0x56: {  	[sflag:s19] =	ssyncadd.s32 $0xFFFFC000  }
0x57: {  	[hbm4b:s4+s14] =	stream.strided.scatter [tilespmem:s13], [sflag:$0x4], $0x4000, s16, s14, $0x38;
	[tilespmem:$0x8200] =	vst v63  }
0x58: {  	_ = 	snop  }
0x59: {  	[hbm4b:s5+s14] =	stream.strided.scatter [tilespmem:s13], [sflag:$0x4], $0x4000, s16, s14, $0x38;
	[tilespmem:$0x8200] =	vst v63  }
0x5a: {  	_ = 	snop  }
0x5b: {  	[hbm4b:s6+s14] =	stream.strided.scatter [tilespmem:s13], [sflag:$0x4], $0x4000, s16, s14, $0x38;
	[tilespmem:$0x8200] =	vst v63  }
0x5c: {  	_ = 	snop  }
0x5d: {  	[hbm4b:s7+s14] =	stream.strided.scatter [tilespmem:s13], [sflag:$0x4], $0x4000, s16, s14, $0x38;
	[tilespmem:$0x8200] =	vst v63  }
0x5e: {  	_ =	swait.ge [sflag:s8], $0x4000  }
0x5f: {  	[sflag:s8] =	ssyncset.done $0x0  }
0x60: {  	[sflag:s8] =	ssyncadd.s32 $0xFFFFC000  }
0x61: {  	_ =	swait.ge [sflag:s8], $0x4000  }
0x62: {  	[sflag:s8] =	ssyncset.done $0x0  }
0x63: {  	[sflag:s8] =	ssyncadd.s32 $0xFFFFC000  }
0x64: {  	_ =	swait.ge [sflag:s8], $0x4000  }
0x65: {  	[sflag:s8] =	ssyncset.done $0x0  }
0x66: {  	[sflag:s8] =	ssyncadd.s32 $0xFFFFC000  }
0x67: {  	_ =	swait.ge [sflag:s8], $0x4000  }
0x68: {  	[sflag:s8] =	ssyncset.done $0x0  }
0x69: {  	[sflag:s8] =	ssyncadd.s32 $0xFFFFC000  }
0x6a: {  	_ =	swait.ge [sflag:s3], $0x4000  }
0x6b: {  	[sflag:s3] =	ssyncset.done $0x0  }
0x6c: {  	[sflag:s3] =	ssyncadd.s32 $0xFFFFC000  }
0x6d: {  	_ =	swait.ge [sflag:s3], $0x4000  }
0x6e: {  	[sflag:s3] =	ssyncset.done $0x0  }
0x6f: {  	p1 =	sne.s32 s0, $0x1;
	[sflag:s3] =	ssyncadd.s32 $0xFFFFC000  }
.Ltmp1:
0x70: {  	_ =	swait.ge [sflag:s3], $0x4000;
	(pc) =	sbr.rel @!p1 .LBB2_3-.Ltmp1, $4  }
0x71: {  	[sflag:s3] =	ssyncset.done $0x0  }
0x72: {  	[sflag:s3] =	ssyncadd.s32 $0xFFFFC000  }
0x73: {  	s0 =	sadd.s32 $0xFFFFFFFF, s0;
	_ =	swait.ge [sflag:s3], $0x4000  }
0x74: {  	p0 =	por $0x1, $0x1;
	s1 =	rddreg [dreg:$0x4];
	[sflag:s3] =	ssyncset.done $0x0  }
.LBB2_2:
0x75: {  	[sflag:s3] =	ssyncadd.s32 $0xFFFFC000  }
0x76: {  	[tilespmem:s24], [sflag:$0x5] =	stream.linear.gather [hbm4b:s1+s24], $0x200, $0x38;
	[tilespmem:$0x8200] =	vst v63  }
0x77: {  	_ =	swait.ge [sflag:s31], $0x200  }
0x78: {  	[sflag:s31] =	ssyncset.done $0x0  }
0x79: {  	[sflag:s31] =	ssyncadd.s32 $0xFFFFFE00  }
0x7a: {  	[tilespmem:s15], [sflag:$0x1] =	stream.indirect.gather [hbm4b:s2+s17], $0x80, s24, s17, $0xb8;
	[tilespmem:$0x8200] =	vst v63  }
0x7b: {  	_ = 	snop  }
0x7c: {  	[tilespmem:s13], [sflag:$0x2] =	stream.indirect.gather [hbm4b:s2+s17], $0x80, s17, s17, $0xb8;
	[tilespmem:$0x8200] =	vst v63  }
0x7d: {  	_ =	swait.ge [sflag:s18], $0x4000  }
0x7e: {  	[sflag:s18] =	ssyncset.done $0x0  }
0x7f: {  	[sflag:s18] =	ssyncadd.s32 $0xFFFFC000  }
0x80: {  	[hbm4b:s26+s14] =	stream.strided.scatter [tilespmem:s15], [sflag:$0x3], $0x4000, s16, s14, $0x38;
	[tilespmem:$0x8200] =	vst v63  }
0x81: {  	s1 =	rddreg [dreg:$0x5]  }
0x82: {  	[hbm4b:s1+s14] =	stream.strided.scatter [tilespmem:s15], [sflag:$0x3], $0x4000, s16, s14, $0x38;
	[tilespmem:$0x8200] =	vst v63  }
0x83: {  	_ = 	snop  }
0x84: {  	[hbm4b:s28+s14] =	stream.strided.scatter [tilespmem:s15], [sflag:$0x3], $0x4000, s16, s14, $0x38;
	[tilespmem:$0x8200] =	vst v63  }
0x85: {  	_ = 	snop  }
0x86: {  	[hbm4b:s29+s14] =	stream.strided.scatter [tilespmem:s15], [sflag:$0x3], $0x4000, s16, s14, $0x38;
	[tilespmem:$0x8200] =	vst v63  }
0x87: {  	_ =	swait.ge [sflag:s8], $0x4000  }
0x88: {  	[sflag:s8] =	ssyncset.done $0x0  }
0x89: {  	[sflag:s8] =	ssyncadd.s32 $0xFFFFC000  }
0x8a: {  	_ =	swait.ge [sflag:s8], $0x4000  }
0x8b: {  	[sflag:s8] =	ssyncset.done $0x0  }
0x8c: {  	[sflag:s8] =	ssyncadd.s32 $0xFFFFC000  }
0x8d: {  	_ =	swait.ge [sflag:s8], $0x4000  }
0x8e: {  	[sflag:s8] =	ssyncset.done $0x0  }
0x8f: {  	[sflag:s8] =	ssyncadd.s32 $0xFFFFC000  }
0x90: {  	_ =	swait.ge [sflag:s8], $0x4000  }
0x91: {  	[sflag:s8] =	ssyncset.done $0x0  }
0x92: {  	[sflag:s8] =	ssyncadd.s32 $0xFFFFC000  }
0x93: {  	[tilespmem:s15], [sflag:$0x1] =	stream.indirect.gather [hbm4b:s2+s17], $0x80, s30, s17, $0xb8;
	[tilespmem:$0x8200] =	vst v63  }
0x94: {  	_ =	swait.ge [sflag:s19], $0x4000  }
0x95: {  	[sflag:s19] =	ssyncset.done $0x0  }
0x96: {  	[sflag:s19] =	ssyncadd.s32 $0xFFFFC000  }
0x97: {  	[hbm4b:s20+s14] =	stream.strided.scatter [tilespmem:s13], [sflag:$0x4], $0x4000, s16, s14, $0x38;
	[tilespmem:$0x8200] =	vst v63  }
0x98: {  	_ = 	snop  }
0x99: {  	[hbm4b:s21+s14] =	stream.strided.scatter [tilespmem:s13], [sflag:$0x4], $0x4000, s16, s14, $0x38;
	[tilespmem:$0x8200] =	vst v63  }
0x9a: {  	_ = 	snop  }
0x9b: {  	[hbm4b:s22+s14] =	stream.strided.scatter [tilespmem:s13], [sflag:$0x4], $0x4000, s16, s14, $0x38;
	[tilespmem:$0x8200] =	vst v63  }
0x9c: {  	_ = 	snop  }
0x9d: {  	[hbm4b:s23+s14] =	stream.strided.scatter [tilespmem:s13], [sflag:$0x4], $0x4000, s16, s14, $0x38;
	[tilespmem:$0x8200] =	vst v63  }
0x9e: {  	_ =	swait.ge [sflag:s3], $0x4000  }
0x9f: {  	[sflag:s3] =	ssyncset.done $0x0  }
0xa0: {  	[sflag:s3] =	ssyncadd.s32 $0xFFFFC000  }
0xa1: {  	_ =	swait.ge [sflag:s3], $0x4000  }
0xa2: {  	[sflag:s3] =	ssyncset.done $0x0  }
0xa3: {  	[sflag:s3] =	ssyncadd.s32 $0xFFFFC000  }
0xa4: {  	_ =	swait.ge [sflag:s3], $0x4000  }
0xa5: {  	[sflag:s3] =	ssyncset.done $0x0  }
0xa6: {  	[sflag:s3] =	ssyncadd.s32 $0xFFFFC000  }
0xa7: {  	_ =	swait.ge [sflag:s3], $0x4000  }
0xa8: {  	[sflag:s3] =	ssyncset.done $0x0  }
0xa9: {  	[sflag:s3] =	ssyncadd.s32 $0xFFFFC000  }
0xaa: {  	[tilespmem:s13], [sflag:$0x2] =	stream.indirect.gather [hbm4b:s2+s17], $0x80, s25, s17, $0xb8;
	[tilespmem:$0x8200] =	vst v63  }
0xab: {  	_ =	swait.ge [sflag:s18], $0x4000  }
0xac: {  	[sflag:s18] =	ssyncset.done $0x0  }
0xad: {  	[sflag:s18] =	ssyncadd.s32 $0xFFFFC000  }
0xae: {  	[hbm4b:s9+s14] =	stream.strided.scatter [tilespmem:s15], [sflag:$0x3], $0x4000, s16, s14, $0x38;
	[tilespmem:$0x8200] =	vst v63  }
0xaf: {  	_ = 	snop  }
0xb0: {  	[hbm4b:s10+s14] =	stream.strided.scatter [tilespmem:s15], [sflag:$0x3], $0x4000, s16, s14, $0x38;
	[tilespmem:$0x8200] =	vst v63  }
0xb1: {  	_ = 	snop  }
0xb2: {  	[hbm4b:s11+s14] =	stream.strided.scatter [tilespmem:s15], [sflag:$0x3], $0x4000, s16, s14, $0x38;
	[tilespmem:$0x8200] =	vst v63  }
0xb3: {  	_ = 	snop  }
0xb4: {  	[hbm4b:s12+s14] =	stream.strided.scatter [tilespmem:s15], [sflag:$0x3], $0x4000, s16, s14, $0x38;
	[tilespmem:$0x8200] =	vst v63  }
0xb5: {  	_ =	swait.ge [sflag:s19], $0x4000  }
0xb6: {  	[sflag:s19] =	ssyncset.done $0x0  }
0xb7: {  	[sflag:s19] =	ssyncadd.s32 $0xFFFFC000  }
0xb8: {  	[hbm4b:s4+s14] =	stream.strided.scatter [tilespmem:s13], [sflag:$0x4], $0x4000, s16, s14, $0x38;
	[tilespmem:$0x8200] =	vst v63  }
0xb9: {  	_ = 	snop  }
0xba: {  	[hbm4b:s5+s14] =	stream.strided.scatter [tilespmem:s13], [sflag:$0x4], $0x4000, s16, s14, $0x38;
	[tilespmem:$0x8200] =	vst v63  }
0xbb: {  	_ = 	snop  }
0xbc: {  	[hbm4b:s6+s14] =	stream.strided.scatter [tilespmem:s13], [sflag:$0x4], $0x4000, s16, s14, $0x38;
	[tilespmem:$0x8200] =	vst v63  }
0xbd: {  	_ = 	snop  }
0xbe: {  	[hbm4b:s7+s14] =	stream.strided.scatter [tilespmem:s13], [sflag:$0x4], $0x4000, s16, s14, $0x38;
	[tilespmem:$0x8200] =	vst v63  }
0xbf: {  	_ =	swait.ge [sflag:s8], $0x4000  }
0xc0: {  	[sflag:s8] =	ssyncset.done $0x0  }
0xc1: {  	[sflag:s8] =	ssyncadd.s32 $0xFFFFC000  }
0xc2: {  	_ =	swait.ge [sflag:s8], $0x4000  }
0xc3: {  	[sflag:s8] =	ssyncset.done $0x0  }
0xc4: {  	[sflag:s8] =	ssyncadd.s32 $0xFFFFC000  }
0xc5: {  	_ =	swait.ge [sflag:s8], $0x4000  }
0xc6: {  	[sflag:s8] =	ssyncset.done $0x0  }
0xc7: {  	[sflag:s8] =	ssyncadd.s32 $0xFFFFC000  }
0xc8: {  	_ =	swait.ge [sflag:s8], $0x4000  }
0xc9: {  	[sflag:s8] =	ssyncset.done $0x0  }
0xca: {  	[sflag:s8] =	ssyncadd.s32 $0xFFFFC000  }
0xcb: {  	_ =	swait.ge [sflag:s3], $0x4000  }
0xcc: {  	[sflag:s3] =	ssyncset.done $0x0  }
0xcd: {  	[sflag:s3] =	ssyncadd.s32 $0xFFFFC000  }
0xce: {  	_ =	swait.ge [sflag:s3], $0x4000  }
0xcf: {  	[sflag:s3] =	ssyncset.done $0x0  }
0xd0: {  	p1 =	sne.s32 s0, $0x1;
	[sflag:s3] =	ssyncadd.s32 $0xFFFFC000  }
.Ltmp2:
0xd1: {  	_ =	swait.ge [sflag:s3], $0x4000;
	(pc) =	sbr.rel @p1 .LBB2_2-.Ltmp2, $4  }
0xd2: {  	[sflag:s3] =	ssyncset.done $0x0  }
0xd3: {  	[sflag:s3] =	ssyncadd.s32 $0xFFFFC000  }
0xd4: {  	_ =	swait.ge [sflag:s3], $0x4000  }
0xd5: {  	s0 =	sadd.s32 $0xFFFFFFFF, s0;
	s1 =	rddreg [dreg:$0x4];
	[sflag:s3] =	ssyncset.done $0x0  }
.LBB2_3:
0xd6: {  	[sflag:s3] =	ssyncadd.s32 @p0 $0xFFFFC000  }
0xd7: {  	[tilespmem:s24], [sflag:$0x5] =	stream.linear.gather [hbm4b:s1+s24], $0x200, $0x38;
	[tilespmem:$0x8200] =	vst v63  }
0xd8: {  	_ =	swait.ge [sflag:s31], $0x200  }
0xd9: {  	[sflag:s31] =	ssyncset.done $0x0  }
0xda: {  	[sflag:s31] =	ssyncadd.s32 $0xFFFFFE00  }
0xdb: {  	[tilespmem:s15], [sflag:$0x1] =	stream.indirect.gather [hbm4b:s2+s17], $0x80, s24, s17, $0xb8;
	[tilespmem:$0x8200] =	vst v63  }
0xdc: {  	_ = 	snop  }
0xdd: {  	[tilespmem:s13], [sflag:$0x2] =	stream.indirect.gather [hbm4b:s2+s17], $0x80, s17, s17, $0xb8;
	[tilespmem:$0x8200] =	vst v63  }
0xde: {  	_ =	swait.ge [sflag:s18], $0x4000  }
0xdf: {  	[sflag:s18] =	ssyncset.done $0x0  }
0xe0: {  	[sflag:s18] =	ssyncadd.s32 $0xFFFFC000  }
0xe1: {  	[hbm4b:s26+s14] =	stream.strided.scatter [tilespmem:s15], [sflag:$0x3], $0x4000, s16, s14, $0x38;
	[tilespmem:$0x8200] =	vst v63  }
0xe2: {  	s0 =	rddreg [dreg:$0x5]  }
0xe3: {  	[hbm4b:s0+s14] =	stream.strided.scatter [tilespmem:s15], [sflag:$0x3], $0x4000, s16, s14, $0x38;
	[tilespmem:$0x8200] =	vst v63  }
0xe4: {  	_ = 	snop  }
0xe5: {  	[hbm4b:s28+s14] =	stream.strided.scatter [tilespmem:s15], [sflag:$0x3], $0x4000, s16, s14, $0x38;
	[tilespmem:$0x8200] =	vst v63  }
0xe6: {  	_ = 	snop  }
0xe7: {  	[hbm4b:s29+s14] =	stream.strided.scatter [tilespmem:s15], [sflag:$0x3], $0x4000, s16, s14, $0x38;
	[tilespmem:$0x8200] =	vst v63  }
0xe8: {  	_ =	swait.ge [sflag:s8], $0x4000  }
0xe9: {  	[sflag:s8] =	ssyncset.done $0x0  }
0xea: {  	[sflag:s8] =	ssyncadd.s32 $0xFFFFC000  }
0xeb: {  	_ =	swait.ge [sflag:s8], $0x4000  }
0xec: {  	[sflag:s8] =	ssyncset.done $0x0  }
0xed: {  	[sflag:s8] =	ssyncadd.s32 $0xFFFFC000  }
0xee: {  	_ =	swait.ge [sflag:s8], $0x4000  }
0xef: {  	[sflag:s8] =	ssyncset.done $0x0  }
0xf0: {  	[sflag:s8] =	ssyncadd.s32 $0xFFFFC000  }
0xf1: {  	_ =	swait.ge [sflag:s8], $0x4000  }
0xf2: {  	[sflag:s8] =	ssyncset.done $0x0  }
0xf3: {  	[sflag:s8] =	ssyncadd.s32 $0xFFFFC000  }
0xf4: {  	[tilespmem:s15], [sflag:$0x1] =	stream.indirect.gather [hbm4b:s2+s17], $0x80, s30, s17, $0xb8;
	[tilespmem:$0x8200] =	vst v63  }
0xf5: {  	_ =	swait.ge [sflag:s19], $0x4000  }
0xf6: {  	[sflag:s19] =	ssyncset.done $0x0  }
0xf7: {  	[sflag:s19] =	ssyncadd.s32 $0xFFFFC000  }
0xf8: {  	[hbm4b:s20+s14] =	stream.strided.scatter [tilespmem:s13], [sflag:$0x4], $0x4000, s16, s14, $0x38;
	[tilespmem:$0x8200] =	vst v63  }
0xf9: {  	_ = 	snop  }
0xfa: {  	[hbm4b:s21+s14] =	stream.strided.scatter [tilespmem:s13], [sflag:$0x4], $0x4000, s16, s14, $0x38;
	[tilespmem:$0x8200] =	vst v63  }
0xfb: {  	_ = 	snop  }
0xfc: {  	[hbm4b:s22+s14] =	stream.strided.scatter [tilespmem:s13], [sflag:$0x4], $0x4000, s16, s14, $0x38;
	[tilespmem:$0x8200] =	vst v63  }
0xfd: {  	_ = 	snop  }
0xfe: {  	[hbm4b:s23+s14] =	stream.strided.scatter [tilespmem:s13], [sflag:$0x4], $0x4000, s16, s14, $0x38;
	[tilespmem:$0x8200] =	vst v63  }
0xff: {  	_ =	swait.ge [sflag:s3], $0x4000  }
0x100: {  	[sflag:s3] =	ssyncset.done $0x0  }
0x101: {  	[sflag:s3] =	ssyncadd.s32 $0xFFFFC000  }
0x102: {  	_ =	swait.ge [sflag:s3], $0x4000  }
0x103: {  	[sflag:s3] =	ssyncset.done $0x0  }
0x104: {  	[sflag:s3] =	ssyncadd.s32 $0xFFFFC000  }
0x105: {  	_ =	swait.ge [sflag:s3], $0x4000  }
0x106: {  	[sflag:s3] =	ssyncset.done $0x0  }
0x107: {  	[sflag:s3] =	ssyncadd.s32 $0xFFFFC000  }
0x108: {  	_ =	swait.ge [sflag:s3], $0x4000  }
0x109: {  	[sflag:s3] =	ssyncset.done $0x0  }
0x10a: {  	[sflag:s3] =	ssyncadd.s32 $0xFFFFC000  }
0x10b: {  	[tilespmem:s13], [sflag:$0x2] =	stream.indirect.gather [hbm4b:s2+s17], $0x80, s25, s17, $0xb8;
	[tilespmem:$0x8200] =	vst v63  }
0x10c: {  	_ =	swait.ge [sflag:s18], $0x4000  }
0x10d: {  	[sflag:s18] =	ssyncset.done $0x0  }
0x10e: {  	[sflag:s18] =	ssyncadd.s32 $0xFFFFC000  }
0x10f: {  	[hbm4b:s9+s14] =	stream.strided.scatter [tilespmem:s15], [sflag:$0x3], $0x4000, s16, s14, $0x38;
	[tilespmem:$0x8200] =	vst v63  }
0x110: {  	_ = 	snop  }
0x111: {  	[hbm4b:s10+s14] =	stream.strided.scatter [tilespmem:s15], [sflag:$0x3], $0x4000, s16, s14, $0x38;
	[tilespmem:$0x8200] =	vst v63  }
0x112: {  	_ = 	snop  }
0x113: {  	[hbm4b:s11+s14] =	stream.strided.scatter [tilespmem:s15], [sflag:$0x3], $0x4000, s16, s14, $0x38;
	[tilespmem:$0x8200] =	vst v63  }
0x114: {  	_ = 	snop  }
0x115: {  	[hbm4b:s12+s14] =	stream.strided.scatter [tilespmem:s15], [sflag:$0x3], $0x4000, s16, s14, $0x38;
	[tilespmem:$0x8200] =	vst v63  }
0x116: {  	_ =	swait.ge [sflag:s19], $0x4000  }
0x117: {  	[sflag:s19] =	ssyncset.done $0x0  }
0x118: {  	[sflag:s19] =	ssyncadd.s32 $0xFFFFC000  }
0x119: {  	[hbm4b:s4+s14] =	stream.strided.scatter [tilespmem:s13], [sflag:$0x4], $0x4000, s16, s14, $0x38;
	[tilespmem:$0x8200] =	vst v63  }
0x11a: {  	_ = 	snop  }
0x11b: {  	[hbm4b:s5+s14] =	stream.strided.scatter [tilespmem:s13], [sflag:$0x4], $0x4000, s16, s14, $0x38;
	[tilespmem:$0x8200] =	vst v63  }
0x11c: {  	_ = 	snop  }
0x11d: {  	[hbm4b:s6+s14] =	stream.strided.scatter [tilespmem:s13], [sflag:$0x4], $0x4000, s16, s14, $0x38;
	[tilespmem:$0x8200] =	vst v63  }
0x11e: {  	_ = 	snop  }
0x11f: {  	[hbm4b:s7+s14] =	stream.strided.scatter [tilespmem:s13], [sflag:$0x4], $0x4000, s16, s14, $0x38;
	[tilespmem:$0x8200] =	vst v63  }
0x120: {  	_ =	swait.ge [sflag:s8], $0x4000  }
0x121: {  	[sflag:s8] =	ssyncset.done $0x0  }
0x122: {  	[sflag:s8] =	ssyncadd.s32 $0xFFFFC000  }
0x123: {  	_ =	swait.ge [sflag:s8], $0x4000  }
0x124: {  	[sflag:s8] =	ssyncset.done $0x0  }
0x125: {  	[sflag:s8] =	ssyncadd.s32 $0xFFFFC000  }
0x126: {  	_ =	swait.ge [sflag:s8], $0x4000  }
0x127: {  	[sflag:s8] =	ssyncset.done $0x0  }
0x128: {  	[sflag:s8] =	ssyncadd.s32 $0xFFFFC000  }
0x129: {  	_ =	swait.ge [sflag:s8], $0x4000  }
0x12a: {  	[sflag:s8] =	ssyncset.done $0x0  }
0x12b: {  	[sflag:s8] =	ssyncadd.s32 $0xFFFFC000  }
0x12c: {  	_ =	swait.ge [sflag:s3], $0x4000  }
0x12d: {  	[sflag:s3] =	ssyncset.done $0x0  }
0x12e: {  	[sflag:s3] =	ssyncadd.s32 $0xFFFFC000  }
0x12f: {  	_ =	swait.ge [sflag:s3], $0x4000  }
0x130: {  	[sflag:s3] =	ssyncset.done $0x0  }
0x131: {  	[sflag:s3] =	ssyncadd.s32 $0xFFFFC000  }
0x132: {  	_ =	swait.ge [sflag:s3], $0x4000  }
0x133: {  	[sflag:s3] =	ssyncset.done $0x0  }
0x134: {  	[sflag:s3] =	ssyncadd.s32 $0xFFFFC000  }
0x135: {  	_ =	swait.ge [sflag:s3], $0x4000  }
0x136: {  	[sflag:s3] =	ssyncset.done $0x0  }
0x137: {  	[sflag:s3] =	ssyncadd.s32 $0xFFFFC000  }
0x138: {  	_ =	sfence.sel $0x180000  }
0x139: {  	[bflag:$0x0] =	sbarrier.arrive $0xFFFF  }
0x13a: {  	_ =	strace $0x9000004A  }
0x13b: {  	s31 =	stileid.u32;
	[bflag:$0x2] =	sbarrier.arrive $0xFFFF  }
0x13c: {  	p0 =	sne.s32 s31, $0x0;
	s0 =	rddreg [dreg:$0x3]  }
0x13d: {  	s0 =	sadd.s32 @!p0 $0x100000, s0  }
0x13e: {  	[sflag:s0] =	ssyncadd.tile.s32 @!p0 $0x1;
	_ =	shalt  }
.Lfunc_end2:
_tile_overlayer_lowered:
.L_overlay_start_2:
0x13f: {  	(tag) =	ssettag $0x2  }
0x140: {  	s0 =	rddreg [dreg:$0x0];
	s2 =	stileid.u32  }
0x141: {  	s1 =	rddreg [dreg:$0x1];
	p0 =	sne.s32 s2, $0x0  }
0x142: {  	s3 =	rddreg [dreg:$0x2];
	[bflag:$0x3] =	sbarrier.arrive $0xFFFF;
	s2 =	simm.s32 @!p0 $0x1C05  }
0x143: {  	[timem:s3], [sflag:s2] =	dma.local @!p0 [hbm:s0], s1  }
0x144: {  	s0 =	simm.s32 @!p0 $0x5  }
0x145: {  	_ =	swait.ge @!p0 [sflag:s0], s1  }
0x146: {  	s1 =	ssub.s32 @!p0 $0x0, s1;
	[sflag:s0] =	ssyncset.done @!p0 $0x0  }
0x147: {  	[sflag:s0] =	ssyncadd.s32 @!p0 s1  }
0x148: {  	[bflag:$0x3] =	sbarrier.arrive $0xFFFF  }
0x149: {  	_ =	shalt  }

</sc_bundles>
